<compile_context>
chip_gen: v7x
topology: tpu7x:2x2x1
jax: 0.10.2.dev20260603
libtpu: 0.0.44.dev20260713+nightly
codegen_flags: <defaults>
</compile_context>

<pallas_src>
import jax
import jax.numpy as jnp
from jax import lax
from jax.experimental import pallas as pl
from jax.experimental.pallas import tpu as pltpu
from jax.experimental.pallas import tpu_sc as plsc

N = 10000
E = 320000
D = 128
NC, NS = 2, 16
NW = NC * NS
CH = 64
CPP = 32
EPP = CPP * CH
EA = EPP
EB = 9 * EPP
EPT = 10240
EPAD = NW * EPT
NCHUNK = EPT // CH
NP = 10240
TRASH = 10232
RPT = NP // NS

_MESH = plsc.VectorSubcoreMesh(core_axis_name="c", subcore_axis_name="s",
                               num_cores=NC, num_subcores=NS)


def _zero_rows(buf, rows):
  def zrow(i, carry):
    for j in range(D // 16):
      buf[i, pl.ds(j * 16, 16)] = jnp.zeros((16,), jnp.float32)
    return carry
  lax.fori_loop(0, rows, zrow, 0)


@pl.kernel(
    out_type=[jax.ShapeDtypeStruct((NC * NP, D), jnp.float32)],
    mesh=_MESH,
    scratch_types=[
        pltpu.VMEM((EPP,), jnp.int32),
        pltpu.VMEM((CPP, CH), jnp.int32),
        pltpu.VMEM((CH, D), jnp.float32),
        pltpu.VMEM((CH, D), jnp.float32),
        pltpu.VMEM((CH, D), jnp.float32),
        pltpu.VMEM((CH, D), jnp.float32),
        pltpu.VMEM_SHARED((NP, D), jnp.float32),
        pltpu.SemaphoreType.DMA,
        pltpu.SemaphoreType.DMA,
        pltpu.SemaphoreType.DMA,
        pltpu.SemaphoreType.DMA,
    ])
def _seg_sum(tbl, src, dst2, out, src_a, dst_a, r_0, r_1, r_2, r_3, acc,
             s_0, s_1, s_2, s_3):
  cid = lax.axis_index("c")
  sid = lax.axis_index("s")
  bufs = (r_0, r_1, r_2, r_3)
  sems = (s_0, s_1, s_2, s_3)

  _zero_rows(r_0, CH)
  r0 = sid * RPT
  for k in range(RPT // CH):
    pltpu.sync_copy(r_0, acc.at[pl.ds(r0 + k * CH, CH)])
  plsc.subcore_barrier()

  def gather_start(c, j):
    off = pl.multiple_of(c * CH, 8)
    pltpu.async_copy(tbl.at[src_a.at[pl.ds(off, CH)]], bufs[j], sems[j])

  def scatter(c, j):
    off = pl.multiple_of(c * CH, 8)
    pltpu.make_async_copy(tbl.at[src_a.at[pl.ds(off, CH)]], bufs[j],
                          sems[j]).wait()
    pltpu.sync_copy(bufs[j], acc.at[dst_a.at[c]], add=True)

  ebase0 = sid * EB + cid * (NS * EB + sid * (EA - EB))
  rowb0 = sid * (EB // CH) + cid * (NS * EB // CH + sid * ((EA - EB) // CH))
  nph = 9 - 8 * cid

  def phase(h, carry):
    ebase = pl.multiple_of(ebase0 + h * EPP, 8)
    pltpu.sync_copy(src.at[pl.ds(ebase, EPP)], src_a)
    pltpu.sync_copy(dst2.at[pl.ds(rowb0 + h * CPP, CPP)], dst_a)

    for j in range(3):
      gather_start(j, j)
    def pipe(g, carry2):
      c = g * 4
      for j in range(4):
        scatter(c + j, j)
        gather_start(c + j + 3, (j + 3) % 4)
      return carry2
    lax.fori_loop(0, CPP // 4 - 1, pipe, 0)
    c = CPP - 4
    scatter(c, 0)
    gather_start(c + 3, 3)
    for j in range(1, 4):
      scatter(c + j, j)
    return carry

  lax.fori_loop(0, nph, phase, 0)
  plsc.subcore_barrier()

  pltpu.sync_copy(acc.at[pl.ds(r0, RPT)], out.at[pl.ds(cid * NP + r0, RPT)])


@pl.kernel(
    out_type=[jax.ShapeDtypeStruct((NC * NP, D), jnp.float32)],
    mesh=_MESH,
    scratch_types=[
        pltpu.VMEM((NCHUNK, CH), jnp.int32),
        pltpu.VMEM((CH, D), jnp.float32),
        pltpu.VMEM_SHARED((NP, D), jnp.float32),
    ])
def _seg_count(dst3, out, dst_a, ones_v, acc):
  cid = lax.axis_index("c")
  sid = lax.axis_index("s")
  wid = cid * NS + sid

  _zero_rows(ones_v, CH)
  r0 = sid * RPT
  for k in range(RPT // CH):
    pltpu.sync_copy(ones_v, acc.at[pl.ds(r0 + k * CH, CH)])

  def orow(i, carry):
    for j in range(D // 16):
      ones_v[i, pl.ds(j * 16, 16)] = jnp.ones((16,), jnp.float32)
    return carry
  lax.fori_loop(0, CH, orow, 0)
  plsc.subcore_barrier()

  pltpu.sync_copy(dst3.at[wid], dst_a)
  def chunk(c, carry):
    pltpu.sync_copy(ones_v, acc.at[dst_a.at[c]], add=True)
    return carry
  lax.fori_loop(0, NCHUNK, chunk, 0)
  plsc.subcore_barrier()

  pltpu.sync_copy(acc.at[pl.ds(r0, RPT)], out.at[pl.ds(cid * NP + r0, RPT)])


_BM = 1000


def _blk(r, c):
  return pl.BlockSpec((r, c), lambda i: (i, 0) if r == _BM else (0, 0))


def _tc_layer1(x, W_l, W_r, b):
  def body(x_ref, wl, wr, b_ref, y_ref, r_ref):
    xb = x_ref[...]
    y_ref[...] = jnp.dot(xb, wl[...], preferred_element_type=jnp.float32)
    r_ref[...] = jnp.dot(xb, wr[...], preferred_element_type=jnp.float32) + b_ref[...]
  return pl.pallas_call(
      body, grid=(N // _BM,),
      in_specs=[_blk(_BM, D), _blk(D, D), _blk(D, D), _blk(1, D)],
      out_specs=[_blk(_BM, D), _blk(_BM, D)],
      out_shape=[jax.ShapeDtypeStruct((N, D), jnp.float32)] * 2,
  )(x, W_l, W_r, b)


def _tc_mid(p0, p1, c0, c1, r1, W_l, W_r, b):
  def body(p0r, p1r, c0r, c1r, r1r, wl, wr, b_ref, y_ref, r_ref):
    s = p0r[...] + p1r[...]
    cnt = (c0r[...] + c1r[...])[:, 0:1]
    h = jnp.maximum(s / jnp.maximum(cnt, 1.0) + r1r[...], 0.0)
    y_ref[...] = jnp.dot(h, wl[...], preferred_element_type=jnp.float32)
    r_ref[...] = jnp.dot(h, wr[...], preferred_element_type=jnp.float32) + b_ref[...]
  return pl.pallas_call(
      body, grid=(N // _BM,),
      in_specs=[_blk(_BM, D), _blk(_BM, D), _blk(_BM, D), _blk(_BM, D),
                _blk(_BM, D), _blk(D, D), _blk(D, D), _blk(1, D)],
      out_specs=[_blk(_BM, D), _blk(_BM, D)],
      out_shape=[jax.ShapeDtypeStruct((N, D), jnp.float32)] * 2,
  )(p0, p1, c0, c1, r1, W_l, W_r, b)


def _tc_final(q0, q1, c0, c1, r2):
  def body(q0r, q1r, c0r, c1r, r2r, o_ref):
    s = q0r[...] + q1r[...]
    cnt = (c0r[...] + c1r[...])[:, 0:1]
    o_ref[...] = s / jnp.maximum(cnt, 1.0) + r2r[...]
  return pl.pallas_call(
      body, grid=(N // _BM,),
      in_specs=[_blk(_BM, D), _blk(_BM, D), _blk(_BM, D), _blk(_BM, D),
                _blk(_BM, D)],
      out_specs=_blk(_BM, D),
      out_shape=jax.ShapeDtypeStruct((N, D), jnp.float32),
  )(q0, q1, c0, c1, r2)


def kernel(x, edge_index, W1_l, b1_l, W1_r, W2_l, b2_l, W2_r):
  src = jnp.concatenate([edge_index[0], jnp.zeros((EPAD - E,), jnp.int32)])
  dstp = jnp.concatenate(
      [edge_index[1], jnp.full((EPAD - E,), TRASH, jnp.int32)])
  dst3 = dstp.reshape(NW, NCHUNK, CH)
  dst2 = dstp.reshape(EPAD // CH, CH)
  cnt, = _seg_count(dst3)
  c0, c1 = cnt[:N], cnt[NP:NP + N]
  y1, r1 = _tc_layer1(x, W1_l, W1_r, b1_l.reshape(1, D))
  p, = _seg_sum(y1, src, dst2)
  y2, r2 = _tc_mid(p[:N], p[NP:NP + N], c0, c1, r1, W2_l, W2_r, b2_l.reshape(1, D))
  q, = _seg_sum(y2, src, dst2)
  return _tc_final(q[:N], q[NP:NP + N], c0, c1, r2)

# --- scband reference (transcript-rebuilt; emitter-appended) ---
"""Pipeline reference for scband-gnnencoder-28372553957633 (READ-ONLY COPY).

The authoritative reference and input builder live on the scoring server;
editing this copy changes nothing except your own understanding.
"""

import jax, jax.numpy as jnp
import numpy as np

N = 10000
E = 320000
D_IN = 128
D_HID = 128
D_OUT = 128


def setup_inputs(seed: int = 0) -> dict:
    key = jax.random.key(seed)
    ks = jax.random.split(key, 9)
    x = jax.random.normal(ks[0], (N, D_IN), dtype=jnp.float32)
    edge_index = jax.random.randint(ks[1], (2, E), 0, N, dtype=jnp.int32)
    # SAGEConv layer 1: lin_l (aggregated neighbors, with bias), lin_r (root, no bias)
    s1 = 1.0 / np.sqrt(D_IN)
    W1_l = jax.random.uniform(ks[2], (D_IN, D_HID), jnp.float32, -s1, s1)
    b1_l = jax.random.uniform(ks[3], (D_HID,), jnp.float32, -s1, s1)
    W1_r = jax.random.uniform(ks[4], (D_IN, D_HID), jnp.float32, -s1, s1)
    # SAGEConv layer 2
    s2 = 1.0 / np.sqrt(D_HID)
    W2_l = jax.random.uniform(ks[5], (D_HID, D_OUT), jnp.float32, -s2, s2)
    b2_l = jax.random.uniform(ks[6], (D_OUT,), jnp.float32, -s2, s2)
    W2_r = jax.random.uniform(ks[7], (D_HID, D_OUT), jnp.float32, -s2, s2)
    return {
        "x": x,
        "edge_index": edge_index,
        "W1_l": W1_l, "b1_l": b1_l, "W1_r": W1_r,
        "W2_l": W2_l, "b2_l": b2_l, "W2_r": W2_r,
    }


def _sage_conv(x, edge_index, W_l, b_l, W_r, num_nodes):
    # PyG SAGEConv with mean aggregation:
    #   out = lin_l(mean_{j in N(i)} x_j) + lin_r(x_i)
    src = edge_index[0]
    dst = edge_index[1]
    msgs = jnp.take(x, src, axis=0)  # gather source node features
    summed = jax.ops.segment_sum(msgs, dst, num_segments=num_nodes)
    counts = jax.ops.segment_sum(jnp.ones((msgs.shape[0], 1), x.dtype), dst,
                                 num_segments=num_nodes)
    mean = summed / jnp.clip(counts, 1.0, None)
    return mean @ W_l + b_l + x @ W_r


def reference(x, edge_index, W1_l, b1_l, W1_r, W2_l, b2_l, W2_r):
    h = _sage_conv(x, edge_index, W1_l, b1_l, W1_r, N)
    h = jax.nn.relu(h)
    out = _sage_conv(h, edge_index, W2_l, b2_l, W2_r, N)
    return out

if __name__ == "__main__":
    import jax
    _d = setup_inputs()
    print(jax.jit(kernel)(*tuple(_d.values())))

</pallas_src>

<mosaic_0001>
#map = affine_map<(d0, d1) -> (0, 0, 0)>
#map1 = affine_map<(d0, d1) -> (0, 0)>
module attributes {stable_mosaic.version = 14 : i64} {
  func.func @_seg_count(%arg0: i32, %arg1: i32, %arg2: memref<32x160x64xi32, #tpu.memory_space<hbm>>, %arg3: memref<20480x128xf32, #tpu.memory_space<hbm>>, %arg4: memref<160x64xi32, #tpu.memory_space<vmem>>, %arg5: memref<64x128xf32, #tpu.memory_space<vmem>>, %arg6: memref<10240x128xf32, #tpu.memory_space<vmem_shared>>) attributes {dimension_semantics = [#tpu.dimension_semantics<core_parallel>, #tpu.dimension_semantics<subcore_parallel>], iteration_bounds = array<i64: 2, 16>, scalar_prefetch = 0 : i64, scratch_operands = 3 : i64, tpu.core_type = #tpu.core_type<sc_vector_subcore>, window_params = [{transform_indices = #map}, {transform_indices = #map1}]} {
    %mul3A = arith.constant 16 : i32
    %mul3A_0 = arith.muli %arg0, %mul3A : i32
    %add3A = arith.addi %mul3A_0, %arg1 : i32
    %scan3A = arith.constant 0 : i32
    %scan3A_1 = arith.constant 0 : i32
    %scan3A_2 = arith.constant 64 : i32
    %scan3A_3 = arith.addi %scan3A_1, %scan3A_2 : i32
    %scan3A_4 = arith.constant 1 : i32
    scf.for %scan3A_44 = %scan3A_1 to %scan3A_3 step %scan3A_4  : i32 {
      %broadcast_in_dim3A = arith.constant 0.000000e+00 : f32
      %broadcast_in_dim3A_45 = vector.broadcast %broadcast_in_dim3A : f32 to vector<16xf32>
      %swap3A = arith.index_cast %scan3A_44 : i32 to index
      %swap3A_46 = arith.constant 0 : index
      %swap3A_47 = tpu.vector_load %arg5[%swap3A, %swap3A_46] {strides = array<i32>} : memref<64x128xf32, #tpu.memory_space<vmem>>, vector<1x16xf32>,
      %swap3A_48 = vector.shape_cast %swap3A_47 : vector<1x16xf32> to vector<16xf32>
      %swap3A_49 = vector.shape_cast %broadcast_in_dim3A_45 : vector<16xf32> to vector<1x16xf32>
      tpu.vector_store %arg5[%swap3A, %swap3A_46], %swap3A_49 {strides = array<i32>} : memref<64x128xf32, #tpu.memory_space<vmem>>, vector<1x16xf32>,
      %broadcast_in_dim3A_50 = arith.constant 0.000000e+00 : f32
      %broadcast_in_dim3A_51 = vector.broadcast %broadcast_in_dim3A_50 : f32 to vector<16xf32>
      %swap3A_52 = arith.index_cast %scan3A_44 : i32 to index
      %swap3A_53 = arith.constant 16 : index
      %swap3A_54 = tpu.vector_load %arg5[%swap3A_52, %swap3A_53] {strides = array<i32>} : memref<64x128xf32, #tpu.memory_space<vmem>>, vector<1x16xf32>,
      %swap3A_55 = vector.shape_cast %swap3A_54 : vector<1x16xf32> to vector<16xf32>
      %swap3A_56 = vector.shape_cast %broadcast_in_dim3A_51 : vector<16xf32> to vector<1x16xf32>
      tpu.vector_store %arg5[%swap3A_52, %swap3A_53], %swap3A_56 {strides = array<i32>} : memref<64x128xf32, #tpu.memory_space<vmem>>, vector<1x16xf32>,
      %broadcast_in_dim3A_57 = arith.constant 0.000000e+00 : f32
      %broadcast_in_dim3A_58 = vector.broadcast %broadcast_in_dim3A_57 : f32 to vector<16xf32>
      %swap3A_59 = arith.index_cast %scan3A_44 : i32 to index
      %swap3A_60 = arith.constant 32 : index
      %swap3A_61 = tpu.vector_load %arg5[%swap3A_59, %swap3A_60] {strides = array<i32>} : memref<64x128xf32, #tpu.memory_space<vmem>>, vector<1x16xf32>,
      %swap3A_62 = vector.shape_cast %swap3A_61 : vector<1x16xf32> to vector<16xf32>
      %swap3A_63 = vector.shape_cast %broadcast_in_dim3A_58 : vector<16xf32> to vector<1x16xf32>
      tpu.vector_store %arg5[%swap3A_59, %swap3A_60], %swap3A_63 {strides = array<i32>} : memref<64x128xf32, #tpu.memory_space<vmem>>, vector<1x16xf32>,
      %broadcast_in_dim3A_64 = arith.constant 0.000000e+00 : f32
      %broadcast_in_dim3A_65 = vector.broadcast %broadcast_in_dim3A_64 : f32 to vector<16xf32>
      %swap3A_66 = arith.index_cast %scan3A_44 : i32 to index
      %swap3A_67 = arith.constant 48 : index
      %swap3A_68 = tpu.vector_load %arg5[%swap3A_66, %swap3A_67] {strides = array<i32>} : memref<64x128xf32, #tpu.memory_space<vmem>>, vector<1x16xf32>,
      %swap3A_69 = vector.shape_cast %swap3A_68 : vector<1x16xf32> to vector<16xf32>
      %swap3A_70 = vector.shape_cast %broadcast_in_dim3A_65 : vector<16xf32> to vector<1x16xf32>
      tpu.vector_store %arg5[%swap3A_66, %swap3A_67], %swap3A_70 {strides = array<i32>} : memref<64x128xf32, #tpu.memory_space<vmem>>, vector<1x16xf32>,
      %broadcast_in_dim3A_71 = arith.constant 0.000000e+00 : f32
      %broadcast_in_dim3A_72 = vector.broadcast %broadcast_in_dim3A_71 : f32 to vector<16xf32>
      %swap3A_73 = arith.index_cast %scan3A_44 : i32 to index
      %swap3A_74 = arith.constant 64 : index
      %swap3A_75 = tpu.vector_load %arg5[%swap3A_73, %swap3A_74] {strides = array<i32>} : memref<64x128xf32, #tpu.memory_space<vmem>>, vector<1x16xf32>,
      %swap3A_76 = vector.shape_cast %swap3A_75 : vector<1x16xf32> to vector<16xf32>
      %swap3A_77 = vector.shape_cast %broadcast_in_dim3A_72 : vector<16xf32> to vector<1x16xf32>
      tpu.vector_store %arg5[%swap3A_73, %swap3A_74], %swap3A_77 {strides = array<i32>} : memref<64x128xf32, #tpu.memory_space<vmem>>, vector<1x16xf32>,
      %broadcast_in_dim3A_78 = arith.constant 0.000000e+00 : f32
      %broadcast_in_dim3A_79 = vector.broadcast %broadcast_in_dim3A_78 : f32 to vector<16xf32>
      %swap3A_80 = arith.index_cast %scan3A_44 : i32 to index
      %swap3A_81 = arith.constant 80 : index
      %swap3A_82 = tpu.vector_load %arg5[%swap3A_80, %swap3A_81] {strides = array<i32>} : memref<64x128xf32, #tpu.memory_space<vmem>>, vector<1x16xf32>,
      %swap3A_83 = vector.shape_cast %swap3A_82 : vector<1x16xf32> to vector<16xf32>
      %swap3A_84 = vector.shape_cast %broadcast_in_dim3A_79 : vector<16xf32> to vector<1x16xf32>
      tpu.vector_store %arg5[%swap3A_80, %swap3A_81], %swap3A_84 {strides = array<i32>} : memref<64x128xf32, #tpu.memory_space<vmem>>, vector<1x16xf32>,
      %broadcast_in_dim3A_85 = arith.constant 0.000000e+00 : f32
      %broadcast_in_dim3A_86 = vector.broadcast %broadcast_in_dim3A_85 : f32 to vector<16xf32>
      %swap3A_87 = arith.index_cast %scan3A_44 : i32 to index
      %swap3A_88 = arith.constant 96 : index
      %swap3A_89 = tpu.vector_load %arg5[%swap3A_87, %swap3A_88] {strides = array<i32>} : memref<64x128xf32, #tpu.memory_space<vmem>>, vector<1x16xf32>,
      %swap3A_90 = vector.shape_cast %swap3A_89 : vector<1x16xf32> to vector<16xf32>
      %swap3A_91 = vector.shape_cast %broadcast_in_dim3A_86 : vector<16xf32> to vector<1x16xf32>
      tpu.vector_store %arg5[%swap3A_87, %swap3A_88], %swap3A_91 {strides = array<i32>} : memref<64x128xf32, #tpu.memory_space<vmem>>, vector<1x16xf32>,
      %broadcast_in_dim3A_92 = arith.constant 0.000000e+00 : f32
      %broadcast_in_dim3A_93 = vector.broadcast %broadcast_in_dim3A_92 : f32 to vector<16xf32>
      %swap3A_94 = arith.index_cast %scan3A_44 : i32 to index
      %swap3A_95 = arith.constant 112 : index
      %swap3A_96 = tpu.vector_load %arg5[%swap3A_94, %swap3A_95] {strides = array<i32>} : memref<64x128xf32, #tpu.memory_space<vmem>>, vector<1x16xf32>,
      %swap3A_97 = vector.shape_cast %swap3A_96 : vector<1x16xf32> to vector<16xf32>
      %swap3A_98 = vector.shape_cast %broadcast_in_dim3A_93 : vector<16xf32> to vector<1x16xf32>
      tpu.vector_store %arg5[%swap3A_94, %swap3A_95], %swap3A_98 {strides = array<i32>} : memref<64x128xf32, #tpu.memory_space<vmem>>, vector<1x16xf32>,
    }
    %scan3A_5 = arith.constant 64 : i32
    %mul3A_6 = arith.constant 640 : i32
    %mul3A_7 = arith.muli %arg1, %mul3A_6 : i32
    %add3A_8 = arith.constant 0 : i32
    %add3A_9 = arith.addi %mul3A_7, %add3A_8 : i32
    "tpu.region"() ({
      %run_scoped3A = tpu.sem_alloc : memref<!tpu.dma_semaphore, #tpu.memory_space<semaphore_mem>>
      %dma_start3A = arith.constant 0 : i32
      %dma_start3A_44 = tpu.memref_slice %arg6[%add3A_9, %dma_start3A] : memref<10240x128xf32, #tpu.memory_space<vmem_shared>> -> memref<64x128xf32, #tpu.memory_space<vmem_shared>>
      %dma_start3A_45 = arith.constant 0 : i32
      %dma_start3A_46 = tpu.memref_slice %arg6[%add3A_9, %dma_start3A_45] : memref<10240x128xf32, #tpu.memory_space<vmem_shared>> -> memref<64x128xf32, #tpu.memory_space<vmem_shared>>
      tpu.enqueue_dma source(%arg5 : memref<64x128xf32, #tpu.memory_space<vmem>>) target(%dma_start3A_46 : memref<64x128xf32, #tpu.memory_space<vmem_shared>>) target_semaphore(%run_scoped3A : memref<!tpu.dma_semaphore, #tpu.memory_space<semaphore_mem>>)
      %dma_wait3A = arith.constant 0 : i32
      %dma_wait3A_47 = tpu.memref_slice %arg6[%add3A_9, %dma_wait3A] : memref<10240x128xf32, #tpu.memory_space<vmem_shared>> -> memref<64x128xf32, #tpu.memory_space<vmem_shared>>
      %dma_wait3A_48 = arith.constant 0 : i32
      %dma_wait3A_49 = tpu.memref_slice %arg6[%add3A_9, %dma_wait3A_48] : memref<10240x128xf32, #tpu.memory_space<vmem_shared>> -> memref<64x128xf32, #tpu.memory_space<vmem_shared>>
      tpu.wait_dma2 semaphore(%run_scoped3A : memref<!tpu.dma_semaphore, #tpu.memory_space<semaphore_mem>>) src(%arg5 : memref<64x128xf32, #tpu.memory_space<vmem>>) dst(%dma_wait3A_49 : memref<64x128xf32, #tpu.memory_space<vmem_shared>>)
      tpu.yield
    }) : () -> ()
    %add3A_10 = arith.constant 64 : i32
    %add3A_11 = arith.addi %mul3A_7, %add3A_10 : i32
    "tpu.region"() ({
      %run_scoped3A = tpu.sem_alloc : memref<!tpu.dma_semaphore, #tpu.memory_space<semaphore_mem>>
      %dma_start3A = arith.constant 0 : i32
      %dma_start3A_44 = tpu.memref_slice %arg6[%add3A_11, %dma_start3A] : memref<10240x128xf32, #tpu.memory_space<vmem_shared>> -> memref<64x128xf32, #tpu.memory_space<vmem_shared>>
      %dma_start3A_45 = arith.constant 0 : i32
      %dma_start3A_46 = tpu.memref_slice %arg6[%add3A_11, %dma_start3A_45] : memref<10240x128xf32, #tpu.memory_space<vmem_shared>> -> memref<64x128xf32, #tpu.memory_space<vmem_shared>>
      tpu.enqueue_dma source(%arg5 : memref<64x128xf32, #tpu.memory_space<vmem>>) target(%dma_start3A_46 : memref<64x128xf32, #tpu.memory_space<vmem_shared>>) target_semaphore(%run_scoped3A : memref<!tpu.dma_semaphore, #tpu.memory_space<semaphore_mem>>)
      %dma_wait3A = arith.constant 0 : i32
      %dma_wait3A_47 = tpu.memref_slice %arg6[%add3A_11, %dma_wait3A] : memref<10240x128xf32, #tpu.memory_space<vmem_shared>> -> memref<64x128xf32, #tpu.memory_space<vmem_shared>>
      %dma_wait3A_48 = arith.constant 0 : i32
      %dma_wait3A_49 = tpu.memref_slice %arg6[%add3A_11, %dma_wait3A_48] : memref<10240x128xf32, #tpu.memory_space<vmem_shared>> -> memref<64x128xf32, #tpu.memory_space<vmem_shared>>
      tpu.wait_dma2 semaphore(%run_scoped3A : memref<!tpu.dma_semaphore, #tpu.memory_space<semaphore_mem>>) src(%arg5 : memref<64x128xf32, #tpu.memory_space<vmem>>) dst(%dma_wait3A_49 : memref<64x128xf32, #tpu.memory_space<vmem_shared>>)
      tpu.yield
    }) : () -> ()
    %add3A_12 = arith.constant 128 : i32
    %add3A_13 = arith.addi %mul3A_7, %add3A_12 : i32
    "tpu.region"() ({
      %run_scoped3A = tpu.sem_alloc : memref<!tpu.dma_semaphore, #tpu.memory_space<semaphore_mem>>
      %dma_start3A = arith.constant 0 : i32
      %dma_start3A_44 = tpu.memref_slice %arg6[%add3A_13, %dma_start3A] : memref<10240x128xf32, #tpu.memory_space<vmem_shared>> -> memref<64x128xf32, #tpu.memory_space<vmem_shared>>
      %dma_start3A_45 = arith.constant 0 : i32
      %dma_start3A_46 = tpu.memref_slice %arg6[%add3A_13, %dma_start3A_45] : memref<10240x128xf32, #tpu.memory_space<vmem_shared>> -> memref<64x128xf32, #tpu.memory_space<vmem_shared>>
      tpu.enqueue_dma source(%arg5 : memref<64x128xf32, #tpu.memory_space<vmem>>) target(%dma_start3A_46 : memref<64x128xf32, #tpu.memory_space<vmem_shared>>) target_semaphore(%run_scoped3A : memref<!tpu.dma_semaphore, #tpu.memory_space<semaphore_mem>>)
      %dma_wait3A = arith.constant 0 : i32
      %dma_wait3A_47 = tpu.memref_slice %arg6[%add3A_13, %dma_wait3A] : memref<10240x128xf32, #tpu.memory_space<vmem_shared>> -> memref<64x128xf32, #tpu.memory_space<vmem_shared>>
      %dma_wait3A_48 = arith.constant 0 : i32
      %dma_wait3A_49 = tpu.memref_slice %arg6[%add3A_13, %dma_wait3A_48] : memref<10240x128xf32, #tpu.memory_space<vmem_shared>> -> memref<64x128xf32, #tpu.memory_space<vmem_shared>>
      tpu.wait_dma2 semaphore(%run_scoped3A : memref<!tpu.dma_semaphore, #tpu.memory_space<semaphore_mem>>) src(%arg5 : memref<64x128xf32, #tpu.memory_space<vmem>>) dst(%dma_wait3A_49 : memref<64x128xf32, #tpu.memory_space<vmem_shared>>)
      tpu.yield
    }) : () -> ()
    %add3A_14 = arith.constant 192 : i32
    %add3A_15 = arith.addi %mul3A_7, %add3A_14 : i32
    "tpu.region"() ({
      %run_scoped3A = tpu.sem_alloc : memref<!tpu.dma_semaphore, #tpu.memory_space<semaphore_mem>>
      %dma_start3A = arith.constant 0 : i32
      %dma_start3A_44 = tpu.memref_slice %arg6[%add3A_15, %dma_start3A] : memref<10240x128xf32, #tpu.memory_space<vmem_shared>> -> memref<64x128xf32, #tpu.memory_space<vmem_shared>>
      %dma_start3A_45 = arith.constant 0 : i32
      %dma_start3A_46 = tpu.memref_slice %arg6[%add3A_15, %dma_start3A_45] : memref<10240x128xf32, #tpu.memory_space<vmem_shared>> -> memref<64x128xf32, #tpu.memory_space<vmem_shared>>
      tpu.enqueue_dma source(%arg5 : memref<64x128xf32, #tpu.memory_space<vmem>>) target(%dma_start3A_46 : memref<64x128xf32, #tpu.memory_space<vmem_shared>>) target_semaphore(%run_scoped3A : memref<!tpu.dma_semaphore, #tpu.memory_space<semaphore_mem>>)
      %dma_wait3A = arith.constant 0 : i32
      %dma_wait3A_47 = tpu.memref_slice %arg6[%add3A_15, %dma_wait3A] : memref<10240x128xf32, #tpu.memory_space<vmem_shared>> -> memref<64x128xf32, #tpu.memory_space<vmem_shared>>
      %dma_wait3A_48 = arith.constant 0 : i32
      %dma_wait3A_49 = tpu.memref_slice %arg6[%add3A_15, %dma_wait3A_48] : memref<10240x128xf32, #tpu.memory_space<vmem_shared>> -> memref<64x128xf32, #tpu.memory_space<vmem_shared>>
      tpu.wait_dma2 semaphore(%run_scoped3A : memref<!tpu.dma_semaphore, #tpu.memory_space<semaphore_mem>>) src(%arg5 : memref<64x128xf32, #tpu.memory_space<vmem>>) dst(%dma_wait3A_49 : memref<64x128xf32, #tpu.memory_space<vmem_shared>>)
      tpu.yield
    }) : () -> ()
    %add3A_16 = arith.constant 256 : i32
    %add3A_17 = arith.addi %mul3A_7, %add3A_16 : i32
    "tpu.region"() ({
      %run_scoped3A = tpu.sem_alloc : memref<!tpu.dma_semaphore, #tpu.memory_space<semaphore_mem>>
      %dma_start3A = arith.constant 0 : i32
      %dma_start3A_44 = tpu.memref_slice %arg6[%add3A_17, %dma_start3A] : memref<10240x128xf32, #tpu.memory_space<vmem_shared>> -> memref<64x128xf32, #tpu.memory_space<vmem_shared>>
      %dma_start3A_45 = arith.constant 0 : i32
      %dma_start3A_46 = tpu.memref_slice %arg6[%add3A_17, %dma_start3A_45] : memref<10240x128xf32, #tpu.memory_space<vmem_shared>> -> memref<64x128xf32, #tpu.memory_space<vmem_shared>>
      tpu.enqueue_dma source(%arg5 : memref<64x128xf32, #tpu.memory_space<vmem>>) target(%dma_start3A_46 : memref<64x128xf32, #tpu.memory_space<vmem_shared>>) target_semaphore(%run_scoped3A : memref<!tpu.dma_semaphore, #tpu.memory_space<semaphore_mem>>)
      %dma_wait3A = arith.constant 0 : i32
      %dma_wait3A_47 = tpu.memref_slice %arg6[%add3A_17, %dma_wait3A] : memref<10240x128xf32, #tpu.memory_space<vmem_shared>> -> memref<64x128xf32, #tpu.memory_space<vmem_shared>>
      %dma_wait3A_48 = arith.constant 0 : i32
      %dma_wait3A_49 = tpu.memref_slice %arg6[%add3A_17, %dma_wait3A_48] : memref<10240x128xf32, #tpu.memory_space<vmem_shared>> -> memref<64x128xf32, #tpu.memory_space<vmem_shared>>
      tpu.wait_dma2 semaphore(%run_scoped3A : memref<!tpu.dma_semaphore, #tpu.memory_space<semaphore_mem>>) src(%arg5 : memref<64x128xf32, #tpu.memory_space<vmem>>) dst(%dma_wait3A_49 : memref<64x128xf32, #tpu.memory_space<vmem_shared>>)
      tpu.yield
    }) : () -> ()
    %add3A_18 = arith.constant 320 : i32
    %add3A_19 = arith.addi %mul3A_7, %add3A_18 : i32
    "tpu.region"() ({
      %run_scoped3A = tpu.sem_alloc : memref<!tpu.dma_semaphore, #tpu.memory_space<semaphore_mem>>
      %dma_start3A = arith.constant 0 : i32
      %dma_start3A_44 = tpu.memref_slice %arg6[%add3A_19, %dma_start3A] : memref<10240x128xf32, #tpu.memory_space<vmem_shared>> -> memref<64x128xf32, #tpu.memory_space<vmem_shared>>
      %dma_start3A_45 = arith.constant 0 : i32
      %dma_start3A_46 = tpu.memref_slice %arg6[%add3A_19, %dma_start3A_45] : memref<10240x128xf32, #tpu.memory_space<vmem_shared>> -> memref<64x128xf32, #tpu.memory_space<vmem_shared>>
      tpu.enqueue_dma source(%arg5 : memref<64x128xf32, #tpu.memory_space<vmem>>) target(%dma_start3A_46 : memref<64x128xf32, #tpu.memory_space<vmem_shared>>) target_semaphore(%run_scoped3A : memref<!tpu.dma_semaphore, #tpu.memory_space<semaphore_mem>>)
      %dma_wait3A = arith.constant 0 : i32
      %dma_wait3A_47 = tpu.memref_slice %arg6[%add3A_19, %dma_wait3A] : memref<10240x128xf32, #tpu.memory_space<vmem_shared>> -> memref<64x128xf32, #tpu.memory_space<vmem_shared>>
      %dma_wait3A_48 = arith.constant 0 : i32
      %dma_wait3A_49 = tpu.memref_slice %arg6[%add3A_19, %dma_wait3A_48] : memref<10240x128xf32, #tpu.memory_space<vmem_shared>> -> memref<64x128xf32, #tpu.memory_space<vmem_shared>>
      tpu.wait_dma2 semaphore(%run_scoped3A : memref<!tpu.dma_semaphore, #tpu.memory_space<semaphore_mem>>) src(%arg5 : memref<64x128xf32, #tpu.memory_space<vmem>>) dst(%dma_wait3A_49 : memref<64x128xf32, #tpu.memory_space<vmem_shared>>)
      tpu.yield
    }) : () -> ()
    %add3A_20 = arith.constant 384 : i32
    %add3A_21 = arith.addi %mul3A_7, %add3A_20 : i32
    "tpu.region"() ({
      %run_scoped3A = tpu.sem_alloc : memref<!tpu.dma_semaphore, #tpu.memory_space<semaphore_mem>>
      %dma_start3A = arith.constant 0 : i32
      %dma_start3A_44 = tpu.memref_slice %arg6[%add3A_21, %dma_start3A] : memref<10240x128xf32, #tpu.memory_space<vmem_shared>> -> memref<64x128xf32, #tpu.memory_space<vmem_shared>>
      %dma_start3A_45 = arith.constant 0 : i32
      %dma_start3A_46 = tpu.memref_slice %arg6[%add3A_21, %dma_start3A_45] : memref<10240x128xf32, #tpu.memory_space<vmem_shared>> -> memref<64x128xf32, #tpu.memory_space<vmem_shared>>
      tpu.enqueue_dma source(%arg5 : memref<64x128xf32, #tpu.memory_space<vmem>>) target(%dma_start3A_46 : memref<64x128xf32, #tpu.memory_space<vmem_shared>>) target_semaphore(%run_scoped3A : memref<!tpu.dma_semaphore, #tpu.memory_space<semaphore_mem>>)
      %dma_wait3A = arith.constant 0 : i32
      %dma_wait3A_47 = tpu.memref_slice %arg6[%add3A_21, %dma_wait3A] : memref<10240x128xf32, #tpu.memory_space<vmem_shared>> -> memref<64x128xf32, #tpu.memory_space<vmem_shared>>
      %dma_wait3A_48 = arith.constant 0 : i32
      %dma_wait3A_49 = tpu.memref_slice %arg6[%add3A_21, %dma_wait3A_48] : memref<10240x128xf32, #tpu.memory_space<vmem_shared>> -> memref<64x128xf32, #tpu.memory_space<vmem_shared>>
      tpu.wait_dma2 semaphore(%run_scoped3A : memref<!tpu.dma_semaphore, #tpu.memory_space<semaphore_mem>>) src(%arg5 : memref<64x128xf32, #tpu.memory_space<vmem>>) dst(%dma_wait3A_49 : memref<64x128xf32, #tpu.memory_space<vmem_shared>>)
      tpu.yield
    }) : () -> ()
    %add3A_22 = arith.constant 448 : i32
    %add3A_23 = arith.addi %mul3A_7, %add3A_22 : i32
    "tpu.region"() ({
      %run_scoped3A = tpu.sem_alloc : memref<!tpu.dma_semaphore, #tpu.memory_space<semaphore_mem>>
      %dma_start3A = arith.constant 0 : i32
      %dma_start3A_44 = tpu.memref_slice %arg6[%add3A_23, %dma_start3A] : memref<10240x128xf32, #tpu.memory_space<vmem_shared>> -> memref<64x128xf32, #tpu.memory_space<vmem_shared>>
      %dma_start3A_45 = arith.constant 0 : i32
      %dma_start3A_46 = tpu.memref_slice %arg6[%add3A_23, %dma_start3A_45] : memref<10240x128xf32, #tpu.memory_space<vmem_shared>> -> memref<64x128xf32, #tpu.memory_space<vmem_shared>>
      tpu.enqueue_dma source(%arg5 : memref<64x128xf32, #tpu.memory_space<vmem>>) target(%dma_start3A_46 : memref<64x128xf32, #tpu.memory_space<vmem_shared>>) target_semaphore(%run_scoped3A : memref<!tpu.dma_semaphore, #tpu.memory_space<semaphore_mem>>)
      %dma_wait3A = arith.constant 0 : i32
      %dma_wait3A_47 = tpu.memref_slice %arg6[%add3A_23, %dma_wait3A] : memref<10240x128xf32, #tpu.memory_space<vmem_shared>> -> memref<64x128xf32, #tpu.memory_space<vmem_shared>>
      %dma_wait3A_48 = arith.constant 0 : i32
      %dma_wait3A_49 = tpu.memref_slice %arg6[%add3A_23, %dma_wait3A_48] : memref<10240x128xf32, #tpu.memory_space<vmem_shared>> -> memref<64x128xf32, #tpu.memory_space<vmem_shared>>
      tpu.wait_dma2 semaphore(%run_scoped3A : memref<!tpu.dma_semaphore, #tpu.memory_space<semaphore_mem>>) src(%arg5 : memref<64x128xf32, #tpu.memory_space<vmem>>) dst(%dma_wait3A_49 : memref<64x128xf32, #tpu.memory_space<vmem_shared>>)
      tpu.yield
    }) : () -> ()
    %add3A_24 = arith.constant 512 : i32
    %add3A_25 = arith.addi %mul3A_7, %add3A_24 : i32
    "tpu.region"() ({
      %run_scoped3A = tpu.sem_alloc : memref<!tpu.dma_semaphore, #tpu.memory_space<semaphore_mem>>
      %dma_start3A = arith.constant 0 : i32
      %dma_start3A_44 = tpu.memref_slice %arg6[%add3A_25, %dma_start3A] : memref<10240x128xf32, #tpu.memory_space<vmem_shared>> -> memref<64x128xf32, #tpu.memory_space<vmem_shared>>
      %dma_start3A_45 = arith.constant 0 : i32
      %dma_start3A_46 = tpu.memref_slice %arg6[%add3A_25, %dma_start3A_45] : memref<10240x128xf32, #tpu.memory_space<vmem_shared>> -> memref<64x128xf32, #tpu.memory_space<vmem_shared>>
      tpu.enqueue_dma source(%arg5 : memref<64x128xf32, #tpu.memory_space<vmem>>) target(%dma_start3A_46 : memref<64x128xf32, #tpu.memory_space<vmem_shared>>) target_semaphore(%run_scoped3A : memref<!tpu.dma_semaphore, #tpu.memory_space<semaphore_mem>>)
      %dma_wait3A = arith.constant 0 : i32
      %dma_wait3A_47 = tpu.memref_slice %arg6[%add3A_25, %dma_wait3A] : memref<10240x128xf32, #tpu.memory_space<vmem_shared>> -> memref<64x128xf32, #tpu.memory_space<vmem_shared>>
      %dma_wait3A_48 = arith.constant 0 : i32
      %dma_wait3A_49 = tpu.memref_slice %arg6[%add3A_25, %dma_wait3A_48] : memref<10240x128xf32, #tpu.memory_space<vmem_shared>> -> memref<64x128xf32, #tpu.memory_space<vmem_shared>>
      tpu.wait_dma2 semaphore(%run_scoped3A : memref<!tpu.dma_semaphore, #tpu.memory_space<semaphore_mem>>) src(%arg5 : memref<64x128xf32, #tpu.memory_space<vmem>>) dst(%dma_wait3A_49 : memref<64x128xf32, #tpu.memory_space<vmem_shared>>)
      tpu.yield
    }) : () -> ()
    %add3A_26 = arith.constant 576 : i32
    %add3A_27 = arith.addi %mul3A_7, %add3A_26 : i32
    "tpu.region"() ({
      %run_scoped3A = tpu.sem_alloc : memref<!tpu.dma_semaphore, #tpu.memory_space<semaphore_mem>>
      %dma_start3A = arith.constant 0 : i32
      %dma_start3A_44 = tpu.memref_slice %arg6[%add3A_27, %dma_start3A] : memref<10240x128xf32, #tpu.memory_space<vmem_shared>> -> memref<64x128xf32, #tpu.memory_space<vmem_shared>>
      %dma_start3A_45 = arith.constant 0 : i32
      %dma_start3A_46 = tpu.memref_slice %arg6[%add3A_27, %dma_start3A_45] : memref<10240x128xf32, #tpu.memory_space<vmem_shared>> -> memref<64x128xf32, #tpu.memory_space<vmem_shared>>
      tpu.enqueue_dma source(%arg5 : memref<64x128xf32, #tpu.memory_space<vmem>>) target(%dma_start3A_46 : memref<64x128xf32, #tpu.memory_space<vmem_shared>>) target_semaphore(%run_scoped3A : memref<!tpu.dma_semaphore, #tpu.memory_space<semaphore_mem>>)
      %dma_wait3A = arith.constant 0 : i32
      %dma_wait3A_47 = tpu.memref_slice %arg6[%add3A_27, %dma_wait3A] : memref<10240x128xf32, #tpu.memory_space<vmem_shared>> -> memref<64x128xf32, #tpu.memory_space<vmem_shared>>
      %dma_wait3A_48 = arith.constant 0 : i32
      %dma_wait3A_49 = tpu.memref_slice %arg6[%add3A_27, %dma_wait3A_48] : memref<10240x128xf32, #tpu.memory_space<vmem_shared>> -> memref<64x128xf32, #tpu.memory_space<vmem_shared>>
      tpu.wait_dma2 semaphore(%run_scoped3A : memref<!tpu.dma_semaphore, #tpu.memory_space<semaphore_mem>>) src(%arg5 : memref<64x128xf32, #tpu.memory_space<vmem>>) dst(%dma_wait3A_49 : memref<64x128xf32, #tpu.memory_space<vmem_shared>>)
      tpu.yield
    }) : () -> ()
    %scan3A_28 = arith.constant 0 : i32
    %scan3A_29 = arith.constant 0 : i32
    %scan3A_30 = arith.constant 64 : i32
    %scan3A_31 = arith.addi %scan3A_29, %scan3A_30 : i32
    %scan3A_32 = arith.constant 1 : i32
    scf.for %scan3A_44 = %scan3A_29 to %scan3A_31 step %scan3A_32  : i32 {
      %broadcast_in_dim3A = arith.constant 1.000000e+00 : f32
      %broadcast_in_dim3A_45 = vector.broadcast %broadcast_in_dim3A : f32 to vector<16xf32>
      %swap3A = arith.index_cast %scan3A_44 : i32 to index
      %swap3A_46 = arith.constant 0 : index
      %swap3A_47 = tpu.vector_load %arg5[%swap3A, %swap3A_46] {strides = array<i32>} : memref<64x128xf32, #tpu.memory_space<vmem>>, vector<1x16xf32>,
      %swap3A_48 = vector.shape_cast %swap3A_47 : vector<1x16xf32> to vector<16xf32>
      %swap3A_49 = vector.shape_cast %broadcast_in_dim3A_45 : vector<16xf32> to vector<1x16xf32>
      tpu.vector_store %arg5[%swap3A, %swap3A_46], %swap3A_49 {strides = array<i32>} : memref<64x128xf32, #tpu.memory_space<vmem>>, vector<1x16xf32>,
      %broadcast_in_dim3A_50 = arith.constant 1.000000e+00 : f32
      %broadcast_in_dim3A_51 = vector.broadcast %broadcast_in_dim3A_50 : f32 to vector<16xf32>
      %swap3A_52 = arith.index_cast %scan3A_44 : i32 to index
      %swap3A_53 = arith.constant 16 : index
      %swap3A_54 = tpu.vector_load %arg5[%swap3A_52, %swap3A_53] {strides = array<i32>} : memref<64x128xf32, #tpu.memory_space<vmem>>, vector<1x16xf32>,
      %swap3A_55 = vector.shape_cast %swap3A_54 : vector<1x16xf32> to vector<16xf32>
      %swap3A_56 = vector.shape_cast %broadcast_in_dim3A_51 : vector<16xf32> to vector<1x16xf32>
      tpu.vector_store %arg5[%swap3A_52, %swap3A_53], %swap3A_56 {strides = array<i32>} : memref<64x128xf32, #tpu.memory_space<vmem>>, vector<1x16xf32>,
      %broadcast_in_dim3A_57 = arith.constant 1.000000e+00 : f32
      %broadcast_in_dim3A_58 = vector.broadcast %broadcast_in_dim3A_57 : f32 to vector<16xf32>
      %swap3A_59 = arith.index_cast %scan3A_44 : i32 to index
      %swap3A_60 = arith.constant 32 : index
      %swap3A_61 = tpu.vector_load %arg5[%swap3A_59, %swap3A_60] {strides = array<i32>} : memref<64x128xf32, #tpu.memory_space<vmem>>, vector<1x16xf32>,
      %swap3A_62 = vector.shape_cast %swap3A_61 : vector<1x16xf32> to vector<16xf32>
      %swap3A_63 = vector.shape_cast %broadcast_in_dim3A_58 : vector<16xf32> to vector<1x16xf32>
      tpu.vector_store %arg5[%swap3A_59, %swap3A_60], %swap3A_63 {strides = array<i32>} : memref<64x128xf32, #tpu.memory_space<vmem>>, vector<1x16xf32>,
      %broadcast_in_dim3A_64 = arith.constant 1.000000e+00 : f32
      %broadcast_in_dim3A_65 = vector.broadcast %broadcast_in_dim3A_64 : f32 to vector<16xf32>
      %swap3A_66 = arith.index_cast %scan3A_44 : i32 to index
      %swap3A_67 = arith.constant 48 : index
      %swap3A_68 = tpu.vector_load %arg5[%swap3A_66, %swap3A_67] {strides = array<i32>} : memref<64x128xf32, #tpu.memory_space<vmem>>, vector<1x16xf32>,
      %swap3A_69 = vector.shape_cast %swap3A_68 : vector<1x16xf32> to vector<16xf32>
      %swap3A_70 = vector.shape_cast %broadcast_in_dim3A_65 : vector<16xf32> to vector<1x16xf32>
      tpu.vector_store %arg5[%swap3A_66, %swap3A_67], %swap3A_70 {strides = array<i32>} : memref<64x128xf32, #tpu.memory_space<vmem>>, vector<1x16xf32>,
      %broadcast_in_dim3A_71 = arith.constant 1.000000e+00 : f32
      %broadcast_in_dim3A_72 = vector.broadcast %broadcast_in_dim3A_71 : f32 to vector<16xf32>
      %swap3A_73 = arith.index_cast %scan3A_44 : i32 to index
      %swap3A_74 = arith.constant 64 : index
      %swap3A_75 = tpu.vector_load %arg5[%swap3A_73, %swap3A_74] {strides = array<i32>} : memref<64x128xf32, #tpu.memory_space<vmem>>, vector<1x16xf32>,
      %swap3A_76 = vector.shape_cast %swap3A_75 : vector<1x16xf32> to vector<16xf32>
      %swap3A_77 = vector.shape_cast %broadcast_in_dim3A_72 : vector<16xf32> to vector<1x16xf32>
      tpu.vector_store %arg5[%swap3A_73, %swap3A_74], %swap3A_77 {strides = array<i32>} : memref<64x128xf32, #tpu.memory_space<vmem>>, vector<1x16xf32>,
      %broadcast_in_dim3A_78 = arith.constant 1.000000e+00 : f32
      %broadcast_in_dim3A_79 = vector.broadcast %broadcast_in_dim3A_78 : f32 to vector<16xf32>
      %swap3A_80 = arith.index_cast %scan3A_44 : i32 to index
      %swap3A_81 = arith.constant 80 : index
      %swap3A_82 = tpu.vector_load %arg5[%swap3A_80, %swap3A_81] {strides = array<i32>} : memref<64x128xf32, #tpu.memory_space<vmem>>, vector<1x16xf32>,
      %swap3A_83 = vector.shape_cast %swap3A_82 : vector<1x16xf32> to vector<16xf32>
      %swap3A_84 = vector.shape_cast %broadcast_in_dim3A_79 : vector<16xf32> to vector<1x16xf32>
      tpu.vector_store %arg5[%swap3A_80, %swap3A_81], %swap3A_84 {strides = array<i32>} : memref<64x128xf32, #tpu.memory_space<vmem>>, vector<1x16xf32>,
      %broadcast_in_dim3A_85 = arith.constant 1.000000e+00 : f32
      %broadcast_in_dim3A_86 = vector.broadcast %broadcast_in_dim3A_85 : f32 to vector<16xf32>
      %swap3A_87 = arith.index_cast %scan3A_44 : i32 to index
      %swap3A_88 = arith.constant 96 : index
      %swap3A_89 = tpu.vector_load %arg5[%swap3A_87, %swap3A_88] {strides = array<i32>} : memref<64x128xf32, #tpu.memory_space<vmem>>, vector<1x16xf32>,
      %swap3A_90 = vector.shape_cast %swap3A_89 : vector<1x16xf32> to vector<16xf32>
      %swap3A_91 = vector.shape_cast %broadcast_in_dim3A_86 : vector<16xf32> to vector<1x16xf32>
      tpu.vector_store %arg5[%swap3A_87, %swap3A_88], %swap3A_91 {strides = array<i32>} : memref<64x128xf32, #tpu.memory_space<vmem>>, vector<1x16xf32>,
      %broadcast_in_dim3A_92 = arith.constant 1.000000e+00 : f32
      %broadcast_in_dim3A_93 = vector.broadcast %broadcast_in_dim3A_92 : f32 to vector<16xf32>
      %swap3A_94 = arith.index_cast %scan3A_44 : i32 to index
      %swap3A_95 = arith.constant 112 : index
      %swap3A_96 = tpu.vector_load %arg5[%swap3A_94, %swap3A_95] {strides = array<i32>} : memref<64x128xf32, #tpu.memory_space<vmem>>, vector<1x16xf32>,
      %swap3A_97 = vector.shape_cast %swap3A_96 : vector<1x16xf32> to vector<16xf32>
      %swap3A_98 = vector.shape_cast %broadcast_in_dim3A_93 : vector<16xf32> to vector<1x16xf32>
      tpu.vector_store %arg5[%swap3A_94, %swap3A_95], %swap3A_98 {strides = array<i32>} : memref<64x128xf32, #tpu.memory_space<vmem>>, vector<1x16xf32>,
    }
    %scan3A_33 = arith.constant 64 : i32
    %barrier3A = arith.constant 0 : index
    tpu.barrier barrier_id(%barrier3A)
    "tpu.region"() ({
      %run_scoped3A = tpu.sem_alloc : memref<!tpu.dma_semaphore, #tpu.memory_space<semaphore_mem>>
      %dma_start3A = arith.constant 0 : i32
      %dma_start3A_44 = arith.constant 0 : i32
      %dma_start3A_45 = tpu.memref_slice %arg2[%add3A, %dma_start3A, %dma_start3A_44] : memref<32x160x64xi32, #tpu.memory_space<hbm>> -> memref<1x160x64xi32, #tpu.memory_space<hbm>>
      %dma_start3A_46 = tpu.memref_squeeze %dma_start3A_45 : memref<1x160x64xi32, #tpu.memory_space<hbm>> -> memref<160x64xi32, #tpu.memory_space<hbm>>
      %dma_start3A_47 = arith.constant 0 : i32
      %dma_start3A_48 = arith.constant 0 : i32
      %dma_start3A_49 = tpu.memref_slice %arg2[%add3A, %dma_start3A_47, %dma_start3A_48] : memref<32x160x64xi32, #tpu.memory_space<hbm>> -> memref<1x160x64xi32, #tpu.memory_space<hbm>>
      %dma_start3A_50 = tpu.memref_squeeze %dma_start3A_49 : memref<1x160x64xi32, #tpu.memory_space<hbm>> -> memref<160x64xi32, #tpu.memory_space<hbm>>
      tpu.enqueue_dma source(%dma_start3A_50 : memref<160x64xi32, #tpu.memory_space<hbm>>) target(%arg4 : memref<160x64xi32, #tpu.memory_space<vmem>>) target_semaphore(%run_scoped3A : memref<!tpu.dma_semaphore, #tpu.memory_space<semaphore_mem>>)
      %dma_wait3A = arith.constant 0 : i32
      %dma_wait3A_51 = arith.constant 0 : i32
      %dma_wait3A_52 = tpu.memref_slice %arg2[%add3A, %dma_wait3A, %dma_wait3A_51] : memref<32x160x64xi32, #tpu.memory_space<hbm>> -> memref<1x160x64xi32, #tpu.memory_space<hbm>>
      %dma_wait3A_53 = tpu.memref_squeeze %dma_wait3A_52 : memref<1x160x64xi32, #tpu.memory_space<hbm>> -> memref<160x64xi32, #tpu.memory_space<hbm>>
      %dma_wait3A_54 = arith.constant 0 : i32
      %dma_wait3A_55 = arith.constant 0 : i32
      %dma_wait3A_56 = tpu.memref_slice %arg2[%add3A, %dma_wait3A_54, %dma_wait3A_55] : memref<32x160x64xi32, #tpu.memory_space<hbm>> -> memref<1x160x64xi32, #tpu.memory_space<hbm>>
      %dma_wait3A_57 = tpu.memref_squeeze %dma_wait3A_56 : memref<1x160x64xi32, #tpu.memory_space<hbm>> -> memref<160x64xi32, #tpu.memory_space<hbm>>
      tpu.wait_dma2 semaphore(%run_scoped3A : memref<!tpu.dma_semaphore, #tpu.memory_space<semaphore_mem>>) src(%dma_wait3A_57 : memref<160x64xi32, #tpu.memory_space<hbm>>) dst(%arg4 : memref<160x64xi32, #tpu.memory_space<vmem>>)
      tpu.yield
    }) : () -> ()
    %scan3A_34 = arith.constant 0 : i32
    %scan3A_35 = arith.constant 0 : i32
    %scan3A_36 = arith.constant 160 : i32
    %scan3A_37 = arith.addi %scan3A_35, %scan3A_36 : i32
    %scan3A_38 = arith.constant 1 : i32
    scf.for %scan3A_44 = %scan3A_35 to %scan3A_37 step %scan3A_38  : i32 {
      "tpu.region"() ({
        %run_scoped3A = tpu.sem_alloc : memref<!tpu.dma_semaphore, #tpu.memory_space<semaphore_mem>>
        %dma_start3A = arith.constant 0 : i32
        %dma_start3A_45 = tpu.memref_slice %arg4[%scan3A_44, %dma_start3A] : memref<160x64xi32, #tpu.memory_space<vmem>> -> memref<1x64xi32, #tpu.memory_space<vmem>>
        %dma_start3A_46 = tpu.memref_squeeze %dma_start3A_45 : memref<1x64xi32, #tpu.memory_space<vmem>> -> memref<64xi32, #tpu.memory_space<vmem>>
        %dma_start3A_47 = arith.constant 0 : i32
        %dma_start3A_48 = arith.constant 0 : i32
        %dma_start3A_49 = tpu.memref_slice %arg6[%dma_start3A_47, %dma_start3A_48] : memref<10240x128xf32, #tpu.memory_space<vmem_shared>> -> memref<10240x128xf32, #tpu.memory_space<vmem_shared>>
        tpu.enqueue_indirect_dma source(%arg5 : memref<64x128xf32, #tpu.memory_space<vmem>>) target(%dma_start3A_49 : memref<10240x128xf32, #tpu.memory_space<vmem_shared>>) offsets(%dma_start3A_46 : memref<64xi32, #tpu.memory_space<vmem>>) semaphore(%run_scoped3A : memref<!tpu.dma_semaphore, #tpu.memory_space<semaphore_mem>>) {add = true}
        %dma_wait3A = arith.constant 0 : i32
        %dma_wait3A_50 = tpu.memref_slice %arg4[%scan3A_44, %dma_wait3A] : memref<160x64xi32, #tpu.memory_space<vmem>> -> memref<1x64xi32, #tpu.memory_space<vmem>>
        %dma_wait3A_51 = tpu.memref_squeeze %dma_wait3A_50 : memref<1x64xi32, #tpu.memory_space<vmem>> -> memref<64xi32, #tpu.memory_space<vmem>>
        %dma_wait3A_52 = arith.constant 0 : i32
        %dma_wait3A_53 = arith.constant 0 : i32
        %dma_wait3A_54 = tpu.memref_slice %arg6[%dma_wait3A_52, %dma_wait3A_53] : memref<10240x128xf32, #tpu.memory_space<vmem_shared>> -> memref<10240x128xf32, #tpu.memory_space<vmem_shared>>
        tpu.wait_indirect_dma semaphore(%run_scoped3A : memref<!tpu.dma_semaphore, #tpu.memory_space<semaphore_mem>>) src(%arg5 : memref<64x128xf32, #tpu.memory_space<vmem>>) dst(%dma_wait3A_54 : memref<10240x128xf32, #tpu.memory_space<vmem_shared>>)
        tpu.yield
      }) : () -> ()
    }
    %scan3A_39 = arith.constant 160 : i32
    %barrier3A_40 = arith.constant 0 : index
    tpu.barrier barrier_id(%barrier3A_40)
    %mul3A_41 = arith.constant 10240 : i32
    %mul3A_42 = arith.muli %arg0, %mul3A_41 : i32
    %add3A_43 = arith.addi %mul3A_42, %mul3A_7 : i32
    "tpu.region"() ({
      %run_scoped3A = tpu.sem_alloc : memref<!tpu.dma_semaphore, #tpu.memory_space<semaphore_mem>>
      %dma_start3A = arith.constant 0 : i32
      %dma_start3A_44 = tpu.memref_slice %arg3[%add3A_43, %dma_start3A] : memref<20480x128xf32, #tpu.memory_space<hbm>> -> memref<640x128xf32, #tpu.memory_space<hbm>>
      %dma_start3A_45 = arith.constant 0 : i32
      %dma_start3A_46 = tpu.memref_slice %arg6[%mul3A_7, %dma_start3A_45] : memref<10240x128xf32, #tpu.memory_space<vmem_shared>> -> memref<640x128xf32, #tpu.memory_space<vmem_shared>>
      tpu.enqueue_dma source(%dma_start3A_46 : memref<640x128xf32, #tpu.memory_space<vmem_shared>>) target(%dma_start3A_44 : memref<640x128xf32, #tpu.memory_space<hbm>>) target_semaphore(%run_scoped3A : memref<!tpu.dma_semaphore, #tpu.memory_space<semaphore_mem>>)
      %dma_wait3A = arith.constant 0 : i32
      %dma_wait3A_47 = tpu.memref_slice %arg3[%add3A_43, %dma_wait3A] : memref<20480x128xf32, #tpu.memory_space<hbm>> -> memref<640x128xf32, #tpu.memory_space<hbm>>
      %dma_wait3A_48 = arith.constant 0 : i32
      %dma_wait3A_49 = tpu.memref_slice %arg6[%mul3A_7, %dma_wait3A_48] : memref<10240x128xf32, #tpu.memory_space<vmem_shared>> -> memref<640x128xf32, #tpu.memory_space<vmem_shared>>
      tpu.wait_dma2 semaphore(%run_scoped3A : memref<!tpu.dma_semaphore, #tpu.memory_space<semaphore_mem>>) src(%dma_wait3A_49 : memref<640x128xf32, #tpu.memory_space<vmem_shared>>) dst(%dma_wait3A_47 : memref<640x128xf32, #tpu.memory_space<hbm>>)
      tpu.yield
    }) : () -> ()
    return
  }
}

#map = affine_map<(d0, d1) -> (0, 0)>
#map1 = affine_map<(d0, d1) -> (0)>
module attributes {stable_mosaic.version = 14 : i64} {
  func.func @_seg_sum(%arg0: i32, %arg1: i32, %arg2: memref<10000x128xf32, #tpu.memory_space<hbm>>, %arg3: memref<327680xi32, #tpu.memory_space<hbm>>, %arg4: memref<5120x64xi32, #tpu.memory_space<hbm>>, %arg5: memref<20480x128xf32, #tpu.memory_space<hbm>>, %arg6: memref<2048xi32, #tpu.memory_space<vmem>>, %arg7: memref<32x64xi32, #tpu.memory_space<vmem>>, %arg8: memref<64x128xf32, #tpu.memory_space<vmem>>, %arg9: memref<64x128xf32, #tpu.memory_space<vmem>>, %arg10: memref<64x128xf32, #tpu.memory_space<vmem>>, %arg11: memref<64x128xf32, #tpu.memory_space<vmem>>, %arg12: memref<10240x128xf32, #tpu.memory_space<vmem_shared>>, %arg13: memref<!tpu.dma_semaphore, #tpu.memory_space<semaphore_mem>>, %arg14: memref<!tpu.dma_semaphore, #tpu.memory_space<semaphore_mem>>, %arg15: memref<!tpu.dma_semaphore, #tpu.memory_space<semaphore_mem>>, %arg16: memref<!tpu.dma_semaphore, #tpu.memory_space<semaphore_mem>>) attributes {dimension_semantics = [#tpu.dimension_semantics<core_parallel>, #tpu.dimension_semantics<subcore_parallel>], iteration_bounds = array<i64: 2, 16>, scalar_prefetch = 0 : i64, scratch_operands = 11 : i64, tpu.core_type = #tpu.core_type<sc_vector_subcore>, window_params = [{transform_indices = #map}, {transform_indices = #map1}, {transform_indices = #map}, {transform_indices = #map}]} {
    %scan3A = arith.constant 0 : i32
    %scan3A_0 = arith.constant 0 : i32
    %scan3A_1 = arith.constant 64 : i32
    %scan3A_2 = arith.addi %scan3A_0, %scan3A_1 : i32
    %scan3A_3 = arith.constant 1 : i32
    scf.for %scan3A_57 = %scan3A_0 to %scan3A_2 step %scan3A_3  : i32 {
      %broadcast_in_dim3A = arith.constant 0.000000e+00 : f32
      %broadcast_in_dim3A_58 = vector.broadcast %broadcast_in_dim3A : f32 to vector<16xf32>
      %swap3A = arith.index_cast %scan3A_57 : i32 to index
      %swap3A_59 = arith.constant 0 : index
      %swap3A_60 = tpu.vector_load %arg8[%swap3A, %swap3A_59] {strides = array<i32>} : memref<64x128xf32, #tpu.memory_space<vmem>>, vector<1x16xf32>,
      %swap3A_61 = vector.shape_cast %swap3A_60 : vector<1x16xf32> to vector<16xf32>
      %swap3A_62 = vector.shape_cast %broadcast_in_dim3A_58 : vector<16xf32> to vector<1x16xf32>
      tpu.vector_store %arg8[%swap3A, %swap3A_59], %swap3A_62 {strides = array<i32>} : memref<64x128xf32, #tpu.memory_space<vmem>>, vector<1x16xf32>,
      %broadcast_in_dim3A_63 = arith.constant 0.000000e+00 : f32
      %broadcast_in_dim3A_64 = vector.broadcast %broadcast_in_dim3A_63 : f32 to vector<16xf32>
      %swap3A_65 = arith.index_cast %scan3A_57 : i32 to index
      %swap3A_66 = arith.constant 16 : index
      %swap3A_67 = tpu.vector_load %arg8[%swap3A_65, %swap3A_66] {strides = array<i32>} : memref<64x128xf32, #tpu.memory_space<vmem>>, vector<1x16xf32>,
      %swap3A_68 = vector.shape_cast %swap3A_67 : vector<1x16xf32> to vector<16xf32>
      %swap3A_69 = vector.shape_cast %broadcast_in_dim3A_64 : vector<16xf32> to vector<1x16xf32>
      tpu.vector_store %arg8[%swap3A_65, %swap3A_66], %swap3A_69 {strides = array<i32>} : memref<64x128xf32, #tpu.memory_space<vmem>>, vector<1x16xf32>,
      %broadcast_in_dim3A_70 = arith.constant 0.000000e+00 : f32
      %broadcast_in_dim3A_71 = vector.broadcast %broadcast_in_dim3A_70 : f32 to vector<16xf32>
      %swap3A_72 = arith.index_cast %scan3A_57 : i32 to index
      %swap3A_73 = arith.constant 32 : index
      %swap3A_74 = tpu.vector_load %arg8[%swap3A_72, %swap3A_73] {strides = array<i32>} : memref<64x128xf32, #tpu.memory_space<vmem>>, vector<1x16xf32>,
      %swap3A_75 = vector.shape_cast %swap3A_74 : vector<1x16xf32> to vector<16xf32>
      %swap3A_76 = vector.shape_cast %broadcast_in_dim3A_71 : vector<16xf32> to vector<1x16xf32>
      tpu.vector_store %arg8[%swap3A_72, %swap3A_73], %swap3A_76 {strides = array<i32>} : memref<64x128xf32, #tpu.memory_space<vmem>>, vector<1x16xf32>,
      %broadcast_in_dim3A_77 = arith.constant 0.000000e+00 : f32
      %broadcast_in_dim3A_78 = vector.broadcast %broadcast_in_dim3A_77 : f32 to vector<16xf32>
      %swap3A_79 = arith.index_cast %scan3A_57 : i32 to index
      %swap3A_80 = arith.constant 48 : index
      %swap3A_81 = tpu.vector_load %arg8[%swap3A_79, %swap3A_80] {strides = array<i32>} : memref<64x128xf32, #tpu.memory_space<vmem>>, vector<1x16xf32>,
      %swap3A_82 = vector.shape_cast %swap3A_81 : vector<1x16xf32> to vector<16xf32>
      %swap3A_83 = vector.shape_cast %broadcast_in_dim3A_78 : vector<16xf32> to vector<1x16xf32>
      tpu.vector_store %arg8[%swap3A_79, %swap3A_80], %swap3A_83 {strides = array<i32>} : memref<64x128xf32, #tpu.memory_space<vmem>>, vector<1x16xf32>,
      %broadcast_in_dim3A_84 = arith.constant 0.000000e+00 : f32
      %broadcast_in_dim3A_85 = vector.broadcast %broadcast_in_dim3A_84 : f32 to vector<16xf32>
      %swap3A_86 = arith.index_cast %scan3A_57 : i32 to index
      %swap3A_87 = arith.constant 64 : index
      %swap3A_88 = tpu.vector_load %arg8[%swap3A_86, %swap3A_87] {strides = array<i32>} : memref<64x128xf32, #tpu.memory_space<vmem>>, vector<1x16xf32>,
      %swap3A_89 = vector.shape_cast %swap3A_88 : vector<1x16xf32> to vector<16xf32>
      %swap3A_90 = vector.shape_cast %broadcast_in_dim3A_85 : vector<16xf32> to vector<1x16xf32>
      tpu.vector_store %arg8[%swap3A_86, %swap3A_87], %swap3A_90 {strides = array<i32>} : memref<64x128xf32, #tpu.memory_space<vmem>>, vector<1x16xf32>,
      %broadcast_in_dim3A_91 = arith.constant 0.000000e+00 : f32
      %broadcast_in_dim3A_92 = vector.broadcast %broadcast_in_dim3A_91 : f32 to vector<16xf32>
      %swap3A_93 = arith.index_cast %scan3A_57 : i32 to index
      %swap3A_94 = arith.constant 80 : index
      %swap3A_95 = tpu.vector_load %arg8[%swap3A_93, %swap3A_94] {strides = array<i32>} : memref<64x128xf32, #tpu.memory_space<vmem>>, vector<1x16xf32>,
      %swap3A_96 = vector.shape_cast %swap3A_95 : vector<1x16xf32> to vector<16xf32>
      %swap3A_97 = vector.shape_cast %broadcast_in_dim3A_92 : vector<16xf32> to vector<1x16xf32>
      tpu.vector_store %arg8[%swap3A_93, %swap3A_94], %swap3A_97 {strides = array<i32>} : memref<64x128xf32, #tpu.memory_space<vmem>>, vector<1x16xf32>,
      %broadcast_in_dim3A_98 = arith.constant 0.000000e+00 : f32
      %broadcast_in_dim3A_99 = vector.broadcast %broadcast_in_dim3A_98 : f32 to vector<16xf32>
      %swap3A_100 = arith.index_cast %scan3A_57 : i32 to index
      %swap3A_101 = arith.constant 96 : index
      %swap3A_102 = tpu.vector_load %arg8[%swap3A_100, %swap3A_101] {strides = array<i32>} : memref<64x128xf32, #tpu.memory_space<vmem>>, vector<1x16xf32>,
      %swap3A_103 = vector.shape_cast %swap3A_102 : vector<1x16xf32> to vector<16xf32>
      %swap3A_104 = vector.shape_cast %broadcast_in_dim3A_99 : vector<16xf32> to vector<1x16xf32>
      tpu.vector_store %arg8[%swap3A_100, %swap3A_101], %swap3A_104 {strides = array<i32>} : memref<64x128xf32, #tpu.memory_space<vmem>>, vector<1x16xf32>,
      %broadcast_in_dim3A_105 = arith.constant 0.000000e+00 : f32
      %broadcast_in_dim3A_106 = vector.broadcast %broadcast_in_dim3A_105 : f32 to vector<16xf32>
      %swap3A_107 = arith.index_cast %scan3A_57 : i32 to index
      %swap3A_108 = arith.constant 112 : index
      %swap3A_109 = tpu.vector_load %arg8[%swap3A_107, %swap3A_108] {strides = array<i32>} : memref<64x128xf32, #tpu.memory_space<vmem>>, vector<1x16xf32>,
      %swap3A_110 = vector.shape_cast %swap3A_109 : vector<1x16xf32> to vector<16xf32>
      %swap3A_111 = vector.shape_cast %broadcast_in_dim3A_106 : vector<16xf32> to vector<1x16xf32>
      tpu.vector_store %arg8[%swap3A_107, %swap3A_108], %swap3A_111 {strides = array<i32>} : memref<64x128xf32, #tpu.memory_space<vmem>>, vector<1x16xf32>,
    }
    %scan3A_4 = arith.constant 64 : i32
    %mul3A = arith.constant 640 : i32
    %mul3A_5 = arith.muli %arg1, %mul3A : i32
    %add3A = arith.constant 0 : i32
    %add3A_6 = arith.addi %mul3A_5, %add3A : i32
    "tpu.region"() ({
      %run_scoped3A = tpu.sem_alloc : memref<!tpu.dma_semaphore, #tpu.memory_space<semaphore_mem>>
      %dma_start3A = arith.constant 0 : i32
      %dma_start3A_57 = tpu.memref_slice %arg12[%add3A_6, %dma_start3A] : memref<10240x128xf32, #tpu.memory_space<vmem_shared>> -> memref<64x128xf32, #tpu.memory_space<vmem_shared>>
      %dma_start3A_58 = arith.constant 0 : i32
      %dma_start3A_59 = tpu.memref_slice %arg12[%add3A_6, %dma_start3A_58] : memref<10240x128xf32, #tpu.memory_space<vmem_shared>> -> memref<64x128xf32, #tpu.memory_space<vmem_shared>>
      tpu.enqueue_dma source(%arg8 : memref<64x128xf32, #tpu.memory_space<vmem>>) target(%dma_start3A_59 : memref<64x128xf32, #tpu.memory_space<vmem_shared>>) target_semaphore(%run_scoped3A : memref<!tpu.dma_semaphore, #tpu.memory_space<semaphore_mem>>)
      %dma_wait3A = arith.constant 0 : i32
      %dma_wait3A_60 = tpu.memref_slice %arg12[%add3A_6, %dma_wait3A] : memref<10240x128xf32, #tpu.memory_space<vmem_shared>> -> memref<64x128xf32, #tpu.memory_space<vmem_shared>>
      %dma_wait3A_61 = arith.constant 0 : i32
      %dma_wait3A_62 = tpu.memref_slice %arg12[%add3A_6, %dma_wait3A_61] : memref<10240x128xf32, #tpu.memory_space<vmem_shared>> -> memref<64x128xf32, #tpu.memory_space<vmem_shared>>
      tpu.wait_dma2 semaphore(%run_scoped3A : memref<!tpu.dma_semaphore, #tpu.memory_space<semaphore_mem>>) src(%arg8 : memref<64x128xf32, #tpu.memory_space<vmem>>) dst(%dma_wait3A_62 : memref<64x128xf32, #tpu.memory_space<vmem_shared>>)
      tpu.yield
    }) : () -> ()
    %add3A_7 = arith.constant 64 : i32
    %add3A_8 = arith.addi %mul3A_5, %add3A_7 : i32
    "tpu.region"() ({
      %run_scoped3A = tpu.sem_alloc : memref<!tpu.dma_semaphore, #tpu.memory_space<semaphore_mem>>
      %dma_start3A = arith.constant 0 : i32
      %dma_start3A_57 = tpu.memref_slice %arg12[%add3A_8, %dma_start3A] : memref<10240x128xf32, #tpu.memory_space<vmem_shared>> -> memref<64x128xf32, #tpu.memory_space<vmem_shared>>
      %dma_start3A_58 = arith.constant 0 : i32
      %dma_start3A_59 = tpu.memref_slice %arg12[%add3A_8, %dma_start3A_58] : memref<10240x128xf32, #tpu.memory_space<vmem_shared>> -> memref<64x128xf32, #tpu.memory_space<vmem_shared>>
      tpu.enqueue_dma source(%arg8 : memref<64x128xf32, #tpu.memory_space<vmem>>) target(%dma_start3A_59 : memref<64x128xf32, #tpu.memory_space<vmem_shared>>) target_semaphore(%run_scoped3A : memref<!tpu.dma_semaphore, #tpu.memory_space<semaphore_mem>>)
      %dma_wait3A = arith.constant 0 : i32
      %dma_wait3A_60 = tpu.memref_slice %arg12[%add3A_8, %dma_wait3A] : memref<10240x128xf32, #tpu.memory_space<vmem_shared>> -> memref<64x128xf32, #tpu.memory_space<vmem_shared>>
      %dma_wait3A_61 = arith.constant 0 : i32
      %dma_wait3A_62 = tpu.memref_slice %arg12[%add3A_8, %dma_wait3A_61] : memref<10240x128xf32, #tpu.memory_space<vmem_shared>> -> memref<64x128xf32, #tpu.memory_space<vmem_shared>>
      tpu.wait_dma2 semaphore(%run_scoped3A : memref<!tpu.dma_semaphore, #tpu.memory_space<semaphore_mem>>) src(%arg8 : memref<64x128xf32, #tpu.memory_space<vmem>>) dst(%dma_wait3A_62 : memref<64x128xf32, #tpu.memory_space<vmem_shared>>)
      tpu.yield
    }) : () -> ()
    %add3A_9 = arith.constant 128 : i32
    %add3A_10 = arith.addi %mul3A_5, %add3A_9 : i32
    "tpu.region"() ({
      %run_scoped3A = tpu.sem_alloc : memref<!tpu.dma_semaphore, #tpu.memory_space<semaphore_mem>>
      %dma_start3A = arith.constant 0 : i32
      %dma_start3A_57 = tpu.memref_slice %arg12[%add3A_10, %dma_start3A] : memref<10240x128xf32, #tpu.memory_space<vmem_shared>> -> memref<64x128xf32, #tpu.memory_space<vmem_shared>>
      %dma_start3A_58 = arith.constant 0 : i32
      %dma_start3A_59 = tpu.memref_slice %arg12[%add3A_10, %dma_start3A_58] : memref<10240x128xf32, #tpu.memory_space<vmem_shared>> -> memref<64x128xf32, #tpu.memory_space<vmem_shared>>
      tpu.enqueue_dma source(%arg8 : memref<64x128xf32, #tpu.memory_space<vmem>>) target(%dma_start3A_59 : memref<64x128xf32, #tpu.memory_space<vmem_shared>>) target_semaphore(%run_scoped3A : memref<!tpu.dma_semaphore, #tpu.memory_space<semaphore_mem>>)
      %dma_wait3A = arith.constant 0 : i32
      %dma_wait3A_60 = tpu.memref_slice %arg12[%add3A_10, %dma_wait3A] : memref<10240x128xf32, #tpu.memory_space<vmem_shared>> -> memref<64x128xf32, #tpu.memory_space<vmem_shared>>
      %dma_wait3A_61 = arith.constant 0 : i32
      %dma_wait3A_62 = tpu.memref_slice %arg12[%add3A_10, %dma_wait3A_61] : memref<10240x128xf32, #tpu.memory_space<vmem_shared>> -> memref<64x128xf32, #tpu.memory_space<vmem_shared>>
      tpu.wait_dma2 semaphore(%run_scoped3A : memref<!tpu.dma_semaphore, #tpu.memory_space<semaphore_mem>>) src(%arg8 : memref<64x128xf32, #tpu.memory_space<vmem>>) dst(%dma_wait3A_62 : memref<64x128xf32, #tpu.memory_space<vmem_shared>>)
      tpu.yield
    }) : () -> ()
    %add3A_11 = arith.constant 192 : i32
    %add3A_12 = arith.addi %mul3A_5, %add3A_11 : i32
    "tpu.region"() ({
      %run_scoped3A = tpu.sem_alloc : memref<!tpu.dma_semaphore, #tpu.memory_space<semaphore_mem>>
      %dma_start3A = arith.constant 0 : i32
      %dma_start3A_57 = tpu.memref_slice %arg12[%add3A_12, %dma_start3A] : memref<10240x128xf32, #tpu.memory_space<vmem_shared>> -> memref<64x128xf32, #tpu.memory_space<vmem_shared>>
      %dma_start3A_58 = arith.constant 0 : i32
      %dma_start3A_59 = tpu.memref_slice %arg12[%add3A_12, %dma_start3A_58] : memref<10240x128xf32, #tpu.memory_space<vmem_shared>> -> memref<64x128xf32, #tpu.memory_space<vmem_shared>>
      tpu.enqueue_dma source(%arg8 : memref<64x128xf32, #tpu.memory_space<vmem>>) target(%dma_start3A_59 : memref<64x128xf32, #tpu.memory_space<vmem_shared>>) target_semaphore(%run_scoped3A : memref<!tpu.dma_semaphore, #tpu.memory_space<semaphore_mem>>)
      %dma_wait3A = arith.constant 0 : i32
      %dma_wait3A_60 = tpu.memref_slice %arg12[%add3A_12, %dma_wait3A] : memref<10240x128xf32, #tpu.memory_space<vmem_shared>> -> memref<64x128xf32, #tpu.memory_space<vmem_shared>>
      %dma_wait3A_61 = arith.constant 0 : i32
      %dma_wait3A_62 = tpu.memref_slice %arg12[%add3A_12, %dma_wait3A_61] : memref<10240x128xf32, #tpu.memory_space<vmem_shared>> -> memref<64x128xf32, #tpu.memory_space<vmem_shared>>
      tpu.wait_dma2 semaphore(%run_scoped3A : memref<!tpu.dma_semaphore, #tpu.memory_space<semaphore_mem>>) src(%arg8 : memref<64x128xf32, #tpu.memory_space<vmem>>) dst(%dma_wait3A_62 : memref<64x128xf32, #tpu.memory_space<vmem_shared>>)
      tpu.yield
    }) : () -> ()
    %add3A_13 = arith.constant 256 : i32
    %add3A_14 = arith.addi %mul3A_5, %add3A_13 : i32
    "tpu.region"() ({
      %run_scoped3A = tpu.sem_alloc : memref<!tpu.dma_semaphore, #tpu.memory_space<semaphore_mem>>
      %dma_start3A = arith.constant 0 : i32
      %dma_start3A_57 = tpu.memref_slice %arg12[%add3A_14, %dma_start3A] : memref<10240x128xf32, #tpu.memory_space<vmem_shared>> -> memref<64x128xf32, #tpu.memory_space<vmem_shared>>
      %dma_start3A_58 = arith.constant 0 : i32
      %dma_start3A_59 = tpu.memref_slice %arg12[%add3A_14, %dma_start3A_58] : memref<10240x128xf32, #tpu.memory_space<vmem_shared>> -> memref<64x128xf32, #tpu.memory_space<vmem_shared>>
      tpu.enqueue_dma source(%arg8 : memref<64x128xf32, #tpu.memory_space<vmem>>) target(%dma_start3A_59 : memref<64x128xf32, #tpu.memory_space<vmem_shared>>) target_semaphore(%run_scoped3A : memref<!tpu.dma_semaphore, #tpu.memory_space<semaphore_mem>>)
      %dma_wait3A = arith.constant 0 : i32
      %dma_wait3A_60 = tpu.memref_slice %arg12[%add3A_14, %dma_wait3A] : memref<10240x128xf32, #tpu.memory_space<vmem_shared>> -> memref<64x128xf32, #tpu.memory_space<vmem_shared>>
      %dma_wait3A_61 = arith.constant 0 : i32
      %dma_wait3A_62 = tpu.memref_slice %arg12[%add3A_14, %dma_wait3A_61] : memref<10240x128xf32, #tpu.memory_space<vmem_shared>> -> memref<64x128xf32, #tpu.memory_space<vmem_shared>>
      tpu.wait_dma2 semaphore(%run_scoped3A : memref<!tpu.dma_semaphore, #tpu.memory_space<semaphore_mem>>) src(%arg8 : memref<64x128xf32, #tpu.memory_space<vmem>>) dst(%dma_wait3A_62 : memref<64x128xf32, #tpu.memory_space<vmem_shared>>)
      tpu.yield
    }) : () -> ()
    %add3A_15 = arith.constant 320 : i32
    %add3A_16 = arith.addi %mul3A_5, %add3A_15 : i32
    "tpu.region"() ({
      %run_scoped3A = tpu.sem_alloc : memref<!tpu.dma_semaphore, #tpu.memory_space<semaphore_mem>>
      %dma_start3A = arith.constant 0 : i32
      %dma_start3A_57 = tpu.memref_slice %arg12[%add3A_16, %dma_start3A] : memref<10240x128xf32, #tpu.memory_space<vmem_shared>> -> memref<64x128xf32, #tpu.memory_space<vmem_shared>>
      %dma_start3A_58 = arith.constant 0 : i32
      %dma_start3A_59 = tpu.memref_slice %arg12[%add3A_16, %dma_start3A_58] : memref<10240x128xf32, #tpu.memory_space<vmem_shared>> -> memref<64x128xf32, #tpu.memory_space<vmem_shared>>
      tpu.enqueue_dma source(%arg8 : memref<64x128xf32, #tpu.memory_space<vmem>>) target(%dma_start3A_59 : memref<64x128xf32, #tpu.memory_space<vmem_shared>>) target_semaphore(%run_scoped3A : memref<!tpu.dma_semaphore, #tpu.memory_space<semaphore_mem>>)
      %dma_wait3A = arith.constant 0 : i32
      %dma_wait3A_60 = tpu.memref_slice %arg12[%add3A_16, %dma_wait3A] : memref<10240x128xf32, #tpu.memory_space<vmem_shared>> -> memref<64x128xf32, #tpu.memory_space<vmem_shared>>
      %dma_wait3A_61 = arith.constant 0 : i32
      %dma_wait3A_62 = tpu.memref_slice %arg12[%add3A_16, %dma_wait3A_61] : memref<10240x128xf32, #tpu.memory_space<vmem_shared>> -> memref<64x128xf32, #tpu.memory_space<vmem_shared>>
      tpu.wait_dma2 semaphore(%run_scoped3A : memref<!tpu.dma_semaphore, #tpu.memory_space<semaphore_mem>>) src(%arg8 : memref<64x128xf32, #tpu.memory_space<vmem>>) dst(%dma_wait3A_62 : memref<64x128xf32, #tpu.memory_space<vmem_shared>>)
      tpu.yield
    }) : () -> ()
    %add3A_17 = arith.constant 384 : i32
    %add3A_18 = arith.addi %mul3A_5, %add3A_17 : i32
    "tpu.region"() ({
      %run_scoped3A = tpu.sem_alloc : memref<!tpu.dma_semaphore, #tpu.memory_space<semaphore_mem>>
      %dma_start3A = arith.constant 0 : i32
      %dma_start3A_57 = tpu.memref_slice %arg12[%add3A_18, %dma_start3A] : memref<10240x128xf32, #tpu.memory_space<vmem_shared>> -> memref<64x128xf32, #tpu.memory_space<vmem_shared>>
      %dma_start3A_58 = arith.constant 0 : i32
      %dma_start3A_59 = tpu.memref_slice %arg12[%add3A_18, %dma_start3A_58] : memref<10240x128xf32, #tpu.memory_space<vmem_shared>> -> memref<64x128xf32, #tpu.memory_space<vmem_shared>>
      tpu.enqueue_dma source(%arg8 : memref<64x128xf32, #tpu.memory_space<vmem>>) target(%dma_start3A_59 : memref<64x128xf32, #tpu.memory_space<vmem_shared>>) target_semaphore(%run_scoped3A : memref<!tpu.dma_semaphore, #tpu.memory_space<semaphore_mem>>)
      %dma_wait3A = arith.constant 0 : i32
      %dma_wait3A_60 = tpu.memref_slice %arg12[%add3A_18, %dma_wait3A] : memref<10240x128xf32, #tpu.memory_space<vmem_shared>> -> memref<64x128xf32, #tpu.memory_space<vmem_shared>>
      %dma_wait3A_61 = arith.constant 0 : i32
      %dma_wait3A_62 = tpu.memref_slice %arg12[%add3A_18, %dma_wait3A_61] : memref<10240x128xf32, #tpu.memory_space<vmem_shared>> -> memref<64x128xf32, #tpu.memory_space<vmem_shared>>
      tpu.wait_dma2 semaphore(%run_scoped3A : memref<!tpu.dma_semaphore, #tpu.memory_space<semaphore_mem>>) src(%arg8 : memref<64x128xf32, #tpu.memory_space<vmem>>) dst(%dma_wait3A_62 : memref<64x128xf32, #tpu.memory_space<vmem_shared>>)
      tpu.yield
    }) : () -> ()
    %add3A_19 = arith.constant 448 : i32
    %add3A_20 = arith.addi %mul3A_5, %add3A_19 : i32
    "tpu.region"() ({
      %run_scoped3A = tpu.sem_alloc : memref<!tpu.dma_semaphore, #tpu.memory_space<semaphore_mem>>
      %dma_start3A = arith.constant 0 : i32
      %dma_start3A_57 = tpu.memref_slice %arg12[%add3A_20, %dma_start3A] : memref<10240x128xf32, #tpu.memory_space<vmem_shared>> -> memref<64x128xf32, #tpu.memory_space<vmem_shared>>
      %dma_start3A_58 = arith.constant 0 : i32
      %dma_start3A_59 = tpu.memref_slice %arg12[%add3A_20, %dma_start3A_58] : memref<10240x128xf32, #tpu.memory_space<vmem_shared>> -> memref<64x128xf32, #tpu.memory_space<vmem_shared>>
      tpu.enqueue_dma source(%arg8 : memref<64x128xf32, #tpu.memory_space<vmem>>) target(%dma_start3A_59 : memref<64x128xf32, #tpu.memory_space<vmem_shared>>) target_semaphore(%run_scoped3A : memref<!tpu.dma_semaphore, #tpu.memory_space<semaphore_mem>>)
      %dma_wait3A = arith.constant 0 : i32
      %dma_wait3A_60 = tpu.memref_slice %arg12[%add3A_20, %dma_wait3A] : memref<10240x128xf32, #tpu.memory_space<vmem_shared>> -> memref<64x128xf32, #tpu.memory_space<vmem_shared>>
      %dma_wait3A_61 = arith.constant 0 : i32
      %dma_wait3A_62 = tpu.memref_slice %arg12[%add3A_20, %dma_wait3A_61] : memref<10240x128xf32, #tpu.memory_space<vmem_shared>> -> memref<64x128xf32, #tpu.memory_space<vmem_shared>>
      tpu.wait_dma2 semaphore(%run_scoped3A : memref<!tpu.dma_semaphore, #tpu.memory_space<semaphore_mem>>) src(%arg8 : memref<64x128xf32, #tpu.memory_space<vmem>>) dst(%dma_wait3A_62 : memref<64x128xf32, #tpu.memory_space<vmem_shared>>)
      tpu.yield
    }) : () -> ()
    %add3A_21 = arith.constant 512 : i32
    %add3A_22 = arith.addi %mul3A_5, %add3A_21 : i32
    "tpu.region"() ({
      %run_scoped3A = tpu.sem_alloc : memref<!tpu.dma_semaphore, #tpu.memory_space<semaphore_mem>>
      %dma_start3A = arith.constant 0 : i32
      %dma_start3A_57 = tpu.memref_slice %arg12[%add3A_22, %dma_start3A] : memref<10240x128xf32, #tpu.memory_space<vmem_shared>> -> memref<64x128xf32, #tpu.memory_space<vmem_shared>>
      %dma_start3A_58 = arith.constant 0 : i32
      %dma_start3A_59 = tpu.memref_slice %arg12[%add3A_22, %dma_start3A_58] : memref<10240x128xf32, #tpu.memory_space<vmem_shared>> -> memref<64x128xf32, #tpu.memory_space<vmem_shared>>
      tpu.enqueue_dma source(%arg8 : memref<64x128xf32, #tpu.memory_space<vmem>>) target(%dma_start3A_59 : memref<64x128xf32, #tpu.memory_space<vmem_shared>>) target_semaphore(%run_scoped3A : memref<!tpu.dma_semaphore, #tpu.memory_space<semaphore_mem>>)
      %dma_wait3A = arith.constant 0 : i32
      %dma_wait3A_60 = tpu.memref_slice %arg12[%add3A_22, %dma_wait3A] : memref<10240x128xf32, #tpu.memory_space<vmem_shared>> -> memref<64x128xf32, #tpu.memory_space<vmem_shared>>
      %dma_wait3A_61 = arith.constant 0 : i32
      %dma_wait3A_62 = tpu.memref_slice %arg12[%add3A_22, %dma_wait3A_61] : memref<10240x128xf32, #tpu.memory_space<vmem_shared>> -> memref<64x128xf32, #tpu.memory_space<vmem_shared>>
      tpu.wait_dma2 semaphore(%run_scoped3A : memref<!tpu.dma_semaphore, #tpu.memory_space<semaphore_mem>>) src(%arg8 : memref<64x128xf32, #tpu.memory_space<vmem>>) dst(%dma_wait3A_62 : memref<64x128xf32, #tpu.memory_space<vmem_shared>>)
      tpu.yield
    }) : () -> ()
    %add3A_23 = arith.constant 576 : i32
    %add3A_24 = arith.addi %mul3A_5, %add3A_23 : i32
    "tpu.region"() ({
      %run_scoped3A = tpu.sem_alloc : memref<!tpu.dma_semaphore, #tpu.memory_space<semaphore_mem>>
      %dma_start3A = arith.constant 0 : i32
      %dma_start3A_57 = tpu.memref_slice %arg12[%add3A_24, %dma_start3A] : memref<10240x128xf32, #tpu.memory_space<vmem_shared>> -> memref<64x128xf32, #tpu.memory_space<vmem_shared>>
      %dma_start3A_58 = arith.constant 0 : i32
      %dma_start3A_59 = tpu.memref_slice %arg12[%add3A_24, %dma_start3A_58] : memref<10240x128xf32, #tpu.memory_space<vmem_shared>> -> memref<64x128xf32, #tpu.memory_space<vmem_shared>>
      tpu.enqueue_dma source(%arg8 : memref<64x128xf32, #tpu.memory_space<vmem>>) target(%dma_start3A_59 : memref<64x128xf32, #tpu.memory_space<vmem_shared>>) target_semaphore(%run_scoped3A : memref<!tpu.dma_semaphore, #tpu.memory_space<semaphore_mem>>)
      %dma_wait3A = arith.constant 0 : i32
      %dma_wait3A_60 = tpu.memref_slice %arg12[%add3A_24, %dma_wait3A] : memref<10240x128xf32, #tpu.memory_space<vmem_shared>> -> memref<64x128xf32, #tpu.memory_space<vmem_shared>>
      %dma_wait3A_61 = arith.constant 0 : i32
      %dma_wait3A_62 = tpu.memref_slice %arg12[%add3A_24, %dma_wait3A_61] : memref<10240x128xf32, #tpu.memory_space<vmem_shared>> -> memref<64x128xf32, #tpu.memory_space<vmem_shared>>
      tpu.wait_dma2 semaphore(%run_scoped3A : memref<!tpu.dma_semaphore, #tpu.memory_space<semaphore_mem>>) src(%arg8 : memref<64x128xf32, #tpu.memory_space<vmem>>) dst(%dma_wait3A_62 : memref<64x128xf32, #tpu.memory_space<vmem_shared>>)
      tpu.yield
    }) : () -> ()
    %barrier3A = arith.constant 0 : index
    tpu.barrier barrier_id(%barrier3A)
    %mul3A_25 = arith.constant 18432 : i32
    %mul3A_26 = arith.muli %arg1, %mul3A_25 : i32
    %mul3A_27 = arith.constant -16384 : i32
    %mul3A_28 = arith.muli %arg1, %mul3A_27 : i32
    %add3A_29 = arith.constant 294912 : i32
    %add3A_30 = arith.addi %add3A_29, %mul3A_28 : i32
    %mul3A_31 = arith.muli %arg0, %add3A_30 : i32
    %add3A_32 = arith.addi %mul3A_26, %mul3A_31 : i32
    %mul3A_33 = arith.constant 288 : i32
    %mul3A_34 = arith.muli %arg1, %mul3A_33 : i32
    %mul3A_35 = arith.constant -256 : i32
    %mul3A_36 = arith.muli %arg1, %mul3A_35 : i32
    %add3A_37 = arith.constant 4608 : i32
    %add3A_38 = arith.addi %add3A_37, %mul3A_36 : i32
    %mul3A_39 = arith.muli %arg0, %add3A_38 : i32
    %add3A_40 = arith.addi %mul3A_34, %mul3A_39 : i32
    %mul3A_41 = arith.constant 8 : i32
    %mul3A_42 = arith.muli %mul3A_41, %arg0 : i32
    %sub3A = arith.constant 9 : i32
    %sub3A_43 = arith.subi %sub3A, %mul3A_42 : i32
    %while3A = arith.constant 0 : i32
    %while3A_44 = arith.constant 0 : i32
    %while3A_45 = arith.subi %sub3A_43, %while3A_44 : i32
    %while3A_46 = arith.addi %while3A_44, %while3A_45 : i32
    %while3A_47 = arith.constant 1 : i32
    %while3A_48 = arith.divsi %while3A_45, %while3A_47 : i32
    %while3A_49 = arith.muli %while3A_48, %while3A_47 : i32
    %while3A_50 = arith.addi %while3A_44, %while3A_49 : i32
    %while3A_51 = arith.constant 1 : i32
    scf.for %while3A_57 = %while3A_44 to %while3A_50 step %while3A_51  : i32 {
      %mul3A_58 = arith.constant 2048 : i32
      %mul3A_59 = arith.muli %while3A_57, %mul3A_58 : i32
      %add3A_60 = arith.addi %add3A_32, %mul3A_59 : i32
      %multiple_of3A = tpu.assume_multiple %add3A_60, 8 : i32
      "tpu.region"() ({
        %run_scoped3A_119 = tpu.sem_alloc : memref<!tpu.dma_semaphore, #tpu.memory_space<semaphore_mem>>
        %dma_start3A_120 = tpu.memref_slice %arg3[%multiple_of3A] : memref<327680xi32, #tpu.memory_space<hbm>> -> memref<2048xi32, #tpu.memory_space<hbm>>
        %dma_start3A_121 = tpu.memref_slice %arg3[%multiple_of3A] : memref<327680xi32, #tpu.memory_space<hbm>> -> memref<2048xi32, #tpu.memory_space<hbm>>
        tpu.enqueue_dma source(%dma_start3A_121 : memref<2048xi32, #tpu.memory_space<hbm>>) target(%arg6 : memref<2048xi32, #tpu.memory_space<vmem>>) target_semaphore(%run_scoped3A_119 : memref<!tpu.dma_semaphore, #tpu.memory_space<semaphore_mem>>)
        %dma_wait3A_122 = tpu.memref_slice %arg3[%multiple_of3A] : memref<327680xi32, #tpu.memory_space<hbm>> -> memref<2048xi32, #tpu.memory_space<hbm>>
        %dma_wait3A_123 = tpu.memref_slice %arg3[%multiple_of3A] : memref<327680xi32, #tpu.memory_space<hbm>> -> memref<2048xi32, #tpu.memory_space<hbm>>
        tpu.wait_dma2 semaphore(%run_scoped3A_119 : memref<!tpu.dma_semaphore, #tpu.memory_space<semaphore_mem>>) src(%dma_wait3A_123 : memref<2048xi32, #tpu.memory_space<hbm>>) dst(%arg6 : memref<2048xi32, #tpu.memory_space<vmem>>)
        tpu.yield
      }) : () -> ()
      %mul3A_61 = arith.constant 32 : i32
      %mul3A_62 = arith.muli %while3A_57, %mul3A_61 : i32
      %add3A_63 = arith.addi %add3A_40, %mul3A_62 : i32
      "tpu.region"() ({
        %run_scoped3A_119 = tpu.sem_alloc : memref<!tpu.dma_semaphore, #tpu.memory_space<semaphore_mem>>
        %dma_start3A_120 = arith.constant 0 : i32
        %dma_start3A_121 = tpu.memref_slice %arg4[%add3A_63, %dma_start3A_120] : memref<5120x64xi32, #tpu.memory_space<hbm>> -> memref<32x64xi32, #tpu.memory_space<hbm>>
        %dma_start3A_122 = arith.constant 0 : i32
        %dma_start3A_123 = tpu.memref_slice %arg4[%add3A_63, %dma_start3A_122] : memref<5120x64xi32, #tpu.memory_space<hbm>> -> memref<32x64xi32, #tpu.memory_space<hbm>>
        tpu.enqueue_dma source(%dma_start3A_123 : memref<32x64xi32, #tpu.memory_space<hbm>>) target(%arg7 : memref<32x64xi32, #tpu.memory_space<vmem>>) target_semaphore(%run_scoped3A_119 : memref<!tpu.dma_semaphore, #tpu.memory_space<semaphore_mem>>)
        %dma_wait3A_124 = arith.constant 0 : i32
        %dma_wait3A_125 = tpu.memref_slice %arg4[%add3A_63, %dma_wait3A_124] : memref<5120x64xi32, #tpu.memory_space<hbm>> -> memref<32x64xi32, #tpu.memory_space<hbm>>
        %dma_wait3A_126 = arith.constant 0 : i32
        %dma_wait3A_127 = tpu.memref_slice %arg4[%add3A_63, %dma_wait3A_126] : memref<5120x64xi32, #tpu.memory_space<hbm>> -> memref<32x64xi32, #tpu.memory_space<hbm>>
        tpu.wait_dma2 semaphore(%run_scoped3A_119 : memref<!tpu.dma_semaphore, #tpu.memory_space<semaphore_mem>>) src(%dma_wait3A_127 : memref<32x64xi32, #tpu.memory_space<hbm>>) dst(%arg7 : memref<32x64xi32, #tpu.memory_space<vmem>>)
        tpu.yield
      }) : () -> ()
      %multiple_of3A_64 = arith.constant 0 : i32
      %multiple_of3A_65 = tpu.assume_multiple %multiple_of3A_64, 8 : i32
      %dma_start3A = tpu.memref_slice %arg6[%multiple_of3A_65] : memref<2048xi32, #tpu.memory_space<vmem>> -> memref<64xi32, #tpu.memory_space<vmem>>
      %dma_start3A_66 = arith.constant 0 : i32
      %dma_start3A_67 = arith.constant 0 : i32
      %dma_start3A_68 = tpu.memref_slice %arg2[%dma_start3A_66, %dma_start3A_67] : memref<10000x128xf32, #tpu.memory_space<hbm>> -> memref<10000x128xf32, #tpu.memory_space<hbm>>
      tpu.enqueue_indirect_dma source(%dma_start3A_68 : memref<10000x128xf32, #tpu.memory_space<hbm>>) target(%arg8 : memref<64x128xf32, #tpu.memory_space<vmem>>) offsets(%dma_start3A : memref<64xi32, #tpu.memory_space<vmem>>) semaphore(%arg13 : memref<!tpu.dma_semaphore, #tpu.memory_space<semaphore_mem>>)
      %multiple_of3A_69 = arith.constant 64 : i32
      %multiple_of3A_70 = tpu.assume_multiple %multiple_of3A_69, 8 : i32
      %dma_start3A_71 = tpu.memref_slice %arg6[%multiple_of3A_70] : memref<2048xi32, #tpu.memory_space<vmem>> -> memref<64xi32, #tpu.memory_space<vmem>>
      %dma_start3A_72 = arith.constant 0 : i32
      %dma_start3A_73 = arith.constant 0 : i32
      %dma_start3A_74 = tpu.memref_slice %arg2[%dma_start3A_72, %dma_start3A_73] : memref<10000x128xf32, #tpu.memory_space<hbm>> -> memref<10000x128xf32, #tpu.memory_space<hbm>>
      tpu.enqueue_indirect_dma source(%dma_start3A_74 : memref<10000x128xf32, #tpu.memory_space<hbm>>) target(%arg9 : memref<64x128xf32, #tpu.memory_space<vmem>>) offsets(%dma_start3A_71 : memref<64xi32, #tpu.memory_space<vmem>>) semaphore(%arg14 : memref<!tpu.dma_semaphore, #tpu.memory_space<semaphore_mem>>)
      %multiple_of3A_75 = arith.constant 128 : i32
      %multiple_of3A_76 = tpu.assume_multiple %multiple_of3A_75, 8 : i32
      %dma_start3A_77 = tpu.memref_slice %arg6[%multiple_of3A_76] : memref<2048xi32, #tpu.memory_space<vmem>> -> memref<64xi32, #tpu.memory_space<vmem>>
      %dma_start3A_78 = arith.constant 0 : i32
      %dma_start3A_79 = arith.constant 0 : i32
      %dma_start3A_80 = tpu.memref_slice %arg2[%dma_start3A_78, %dma_start3A_79] : memref<10000x128xf32, #tpu.memory_space<hbm>> -> memref<10000x128xf32, #tpu.memory_space<hbm>>
      tpu.enqueue_indirect_dma source(%dma_start3A_80 : memref<10000x128xf32, #tpu.memory_space<hbm>>) target(%arg10 : memref<64x128xf32, #tpu.memory_space<vmem>>) offsets(%dma_start3A_77 : memref<64xi32, #tpu.memory_space<vmem>>) semaphore(%arg15 : memref<!tpu.dma_semaphore, #tpu.memory_space<semaphore_mem>>)
      %scan3A_81 = arith.constant 0 : i32
      %scan3A_82 = arith.constant 0 : i32
      %scan3A_83 = arith.constant 7 : i32
      %scan3A_84 = arith.addi %scan3A_82, %scan3A_83 : i32
      %scan3A_85 = arith.constant 1 : i32
      scf.for %scan3A_119 = %scan3A_82 to %scan3A_84 step %scan3A_85  : i32 {
        %mul3A_120 = arith.constant 4 : i32
        %mul3A_121 = arith.muli %scan3A_119, %mul3A_120 : i32
        %add3A_122 = arith.constant 0 : i32
        %add3A_123 = arith.addi %mul3A_121, %add3A_122 : i32
        %mul3A_124 = arith.constant 64 : i32
        %mul3A_125 = arith.muli %add3A_123, %mul3A_124 : i32
        %multiple_of3A_126 = tpu.assume_multiple %mul3A_125, 8 : i32
        %dma_wait3A_127 = tpu.memref_slice %arg6[%multiple_of3A_126] : memref<2048xi32, #tpu.memory_space<vmem>> -> memref<64xi32, #tpu.memory_space<vmem>>
        %dma_wait3A_128 = arith.constant 0 : i32
        %dma_wait3A_129 = arith.constant 0 : i32
        %dma_wait3A_130 = tpu.memref_slice %arg2[%dma_wait3A_128, %dma_wait3A_129] : memref<10000x128xf32, #tpu.memory_space<hbm>> -> memref<10000x128xf32, #tpu.memory_space<hbm>>
        tpu.wait_indirect_dma semaphore(%arg13 : memref<!tpu.dma_semaphore, #tpu.memory_space<semaphore_mem>>) src(%dma_wait3A_130 : memref<10000x128xf32, #tpu.memory_space<hbm>>) dst(%arg8 : memref<64x128xf32, #tpu.memory_space<vmem>>)
        "tpu.region"() ({
          %run_scoped3A_202 = tpu.sem_alloc : memref<!tpu.dma_semaphore, #tpu.memory_space<semaphore_mem>>
          %dma_start3A_203 = arith.constant 0 : i32
          %dma_start3A_204 = tpu.memref_slice %arg7[%add3A_123, %dma_start3A_203] : memref<32x64xi32, #tpu.memory_space<vmem>> -> memref<1x64xi32, #tpu.memory_space<vmem>>
          %dma_start3A_205 = tpu.memref_squeeze %dma_start3A_204 : memref<1x64xi32, #tpu.memory_space<vmem>> -> memref<64xi32, #tpu.memory_space<vmem>>
          %dma_start3A_206 = arith.constant 0 : i32
          %dma_start3A_207 = arith.constant 0 : i32
          %dma_start3A_208 = tpu.memref_slice %arg12[%dma_start3A_206, %dma_start3A_207] : memref<10240x128xf32, #tpu.memory_space<vmem_shared>> -> memref<10240x128xf32, #tpu.memory_space<vmem_shared>>
          tpu.enqueue_indirect_dma source(%arg8 : memref<64x128xf32, #tpu.memory_space<vmem>>) target(%dma_start3A_208 : memref<10240x128xf32, #tpu.memory_space<vmem_shared>>) offsets(%dma_start3A_205 : memref<64xi32, #tpu.memory_space<vmem>>) semaphore(%run_scoped3A_202 : memref<!tpu.dma_semaphore, #tpu.memory_space<semaphore_mem>>) {add = true}
          %dma_wait3A_209 = arith.constant 0 : i32
          %dma_wait3A_210 = tpu.memref_slice %arg7[%add3A_123, %dma_wait3A_209] : memref<32x64xi32, #tpu.memory_space<vmem>> -> memref<1x64xi32, #tpu.memory_space<vmem>>
          %dma_wait3A_211 = tpu.memref_squeeze %dma_wait3A_210 : memref<1x64xi32, #tpu.memory_space<vmem>> -> memref<64xi32, #tpu.memory_space<vmem>>
          %dma_wait3A_212 = arith.constant 0 : i32
          %dma_wait3A_213 = arith.constant 0 : i32
          %dma_wait3A_214 = tpu.memref_slice %arg12[%dma_wait3A_212, %dma_wait3A_213] : memref<10240x128xf32, #tpu.memory_space<vmem_shared>> -> memref<10240x128xf32, #tpu.memory_space<vmem_shared>>
          tpu.wait_indirect_dma semaphore(%run_scoped3A_202 : memref<!tpu.dma_semaphore, #tpu.memory_space<semaphore_mem>>) src(%arg8 : memref<64x128xf32, #tpu.memory_space<vmem>>) dst(%dma_wait3A_214 : memref<10240x128xf32, #tpu.memory_space<vmem_shared>>)
          tpu.yield
        }) : () -> ()
        %add3A_131 = arith.constant 0 : i32
        %add3A_132 = arith.addi %mul3A_121, %add3A_131 : i32
        %add3A_133 = arith.constant 3 : i32
        %add3A_134 = arith.addi %add3A_132, %add3A_133 : i32
        %mul3A_135 = arith.constant 64 : i32
        %mul3A_136 = arith.muli %add3A_134, %mul3A_135 : i32
        %multiple_of3A_137 = tpu.assume_multiple %mul3A_136, 8 : i32
        %dma_start3A_138 = tpu.memref_slice %arg6[%multiple_of3A_137] : memref<2048xi32, #tpu.memory_space<vmem>> -> memref<64xi32, #tpu.memory_space<vmem>>
        %dma_start3A_139 = arith.constant 0 : i32
        %dma_start3A_140 = arith.constant 0 : i32
        %dma_start3A_141 = tpu.memref_slice %arg2[%dma_start3A_139, %dma_start3A_140] : memref<10000x128xf32, #tpu.memory_space<hbm>> -> memref<10000x128xf32, #tpu.memory_space<hbm>>
        tpu.enqueue_indirect_dma source(%dma_start3A_141 : memref<10000x128xf32, #tpu.memory_space<hbm>>) target(%arg11 : memref<64x128xf32, #tpu.memory_space<vmem>>) offsets(%dma_start3A_138 : memref<64xi32, #tpu.memory_space<vmem>>) semaphore(%arg16 : memref<!tpu.dma_semaphore, #tpu.memory_space<semaphore_mem>>)
        %add3A_142 = arith.constant 1 : i32
        %add3A_143 = arith.addi %mul3A_121, %add3A_142 : i32
        %mul3A_144 = arith.constant 64 : i32
        %mul3A_145 = arith.muli %add3A_143, %mul3A_144 : i32
        %multiple_of3A_146 = tpu.assume_multiple %mul3A_145, 8 : i32
        %dma_wait3A_147 = tpu.memref_slice %arg6[%multiple_of3A_146] : memref<2048xi32, #tpu.memory_space<vmem>> -> memref<64xi32, #tpu.memory_space<vmem>>
        %dma_wait3A_148 = arith.constant 0 : i32
        %dma_wait3A_149 = arith.constant 0 : i32
        %dma_wait3A_150 = tpu.memref_slice %arg2[%dma_wait3A_148, %dma_wait3A_149] : memref<10000x128xf32, #tpu.memory_space<hbm>> -> memref<10000x128xf32, #tpu.memory_space<hbm>>
        tpu.wait_indirect_dma semaphore(%arg14 : memref<!tpu.dma_semaphore, #tpu.memory_space<semaphore_mem>>) src(%dma_wait3A_150 : memref<10000x128xf32, #tpu.memory_space<hbm>>) dst(%arg9 : memref<64x128xf32, #tpu.memory_space<vmem>>)
        "tpu.region"() ({
          %run_scoped3A_202 = tpu.sem_alloc : memref<!tpu.dma_semaphore, #tpu.memory_space<semaphore_mem>>
          %dma_start3A_203 = arith.constant 0 : i32
          %dma_start3A_204 = tpu.memref_slice %arg7[%add3A_143, %dma_start3A_203] : memref<32x64xi32, #tpu.memory_space<vmem>> -> memref<1x64xi32, #tpu.memory_space<vmem>>
          %dma_start3A_205 = tpu.memref_squeeze %dma_start3A_204 : memref<1x64xi32, #tpu.memory_space<vmem>> -> memref<64xi32, #tpu.memory_space<vmem>>
          %dma_start3A_206 = arith.constant 0 : i32
          %dma_start3A_207 = arith.constant 0 : i32
          %dma_start3A_208 = tpu.memref_slice %arg12[%dma_start3A_206, %dma_start3A_207] : memref<10240x128xf32, #tpu.memory_space<vmem_shared>> -> memref<10240x128xf32, #tpu.memory_space<vmem_shared>>
          tpu.enqueue_indirect_dma source(%arg9 : memref<64x128xf32, #tpu.memory_space<vmem>>) target(%dma_start3A_208 : memref<10240x128xf32, #tpu.memory_space<vmem_shared>>) offsets(%dma_start3A_205 : memref<64xi32, #tpu.memory_space<vmem>>) semaphore(%run_scoped3A_202 : memref<!tpu.dma_semaphore, #tpu.memory_space<semaphore_mem>>) {add = true}
          %dma_wait3A_209 = arith.constant 0 : i32
          %dma_wait3A_210 = tpu.memref_slice %arg7[%add3A_143, %dma_wait3A_209] : memref<32x64xi32, #tpu.memory_space<vmem>> -> memref<1x64xi32, #tpu.memory_space<vmem>>
          %dma_wait3A_211 = tpu.memref_squeeze %dma_wait3A_210 : memref<1x64xi32, #tpu.memory_space<vmem>> -> memref<64xi32, #tpu.memory_space<vmem>>
          %dma_wait3A_212 = arith.constant 0 : i32
          %dma_wait3A_213 = arith.constant 0 : i32
          %dma_wait3A_214 = tpu.memref_slice %arg12[%dma_wait3A_212, %dma_wait3A_213] : memref<10240x128xf32, #tpu.memory_space<vmem_shared>> -> memref<10240x128xf32, #tpu.memory_space<vmem_shared>>
          tpu.wait_indirect_dma semaphore(%run_scoped3A_202 : memref<!tpu.dma_semaphore, #tpu.memory_space<semaphore_mem>>) src(%arg9 : memref<64x128xf32, #tpu.memory_space<vmem>>) dst(%dma_wait3A_214 : memref<10240x128xf32, #tpu.memory_space<vmem_shared>>)
          tpu.yield
        }) : () -> ()
        %add3A_151 = arith.constant 1 : i32
        %add3A_152 = arith.addi %mul3A_121, %add3A_151 : i32
        %add3A_153 = arith.constant 3 : i32
        %add3A_154 = arith.addi %add3A_152, %add3A_153 : i32
        %mul3A_155 = arith.constant 64 : i32
        %mul3A_156 = arith.muli %add3A_154, %mul3A_155 : i32
        %multiple_of3A_157 = tpu.assume_multiple %mul3A_156, 8 : i32
        %dma_start3A_158 = tpu.memref_slice %arg6[%multiple_of3A_157] : memref<2048xi32, #tpu.memory_space<vmem>> -> memref<64xi32, #tpu.memory_space<vmem>>
        %dma_start3A_159 = arith.constant 0 : i32
        %dma_start3A_160 = arith.constant 0 : i32
        %dma_start3A_161 = tpu.memref_slice %arg2[%dma_start3A_159, %dma_start3A_160] : memref<10000x128xf32, #tpu.memory_space<hbm>> -> memref<10000x128xf32, #tpu.memory_space<hbm>>
        tpu.enqueue_indirect_dma source(%dma_start3A_161 : memref<10000x128xf32, #tpu.memory_space<hbm>>) target(%arg8 : memref<64x128xf32, #tpu.memory_space<vmem>>) offsets(%dma_start3A_158 : memref<64xi32, #tpu.memory_space<vmem>>) semaphore(%arg13 : memref<!tpu.dma_semaphore, #tpu.memory_space<semaphore_mem>>)
        %add3A_162 = arith.constant 2 : i32
        %add3A_163 = arith.addi %mul3A_121, %add3A_162 : i32
        %mul3A_164 = arith.constant 64 : i32
        %mul3A_165 = arith.muli %add3A_163, %mul3A_164 : i32
        %multiple_of3A_166 = tpu.assume_multiple %mul3A_165, 8 : i32
        %dma_wait3A_167 = tpu.memref_slice %arg6[%multiple_of3A_166] : memref<2048xi32, #tpu.memory_space<vmem>> -> memref<64xi32, #tpu.memory_space<vmem>>
        %dma_wait3A_168 = arith.constant 0 : i32
        %dma_wait3A_169 = arith.constant 0 : i32
        %dma_wait3A_170 = tpu.memref_slice %arg2[%dma_wait3A_168, %dma_wait3A_169] : memref<10000x128xf32, #tpu.memory_space<hbm>> -> memref<10000x128xf32, #tpu.memory_space<hbm>>
        tpu.wait_indirect_dma semaphore(%arg15 : memref<!tpu.dma_semaphore, #tpu.memory_space<semaphore_mem>>) src(%dma_wait3A_170 : memref<10000x128xf32, #tpu.memory_space<hbm>>) dst(%arg10 : memref<64x128xf32, #tpu.memory_space<vmem>>)
        "tpu.region"() ({
          %run_scoped3A_202 = tpu.sem_alloc : memref<!tpu.dma_semaphore, #tpu.memory_space<semaphore_mem>>
          %dma_start3A_203 = arith.constant 0 : i32
          %dma_start3A_204 = tpu.memref_slice %arg7[%add3A_163, %dma_start3A_203] : memref<32x64xi32, #tpu.memory_space<vmem>> -> memref<1x64xi32, #tpu.memory_space<vmem>>
          %dma_start3A_205 = tpu.memref_squeeze %dma_start3A_204 : memref<1x64xi32, #tpu.memory_space<vmem>> -> memref<64xi32, #tpu.memory_space<vmem>>
          %dma_start3A_206 = arith.constant 0 : i32
          %dma_start3A_207 = arith.constant 0 : i32
          %dma_start3A_208 = tpu.memref_slice %arg12[%dma_start3A_206, %dma_start3A_207] : memref<10240x128xf32, #tpu.memory_space<vmem_shared>> -> memref<10240x128xf32, #tpu.memory_space<vmem_shared>>
          tpu.enqueue_indirect_dma source(%arg10 : memref<64x128xf32, #tpu.memory_space<vmem>>) target(%dma_start3A_208 : memref<10240x128xf32, #tpu.memory_space<vmem_shared>>) offsets(%dma_start3A_205 : memref<64xi32, #tpu.memory_space<vmem>>) semaphore(%run_scoped3A_202 : memref<!tpu.dma_semaphore, #tpu.memory_space<semaphore_mem>>) {add = true}
          %dma_wait3A_209 = arith.constant 0 : i32
          %dma_wait3A_210 = tpu.memref_slice %arg7[%add3A_163, %dma_wait3A_209] : memref<32x64xi32, #tpu.memory_space<vmem>> -> memref<1x64xi32, #tpu.memory_space<vmem>>
          %dma_wait3A_211 = tpu.memref_squeeze %dma_wait3A_210 : memref<1x64xi32, #tpu.memory_space<vmem>> -> memref<64xi32, #tpu.memory_space<vmem>>
          %dma_wait3A_212 = arith.constant 0 : i32
          %dma_wait3A_213 = arith.constant 0 : i32
          %dma_wait3A_214 = tpu.memref_slice %arg12[%dma_wait3A_212, %dma_wait3A_213] : memref<10240x128xf32, #tpu.memory_space<vmem_shared>> -> memref<10240x128xf32, #tpu.memory_space<vmem_shared>>
          tpu.wait_indirect_dma semaphore(%run_scoped3A_202 : memref<!tpu.dma_semaphore, #tpu.memory_space<semaphore_mem>>) src(%arg10 : memref<64x128xf32, #tpu.memory_space<vmem>>) dst(%dma_wait3A_214 : memref<10240x128xf32, #tpu.memory_space<vmem_shared>>)
          tpu.yield
        }) : () -> ()
        %add3A_171 = arith.constant 2 : i32
        %add3A_172 = arith.addi %mul3A_121, %add3A_171 : i32
        %add3A_173 = arith.constant 3 : i32
        %add3A_174 = arith.addi %add3A_172, %add3A_173 : i32
        %mul3A_175 = arith.constant 64 : i32
        %mul3A_176 = arith.muli %add3A_174, %mul3A_175 : i32
        %multiple_of3A_177 = tpu.assume_multiple %mul3A_176, 8 : i32
        %dma_start3A_178 = tpu.memref_slice %arg6[%multiple_of3A_177] : memref<2048xi32, #tpu.memory_space<vmem>> -> memref<64xi32, #tpu.memory_space<vmem>>
        %dma_start3A_179 = arith.constant 0 : i32
        %dma_start3A_180 = arith.constant 0 : i32
        %dma_start3A_181 = tpu.memref_slice %arg2[%dma_start3A_179, %dma_start3A_180] : memref<10000x128xf32, #tpu.memory_space<hbm>> -> memref<10000x128xf32, #tpu.memory_space<hbm>>
        tpu.enqueue_indirect_dma source(%dma_start3A_181 : memref<10000x128xf32, #tpu.memory_space<hbm>>) target(%arg9 : memref<64x128xf32, #tpu.memory_space<vmem>>) offsets(%dma_start3A_178 : memref<64xi32, #tpu.memory_space<vmem>>) semaphore(%arg14 : memref<!tpu.dma_semaphore, #tpu.memory_space<semaphore_mem>>)
        %add3A_182 = arith.constant 3 : i32
        %add3A_183 = arith.addi %mul3A_121, %add3A_182 : i32
        %mul3A_184 = arith.constant 64 : i32
        %mul3A_185 = arith.muli %add3A_183, %mul3A_184 : i32
        %multiple_of3A_186 = tpu.assume_multiple %mul3A_185, 8 : i32
        %dma_wait3A_187 = tpu.memref_slice %arg6[%multiple_of3A_186] : memref<2048xi32, #tpu.memory_space<vmem>> -> memref<64xi32, #tpu.memory_space<vmem>>
        %dma_wait3A_188 = arith.constant 0 : i32
        %dma_wait3A_189 = arith.constant 0 : i32
        %dma_wait3A_190 = tpu.memref_slice %arg2[%dma_wait3A_188, %dma_wait3A_189] : memref<10000x128xf32, #tpu.memory_space<hbm>> -> memref<10000x128xf32, #tpu.memory_space<hbm>>
        tpu.wait_indirect_dma semaphore(%arg16 : memref<!tpu.dma_semaphore, #tpu.memory_space<semaphore_mem>>) src(%dma_wait3A_190 : memref<10000x128xf32, #tpu.memory_space<hbm>>) dst(%arg11 : memref<64x128xf32, #tpu.memory_space<vmem>>)
        "tpu.region"() ({
          %run_scoped3A_202 = tpu.sem_alloc : memref<!tpu.dma_semaphore, #tpu.memory_space<semaphore_mem>>
          %dma_start3A_203 = arith.constant 0 : i32
          %dma_start3A_204 = tpu.memref_slice %arg7[%add3A_183, %dma_start3A_203] : memref<32x64xi32, #tpu.memory_space<vmem>> -> memref<1x64xi32, #tpu.memory_space<vmem>>
          %dma_start3A_205 = tpu.memref_squeeze %dma_start3A_204 : memref<1x64xi32, #tpu.memory_space<vmem>> -> memref<64xi32, #tpu.memory_space<vmem>>
          %dma_start3A_206 = arith.constant 0 : i32
          %dma_start3A_207 = arith.constant 0 : i32
          %dma_start3A_208 = tpu.memref_slice %arg12[%dma_start3A_206, %dma_start3A_207] : memref<10240x128xf32, #tpu.memory_space<vmem_shared>> -> memref<10240x128xf32, #tpu.memory_space<vmem_shared>>
          tpu.enqueue_indirect_dma source(%arg11 : memref<64x128xf32, #tpu.memory_space<vmem>>) target(%dma_start3A_208 : memref<10240x128xf32, #tpu.memory_space<vmem_shared>>) offsets(%dma_start3A_205 : memref<64xi32, #tpu.memory_space<vmem>>) semaphore(%run_scoped3A_202 : memref<!tpu.dma_semaphore, #tpu.memory_space<semaphore_mem>>) {add = true}
          %dma_wait3A_209 = arith.constant 0 : i32
          %dma_wait3A_210 = tpu.memref_slice %arg7[%add3A_183, %dma_wait3A_209] : memref<32x64xi32, #tpu.memory_space<vmem>> -> memref<1x64xi32, #tpu.memory_space<vmem>>
          %dma_wait3A_211 = tpu.memref_squeeze %dma_wait3A_210 : memref<1x64xi32, #tpu.memory_space<vmem>> -> memref<64xi32, #tpu.memory_space<vmem>>
          %dma_wait3A_212 = arith.constant 0 : i32
          %dma_wait3A_213 = arith.constant 0 : i32
          %dma_wait3A_214 = tpu.memref_slice %arg12[%dma_wait3A_212, %dma_wait3A_213] : memref<10240x128xf32, #tpu.memory_space<vmem_shared>> -> memref<10240x128xf32, #tpu.memory_space<vmem_shared>>
          tpu.wait_indirect_dma semaphore(%run_scoped3A_202 : memref<!tpu.dma_semaphore, #tpu.memory_space<semaphore_mem>>) src(%arg11 : memref<64x128xf32, #tpu.memory_space<vmem>>) dst(%dma_wait3A_214 : memref<10240x128xf32, #tpu.memory_space<vmem_shared>>)
          tpu.yield
        }) : () -> ()
        %add3A_191 = arith.constant 3 : i32
        %add3A_192 = arith.addi %mul3A_121, %add3A_191 : i32
        %add3A_193 = arith.constant 3 : i32
        %add3A_194 = arith.addi %add3A_192, %add3A_193 : i32
        %mul3A_195 = arith.constant 64 : i32
        %mul3A_196 = arith.muli %add3A_194, %mul3A_195 : i32
        %multiple_of3A_197 = tpu.assume_multiple %mul3A_196, 8 : i32
        %dma_start3A_198 = tpu.memref_slice %arg6[%multiple_of3A_197] : memref<2048xi32, #tpu.memory_space<vmem>> -> memref<64xi32, #tpu.memory_space<vmem>>
        %dma_start3A_199 = arith.constant 0 : i32
        %dma_start3A_200 = arith.constant 0 : i32
        %dma_start3A_201 = tpu.memref_slice %arg2[%dma_start3A_199, %dma_start3A_200] : memref<10000x128xf32, #tpu.memory_space<hbm>> -> memref<10000x128xf32, #tpu.memory_space<hbm>>
        tpu.enqueue_indirect_dma source(%dma_start3A_201 : memref<10000x128xf32, #tpu.memory_space<hbm>>) target(%arg10 : memref<64x128xf32, #tpu.memory_space<vmem>>) offsets(%dma_start3A_198 : memref<64xi32, #tpu.memory_space<vmem>>) semaphore(%arg15 : memref<!tpu.dma_semaphore, #tpu.memory_space<semaphore_mem>>)
      }
      %scan3A_86 = arith.constant 7 : i32
      %multiple_of3A_87 = arith.constant 1792 : i32
      %multiple_of3A_88 = tpu.assume_multiple %multiple_of3A_87, 8 : i32
      %dma_wait3A = tpu.memref_slice %arg6[%multiple_of3A_88] : memref<2048xi32, #tpu.memory_space<vmem>> -> memref<64xi32, #tpu.memory_space<vmem>>
      %dma_wait3A_89 = arith.constant 0 : i32
      %dma_wait3A_90 = arith.constant 0 : i32
      %dma_wait3A_91 = tpu.memref_slice %arg2[%dma_wait3A_89, %dma_wait3A_90] : memref<10000x128xf32, #tpu.memory_space<hbm>> -> memref<10000x128xf32, #tpu.memory_space<hbm>>
      tpu.wait_indirect_dma semaphore(%arg13 : memref<!tpu.dma_semaphore, #tpu.memory_space<semaphore_mem>>) src(%dma_wait3A_91 : memref<10000x128xf32, #tpu.memory_space<hbm>>) dst(%arg8 : memref<64x128xf32, #tpu.memory_space<vmem>>)
      %run_scoped3A = arith.constant 28 : i32
      "tpu.region"() ({
        %run_scoped3A_119 = tpu.sem_alloc : memref<!tpu.dma_semaphore, #tpu.memory_space<semaphore_mem>>
        %dma_start3A_120 = arith.constant 0 : i32
        %dma_start3A_121 = tpu.memref_slice %arg7[%run_scoped3A, %dma_start3A_120] : memref<32x64xi32, #tpu.memory_space<vmem>> -> memref<1x64xi32, #tpu.memory_space<vmem>>
        %dma_start3A_122 = tpu.memref_squeeze %dma_start3A_121 : memref<1x64xi32, #tpu.memory_space<vmem>> -> memref<64xi32, #tpu.memory_space<vmem>>
        %dma_start3A_123 = arith.constant 0 : i32
        %dma_start3A_124 = arith.constant 0 : i32
        %dma_start3A_125 = tpu.memref_slice %arg12[%dma_start3A_123, %dma_start3A_124] : memref<10240x128xf32, #tpu.memory_space<vmem_shared>> -> memref<10240x128xf32, #tpu.memory_space<vmem_shared>>
        tpu.enqueue_indirect_dma source(%arg8 : memref<64x128xf32, #tpu.memory_space<vmem>>) target(%dma_start3A_125 : memref<10240x128xf32, #tpu.memory_space<vmem_shared>>) offsets(%dma_start3A_122 : memref<64xi32, #tpu.memory_space<vmem>>) semaphore(%run_scoped3A_119 : memref<!tpu.dma_semaphore, #tpu.memory_space<semaphore_mem>>) {add = true}
        %dma_wait3A_126 = arith.constant 0 : i32
        %dma_wait3A_127 = tpu.memref_slice %arg7[%run_scoped3A, %dma_wait3A_126] : memref<32x64xi32, #tpu.memory_space<vmem>> -> memref<1x64xi32, #tpu.memory_space<vmem>>
        %dma_wait3A_128 = tpu.memref_squeeze %dma_wait3A_127 : memref<1x64xi32, #tpu.memory_space<vmem>> -> memref<64xi32, #tpu.memory_space<vmem>>
        %dma_wait3A_129 = arith.constant 0 : i32
        %dma_wait3A_130 = arith.constant 0 : i32
        %dma_wait3A_131 = tpu.memref_slice %arg12[%dma_wait3A_129, %dma_wait3A_130] : memref<10240x128xf32, #tpu.memory_space<vmem_shared>> -> memref<10240x128xf32, #tpu.memory_space<vmem_shared>>
        tpu.wait_indirect_dma semaphore(%run_scoped3A_119 : memref<!tpu.dma_semaphore, #tpu.memory_space<semaphore_mem>>) src(%arg8 : memref<64x128xf32, #tpu.memory_space<vmem>>) dst(%dma_wait3A_131 : memref<10240x128xf32, #tpu.memory_space<vmem_shared>>)
        tpu.yield
      }) : () -> ()
      %multiple_of3A_92 = arith.constant 1984 : i32
      %multiple_of3A_93 = tpu.assume_multiple %multiple_of3A_92, 8 : i32
      %dma_start3A_94 = tpu.memref_slice %arg6[%multiple_of3A_93] : memref<2048xi32, #tpu.memory_space<vmem>> -> memref<64xi32, #tpu.memory_space<vmem>>
      %dma_start3A_95 = arith.constant 0 : i32
      %dma_start3A_96 = arith.constant 0 : i32
      %dma_start3A_97 = tpu.memref_slice %arg2[%dma_start3A_95, %dma_start3A_96] : memref<10000x128xf32, #tpu.memory_space<hbm>> -> memref<10000x128xf32, #tpu.memory_space<hbm>>
      tpu.enqueue_indirect_dma source(%dma_start3A_97 : memref<10000x128xf32, #tpu.memory_space<hbm>>) target(%arg11 : memref<64x128xf32, #tpu.memory_space<vmem>>) offsets(%dma_start3A_94 : memref<64xi32, #tpu.memory_space<vmem>>) semaphore(%arg16 : memref<!tpu.dma_semaphore, #tpu.memory_space<semaphore_mem>>)
      %multiple_of3A_98 = arith.constant 1856 : i32
      %multiple_of3A_99 = tpu.assume_multiple %multiple_of3A_98, 8 : i32
      %dma_wait3A_100 = tpu.memref_slice %arg6[%multiple_of3A_99] : memref<2048xi32, #tpu.memory_space<vmem>> -> memref<64xi32, #tpu.memory_space<vmem>>
      %dma_wait3A_101 = arith.constant 0 : i32
      %dma_wait3A_102 = arith.constant 0 : i32
      %dma_wait3A_103 = tpu.memref_slice %arg2[%dma_wait3A_101, %dma_wait3A_102] : memref<10000x128xf32, #tpu.memory_space<hbm>> -> memref<10000x128xf32, #tpu.memory_space<hbm>>
      tpu.wait_indirect_dma semaphore(%arg14 : memref<!tpu.dma_semaphore, #tpu.memory_space<semaphore_mem>>) src(%dma_wait3A_103 : memref<10000x128xf32, #tpu.memory_space<hbm>>) dst(%arg9 : memref<64x128xf32, #tpu.memory_space<vmem>>)
      %run_scoped3A_104 = arith.constant 29 : i32
      "tpu.region"() ({
        %run_scoped3A_119 = tpu.sem_alloc : memref<!tpu.dma_semaphore, #tpu.memory_space<semaphore_mem>>
        %dma_start3A_120 = arith.constant 0 : i32
        %dma_start3A_121 = tpu.memref_slice %arg7[%run_scoped3A_104, %dma_start3A_120] : memref<32x64xi32, #tpu.memory_space<vmem>> -> memref<1x64xi32, #tpu.memory_space<vmem>>
        %dma_start3A_122 = tpu.memref_squeeze %dma_start3A_121 : memref<1x64xi32, #tpu.memory_space<vmem>> -> memref<64xi32, #tpu.memory_space<vmem>>
        %dma_start3A_123 = arith.constant 0 : i32
        %dma_start3A_124 = arith.constant 0 : i32
        %dma_start3A_125 = tpu.memref_slice %arg12[%dma_start3A_123, %dma_start3A_124] : memref<10240x128xf32, #tpu.memory_space<vmem_shared>> -> memref<10240x128xf32, #tpu.memory_space<vmem_shared>>
        tpu.enqueue_indirect_dma source(%arg9 : memref<64x128xf32, #tpu.memory_space<vmem>>) target(%dma_start3A_125 : memref<10240x128xf32, #tpu.memory_space<vmem_shared>>) offsets(%dma_start3A_122 : memref<64xi32, #tpu.memory_space<vmem>>) semaphore(%run_scoped3A_119 : memref<!tpu.dma_semaphore, #tpu.memory_space<semaphore_mem>>) {add = true}
        %dma_wait3A_126 = arith.constant 0 : i32
        %dma_wait3A_127 = tpu.memref_slice %arg7[%run_scoped3A_104, %dma_wait3A_126] : memref<32x64xi32, #tpu.memory_space<vmem>> -> memref<1x64xi32, #tpu.memory_space<vmem>>
        %dma_wait3A_128 = tpu.memref_squeeze %dma_wait3A_127 : memref<1x64xi32, #tpu.memory_space<vmem>> -> memref<64xi32, #tpu.memory_space<vmem>>
        %dma_wait3A_129 = arith.constant 0 : i32
        %dma_wait3A_130 = arith.constant 0 : i32
        %dma_wait3A_131 = tpu.memref_slice %arg12[%dma_wait3A_129, %dma_wait3A_130] : memref<10240x128xf32, #tpu.memory_space<vmem_shared>> -> memref<10240x128xf32, #tpu.memory_space<vmem_shared>>
        tpu.wait_indirect_dma semaphore(%run_scoped3A_119 : memref<!tpu.dma_semaphore, #tpu.memory_space<semaphore_mem>>) src(%arg9 : memref<64x128xf32, #tpu.memory_space<vmem>>) dst(%dma_wait3A_131 : memref<10240x128xf32, #tpu.memory_space<vmem_shared>>)
        tpu.yield
      }) : () -> ()
      %multiple_of3A_105 = arith.constant 1920 : i32
      %multiple_of3A_106 = tpu.assume_multiple %multiple_of3A_105, 8 : i32
      %dma_wait3A_107 = tpu.memref_slice %arg6[%multiple_of3A_106] : memref<2048xi32, #tpu.memory_space<vmem>> -> memref<64xi32, #tpu.memory_space<vmem>>
      %dma_wait3A_108 = arith.constant 0 : i32
      %dma_wait3A_109 = arith.constant 0 : i32
      %dma_wait3A_110 = tpu.memref_slice %arg2[%dma_wait3A_108, %dma_wait3A_109] : memref<10000x128xf32, #tpu.memory_space<hbm>> -> memref<10000x128xf32, #tpu.memory_space<hbm>>
      tpu.wait_indirect_dma semaphore(%arg15 : memref<!tpu.dma_semaphore, #tpu.memory_space<semaphore_mem>>) src(%dma_wait3A_110 : memref<10000x128xf32, #tpu.memory_space<hbm>>) dst(%arg10 : memref<64x128xf32, #tpu.memory_space<vmem>>)
      %run_scoped3A_111 = arith.constant 30 : i32
      "tpu.region"() ({
        %run_scoped3A_119 = tpu.sem_alloc : memref<!tpu.dma_semaphore, #tpu.memory_space<semaphore_mem>>
        %dma_start3A_120 = arith.constant 0 : i32
        %dma_start3A_121 = tpu.memref_slice %arg7[%run_scoped3A_111, %dma_start3A_120] : memref<32x64xi32, #tpu.memory_space<vmem>> -> memref<1x64xi32, #tpu.memory_space<vmem>>
        %dma_start3A_122 = tpu.memref_squeeze %dma_start3A_121 : memref<1x64xi32, #tpu.memory_space<vmem>> -> memref<64xi32, #tpu.memory_space<vmem>>
        %dma_start3A_123 = arith.constant 0 : i32
        %dma_start3A_124 = arith.constant 0 : i32
        %dma_start3A_125 = tpu.memref_slice %arg12[%dma_start3A_123, %dma_start3A_124] : memref<10240x128xf32, #tpu.memory_space<vmem_shared>> -> memref<10240x128xf32, #tpu.memory_space<vmem_shared>>
        tpu.enqueue_indirect_dma source(%arg10 : memref<64x128xf32, #tpu.memory_space<vmem>>) target(%dma_start3A_125 : memref<10240x128xf32, #tpu.memory_space<vmem_shared>>) offsets(%dma_start3A_122 : memref<64xi32, #tpu.memory_space<vmem>>) semaphore(%run_scoped3A_119 : memref<!tpu.dma_semaphore, #tpu.memory_space<semaphore_mem>>) {add = true}
        %dma_wait3A_126 = arith.constant 0 : i32
        %dma_wait3A_127 = tpu.memref_slice %arg7[%run_scoped3A_111, %dma_wait3A_126] : memref<32x64xi32, #tpu.memory_space<vmem>> -> memref<1x64xi32, #tpu.memory_space<vmem>>
        %dma_wait3A_128 = tpu.memref_squeeze %dma_wait3A_127 : memref<1x64xi32, #tpu.memory_space<vmem>> -> memref<64xi32, #tpu.memory_space<vmem>>
        %dma_wait3A_129 = arith.constant 0 : i32
        %dma_wait3A_130 = arith.constant 0 : i32
        %dma_wait3A_131 = tpu.memref_slice %arg12[%dma_wait3A_129, %dma_wait3A_130] : memref<10240x128xf32, #tpu.memory_space<vmem_shared>> -> memref<10240x128xf32, #tpu.memory_space<vmem_shared>>
        tpu.wait_indirect_dma semaphore(%run_scoped3A_119 : memref<!tpu.dma_semaphore, #tpu.memory_space<semaphore_mem>>) src(%arg10 : memref<64x128xf32, #tpu.memory_space<vmem>>) dst(%dma_wait3A_131 : memref<10240x128xf32, #tpu.memory_space<vmem_shared>>)
        tpu.yield
      }) : () -> ()
      %multiple_of3A_112 = arith.constant 1984 : i32
      %multiple_of3A_113 = tpu.assume_multiple %multiple_of3A_112, 8 : i32
      %dma_wait3A_114 = tpu.memref_slice %arg6[%multiple_of3A_113] : memref<2048xi32, #tpu.memory_space<vmem>> -> memref<64xi32, #tpu.memory_space<vmem>>
      %dma_wait3A_115 = arith.constant 0 : i32
      %dma_wait3A_116 = arith.constant 0 : i32
      %dma_wait3A_117 = tpu.memref_slice %arg2[%dma_wait3A_115, %dma_wait3A_116] : memref<10000x128xf32, #tpu.memory_space<hbm>> -> memref<10000x128xf32, #tpu.memory_space<hbm>>
      tpu.wait_indirect_dma semaphore(%arg16 : memref<!tpu.dma_semaphore, #tpu.memory_space<semaphore_mem>>) src(%dma_wait3A_117 : memref<10000x128xf32, #tpu.memory_space<hbm>>) dst(%arg11 : memref<64x128xf32, #tpu.memory_space<vmem>>)
      %run_scoped3A_118 = arith.constant 31 : i32
      "tpu.region"() ({
        %run_scoped3A_119 = tpu.sem_alloc : memref<!tpu.dma_semaphore, #tpu.memory_space<semaphore_mem>>
        %dma_start3A_120 = arith.constant 0 : i32
        %dma_start3A_121 = tpu.memref_slice %arg7[%run_scoped3A_118, %dma_start3A_120] : memref<32x64xi32, #tpu.memory_space<vmem>> -> memref<1x64xi32, #tpu.memory_space<vmem>>
        %dma_start3A_122 = tpu.memref_squeeze %dma_start3A_121 : memref<1x64xi32, #tpu.memory_space<vmem>> -> memref<64xi32, #tpu.memory_space<vmem>>
        %dma_start3A_123 = arith.constant 0 : i32
        %dma_start3A_124 = arith.constant 0 : i32
        %dma_start3A_125 = tpu.memref_slice %arg12[%dma_start3A_123, %dma_start3A_124] : memref<10240x128xf32, #tpu.memory_space<vmem_shared>> -> memref<10240x128xf32, #tpu.memory_space<vmem_shared>>
        tpu.enqueue_indirect_dma source(%arg11 : memref<64x128xf32, #tpu.memory_space<vmem>>) target(%dma_start3A_125 : memref<10240x128xf32, #tpu.memory_space<vmem_shared>>) offsets(%dma_start3A_122 : memref<64xi32, #tpu.memory_space<vmem>>) semaphore(%run_scoped3A_119 : memref<!tpu.dma_semaphore, #tpu.memory_space<semaphore_mem>>) {add = true}
        %dma_wait3A_126 = arith.constant 0 : i32
        %dma_wait3A_127 = tpu.memref_slice %arg7[%run_scoped3A_118, %dma_wait3A_126] : memref<32x64xi32, #tpu.memory_space<vmem>> -> memref<1x64xi32, #tpu.memory_space<vmem>>
        %dma_wait3A_128 = tpu.memref_squeeze %dma_wait3A_127 : memref<1x64xi32, #tpu.memory_space<vmem>> -> memref<64xi32, #tpu.memory_space<vmem>>
        %dma_wait3A_129 = arith.constant 0 : i32
        %dma_wait3A_130 = arith.constant 0 : i32
        %dma_wait3A_131 = tpu.memref_slice %arg12[%dma_wait3A_129, %dma_wait3A_130] : memref<10240x128xf32, #tpu.memory_space<vmem_shared>> -> memref<10240x128xf32, #tpu.memory_space<vmem_shared>>
        tpu.wait_indirect_dma semaphore(%run_scoped3A_119 : memref<!tpu.dma_semaphore, #tpu.memory_space<semaphore_mem>>) src(%arg11 : memref<64x128xf32, #tpu.memory_space<vmem>>) dst(%dma_wait3A_131 : memref<10240x128xf32, #tpu.memory_space<vmem_shared>>)
        tpu.yield
      }) : () -> ()
    }
    %while3A_52 = arith.constant 1 : i32
    scf.for %while3A_57 = %while3A_50 to %while3A_46 step %while3A_52  : i32 {
      %mul3A_58 = arith.constant 2048 : i32
      %mul3A_59 = arith.muli %while3A_57, %mul3A_58 : i32
      %add3A_60 = arith.addi %add3A_32, %mul3A_59 : i32
      %multiple_of3A = tpu.assume_multiple %add3A_60, 8 : i32
      "tpu.region"() ({
        %run_scoped3A_119 = tpu.sem_alloc : memref<!tpu.dma_semaphore, #tpu.memory_space<semaphore_mem>>
        %dma_start3A_120 = tpu.memref_slice %arg3[%multiple_of3A] : memref<327680xi32, #tpu.memory_space<hbm>> -> memref<2048xi32, #tpu.memory_space<hbm>>
        %dma_start3A_121 = tpu.memref_slice %arg3[%multiple_of3A] : memref<327680xi32, #tpu.memory_space<hbm>> -> memref<2048xi32, #tpu.memory_space<hbm>>
        tpu.enqueue_dma source(%dma_start3A_121 : memref<2048xi32, #tpu.memory_space<hbm>>) target(%arg6 : memref<2048xi32, #tpu.memory_space<vmem>>) target_semaphore(%run_scoped3A_119 : memref<!tpu.dma_semaphore, #tpu.memory_space<semaphore_mem>>)
        %dma_wait3A_122 = tpu.memref_slice %arg3[%multiple_of3A] : memref<327680xi32, #tpu.memory_space<hbm>> -> memref<2048xi32, #tpu.memory_space<hbm>>
        %dma_wait3A_123 = tpu.memref_slice %arg3[%multiple_of3A] : memref<327680xi32, #tpu.memory_space<hbm>> -> memref<2048xi32, #tpu.memory_space<hbm>>
        tpu.wait_dma2 semaphore(%run_scoped3A_119 : memref<!tpu.dma_semaphore, #tpu.memory_space<semaphore_mem>>) src(%dma_wait3A_123 : memref<2048xi32, #tpu.memory_space<hbm>>) dst(%arg6 : memref<2048xi32, #tpu.memory_space<vmem>>)
        tpu.yield
      }) : () -> ()
      %mul3A_61 = arith.constant 32 : i32
      %mul3A_62 = arith.muli %while3A_57, %mul3A_61 : i32
      %add3A_63 = arith.addi %add3A_40, %mul3A_62 : i32
      "tpu.region"() ({
        %run_scoped3A_119 = tpu.sem_alloc : memref<!tpu.dma_semaphore, #tpu.memory_space<semaphore_mem>>
        %dma_start3A_120 = arith.constant 0 : i32
        %dma_start3A_121 = tpu.memref_slice %arg4[%add3A_63, %dma_start3A_120] : memref<5120x64xi32, #tpu.memory_space<hbm>> -> memref<32x64xi32, #tpu.memory_space<hbm>>
        %dma_start3A_122 = arith.constant 0 : i32
        %dma_start3A_123 = tpu.memref_slice %arg4[%add3A_63, %dma_start3A_122] : memref<5120x64xi32, #tpu.memory_space<hbm>> -> memref<32x64xi32, #tpu.memory_space<hbm>>
        tpu.enqueue_dma source(%dma_start3A_123 : memref<32x64xi32, #tpu.memory_space<hbm>>) target(%arg7 : memref<32x64xi32, #tpu.memory_space<vmem>>) target_semaphore(%run_scoped3A_119 : memref<!tpu.dma_semaphore, #tpu.memory_space<semaphore_mem>>)
        %dma_wait3A_124 = arith.constant 0 : i32
        %dma_wait3A_125 = tpu.memref_slice %arg4[%add3A_63, %dma_wait3A_124] : memref<5120x64xi32, #tpu.memory_space<hbm>> -> memref<32x64xi32, #tpu.memory_space<hbm>>
        %dma_wait3A_126 = arith.constant 0 : i32
        %dma_wait3A_127 = tpu.memref_slice %arg4[%add3A_63, %dma_wait3A_126] : memref<5120x64xi32, #tpu.memory_space<hbm>> -> memref<32x64xi32, #tpu.memory_space<hbm>>
        tpu.wait_dma2 semaphore(%run_scoped3A_119 : memref<!tpu.dma_semaphore, #tpu.memory_space<semaphore_mem>>) src(%dma_wait3A_127 : memref<32x64xi32, #tpu.memory_space<hbm>>) dst(%arg7 : memref<32x64xi32, #tpu.memory_space<vmem>>)
        tpu.yield
      }) : () -> ()
      %multiple_of3A_64 = arith.constant 0 : i32
      %multiple_of3A_65 = tpu.assume_multiple %multiple_of3A_64, 8 : i32
      %dma_start3A = tpu.memref_slice %arg6[%multiple_of3A_65] : memref<2048xi32, #tpu.memory_space<vmem>> -> memref<64xi32, #tpu.memory_space<vmem>>
      %dma_start3A_66 = arith.constant 0 : i32
      %dma_start3A_67 = arith.constant 0 : i32
      %dma_start3A_68 = tpu.memref_slice %arg2[%dma_start3A_66, %dma_start3A_67] : memref<10000x128xf32, #tpu.memory_space<hbm>> -> memref<10000x128xf32, #tpu.memory_space<hbm>>
      tpu.enqueue_indirect_dma source(%dma_start3A_68 : memref<10000x128xf32, #tpu.memory_space<hbm>>) target(%arg8 : memref<64x128xf32, #tpu.memory_space<vmem>>) offsets(%dma_start3A : memref<64xi32, #tpu.memory_space<vmem>>) semaphore(%arg13 : memref<!tpu.dma_semaphore, #tpu.memory_space<semaphore_mem>>)
      %multiple_of3A_69 = arith.constant 64 : i32
      %multiple_of3A_70 = tpu.assume_multiple %multiple_of3A_69, 8 : i32
      %dma_start3A_71 = tpu.memref_slice %arg6[%multiple_of3A_70] : memref<2048xi32, #tpu.memory_space<vmem>> -> memref<64xi32, #tpu.memory_space<vmem>>
      %dma_start3A_72 = arith.constant 0 : i32
      %dma_start3A_73 = arith.constant 0 : i32
      %dma_start3A_74 = tpu.memref_slice %arg2[%dma_start3A_72, %dma_start3A_73] : memref<10000x128xf32, #tpu.memory_space<hbm>> -> memref<10000x128xf32, #tpu.memory_space<hbm>>
      tpu.enqueue_indirect_dma source(%dma_start3A_74 : memref<10000x128xf32, #tpu.memory_space<hbm>>) target(%arg9 : memref<64x128xf32, #tpu.memory_space<vmem>>) offsets(%dma_start3A_71 : memref<64xi32, #tpu.memory_space<vmem>>) semaphore(%arg14 : memref<!tpu.dma_semaphore, #tpu.memory_space<semaphore_mem>>)
      %multiple_of3A_75 = arith.constant 128 : i32
      %multiple_of3A_76 = tpu.assume_multiple %multiple_of3A_75, 8 : i32
      %dma_start3A_77 = tpu.memref_slice %arg6[%multiple_of3A_76] : memref<2048xi32, #tpu.memory_space<vmem>> -> memref<64xi32, #tpu.memory_space<vmem>>
      %dma_start3A_78 = arith.constant 0 : i32
      %dma_start3A_79 = arith.constant 0 : i32
      %dma_start3A_80 = tpu.memref_slice %arg2[%dma_start3A_78, %dma_start3A_79] : memref<10000x128xf32, #tpu.memory_space<hbm>> -> memref<10000x128xf32, #tpu.memory_space<hbm>>
      tpu.enqueue_indirect_dma source(%dma_start3A_80 : memref<10000x128xf32, #tpu.memory_space<hbm>>) target(%arg10 : memref<64x128xf32, #tpu.memory_space<vmem>>) offsets(%dma_start3A_77 : memref<64xi32, #tpu.memory_space<vmem>>) semaphore(%arg15 : memref<!tpu.dma_semaphore, #tpu.memory_space<semaphore_mem>>)
      %scan3A_81 = arith.constant 0 : i32
      %scan3A_82 = arith.constant 0 : i32
      %scan3A_83 = arith.constant 7 : i32
      %scan3A_84 = arith.addi %scan3A_82, %scan3A_83 : i32
      %scan3A_85 = arith.constant 1 : i32
      scf.for %scan3A_119 = %scan3A_82 to %scan3A_84 step %scan3A_85  : i32 {
        %mul3A_120 = arith.constant 4 : i32
        %mul3A_121 = arith.muli %scan3A_119, %mul3A_120 : i32
        %add3A_122 = arith.constant 0 : i32
        %add3A_123 = arith.addi %mul3A_121, %add3A_122 : i32
        %mul3A_124 = arith.constant 64 : i32
        %mul3A_125 = arith.muli %add3A_123, %mul3A_124 : i32
        %multiple_of3A_126 = tpu.assume_multiple %mul3A_125, 8 : i32
        %dma_wait3A_127 = tpu.memref_slice %arg6[%multiple_of3A_126] : memref<2048xi32, #tpu.memory_space<vmem>> -> memref<64xi32, #tpu.memory_space<vmem>>
        %dma_wait3A_128 = arith.constant 0 : i32
        %dma_wait3A_129 = arith.constant 0 : i32
        %dma_wait3A_130 = tpu.memref_slice %arg2[%dma_wait3A_128, %dma_wait3A_129] : memref<10000x128xf32, #tpu.memory_space<hbm>> -> memref<10000x128xf32, #tpu.memory_space<hbm>>
        tpu.wait_indirect_dma semaphore(%arg13 : memref<!tpu.dma_semaphore, #tpu.memory_space<semaphore_mem>>) src(%dma_wait3A_130 : memref<10000x128xf32, #tpu.memory_space<hbm>>) dst(%arg8 : memref<64x128xf32, #tpu.memory_space<vmem>>)
        "tpu.region"() ({
          %run_scoped3A_202 = tpu.sem_alloc : memref<!tpu.dma_semaphore, #tpu.memory_space<semaphore_mem>>
          %dma_start3A_203 = arith.constant 0 : i32
          %dma_start3A_204 = tpu.memref_slice %arg7[%add3A_123, %dma_start3A_203] : memref<32x64xi32, #tpu.memory_space<vmem>> -> memref<1x64xi32, #tpu.memory_space<vmem>>
          %dma_start3A_205 = tpu.memref_squeeze %dma_start3A_204 : memref<1x64xi32, #tpu.memory_space<vmem>> -> memref<64xi32, #tpu.memory_space<vmem>>
          %dma_start3A_206 = arith.constant 0 : i32
          %dma_start3A_207 = arith.constant 0 : i32
          %dma_start3A_208 = tpu.memref_slice %arg12[%dma_start3A_206, %dma_start3A_207] : memref<10240x128xf32, #tpu.memory_space<vmem_shared>> -> memref<10240x128xf32, #tpu.memory_space<vmem_shared>>
          tpu.enqueue_indirect_dma source(%arg8 : memref<64x128xf32, #tpu.memory_space<vmem>>) target(%dma_start3A_208 : memref<10240x128xf32, #tpu.memory_space<vmem_shared>>) offsets(%dma_start3A_205 : memref<64xi32, #tpu.memory_space<vmem>>) semaphore(%run_scoped3A_202 : memref<!tpu.dma_semaphore, #tpu.memory_space<semaphore_mem>>) {add = true}
          %dma_wait3A_209 = arith.constant 0 : i32
          %dma_wait3A_210 = tpu.memref_slice %arg7[%add3A_123, %dma_wait3A_209] : memref<32x64xi32, #tpu.memory_space<vmem>> -> memref<1x64xi32, #tpu.memory_space<vmem>>
          %dma_wait3A_211 = tpu.memref_squeeze %dma_wait3A_210 : memref<1x64xi32, #tpu.memory_space<vmem>> -> memref<64xi32, #tpu.memory_space<vmem>>
          %dma_wait3A_212 = arith.constant 0 : i32
          %dma_wait3A_213 = arith.constant 0 : i32
          %dma_wait3A_214 = tpu.memref_slice %arg12[%dma_wait3A_212, %dma_wait3A_213] : memref<10240x128xf32, #tpu.memory_space<vmem_shared>> -> memref<10240x128xf32, #tpu.memory_space<vmem_shared>>
          tpu.wait_indirect_dma semaphore(%run_scoped3A_202 : memref<!tpu.dma_semaphore, #tpu.memory_space<semaphore_mem>>) src(%arg8 : memref<64x128xf32, #tpu.memory_space<vmem>>) dst(%dma_wait3A_214 : memref<10240x128xf32, #tpu.memory_space<vmem_shared>>)
          tpu.yield
        }) : () -> ()
        %add3A_131 = arith.constant 0 : i32
        %add3A_132 = arith.addi %mul3A_121, %add3A_131 : i32
        %add3A_133 = arith.constant 3 : i32
        %add3A_134 = arith.addi %add3A_132, %add3A_133 : i32
        %mul3A_135 = arith.constant 64 : i32
        %mul3A_136 = arith.muli %add3A_134, %mul3A_135 : i32
        %multiple_of3A_137 = tpu.assume_multiple %mul3A_136, 8 : i32
        %dma_start3A_138 = tpu.memref_slice %arg6[%multiple_of3A_137] : memref<2048xi32, #tpu.memory_space<vmem>> -> memref<64xi32, #tpu.memory_space<vmem>>
        %dma_start3A_139 = arith.constant 0 : i32
        %dma_start3A_140 = arith.constant 0 : i32
        %dma_start3A_141 = tpu.memref_slice %arg2[%dma_start3A_139, %dma_start3A_140] : memref<10000x128xf32, #tpu.memory_space<hbm>> -> memref<10000x128xf32, #tpu.memory_space<hbm>>
        tpu.enqueue_indirect_dma source(%dma_start3A_141 : memref<10000x128xf32, #tpu.memory_space<hbm>>) target(%arg11 : memref<64x128xf32, #tpu.memory_space<vmem>>) offsets(%dma_start3A_138 : memref<64xi32, #tpu.memory_space<vmem>>) semaphore(%arg16 : memref<!tpu.dma_semaphore, #tpu.memory_space<semaphore_mem>>)
        %add3A_142 = arith.constant 1 : i32
        %add3A_143 = arith.addi %mul3A_121, %add3A_142 : i32
        %mul3A_144 = arith.constant 64 : i32
        %mul3A_145 = arith.muli %add3A_143, %mul3A_144 : i32
        %multiple_of3A_146 = tpu.assume_multiple %mul3A_145, 8 : i32
        %dma_wait3A_147 = tpu.memref_slice %arg6[%multiple_of3A_146] : memref<2048xi32, #tpu.memory_space<vmem>> -> memref<64xi32, #tpu.memory_space<vmem>>
        %dma_wait3A_148 = arith.constant 0 : i32
        %dma_wait3A_149 = arith.constant 0 : i32
        %dma_wait3A_150 = tpu.memref_slice %arg2[%dma_wait3A_148, %dma_wait3A_149] : memref<10000x128xf32, #tpu.memory_space<hbm>> -> memref<10000x128xf32, #tpu.memory_space<hbm>>
        tpu.wait_indirect_dma semaphore(%arg14 : memref<!tpu.dma_semaphore, #tpu.memory_space<semaphore_mem>>) src(%dma_wait3A_150 : memref<10000x128xf32, #tpu.memory_space<hbm>>) dst(%arg9 : memref<64x128xf32, #tpu.memory_space<vmem>>)
        "tpu.region"() ({
          %run_scoped3A_202 = tpu.sem_alloc : memref<!tpu.dma_semaphore, #tpu.memory_space<semaphore_mem>>
          %dma_start3A_203 = arith.constant 0 : i32
          %dma_start3A_204 = tpu.memref_slice %arg7[%add3A_143, %dma_start3A_203] : memref<32x64xi32, #tpu.memory_space<vmem>> -> memref<1x64xi32, #tpu.memory_space<vmem>>
          %dma_start3A_205 = tpu.memref_squeeze %dma_start3A_204 : memref<1x64xi32, #tpu.memory_space<vmem>> -> memref<64xi32, #tpu.memory_space<vmem>>
          %dma_start3A_206 = arith.constant 0 : i32
          %dma_start3A_207 = arith.constant 0 : i32
          %dma_start3A_208 = tpu.memref_slice %arg12[%dma_start3A_206, %dma_start3A_207] : memref<10240x128xf32, #tpu.memory_space<vmem_shared>> -> memref<10240x128xf32, #tpu.memory_space<vmem_shared>>
          tpu.enqueue_indirect_dma source(%arg9 : memref<64x128xf32, #tpu.memory_space<vmem>>) target(%dma_start3A_208 : memref<10240x128xf32, #tpu.memory_space<vmem_shared>>) offsets(%dma_start3A_205 : memref<64xi32, #tpu.memory_space<vmem>>) semaphore(%run_scoped3A_202 : memref<!tpu.dma_semaphore, #tpu.memory_space<semaphore_mem>>) {add = true}
          %dma_wait3A_209 = arith.constant 0 : i32
          %dma_wait3A_210 = tpu.memref_slice %arg7[%add3A_143, %dma_wait3A_209] : memref<32x64xi32, #tpu.memory_space<vmem>> -> memref<1x64xi32, #tpu.memory_space<vmem>>
          %dma_wait3A_211 = tpu.memref_squeeze %dma_wait3A_210 : memref<1x64xi32, #tpu.memory_space<vmem>> -> memref<64xi32, #tpu.memory_space<vmem>>
          %dma_wait3A_212 = arith.constant 0 : i32
          %dma_wait3A_213 = arith.constant 0 : i32
          %dma_wait3A_214 = tpu.memref_slice %arg12[%dma_wait3A_212, %dma_wait3A_213] : memref<10240x128xf32, #tpu.memory_space<vmem_shared>> -> memref<10240x128xf32, #tpu.memory_space<vmem_shared>>
          tpu.wait_indirect_dma semaphore(%run_scoped3A_202 : memref<!tpu.dma_semaphore, #tpu.memory_space<semaphore_mem>>) src(%arg9 : memref<64x128xf32, #tpu.memory_space<vmem>>) dst(%dma_wait3A_214 : memref<10240x128xf32, #tpu.memory_space<vmem_shared>>)
          tpu.yield
        }) : () -> ()
        %add3A_151 = arith.constant 1 : i32
        %add3A_152 = arith.addi %mul3A_121, %add3A_151 : i32
        %add3A_153 = arith.constant 3 : i32
        %add3A_154 = arith.addi %add3A_152, %add3A_153 : i32
        %mul3A_155 = arith.constant 64 : i32
        %mul3A_156 = arith.muli %add3A_154, %mul3A_155 : i32
        %multiple_of3A_157 = tpu.assume_multiple %mul3A_156, 8 : i32
        %dma_start3A_158 = tpu.memref_slice %arg6[%multiple_of3A_157] : memref<2048xi32, #tpu.memory_space<vmem>> -> memref<64xi32, #tpu.memory_space<vmem>>
        %dma_start3A_159 = arith.constant 0 : i32
        %dma_start3A_160 = arith.constant 0 : i32
        %dma_start3A_161 = tpu.memref_slice %arg2[%dma_start3A_159, %dma_start3A_160] : memref<10000x128xf32, #tpu.memory_space<hbm>> -> memref<10000x128xf32, #tpu.memory_space<hbm>>
        tpu.enqueue_indirect_dma source(%dma_start3A_161 : memref<10000x128xf32, #tpu.memory_space<hbm>>) target(%arg8 : memref<64x128xf32, #tpu.memory_space<vmem>>) offsets(%dma_start3A_158 : memref<64xi32, #tpu.memory_space<vmem>>) semaphore(%arg13 : memref<!tpu.dma_semaphore, #tpu.memory_space<semaphore_mem>>)
        %add3A_162 = arith.constant 2 : i32
        %add3A_163 = arith.addi %mul3A_121, %add3A_162 : i32
        %mul3A_164 = arith.constant 64 : i32
        %mul3A_165 = arith.muli %add3A_163, %mul3A_164 : i32
        %multiple_of3A_166 = tpu.assume_multiple %mul3A_165, 8 : i32
        %dma_wait3A_167 = tpu.memref_slice %arg6[%multiple_of3A_166] : memref<2048xi32, #tpu.memory_space<vmem>> -> memref<64xi32, #tpu.memory_space<vmem>>
        %dma_wait3A_168 = arith.constant 0 : i32
        %dma_wait3A_169 = arith.constant 0 : i32
        %dma_wait3A_170 = tpu.memref_slice %arg2[%dma_wait3A_168, %dma_wait3A_169] : memref<10000x128xf32, #tpu.memory_space<hbm>> -> memref<10000x128xf32, #tpu.memory_space<hbm>>
        tpu.wait_indirect_dma semaphore(%arg15 : memref<!tpu.dma_semaphore, #tpu.memory_space<semaphore_mem>>) src(%dma_wait3A_170 : memref<10000x128xf32, #tpu.memory_space<hbm>>) dst(%arg10 : memref<64x128xf32, #tpu.memory_space<vmem>>)
        "tpu.region"() ({
          %run_scoped3A_202 = tpu.sem_alloc : memref<!tpu.dma_semaphore, #tpu.memory_space<semaphore_mem>>
          %dma_start3A_203 = arith.constant 0 : i32
          %dma_start3A_204 = tpu.memref_slice %arg7[%add3A_163, %dma_start3A_203] : memref<32x64xi32, #tpu.memory_space<vmem>> -> memref<1x64xi32, #tpu.memory_space<vmem>>
          %dma_start3A_205 = tpu.memref_squeeze %dma_start3A_204 : memref<1x64xi32, #tpu.memory_space<vmem>> -> memref<64xi32, #tpu.memory_space<vmem>>
          %dma_start3A_206 = arith.constant 0 : i32
          %dma_start3A_207 = arith.constant 0 : i32
          %dma_start3A_208 = tpu.memref_slice %arg12[%dma_start3A_206, %dma_start3A_207] : memref<10240x128xf32, #tpu.memory_space<vmem_shared>> -> memref<10240x128xf32, #tpu.memory_space<vmem_shared>>
          tpu.enqueue_indirect_dma source(%arg10 : memref<64x128xf32, #tpu.memory_space<vmem>>) target(%dma_start3A_208 : memref<10240x128xf32, #tpu.memory_space<vmem_shared>>) offsets(%dma_start3A_205 : memref<64xi32, #tpu.memory_space<vmem>>) semaphore(%run_scoped3A_202 : memref<!tpu.dma_semaphore, #tpu.memory_space<semaphore_mem>>) {add = true}
          %dma_wait3A_209 = arith.constant 0 : i32
          %dma_wait3A_210 = tpu.memref_slice %arg7[%add3A_163, %dma_wait3A_209] : memref<32x64xi32, #tpu.memory_space<vmem>> -> memref<1x64xi32, #tpu.memory_space<vmem>>
          %dma_wait3A_211 = tpu.memref_squeeze %dma_wait3A_210 : memref<1x64xi32, #tpu.memory_space<vmem>> -> memref<64xi32, #tpu.memory_space<vmem>>
          %dma_wait3A_212 = arith.constant 0 : i32
          %dma_wait3A_213 = arith.constant 0 : i32
          %dma_wait3A_214 = tpu.memref_slice %arg12[%dma_wait3A_212, %dma_wait3A_213] : memref<10240x128xf32, #tpu.memory_space<vmem_shared>> -> memref<10240x128xf32, #tpu.memory_space<vmem_shared>>
          tpu.wait_indirect_dma semaphore(%run_scoped3A_202 : memref<!tpu.dma_semaphore, #tpu.memory_space<semaphore_mem>>) src(%arg10 : memref<64x128xf32, #tpu.memory_space<vmem>>) dst(%dma_wait3A_214 : memref<10240x128xf32, #tpu.memory_space<vmem_shared>>)
          tpu.yield
        }) : () -> ()
        %add3A_171 = arith.constant 2 : i32
        %add3A_172 = arith.addi %mul3A_121, %add3A_171 : i32
        %add3A_173 = arith.constant 3 : i32
        %add3A_174 = arith.addi %add3A_172, %add3A_173 : i32
        %mul3A_175 = arith.constant 64 : i32
        %mul3A_176 = arith.muli %add3A_174, %mul3A_175 : i32
        %multiple_of3A_177 = tpu.assume_multiple %mul3A_176, 8 : i32
        %dma_start3A_178 = tpu.memref_slice %arg6[%multiple_of3A_177] : memref<2048xi32, #tpu.memory_space<vmem>> -> memref<64xi32, #tpu.memory_space<vmem>>
        %dma_start3A_179 = arith.constant 0 : i32
        %dma_start3A_180 = arith.constant 0 : i32
        %dma_start3A_181 = tpu.memref_slice %arg2[%dma_start3A_179, %dma_start3A_180] : memref<10000x128xf32, #tpu.memory_space<hbm>> -> memref<10000x128xf32, #tpu.memory_space<hbm>>
        tpu.enqueue_indirect_dma source(%dma_start3A_181 : memref<10000x128xf32, #tpu.memory_space<hbm>>) target(%arg9 : memref<64x128xf32, #tpu.memory_space<vmem>>) offsets(%dma_start3A_178 : memref<64xi32, #tpu.memory_space<vmem>>) semaphore(%arg14 : memref<!tpu.dma_semaphore, #tpu.memory_space<semaphore_mem>>)
        %add3A_182 = arith.constant 3 : i32
        %add3A_183 = arith.addi %mul3A_121, %add3A_182 : i32
        %mul3A_184 = arith.constant 64 : i32
        %mul3A_185 = arith.muli %add3A_183, %mul3A_184 : i32
        %multiple_of3A_186 = tpu.assume_multiple %mul3A_185, 8 : i32
        %dma_wait3A_187 = tpu.memref_slice %arg6[%multiple_of3A_186] : memref<2048xi32, #tpu.memory_space<vmem>> -> memref<64xi32, #tpu.memory_space<vmem>>
        %dma_wait3A_188 = arith.constant 0 : i32
        %dma_wait3A_189 = arith.constant 0 : i32
        %dma_wait3A_190 = tpu.memref_slice %arg2[%dma_wait3A_188, %dma_wait3A_189] : memref<10000x128xf32, #tpu.memory_space<hbm>> -> memref<10000x128xf32, #tpu.memory_space<hbm>>
        tpu.wait_indirect_dma semaphore(%arg16 : memref<!tpu.dma_semaphore, #tpu.memory_space<semaphore_mem>>) src(%dma_wait3A_190 : memref<10000x128xf32, #tpu.memory_space<hbm>>) dst(%arg11 : memref<64x128xf32, #tpu.memory_space<vmem>>)
        "tpu.region"() ({
          %run_scoped3A_202 = tpu.sem_alloc : memref<!tpu.dma_semaphore, #tpu.memory_space<semaphore_mem>>
          %dma_start3A_203 = arith.constant 0 : i32
          %dma_start3A_204 = tpu.memref_slice %arg7[%add3A_183, %dma_start3A_203] : memref<32x64xi32, #tpu.memory_space<vmem>> -> memref<1x64xi32, #tpu.memory_space<vmem>>
          %dma_start3A_205 = tpu.memref_squeeze %dma_start3A_204 : memref<1x64xi32, #tpu.memory_space<vmem>> -> memref<64xi32, #tpu.memory_space<vmem>>
          %dma_start3A_206 = arith.constant 0 : i32
          %dma_start3A_207 = arith.constant 0 : i32
          %dma_start3A_208 = tpu.memref_slice %arg12[%dma_start3A_206, %dma_start3A_207] : memref<10240x128xf32, #tpu.memory_space<vmem_shared>> -> memref<10240x128xf32, #tpu.memory_space<vmem_shared>>
          tpu.enqueue_indirect_dma source(%arg11 : memref<64x128xf32, #tpu.memory_space<vmem>>) target(%dma_start3A_208 : memref<10240x128xf32, #tpu.memory_space<vmem_shared>>) offsets(%dma_start3A_205 : memref<64xi32, #tpu.memory_space<vmem>>) semaphore(%run_scoped3A_202 : memref<!tpu.dma_semaphore, #tpu.memory_space<semaphore_mem>>) {add = true}
          %dma_wait3A_209 = arith.constant 0 : i32
          %dma_wait3A_210 = tpu.memref_slice %arg7[%add3A_183, %dma_wait3A_209] : memref<32x64xi32, #tpu.memory_space<vmem>> -> memref<1x64xi32, #tpu.memory_space<vmem>>
          %dma_wait3A_211 = tpu.memref_squeeze %dma_wait3A_210 : memref<1x64xi32, #tpu.memory_space<vmem>> -> memref<64xi32, #tpu.memory_space<vmem>>
          %dma_wait3A_212 = arith.constant 0 : i32
          %dma_wait3A_213 = arith.constant 0 : i32
          %dma_wait3A_214 = tpu.memref_slice %arg12[%dma_wait3A_212, %dma_wait3A_213] : memref<10240x128xf32, #tpu.memory_space<vmem_shared>> -> memref<10240x128xf32, #tpu.memory_space<vmem_shared>>
          tpu.wait_indirect_dma semaphore(%run_scoped3A_202 : memref<!tpu.dma_semaphore, #tpu.memory_space<semaphore_mem>>) src(%arg11 : memref<64x128xf32, #tpu.memory_space<vmem>>) dst(%dma_wait3A_214 : memref<10240x128xf32, #tpu.memory_space<vmem_shared>>)
          tpu.yield
        }) : () -> ()
        %add3A_191 = arith.constant 3 : i32
        %add3A_192 = arith.addi %mul3A_121, %add3A_191 : i32
        %add3A_193 = arith.constant 3 : i32
        %add3A_194 = arith.addi %add3A_192, %add3A_193 : i32
        %mul3A_195 = arith.constant 64 : i32
        %mul3A_196 = arith.muli %add3A_194, %mul3A_195 : i32
        %multiple_of3A_197 = tpu.assume_multiple %mul3A_196, 8 : i32
        %dma_start3A_198 = tpu.memref_slice %arg6[%multiple_of3A_197] : memref<2048xi32, #tpu.memory_space<vmem>> -> memref<64xi32, #tpu.memory_space<vmem>>
        %dma_start3A_199 = arith.constant 0 : i32
        %dma_start3A_200 = arith.constant 0 : i32
        %dma_start3A_201 = tpu.memref_slice %arg2[%dma_start3A_199, %dma_start3A_200] : memref<10000x128xf32, #tpu.memory_space<hbm>> -> memref<10000x128xf32, #tpu.memory_space<hbm>>
        tpu.enqueue_indirect_dma source(%dma_start3A_201 : memref<10000x128xf32, #tpu.memory_space<hbm>>) target(%arg10 : memref<64x128xf32, #tpu.memory_space<vmem>>) offsets(%dma_start3A_198 : memref<64xi32, #tpu.memory_space<vmem>>) semaphore(%arg15 : memref<!tpu.dma_semaphore, #tpu.memory_space<semaphore_mem>>)
      }
      %scan3A_86 = arith.constant 7 : i32
      %multiple_of3A_87 = arith.constant 1792 : i32
      %multiple_of3A_88 = tpu.assume_multiple %multiple_of3A_87, 8 : i32
      %dma_wait3A = tpu.memref_slice %arg6[%multiple_of3A_88] : memref<2048xi32, #tpu.memory_space<vmem>> -> memref<64xi32, #tpu.memory_space<vmem>>
      %dma_wait3A_89 = arith.constant 0 : i32
      %dma_wait3A_90 = arith.constant 0 : i32
      %dma_wait3A_91 = tpu.memref_slice %arg2[%dma_wait3A_89, %dma_wait3A_90] : memref<10000x128xf32, #tpu.memory_space<hbm>> -> memref<10000x128xf32, #tpu.memory_space<hbm>>
      tpu.wait_indirect_dma semaphore(%arg13 : memref<!tpu.dma_semaphore, #tpu.memory_space<semaphore_mem>>) src(%dma_wait3A_91 : memref<10000x128xf32, #tpu.memory_space<hbm>>) dst(%arg8 : memref<64x128xf32, #tpu.memory_space<vmem>>)
      %run_scoped3A = arith.constant 28 : i32
      "tpu.region"() ({
        %run_scoped3A_119 = tpu.sem_alloc : memref<!tpu.dma_semaphore, #tpu.memory_space<semaphore_mem>>
        %dma_start3A_120 = arith.constant 0 : i32
        %dma_start3A_121 = tpu.memref_slice %arg7[%run_scoped3A, %dma_start3A_120] : memref<32x64xi32, #tpu.memory_space<vmem>> -> memref<1x64xi32, #tpu.memory_space<vmem>>
        %dma_start3A_122 = tpu.memref_squeeze %dma_start3A_121 : memref<1x64xi32, #tpu.memory_space<vmem>> -> memref<64xi32, #tpu.memory_space<vmem>>
        %dma_start3A_123 = arith.constant 0 : i32
        %dma_start3A_124 = arith.constant 0 : i32
        %dma_start3A_125 = tpu.memref_slice %arg12[%dma_start3A_123, %dma_start3A_124] : memref<10240x128xf32, #tpu.memory_space<vmem_shared>> -> memref<10240x128xf32, #tpu.memory_space<vmem_shared>>
        tpu.enqueue_indirect_dma source(%arg8 : memref<64x128xf32, #tpu.memory_space<vmem>>) target(%dma_start3A_125 : memref<10240x128xf32, #tpu.memory_space<vmem_shared>>) offsets(%dma_start3A_122 : memref<64xi32, #tpu.memory_space<vmem>>) semaphore(%run_scoped3A_119 : memref<!tpu.dma_semaphore, #tpu.memory_space<semaphore_mem>>) {add = true}
        %dma_wait3A_126 = arith.constant 0 : i32
        %dma_wait3A_127 = tpu.memref_slice %arg7[%run_scoped3A, %dma_wait3A_126] : memref<32x64xi32, #tpu.memory_space<vmem>> -> memref<1x64xi32, #tpu.memory_space<vmem>>
        %dma_wait3A_128 = tpu.memref_squeeze %dma_wait3A_127 : memref<1x64xi32, #tpu.memory_space<vmem>> -> memref<64xi32, #tpu.memory_space<vmem>>
        %dma_wait3A_129 = arith.constant 0 : i32
        %dma_wait3A_130 = arith.constant 0 : i32
        %dma_wait3A_131 = tpu.memref_slice %arg12[%dma_wait3A_129, %dma_wait3A_130] : memref<10240x128xf32, #tpu.memory_space<vmem_shared>> -> memref<10240x128xf32, #tpu.memory_space<vmem_shared>>
        tpu.wait_indirect_dma semaphore(%run_scoped3A_119 : memref<!tpu.dma_semaphore, #tpu.memory_space<semaphore_mem>>) src(%arg8 : memref<64x128xf32, #tpu.memory_space<vmem>>) dst(%dma_wait3A_131 : memref<10240x128xf32, #tpu.memory_space<vmem_shared>>)
        tpu.yield
      }) : () -> ()
      %multiple_of3A_92 = arith.constant 1984 : i32
      %multiple_of3A_93 = tpu.assume_multiple %multiple_of3A_92, 8 : i32
      %dma_start3A_94 = tpu.memref_slice %arg6[%multiple_of3A_93] : memref<2048xi32, #tpu.memory_space<vmem>> -> memref<64xi32, #tpu.memory_space<vmem>>
      %dma_start3A_95 = arith.constant 0 : i32
      %dma_start3A_96 = arith.constant 0 : i32
      %dma_start3A_97 = tpu.memref_slice %arg2[%dma_start3A_95, %dma_start3A_96] : memref<10000x128xf32, #tpu.memory_space<hbm>> -> memref<10000x128xf32, #tpu.memory_space<hbm>>
      tpu.enqueue_indirect_dma source(%dma_start3A_97 : memref<10000x128xf32, #tpu.memory_space<hbm>>) target(%arg11 : memref<64x128xf32, #tpu.memory_space<vmem>>) offsets(%dma_start3A_94 : memref<64xi32, #tpu.memory_space<vmem>>) semaphore(%arg16 : memref<!tpu.dma_semaphore, #tpu.memory_space<semaphore_mem>>)
      %multiple_of3A_98 = arith.constant 1856 : i32
      %multiple_of3A_99 = tpu.assume_multiple %multiple_of3A_98, 8 : i32
      %dma_wait3A_100 = tpu.memref_slice %arg6[%multiple_of3A_99] : memref<2048xi32, #tpu.memory_space<vmem>> -> memref<64xi32, #tpu.memory_space<vmem>>
      %dma_wait3A_101 = arith.constant 0 : i32
      %dma_wait3A_102 = arith.constant 0 : i32
      %dma_wait3A_103 = tpu.memref_slice %arg2[%dma_wait3A_101, %dma_wait3A_102] : memref<10000x128xf32, #tpu.memory_space<hbm>> -> memref<10000x128xf32, #tpu.memory_space<hbm>>
      tpu.wait_indirect_dma semaphore(%arg14 : memref<!tpu.dma_semaphore, #tpu.memory_space<semaphore_mem>>) src(%dma_wait3A_103 : memref<10000x128xf32, #tpu.memory_space<hbm>>) dst(%arg9 : memref<64x128xf32, #tpu.memory_space<vmem>>)
      %run_scoped3A_104 = arith.constant 29 : i32
      "tpu.region"() ({
        %run_scoped3A_119 = tpu.sem_alloc : memref<!tpu.dma_semaphore, #tpu.memory_space<semaphore_mem>>
        %dma_start3A_120 = arith.constant 0 : i32
        %dma_start3A_121 = tpu.memref_slice %arg7[%run_scoped3A_104, %dma_start3A_120] : memref<32x64xi32, #tpu.memory_space<vmem>> -> memref<1x64xi32, #tpu.memory_space<vmem>>
        %dma_start3A_122 = tpu.memref_squeeze %dma_start3A_121 : memref<1x64xi32, #tpu.memory_space<vmem>> -> memref<64xi32, #tpu.memory_space<vmem>>
        %dma_start3A_123 = arith.constant 0 : i32
        %dma_start3A_124 = arith.constant 0 : i32
        %dma_start3A_125 = tpu.memref_slice %arg12[%dma_start3A_123, %dma_start3A_124] : memref<10240x128xf32, #tpu.memory_space<vmem_shared>> -> memref<10240x128xf32, #tpu.memory_space<vmem_shared>>
        tpu.enqueue_indirect_dma source(%arg9 : memref<64x128xf32, #tpu.memory_space<vmem>>) target(%dma_start3A_125 : memref<10240x128xf32, #tpu.memory_space<vmem_shared>>) offsets(%dma_start3A_122 : memref<64xi32, #tpu.memory_space<vmem>>) semaphore(%run_scoped3A_119 : memref<!tpu.dma_semaphore, #tpu.memory_space<semaphore_mem>>) {add = true}
        %dma_wait3A_126 = arith.constant 0 : i32
        %dma_wait3A_127 = tpu.memref_slice %arg7[%run_scoped3A_104, %dma_wait3A_126] : memref<32x64xi32, #tpu.memory_space<vmem>> -> memref<1x64xi32, #tpu.memory_space<vmem>>
        %dma_wait3A_128 = tpu.memref_squeeze %dma_wait3A_127 : memref<1x64xi32, #tpu.memory_space<vmem>> -> memref<64xi32, #tpu.memory_space<vmem>>
        %dma_wait3A_129 = arith.constant 0 : i32
        %dma_wait3A_130 = arith.constant 0 : i32
        %dma_wait3A_131 = tpu.memref_slice %arg12[%dma_wait3A_129, %dma_wait3A_130] : memref<10240x128xf32, #tpu.memory_space<vmem_shared>> -> memref<10240x128xf32, #tpu.memory_space<vmem_shared>>
        tpu.wait_indirect_dma semaphore(%run_scoped3A_119 : memref<!tpu.dma_semaphore, #tpu.memory_space<semaphore_mem>>) src(%arg9 : memref<64x128xf32, #tpu.memory_space<vmem>>) dst(%dma_wait3A_131 : memref<10240x128xf32, #tpu.memory_space<vmem_shared>>)
        tpu.yield
      }) : () -> ()
      %multiple_of3A_105 = arith.constant 1920 : i32
      %multiple_of3A_106 = tpu.assume_multiple %multiple_of3A_105, 8 : i32
      %dma_wait3A_107 = tpu.memref_slice %arg6[%multiple_of3A_106] : memref<2048xi32, #tpu.memory_space<vmem>> -> memref<64xi32, #tpu.memory_space<vmem>>
      %dma_wait3A_108 = arith.constant 0 : i32
      %dma_wait3A_109 = arith.constant 0 : i32
      %dma_wait3A_110 = tpu.memref_slice %arg2[%dma_wait3A_108, %dma_wait3A_109] : memref<10000x128xf32, #tpu.memory_space<hbm>> -> memref<10000x128xf32, #tpu.memory_space<hbm>>
      tpu.wait_indirect_dma semaphore(%arg15 : memref<!tpu.dma_semaphore, #tpu.memory_space<semaphore_mem>>) src(%dma_wait3A_110 : memref<10000x128xf32, #tpu.memory_space<hbm>>) dst(%arg10 : memref<64x128xf32, #tpu.memory_space<vmem>>)
      %run_scoped3A_111 = arith.constant 30 : i32
      "tpu.region"() ({
        %run_scoped3A_119 = tpu.sem_alloc : memref<!tpu.dma_semaphore, #tpu.memory_space<semaphore_mem>>
        %dma_start3A_120 = arith.constant 0 : i32
        %dma_start3A_121 = tpu.memref_slice %arg7[%run_scoped3A_111, %dma_start3A_120] : memref<32x64xi32, #tpu.memory_space<vmem>> -> memref<1x64xi32, #tpu.memory_space<vmem>>
        %dma_start3A_122 = tpu.memref_squeeze %dma_start3A_121 : memref<1x64xi32, #tpu.memory_space<vmem>> -> memref<64xi32, #tpu.memory_space<vmem>>
        %dma_start3A_123 = arith.constant 0 : i32
        %dma_start3A_124 = arith.constant 0 : i32
        %dma_start3A_125 = tpu.memref_slice %arg12[%dma_start3A_123, %dma_start3A_124] : memref<10240x128xf32, #tpu.memory_space<vmem_shared>> -> memref<10240x128xf32, #tpu.memory_space<vmem_shared>>
        tpu.enqueue_indirect_dma source(%arg10 : memref<64x128xf32, #tpu.memory_space<vmem>>) target(%dma_start3A_125 : memref<10240x128xf32, #tpu.memory_space<vmem_shared>>) offsets(%dma_start3A_122 : memref<64xi32, #tpu.memory_space<vmem>>) semaphore(%run_scoped3A_119 : memref<!tpu.dma_semaphore, #tpu.memory_space<semaphore_mem>>) {add = true}
        %dma_wait3A_126 = arith.constant 0 : i32
        %dma_wait3A_127 = tpu.memref_slice %arg7[%run_scoped3A_111, %dma_wait3A_126] : memref<32x64xi32, #tpu.memory_space<vmem>> -> memref<1x64xi32, #tpu.memory_space<vmem>>
        %dma_wait3A_128 = tpu.memref_squeeze %dma_wait3A_127 : memref<1x64xi32, #tpu.memory_space<vmem>> -> memref<64xi32, #tpu.memory_space<vmem>>
        %dma_wait3A_129 = arith.constant 0 : i32
        %dma_wait3A_130 = arith.constant 0 : i32
        %dma_wait3A_131 = tpu.memref_slice %arg12[%dma_wait3A_129, %dma_wait3A_130] : memref<10240x128xf32, #tpu.memory_space<vmem_shared>> -> memref<10240x128xf32, #tpu.memory_space<vmem_shared>>
        tpu.wait_indirect_dma semaphore(%run_scoped3A_119 : memref<!tpu.dma_semaphore, #tpu.memory_space<semaphore_mem>>) src(%arg10 : memref<64x128xf32, #tpu.memory_space<vmem>>) dst(%dma_wait3A_131 : memref<10240x128xf32, #tpu.memory_space<vmem_shared>>)
        tpu.yield
      }) : () -> ()
      %multiple_of3A_112 = arith.constant 1984 : i32
      %multiple_of3A_113 = tpu.assume_multiple %multiple_of3A_112, 8 : i32
      %dma_wait3A_114 = tpu.memref_slice %arg6[%multiple_of3A_113] : memref<2048xi32, #tpu.memory_space<vmem>> -> memref<64xi32, #tpu.memory_space<vmem>>
      %dma_wait3A_115 = arith.constant 0 : i32
      %dma_wait3A_116 = arith.constant 0 : i32
      %dma_wait3A_117 = tpu.memref_slice %arg2[%dma_wait3A_115, %dma_wait3A_116] : memref<10000x128xf32, #tpu.memory_space<hbm>> -> memref<10000x128xf32, #tpu.memory_space<hbm>>
      tpu.wait_indirect_dma semaphore(%arg16 : memref<!tpu.dma_semaphore, #tpu.memory_space<semaphore_mem>>) src(%dma_wait3A_117 : memref<10000x128xf32, #tpu.memory_space<hbm>>) dst(%arg11 : memref<64x128xf32, #tpu.memory_space<vmem>>)
      %run_scoped3A_118 = arith.constant 31 : i32
      "tpu.region"() ({
        %run_scoped3A_119 = tpu.sem_alloc : memref<!tpu.dma_semaphore, #tpu.memory_space<semaphore_mem>>
        %dma_start3A_120 = arith.constant 0 : i32
        %dma_start3A_121 = tpu.memref_slice %arg7[%run_scoped3A_118, %dma_start3A_120] : memref<32x64xi32, #tpu.memory_space<vmem>> -> memref<1x64xi32, #tpu.memory_space<vmem>>
        %dma_start3A_122 = tpu.memref_squeeze %dma_start3A_121 : memref<1x64xi32, #tpu.memory_space<vmem>> -> memref<64xi32, #tpu.memory_space<vmem>>
        %dma_start3A_123 = arith.constant 0 : i32
        %dma_start3A_124 = arith.constant 0 : i32
        %dma_start3A_125 = tpu.memref_slice %arg12[%dma_start3A_123, %dma_start3A_124] : memref<10240x128xf32, #tpu.memory_space<vmem_shared>> -> memref<10240x128xf32, #tpu.memory_space<vmem_shared>>
        tpu.enqueue_indirect_dma source(%arg11 : memref<64x128xf32, #tpu.memory_space<vmem>>) target(%dma_start3A_125 : memref<10240x128xf32, #tpu.memory_space<vmem_shared>>) offsets(%dma_start3A_122 : memref<64xi32, #tpu.memory_space<vmem>>) semaphore(%run_scoped3A_119 : memref<!tpu.dma_semaphore, #tpu.memory_space<semaphore_mem>>) {add = true}
        %dma_wait3A_126 = arith.constant 0 : i32
        %dma_wait3A_127 = tpu.memref_slice %arg7[%run_scoped3A_118, %dma_wait3A_126] : memref<32x64xi32, #tpu.memory_space<vmem>> -> memref<1x64xi32, #tpu.memory_space<vmem>>
        %dma_wait3A_128 = tpu.memref_squeeze %dma_wait3A_127 : memref<1x64xi32, #tpu.memory_space<vmem>> -> memref<64xi32, #tpu.memory_space<vmem>>
        %dma_wait3A_129 = arith.constant 0 : i32
        %dma_wait3A_130 = arith.constant 0 : i32
        %dma_wait3A_131 = tpu.memref_slice %arg12[%dma_wait3A_129, %dma_wait3A_130] : memref<10240x128xf32, #tpu.memory_space<vmem_shared>> -> memref<10240x128xf32, #tpu.memory_space<vmem_shared>>
        tpu.wait_indirect_dma semaphore(%run_scoped3A_119 : memref<!tpu.dma_semaphore, #tpu.memory_space<semaphore_mem>>) src(%arg11 : memref<64x128xf32, #tpu.memory_space<vmem>>) dst(%dma_wait3A_131 : memref<10240x128xf32, #tpu.memory_space<vmem_shared>>)
        tpu.yield
      }) : () -> ()
    }
    %barrier3A_53 = arith.constant 0 : index
    tpu.barrier barrier_id(%barrier3A_53)
    %mul3A_54 = arith.constant 10240 : i32
    %mul3A_55 = arith.muli %arg0, %mul3A_54 : i32
    %add3A_56 = arith.addi %mul3A_55, %mul3A_5 : i32
    "tpu.region"() ({
      %run_scoped3A = tpu.sem_alloc : memref<!tpu.dma_semaphore, #tpu.memory_space<semaphore_mem>>
      %dma_start3A = arith.constant 0 : i32
      %dma_start3A_57 = tpu.memref_slice %arg5[%add3A_56, %dma_start3A] : memref<20480x128xf32, #tpu.memory_space<hbm>> -> memref<640x128xf32, #tpu.memory_space<hbm>>
      %dma_start3A_58 = arith.constant 0 : i32
      %dma_start3A_59 = tpu.memref_slice %arg12[%mul3A_5, %dma_start3A_58] : memref<10240x128xf32, #tpu.memory_space<vmem_shared>> -> memref<640x128xf32, #tpu.memory_space<vmem_shared>>
      tpu.enqueue_dma source(%dma_start3A_59 : memref<640x128xf32, #tpu.memory_space<vmem_shared>>) target(%dma_start3A_57 : memref<640x128xf32, #tpu.memory_space<hbm>>) target_semaphore(%run_scoped3A : memref<!tpu.dma_semaphore, #tpu.memory_space<semaphore_mem>>)
      %dma_wait3A = arith.constant 0 : i32
      %dma_wait3A_60 = tpu.memref_slice %arg5[%add3A_56, %dma_wait3A] : memref<20480x128xf32, #tpu.memory_space<hbm>> -> memref<640x128xf32, #tpu.memory_space<hbm>>
      %dma_wait3A_61 = arith.constant 0 : i32
      %dma_wait3A_62 = tpu.memref_slice %arg12[%mul3A_5, %dma_wait3A_61] : memref<10240x128xf32, #tpu.memory_space<vmem_shared>> -> memref<640x128xf32, #tpu.memory_space<vmem_shared>>
      tpu.wait_dma2 semaphore(%run_scoped3A : memref<!tpu.dma_semaphore, #tpu.memory_space<semaphore_mem>>) src(%dma_wait3A_62 : memref<640x128xf32, #tpu.memory_space<vmem_shared>>) dst(%dma_wait3A_60 : memref<640x128xf32, #tpu.memory_space<hbm>>)
      tpu.yield
    }) : () -> ()
    return
  }
}

#map = affine_map<(d0, d1) -> (0, 0)>
#map1 = affine_map<(d0, d1) -> (0)>
module attributes {stable_mosaic.version = 14 : i64} {
  func.func @_seg_sum(%arg0: i32, %arg1: i32, %arg2: memref<10000x128xf32, #tpu.memory_space<hbm>>, %arg3: memref<327680xi32, #tpu.memory_space<hbm>>, %arg4: memref<5120x64xi32, #tpu.memory_space<hbm>>, %arg5: memref<20480x128xf32, #tpu.memory_space<hbm>>, %arg6: memref<2048xi32, #tpu.memory_space<vmem>>, %arg7: memref<32x64xi32, #tpu.memory_space<vmem>>, %arg8: memref<64x128xf32, #tpu.memory_space<vmem>>, %arg9: memref<64x128xf32, #tpu.memory_space<vmem>>, %arg10: memref<64x128xf32, #tpu.memory_space<vmem>>, %arg11: memref<64x128xf32, #tpu.memory_space<vmem>>, %arg12: memref<10240x128xf32, #tpu.memory_space<vmem_shared>>, %arg13: memref<!tpu.dma_semaphore, #tpu.memory_space<semaphore_mem>>, %arg14: memref<!tpu.dma_semaphore, #tpu.memory_space<semaphore_mem>>, %arg15: memref<!tpu.dma_semaphore, #tpu.memory_space<semaphore_mem>>, %arg16: memref<!tpu.dma_semaphore, #tpu.memory_space<semaphore_mem>>) attributes {dimension_semantics = [#tpu.dimension_semantics<core_parallel>, #tpu.dimension_semantics<subcore_parallel>], iteration_bounds = array<i64: 2, 16>, scalar_prefetch = 0 : i64, scratch_operands = 11 : i64, tpu.core_type = #tpu.core_type<sc_vector_subcore>, window_params = [{transform_indices = #map}, {transform_indices = #map1}, {transform_indices = #map}, {transform_indices = #map}]} {
    %scan3A = arith.constant 0 : i32
    %scan3A_0 = arith.constant 0 : i32
    %scan3A_1 = arith.constant 64 : i32
    %scan3A_2 = arith.addi %scan3A_0, %scan3A_1 : i32
    %scan3A_3 = arith.constant 1 : i32
    scf.for %scan3A_57 = %scan3A_0 to %scan3A_2 step %scan3A_3  : i32 {
      %broadcast_in_dim3A = arith.constant 0.000000e+00 : f32
      %broadcast_in_dim3A_58 = vector.broadcast %broadcast_in_dim3A : f32 to vector<16xf32>
      %swap3A = arith.index_cast %scan3A_57 : i32 to index
      %swap3A_59 = arith.constant 0 : index
      %swap3A_60 = tpu.vector_load %arg8[%swap3A, %swap3A_59] {strides = array<i32>} : memref<64x128xf32, #tpu.memory_space<vmem>>, vector<1x16xf32>,
      %swap3A_61 = vector.shape_cast %swap3A_60 : vector<1x16xf32> to vector<16xf32>
      %swap3A_62 = vector.shape_cast %broadcast_in_dim3A_58 : vector<16xf32> to vector<1x16xf32>
      tpu.vector_store %arg8[%swap3A, %swap3A_59], %swap3A_62 {strides = array<i32>} : memref<64x128xf32, #tpu.memory_space<vmem>>, vector<1x16xf32>,
      %broadcast_in_dim3A_63 = arith.constant 0.000000e+00 : f32
      %broadcast_in_dim3A_64 = vector.broadcast %broadcast_in_dim3A_63 : f32 to vector<16xf32>
      %swap3A_65 = arith.index_cast %scan3A_57 : i32 to index
      %swap3A_66 = arith.constant 16 : index
      %swap3A_67 = tpu.vector_load %arg8[%swap3A_65, %swap3A_66] {strides = array<i32>} : memref<64x128xf32, #tpu.memory_space<vmem>>, vector<1x16xf32>,
      %swap3A_68 = vector.shape_cast %swap3A_67 : vector<1x16xf32> to vector<16xf32>
      %swap3A_69 = vector.shape_cast %broadcast_in_dim3A_64 : vector<16xf32> to vector<1x16xf32>
      tpu.vector_store %arg8[%swap3A_65, %swap3A_66], %swap3A_69 {strides = array<i32>} : memref<64x128xf32, #tpu.memory_space<vmem>>, vector<1x16xf32>,
      %broadcast_in_dim3A_70 = arith.constant 0.000000e+00 : f32
      %broadcast_in_dim3A_71 = vector.broadcast %broadcast_in_dim3A_70 : f32 to vector<16xf32>
      %swap3A_72 = arith.index_cast %scan3A_57 : i32 to index
      %swap3A_73 = arith.constant 32 : index
      %swap3A_74 = tpu.vector_load %arg8[%swap3A_72, %swap3A_73] {strides = array<i32>} : memref<64x128xf32, #tpu.memory_space<vmem>>, vector<1x16xf32>,
      %swap3A_75 = vector.shape_cast %swap3A_74 : vector<1x16xf32> to vector<16xf32>
      %swap3A_76 = vector.shape_cast %broadcast_in_dim3A_71 : vector<16xf32> to vector<1x16xf32>
      tpu.vector_store %arg8[%swap3A_72, %swap3A_73], %swap3A_76 {strides = array<i32>} : memref<64x128xf32, #tpu.memory_space<vmem>>, vector<1x16xf32>,
      %broadcast_in_dim3A_77 = arith.constant 0.000000e+00 : f32
      %broadcast_in_dim3A_78 = vector.broadcast %broadcast_in_dim3A_77 : f32 to vector<16xf32>
      %swap3A_79 = arith.index_cast %scan3A_57 : i32 to index
      %swap3A_80 = arith.constant 48 : index
      %swap3A_81 = tpu.vector_load %arg8[%swap3A_79, %swap3A_80] {strides = array<i32>} : memref<64x128xf32, #tpu.memory_space<vmem>>, vector<1x16xf32>,
      %swap3A_82 = vector.shape_cast %swap3A_81 : vector<1x16xf32> to vector<16xf32>
      %swap3A_83 = vector.shape_cast %broadcast_in_dim3A_78 : vector<16xf32> to vector<1x16xf32>
      tpu.vector_store %arg8[%swap3A_79, %swap3A_80], %swap3A_83 {strides = array<i32>} : memref<64x128xf32, #tpu.memory_space<vmem>>, vector<1x16xf32>,
      %broadcast_in_dim3A_84 = arith.constant 0.000000e+00 : f32
      %broadcast_in_dim3A_85 = vector.broadcast %broadcast_in_dim3A_84 : f32 to vector<16xf32>
      %swap3A_86 = arith.index_cast %scan3A_57 : i32 to index
      %swap3A_87 = arith.constant 64 : index
      %swap3A_88 = tpu.vector_load %arg8[%swap3A_86, %swap3A_87] {strides = array<i32>} : memref<64x128xf32, #tpu.memory_space<vmem>>, vector<1x16xf32>,
      %swap3A_89 = vector.shape_cast %swap3A_88 : vector<1x16xf32> to vector<16xf32>
      %swap3A_90 = vector.shape_cast %broadcast_in_dim3A_85 : vector<16xf32> to vector<1x16xf32>
      tpu.vector_store %arg8[%swap3A_86, %swap3A_87], %swap3A_90 {strides = array<i32>} : memref<64x128xf32, #tpu.memory_space<vmem>>, vector<1x16xf32>,
      %broadcast_in_dim3A_91 = arith.constant 0.000000e+00 : f32
      %broadcast_in_dim3A_92 = vector.broadcast %broadcast_in_dim3A_91 : f32 to vector<16xf32>
      %swap3A_93 = arith.index_cast %scan3A_57 : i32 to index
      %swap3A_94 = arith.constant 80 : index
      %swap3A_95 = tpu.vector_load %arg8[%swap3A_93, %swap3A_94] {strides = array<i32>} : memref<64x128xf32, #tpu.memory_space<vmem>>, vector<1x16xf32>,
      %swap3A_96 = vector.shape_cast %swap3A_95 : vector<1x16xf32> to vector<16xf32>
      %swap3A_97 = vector.shape_cast %broadcast_in_dim3A_92 : vector<16xf32> to vector<1x16xf32>
      tpu.vector_store %arg8[%swap3A_93, %swap3A_94], %swap3A_97 {strides = array<i32>} : memref<64x128xf32, #tpu.memory_space<vmem>>, vector<1x16xf32>,
      %broadcast_in_dim3A_98 = arith.constant 0.000000e+00 : f32
      %broadcast_in_dim3A_99 = vector.broadcast %broadcast_in_dim3A_98 : f32 to vector<16xf32>
      %swap3A_100 = arith.index_cast %scan3A_57 : i32 to index
      %swap3A_101 = arith.constant 96 : index
      %swap3A_102 = tpu.vector_load %arg8[%swap3A_100, %swap3A_101] {strides = array<i32>} : memref<64x128xf32, #tpu.memory_space<vmem>>, vector<1x16xf32>,
      %swap3A_103 = vector.shape_cast %swap3A_102 : vector<1x16xf32> to vector<16xf32>
      %swap3A_104 = vector.shape_cast %broadcast_in_dim3A_99 : vector<16xf32> to vector<1x16xf32>
      tpu.vector_store %arg8[%swap3A_100, %swap3A_101], %swap3A_104 {strides = array<i32>} : memref<64x128xf32, #tpu.memory_space<vmem>>, vector<1x16xf32>,
      %broadcast_in_dim3A_105 = arith.constant 0.000000e+00 : f32
      %broadcast_in_dim3A_106 = vector.broadcast %broadcast_in_dim3A_105 : f32 to vector<16xf32>
      %swap3A_107 = arith.index_cast %scan3A_57 : i32 to index
      %swap3A_108 = arith.constant 112 : index
      %swap3A_109 = tpu.vector_load %arg8[%swap3A_107, %swap3A_108] {strides = array<i32>} : memref<64x128xf32, #tpu.memory_space<vmem>>, vector<1x16xf32>,
      %swap3A_110 = vector.shape_cast %swap3A_109 : vector<1x16xf32> to vector<16xf32>
      %swap3A_111 = vector.shape_cast %broadcast_in_dim3A_106 : vector<16xf32> to vector<1x16xf32>
      tpu.vector_store %arg8[%swap3A_107, %swap3A_108], %swap3A_111 {strides = array<i32>} : memref<64x128xf32, #tpu.memory_space<vmem>>, vector<1x16xf32>,
    }
    %scan3A_4 = arith.constant 64 : i32
    %mul3A = arith.constant 640 : i32
    %mul3A_5 = arith.muli %arg1, %mul3A : i32
    %add3A = arith.constant 0 : i32
    %add3A_6 = arith.addi %mul3A_5, %add3A : i32
    "tpu.region"() ({
      %run_scoped3A = tpu.sem_alloc : memref<!tpu.dma_semaphore, #tpu.memory_space<semaphore_mem>>
      %dma_start3A = arith.constant 0 : i32
      %dma_start3A_57 = tpu.memref_slice %arg12[%add3A_6, %dma_start3A] : memref<10240x128xf32, #tpu.memory_space<vmem_shared>> -> memref<64x128xf32, #tpu.memory_space<vmem_shared>>
      %dma_start3A_58 = arith.constant 0 : i32
      %dma_start3A_59 = tpu.memref_slice %arg12[%add3A_6, %dma_start3A_58] : memref<10240x128xf32, #tpu.memory_space<vmem_shared>> -> memref<64x128xf32, #tpu.memory_space<vmem_shared>>
      tpu.enqueue_dma source(%arg8 : memref<64x128xf32, #tpu.memory_space<vmem>>) target(%dma_start3A_59 : memref<64x128xf32, #tpu.memory_space<vmem_shared>>) target_semaphore(%run_scoped3A : memref<!tpu.dma_semaphore, #tpu.memory_space<semaphore_mem>>)
      %dma_wait3A = arith.constant 0 : i32
      %dma_wait3A_60 = tpu.memref_slice %arg12[%add3A_6, %dma_wait3A] : memref<10240x128xf32, #tpu.memory_space<vmem_shared>> -> memref<64x128xf32, #tpu.memory_space<vmem_shared>>
      %dma_wait3A_61 = arith.constant 0 : i32
      %dma_wait3A_62 = tpu.memref_slice %arg12[%add3A_6, %dma_wait3A_61] : memref<10240x128xf32, #tpu.memory_space<vmem_shared>> -> memref<64x128xf32, #tpu.memory_space<vmem_shared>>
      tpu.wait_dma2 semaphore(%run_scoped3A : memref<!tpu.dma_semaphore, #tpu.memory_space<semaphore_mem>>) src(%arg8 : memref<64x128xf32, #tpu.memory_space<vmem>>) dst(%dma_wait3A_62 : memref<64x128xf32, #tpu.memory_space<vmem_shared>>)
      tpu.yield
    }) : () -> ()
    %add3A_7 = arith.constant 64 : i32
    %add3A_8 = arith.addi %mul3A_5, %add3A_7 : i32
    "tpu.region"() ({
      %run_scoped3A = tpu.sem_alloc : memref<!tpu.dma_semaphore, #tpu.memory_space<semaphore_mem>>
      %dma_start3A = arith.constant 0 : i32
      %dma_start3A_57 = tpu.memref_slice %arg12[%add3A_8, %dma_start3A] : memref<10240x128xf32, #tpu.memory_space<vmem_shared>> -> memref<64x128xf32, #tpu.memory_space<vmem_shared>>
      %dma_start3A_58 = arith.constant 0 : i32
      %dma_start3A_59 = tpu.memref_slice %arg12[%add3A_8, %dma_start3A_58] : memref<10240x128xf32, #tpu.memory_space<vmem_shared>> -> memref<64x128xf32, #tpu.memory_space<vmem_shared>>
      tpu.enqueue_dma source(%arg8 : memref<64x128xf32, #tpu.memory_space<vmem>>) target(%dma_start3A_59 : memref<64x128xf32, #tpu.memory_space<vmem_shared>>) target_semaphore(%run_scoped3A : memref<!tpu.dma_semaphore, #tpu.memory_space<semaphore_mem>>)
      %dma_wait3A = arith.constant 0 : i32
      %dma_wait3A_60 = tpu.memref_slice %arg12[%add3A_8, %dma_wait3A] : memref<10240x128xf32, #tpu.memory_space<vmem_shared>> -> memref<64x128xf32, #tpu.memory_space<vmem_shared>>
      %dma_wait3A_61 = arith.constant 0 : i32
      %dma_wait3A_62 = tpu.memref_slice %arg12[%add3A_8, %dma_wait3A_61] : memref<10240x128xf32, #tpu.memory_space<vmem_shared>> -> memref<64x128xf32, #tpu.memory_space<vmem_shared>>
      tpu.wait_dma2 semaphore(%run_scoped3A : memref<!tpu.dma_semaphore, #tpu.memory_space<semaphore_mem>>) src(%arg8 : memref<64x128xf32, #tpu.memory_space<vmem>>) dst(%dma_wait3A_62 : memref<64x128xf32, #tpu.memory_space<vmem_shared>>)
      tpu.yield
    }) : () -> ()
    %add3A_9 = arith.constant 128 : i32
    %add3A_10 = arith.addi %mul3A_5, %add3A_9 : i32
    "tpu.region"() ({
      %run_scoped3A = tpu.sem_alloc : memref<!tpu.dma_semaphore, #tpu.memory_space<semaphore_mem>>
      %dma_start3A = arith.constant 0 : i32
      %dma_start3A_57 = tpu.memref_slice %arg12[%add3A_10, %dma_start3A] : memref<10240x128xf32, #tpu.memory_space<vmem_shared>> -> memref<64x128xf32, #tpu.memory_space<vmem_shared>>
      %dma_start3A_58 = arith.constant 0 : i32
      %dma_start3A_59 = tpu.memref_slice %arg12[%add3A_10, %dma_start3A_58] : memref<10240x128xf32, #tpu.memory_space<vmem_shared>> -> memref<64x128xf32, #tpu.memory_space<vmem_shared>>
      tpu.enqueue_dma source(%arg8 : memref<64x128xf32, #tpu.memory_space<vmem>>) target(%dma_start3A_59 : memref<64x128xf32, #tpu.memory_space<vmem_shared>>) target_semaphore(%run_scoped3A : memref<!tpu.dma_semaphore, #tpu.memory_space<semaphore_mem>>)
      %dma_wait3A = arith.constant 0 : i32
      %dma_wait3A_60 = tpu.memref_slice %arg12[%add3A_10, %dma_wait3A] : memref<10240x128xf32, #tpu.memory_space<vmem_shared>> -> memref<64x128xf32, #tpu.memory_space<vmem_shared>>
      %dma_wait3A_61 = arith.constant 0 : i32
      %dma_wait3A_62 = tpu.memref_slice %arg12[%add3A_10, %dma_wait3A_61] : memref<10240x128xf32, #tpu.memory_space<vmem_shared>> -> memref<64x128xf32, #tpu.memory_space<vmem_shared>>
      tpu.wait_dma2 semaphore(%run_scoped3A : memref<!tpu.dma_semaphore, #tpu.memory_space<semaphore_mem>>) src(%arg8 : memref<64x128xf32, #tpu.memory_space<vmem>>) dst(%dma_wait3A_62 : memref<64x128xf32, #tpu.memory_space<vmem_shared>>)
      tpu.yield
    }) : () -> ()
    %add3A_11 = arith.constant 192 : i32
    %add3A_12 = arith.addi %mul3A_5, %add3A_11 : i32
    "tpu.region"() ({
      %run_scoped3A = tpu.sem_alloc : memref<!tpu.dma_semaphore, #tpu.memory_space<semaphore_mem>>
      %dma_start3A = arith.constant 0 : i32
      %dma_start3A_57 = tpu.memref_slice %arg12[%add3A_12, %dma_start3A] : memref<10240x128xf32, #tpu.memory_space<vmem_shared>> -> memref<64x128xf32, #tpu.memory_space<vmem_shared>>
      %dma_start3A_58 = arith.constant 0 : i32
      %dma_start3A_59 = tpu.memref_slice %arg12[%add3A_12, %dma_start3A_58] : memref<10240x128xf32, #tpu.memory_space<vmem_shared>> -> memref<64x128xf32, #tpu.memory_space<vmem_shared>>
      tpu.enqueue_dma source(%arg8 : memref<64x128xf32, #tpu.memory_space<vmem>>) target(%dma_start3A_59 : memref<64x128xf32, #tpu.memory_space<vmem_shared>>) target_semaphore(%run_scoped3A : memref<!tpu.dma_semaphore, #tpu.memory_space<semaphore_mem>>)
      %dma_wait3A = arith.constant 0 : i32
      %dma_wait3A_60 = tpu.memref_slice %arg12[%add3A_12, %dma_wait3A] : memref<10240x128xf32, #tpu.memory_space<vmem_shared>> -> memref<64x128xf32, #tpu.memory_space<vmem_shared>>
      %dma_wait3A_61 = arith.constant 0 : i32
      %dma_wait3A_62 = tpu.memref_slice %arg12[%add3A_12, %dma_wait3A_61] : memref<10240x128xf32, #tpu.memory_space<vmem_shared>> -> memref<64x128xf32, #tpu.memory_space<vmem_shared>>
      tpu.wait_dma2 semaphore(%run_scoped3A : memref<!tpu.dma_semaphore, #tpu.memory_space<semaphore_mem>>) src(%arg8 : memref<64x128xf32, #tpu.memory_space<vmem>>) dst(%dma_wait3A_62 : memref<64x128xf32, #tpu.memory_space<vmem_shared>>)
      tpu.yield
    }) : () -> ()
    %add3A_13 = arith.constant 256 : i32
    %add3A_14 = arith.addi %mul3A_5, %add3A_13 : i32
    "tpu.region"() ({
      %run_scoped3A = tpu.sem_alloc : memref<!tpu.dma_semaphore, #tpu.memory_space<semaphore_mem>>
      %dma_start3A = arith.constant 0 : i32
      %dma_start3A_57 = tpu.memref_slice %arg12[%add3A_14, %dma_start3A] : memref<10240x128xf32, #tpu.memory_space<vmem_shared>> -> memref<64x128xf32, #tpu.memory_space<vmem_shared>>
      %dma_start3A_58 = arith.constant 0 : i32
      %dma_start3A_59 = tpu.memref_slice %arg12[%add3A_14, %dma_start3A_58] : memref<10240x128xf32, #tpu.memory_space<vmem_shared>> -> memref<64x128xf32, #tpu.memory_space<vmem_shared>>
      tpu.enqueue_dma source(%arg8 : memref<64x128xf32, #tpu.memory_space<vmem>>) target(%dma_start3A_59 : memref<64x128xf32, #tpu.memory_space<vmem_shared>>) target_semaphore(%run_scoped3A : memref<!tpu.dma_semaphore, #tpu.memory_space<semaphore_mem>>)
      %dma_wait3A = arith.constant 0 : i32
      %dma_wait3A_60 = tpu.memref_slice %arg12[%add3A_14, %dma_wait3A] : memref<10240x128xf32, #tpu.memory_space<vmem_shared>> -> memref<64x128xf32, #tpu.memory_space<vmem_shared>>
      %dma_wait3A_61 = arith.constant 0 : i32
      %dma_wait3A_62 = tpu.memref_slice %arg12[%add3A_14, %dma_wait3A_61] : memref<10240x128xf32, #tpu.memory_space<vmem_shared>> -> memref<64x128xf32, #tpu.memory_space<vmem_shared>>
      tpu.wait_dma2 semaphore(%run_scoped3A : memref<!tpu.dma_semaphore, #tpu.memory_space<semaphore_mem>>) src(%arg8 : memref<64x128xf32, #tpu.memory_space<vmem>>) dst(%dma_wait3A_62 : memref<64x128xf32, #tpu.memory_space<vmem_shared>>)
      tpu.yield
    }) : () -> ()
    %add3A_15 = arith.constant 320 : i32
    %add3A_16 = arith.addi %mul3A_5, %add3A_15 : i32
    "tpu.region"() ({
      %run_scoped3A = tpu.sem_alloc : memref<!tpu.dma_semaphore, #tpu.memory_space<semaphore_mem>>
      %dma_start3A = arith.constant 0 : i32
      %dma_start3A_57 = tpu.memref_slice %arg12[%add3A_16, %dma_start3A] : memref<10240x128xf32, #tpu.memory_space<vmem_shared>> -> memref<64x128xf32, #tpu.memory_space<vmem_shared>>
      %dma_start3A_58 = arith.constant 0 : i32
      %dma_start3A_59 = tpu.memref_slice %arg12[%add3A_16, %dma_start3A_58] : memref<10240x128xf32, #tpu.memory_space<vmem_shared>> -> memref<64x128xf32, #tpu.memory_space<vmem_shared>>
      tpu.enqueue_dma source(%arg8 : memref<64x128xf32, #tpu.memory_space<vmem>>) target(%dma_start3A_59 : memref<64x128xf32, #tpu.memory_space<vmem_shared>>) target_semaphore(%run_scoped3A : memref<!tpu.dma_semaphore, #tpu.memory_space<semaphore_mem>>)
      %dma_wait3A = arith.constant 0 : i32
      %dma_wait3A_60 = tpu.memref_slice %arg12[%add3A_16, %dma_wait3A] : memref<10240x128xf32, #tpu.memory_space<vmem_shared>> -> memref<64x128xf32, #tpu.memory_space<vmem_shared>>
      %dma_wait3A_61 = arith.constant 0 : i32
      %dma_wait3A_62 = tpu.memref_slice %arg12[%add3A_16, %dma_wait3A_61] : memref<10240x128xf32, #tpu.memory_space<vmem_shared>> -> memref<64x128xf32, #tpu.memory_space<vmem_shared>>
      tpu.wait_dma2 semaphore(%run_scoped3A : memref<!tpu.dma_semaphore, #tpu.memory_space<semaphore_mem>>) src(%arg8 : memref<64x128xf32, #tpu.memory_space<vmem>>) dst(%dma_wait3A_62 : memref<64x128xf32, #tpu.memory_space<vmem_shared>>)
      tpu.yield
    }) : () -> ()
    %add3A_17 = arith.constant 384 : i32
    %add3A_18 = arith.addi %mul3A_5, %add3A_17 : i32
    "tpu.region"() ({
      %run_scoped3A = tpu.sem_alloc : memref<!tpu.dma_semaphore, #tpu.memory_space<semaphore_mem>>
      %dma_start3A = arith.constant 0 : i32
      %dma_start3A_57 = tpu.memref_slice %arg12[%add3A_18, %dma_start3A] : memref<10240x128xf32, #tpu.memory_space<vmem_shared>> -> memref<64x128xf32, #tpu.memory_space<vmem_shared>>
      %dma_start3A_58 = arith.constant 0 : i32
      %dma_start3A_59 = tpu.memref_slice %arg12[%add3A_18, %dma_start3A_58] : memref<10240x128xf32, #tpu.memory_space<vmem_shared>> -> memref<64x128xf32, #tpu.memory_space<vmem_shared>>
      tpu.enqueue_dma source(%arg8 : memref<64x128xf32, #tpu.memory_space<vmem>>) target(%dma_start3A_59 : memref<64x128xf32, #tpu.memory_space<vmem_shared>>) target_semaphore(%run_scoped3A : memref<!tpu.dma_semaphore, #tpu.memory_space<semaphore_mem>>)
      %dma_wait3A = arith.constant 0 : i32
      %dma_wait3A_60 = tpu.memref_slice %arg12[%add3A_18, %dma_wait3A] : memref<10240x128xf32, #tpu.memory_space<vmem_shared>> -> memref<64x128xf32, #tpu.memory_space<vmem_shared>>
      %dma_wait3A_61 = arith.constant 0 : i32
      %dma_wait3A_62 = tpu.memref_slice %arg12[%add3A_18, %dma_wait3A_61] : memref<10240x128xf32, #tpu.memory_space<vmem_shared>> -> memref<64x128xf32, #tpu.memory_space<vmem_shared>>
      tpu.wait_dma2 semaphore(%run_scoped3A : memref<!tpu.dma_semaphore, #tpu.memory_space<semaphore_mem>>) src(%arg8 : memref<64x128xf32, #tpu.memory_space<vmem>>) dst(%dma_wait3A_62 : memref<64x128xf32, #tpu.memory_space<vmem_shared>>)
      tpu.yield
    }) : () -> ()
    %add3A_19 = arith.constant 448 : i32
    %add3A_20 = arith.addi %mul3A_5, %add3A_19 : i32
    "tpu.region"() ({
      %run_scoped3A = tpu.sem_alloc : memref<!tpu.dma_semaphore, #tpu.memory_space<semaphore_mem>>
      %dma_start3A = arith.constant 0 : i32
      %dma_start3A_57 = tpu.memref_slice %arg12[%add3A_20, %dma_start3A] : memref<10240x128xf32, #tpu.memory_space<vmem_shared>> -> memref<64x128xf32, #tpu.memory_space<vmem_shared>>
      %dma_start3A_58 = arith.constant 0 : i32
      %dma_start3A_59 = tpu.memref_slice %arg12[%add3A_20, %dma_start3A_58] : memref<10240x128xf32, #tpu.memory_space<vmem_shared>> -> memref<64x128xf32, #tpu.memory_space<vmem_shared>>
      tpu.enqueue_dma source(%arg8 : memref<64x128xf32, #tpu.memory_space<vmem>>) target(%dma_start3A_59 : memref<64x128xf32, #tpu.memory_space<vmem_shared>>) target_semaphore(%run_scoped3A : memref<!tpu.dma_semaphore, #tpu.memory_space<semaphore_mem>>)
      %dma_wait3A = arith.constant 0 : i32
      %dma_wait3A_60 = tpu.memref_slice %arg12[%add3A_20, %dma_wait3A] : memref<10240x128xf32, #tpu.memory_space<vmem_shared>> -> memref<64x128xf32, #tpu.memory_space<vmem_shared>>
      %dma_wait3A_61 = arith.constant 0 : i32
      %dma_wait3A_62 = tpu.memref_slice %arg12[%add3A_20, %dma_wait3A_61] : memref<10240x128xf32, #tpu.memory_space<vmem_shared>> -> memref<64x128xf32, #tpu.memory_space<vmem_shared>>
      tpu.wait_dma2 semaphore(%run_scoped3A : memref<!tpu.dma_semaphore, #tpu.memory_space<semaphore_mem>>) src(%arg8 : memref<64x128xf32, #tpu.memory_space<vmem>>) dst(%dma_wait3A_62 : memref<64x128xf32, #tpu.memory_space<vmem_shared>>)
      tpu.yield
    }) : () -> ()
    %add3A_21 = arith.constant 512 : i32
    %add3A_22 = arith.addi %mul3A_5, %add3A_21 : i32
    "tpu.region"() ({
      %run_scoped3A = tpu.sem_alloc : memref<!tpu.dma_semaphore, #tpu.memory_space<semaphore_mem>>
      %dma_start3A = arith.constant 0 : i32
      %dma_start3A_57 = tpu.memref_slice %arg12[%add3A_22, %dma_start3A] : memref<10240x128xf32, #tpu.memory_space<vmem_shared>> -> memref<64x128xf32, #tpu.memory_space<vmem_shared>>
      %dma_start3A_58 = arith.constant 0 : i32
      %dma_start3A_59 = tpu.memref_slice %arg12[%add3A_22, %dma_start3A_58] : memref<10240x128xf32, #tpu.memory_space<vmem_shared>> -> memref<64x128xf32, #tpu.memory_space<vmem_shared>>
      tpu.enqueue_dma source(%arg8 : memref<64x128xf32, #tpu.memory_space<vmem>>) target(%dma_start3A_59 : memref<64x128xf32, #tpu.memory_space<vmem_shared>>) target_semaphore(%run_scoped3A : memref<!tpu.dma_semaphore, #tpu.memory_space<semaphore_mem>>)
      %dma_wait3A = arith.constant 0 : i32
      %dma_wait3A_60 = tpu.memref_slice %arg12[%add3A_22, %dma_wait3A] : memref<10240x128xf32, #tpu.memory_space<vmem_shared>> -> memref<64x128xf32, #tpu.memory_space<vmem_shared>>
      %dma_wait3A_61 = arith.constant 0 : i32
      %dma_wait3A_62 = tpu.memref_slice %arg12[%add3A_22, %dma_wait3A_61] : memref<10240x128xf32, #tpu.memory_space<vmem_shared>> -> memref<64x128xf32, #tpu.memory_space<vmem_shared>>
      tpu.wait_dma2 semaphore(%run_scoped3A : memref<!tpu.dma_semaphore, #tpu.memory_space<semaphore_mem>>) src(%arg8 : memref<64x128xf32, #tpu.memory_space<vmem>>) dst(%dma_wait3A_62 : memref<64x128xf32, #tpu.memory_space<vmem_shared>>)
      tpu.yield
    }) : () -> ()
    %add3A_23 = arith.constant 576 : i32
    %add3A_24 = arith.addi %mul3A_5, %add3A_23 : i32
    "tpu.region"() ({
      %run_scoped3A = tpu.sem_alloc : memref<!tpu.dma_semaphore, #tpu.memory_space<semaphore_mem>>
      %dma_start3A = arith.constant 0 : i32
      %dma_start3A_57 = tpu.memref_slice %arg12[%add3A_24, %dma_start3A] : memref<10240x128xf32, #tpu.memory_space<vmem_shared>> -> memref<64x128xf32, #tpu.memory_space<vmem_shared>>
      %dma_start3A_58 = arith.constant 0 : i32
      %dma_start3A_59 = tpu.memref_slice %arg12[%add3A_24, %dma_start3A_58] : memref<10240x128xf32, #tpu.memory_space<vmem_shared>> -> memref<64x128xf32, #tpu.memory_space<vmem_shared>>
      tpu.enqueue_dma source(%arg8 : memref<64x128xf32, #tpu.memory_space<vmem>>) target(%dma_start3A_59 : memref<64x128xf32, #tpu.memory_space<vmem_shared>>) target_semaphore(%run_scoped3A : memref<!tpu.dma_semaphore, #tpu.memory_space<semaphore_mem>>)
      %dma_wait3A = arith.constant 0 : i32
      %dma_wait3A_60 = tpu.memref_slice %arg12[%add3A_24, %dma_wait3A] : memref<10240x128xf32, #tpu.memory_space<vmem_shared>> -> memref<64x128xf32, #tpu.memory_space<vmem_shared>>
      %dma_wait3A_61 = arith.constant 0 : i32
      %dma_wait3A_62 = tpu.memref_slice %arg12[%add3A_24, %dma_wait3A_61] : memref<10240x128xf32, #tpu.memory_space<vmem_shared>> -> memref<64x128xf32, #tpu.memory_space<vmem_shared>>
      tpu.wait_dma2 semaphore(%run_scoped3A : memref<!tpu.dma_semaphore, #tpu.memory_space<semaphore_mem>>) src(%arg8 : memref<64x128xf32, #tpu.memory_space<vmem>>) dst(%dma_wait3A_62 : memref<64x128xf32, #tpu.memory_space<vmem_shared>>)
      tpu.yield
    }) : () -> ()
    %barrier3A = arith.constant 0 : index
    tpu.barrier barrier_id(%barrier3A)
    %mul3A_25 = arith.constant 18432 : i32
    %mul3A_26 = arith.muli %arg1, %mul3A_25 : i32
    %mul3A_27 = arith.constant -16384 : i32
    %mul3A_28 = arith.muli %arg1, %mul3A_27 : i32
    %add3A_29 = arith.constant 294912 : i32
    %add3A_30 = arith.addi %add3A_29, %mul3A_28 : i32
    %mul3A_31 = arith.muli %arg0, %add3A_30 : i32
    %add3A_32 = arith.addi %mul3A_26, %mul3A_31 : i32
    %mul3A_33 = arith.constant 288 : i32
    %mul3A_34 = arith.muli %arg1, %mul3A_33 : i32
    %mul3A_35 = arith.constant -256 : i32
    %mul3A_36 = arith.muli %arg1, %mul3A_35 : i32
    %add3A_37 = arith.constant 4608 : i32
    %add3A_38 = arith.addi %add3A_37, %mul3A_36 : i32
    %mul3A_39 = arith.muli %arg0, %add3A_38 : i32
    %add3A_40 = arith.addi %mul3A_34, %mul3A_39 : i32
    %mul3A_41 = arith.constant 8 : i32
    %mul3A_42 = arith.muli %mul3A_41, %arg0 : i32
    %sub3A = arith.constant 9 : i32
    %sub3A_43 = arith.subi %sub3A, %mul3A_42 : i32
    %while3A = arith.constant 0 : i32
    %while3A_44 = arith.constant 0 : i32
    %while3A_45 = arith.subi %sub3A_43, %while3A_44 : i32
    %while3A_46 = arith.addi %while3A_44, %while3A_45 : i32
    %while3A_47 = arith.constant 1 : i32
    %while3A_48 = arith.divsi %while3A_45, %while3A_47 : i32
    %while3A_49 = arith.muli %while3A_48, %while3A_47 : i32
    %while3A_50 = arith.addi %while3A_44, %while3A_49 : i32
    %while3A_51 = arith.constant 1 : i32
    scf.for %while3A_57 = %while3A_44 to %while3A_50 step %while3A_51  : i32 {
      %mul3A_58 = arith.constant 2048 : i32
      %mul3A_59 = arith.muli %while3A_57, %mul3A_58 : i32
      %add3A_60 = arith.addi %add3A_32, %mul3A_59 : i32
      %multiple_of3A = tpu.assume_multiple %add3A_60, 8 : i32
      "tpu.region"() ({
        %run_scoped3A_119 = tpu.sem_alloc : memref<!tpu.dma_semaphore, #tpu.memory_space<semaphore_mem>>
        %dma_start3A_120 = tpu.memref_slice %arg3[%multiple_of3A] : memref<327680xi32, #tpu.memory_space<hbm>> -> memref<2048xi32, #tpu.memory_space<hbm>>
        %dma_start3A_121 = tpu.memref_slice %arg3[%multiple_of3A] : memref<327680xi32, #tpu.memory_space<hbm>> -> memref<2048xi32, #tpu.memory_space<hbm>>
        tpu.enqueue_dma source(%dma_start3A_121 : memref<2048xi32, #tpu.memory_space<hbm>>) target(%arg6 : memref<2048xi32, #tpu.memory_space<vmem>>) target_semaphore(%run_scoped3A_119 : memref<!tpu.dma_semaphore, #tpu.memory_space<semaphore_mem>>)
        %dma_wait3A_122 = tpu.memref_slice %arg3[%multiple_of3A] : memref<327680xi32, #tpu.memory_space<hbm>> -> memref<2048xi32, #tpu.memory_space<hbm>>
        %dma_wait3A_123 = tpu.memref_slice %arg3[%multiple_of3A] : memref<327680xi32, #tpu.memory_space<hbm>> -> memref<2048xi32, #tpu.memory_space<hbm>>
        tpu.wait_dma2 semaphore(%run_scoped3A_119 : memref<!tpu.dma_semaphore, #tpu.memory_space<semaphore_mem>>) src(%dma_wait3A_123 : memref<2048xi32, #tpu.memory_space<hbm>>) dst(%arg6 : memref<2048xi32, #tpu.memory_space<vmem>>)
        tpu.yield
      }) : () -> ()
      %mul3A_61 = arith.constant 32 : i32
      %mul3A_62 = arith.muli %while3A_57, %mul3A_61 : i32
      %add3A_63 = arith.addi %add3A_40, %mul3A_62 : i32
      "tpu.region"() ({
        %run_scoped3A_119 = tpu.sem_alloc : memref<!tpu.dma_semaphore, #tpu.memory_space<semaphore_mem>>
        %dma_start3A_120 = arith.constant 0 : i32
        %dma_start3A_121 = tpu.memref_slice %arg4[%add3A_63, %dma_start3A_120] : memref<5120x64xi32, #tpu.memory_space<hbm>> -> memref<32x64xi32, #tpu.memory_space<hbm>>
        %dma_start3A_122 = arith.constant 0 : i32
        %dma_start3A_123 = tpu.memref_slice %arg4[%add3A_63, %dma_start3A_122] : memref<5120x64xi32, #tpu.memory_space<hbm>> -> memref<32x64xi32, #tpu.memory_space<hbm>>
        tpu.enqueue_dma source(%dma_start3A_123 : memref<32x64xi32, #tpu.memory_space<hbm>>) target(%arg7 : memref<32x64xi32, #tpu.memory_space<vmem>>) target_semaphore(%run_scoped3A_119 : memref<!tpu.dma_semaphore, #tpu.memory_space<semaphore_mem>>)
        %dma_wait3A_124 = arith.constant 0 : i32
        %dma_wait3A_125 = tpu.memref_slice %arg4[%add3A_63, %dma_wait3A_124] : memref<5120x64xi32, #tpu.memory_space<hbm>> -> memref<32x64xi32, #tpu.memory_space<hbm>>
        %dma_wait3A_126 = arith.constant 0 : i32
        %dma_wait3A_127 = tpu.memref_slice %arg4[%add3A_63, %dma_wait3A_126] : memref<5120x64xi32, #tpu.memory_space<hbm>> -> memref<32x64xi32, #tpu.memory_space<hbm>>
        tpu.wait_dma2 semaphore(%run_scoped3A_119 : memref<!tpu.dma_semaphore, #tpu.memory_space<semaphore_mem>>) src(%dma_wait3A_127 : memref<32x64xi32, #tpu.memory_space<hbm>>) dst(%arg7 : memref<32x64xi32, #tpu.memory_space<vmem>>)
        tpu.yield
      }) : () -> ()
      %multiple_of3A_64 = arith.constant 0 : i32
      %multiple_of3A_65 = tpu.assume_multiple %multiple_of3A_64, 8 : i32
      %dma_start3A = tpu.memref_slice %arg6[%multiple_of3A_65] : memref<2048xi32, #tpu.memory_space<vmem>> -> memref<64xi32, #tpu.memory_space<vmem>>
      %dma_start3A_66 = arith.constant 0 : i32
      %dma_start3A_67 = arith.constant 0 : i32
      %dma_start3A_68 = tpu.memref_slice %arg2[%dma_start3A_66, %dma_start3A_67] : memref<10000x128xf32, #tpu.memory_space<hbm>> -> memref<10000x128xf32, #tpu.memory_space<hbm>>
      tpu.enqueue_indirect_dma source(%dma_start3A_68 : memref<10000x128xf32, #tpu.memory_space<hbm>>) target(%arg8 : memref<64x128xf32, #tpu.memory_space<vmem>>) offsets(%dma_start3A : memref<64xi32, #tpu.memory_space<vmem>>) semaphore(%arg13 : memref<!tpu.dma_semaphore, #tpu.memory_space<semaphore_mem>>)
      %multiple_of3A_69 = arith.constant 64 : i32
      %multiple_of3A_70 = tpu.assume_multiple %multiple_of3A_69, 8 : i32
      %dma_start3A_71 = tpu.memref_slice %arg6[%multiple_of3A_70] : memref<2048xi32, #tpu.memory_space<vmem>> -> memref<64xi32, #tpu.memory_space<vmem>>
      %dma_start3A_72 = arith.constant 0 : i32
      %dma_start3A_73 = arith.constant 0 : i32
      %dma_start3A_74 = tpu.memref_slice %arg2[%dma_start3A_72, %dma_start3A_73] : memref<10000x128xf32, #tpu.memory_space<hbm>> -> memref<10000x128xf32, #tpu.memory_space<hbm>>
      tpu.enqueue_indirect_dma source(%dma_start3A_74 : memref<10000x128xf32, #tpu.memory_space<hbm>>) target(%arg9 : memref<64x128xf32, #tpu.memory_space<vmem>>) offsets(%dma_start3A_71 : memref<64xi32, #tpu.memory_space<vmem>>) semaphore(%arg14 : memref<!tpu.dma_semaphore, #tpu.memory_space<semaphore_mem>>)
      %multiple_of3A_75 = arith.constant 128 : i32
      %multiple_of3A_76 = tpu.assume_multiple %multiple_of3A_75, 8 : i32
      %dma_start3A_77 = tpu.memref_slice %arg6[%multiple_of3A_76] : memref<2048xi32, #tpu.memory_space<vmem>> -> memref<64xi32, #tpu.memory_space<vmem>>
      %dma_start3A_78 = arith.constant 0 : i32
      %dma_start3A_79 = arith.constant 0 : i32
      %dma_start3A_80 = tpu.memref_slice %arg2[%dma_start3A_78, %dma_start3A_79] : memref<10000x128xf32, #tpu.memory_space<hbm>> -> memref<10000x128xf32, #tpu.memory_space<hbm>>
      tpu.enqueue_indirect_dma source(%dma_start3A_80 : memref<10000x128xf32, #tpu.memory_space<hbm>>) target(%arg10 : memref<64x128xf32, #tpu.memory_space<vmem>>) offsets(%dma_start3A_77 : memref<64xi32, #tpu.memory_space<vmem>>) semaphore(%arg15 : memref<!tpu.dma_semaphore, #tpu.memory_space<semaphore_mem>>)
      %scan3A_81 = arith.constant 0 : i32
      %scan3A_82 = arith.constant 0 : i32
      %scan3A_83 = arith.constant 7 : i32
      %scan3A_84 = arith.addi %scan3A_82, %scan3A_83 : i32
      %scan3A_85 = arith.constant 1 : i32
      scf.for %scan3A_119 = %scan3A_82 to %scan3A_84 step %scan3A_85  : i32 {
        %mul3A_120 = arith.constant 4 : i32
        %mul3A_121 = arith.muli %scan3A_119, %mul3A_120 : i32
        %add3A_122 = arith.constant 0 : i32
        %add3A_123 = arith.addi %mul3A_121, %add3A_122 : i32
        %mul3A_124 = arith.constant 64 : i32
        %mul3A_125 = arith.muli %add3A_123, %mul3A_124 : i32
        %multiple_of3A_126 = tpu.assume_multiple %mul3A_125, 8 : i32
        %dma_wait3A_127 = tpu.memref_slice %arg6[%multiple_of3A_126] : memref<2048xi32, #tpu.memory_space<vmem>> -> memref<64xi32, #tpu.memory_space<vmem>>
        %dma_wait3A_128 = arith.constant 0 : i32
        %dma_wait3A_129 = arith.constant 0 : i32
        %dma_wait3A_130 = tpu.memref_slice %arg2[%dma_wait3A_128, %dma_wait3A_129] : memref<10000x128xf32, #tpu.memory_space<hbm>> -> memref<10000x128xf32, #tpu.memory_space<hbm>>
        tpu.wait_indirect_dma semaphore(%arg13 : memref<!tpu.dma_semaphore, #tpu.memory_space<semaphore_mem>>) src(%dma_wait3A_130 : memref<10000x128xf32, #tpu.memory_space<hbm>>) dst(%arg8 : memref<64x128xf32, #tpu.memory_space<vmem>>)
        "tpu.region"() ({
          %run_scoped3A_202 = tpu.sem_alloc : memref<!tpu.dma_semaphore, #tpu.memory_space<semaphore_mem>>
          %dma_start3A_203 = arith.constant 0 : i32
          %dma_start3A_204 = tpu.memref_slice %arg7[%add3A_123, %dma_start3A_203] : memref<32x64xi32, #tpu.memory_space<vmem>> -> memref<1x64xi32, #tpu.memory_space<vmem>>
          %dma_start3A_205 = tpu.memref_squeeze %dma_start3A_204 : memref<1x64xi32, #tpu.memory_space<vmem>> -> memref<64xi32, #tpu.memory_space<vmem>>
          %dma_start3A_206 = arith.constant 0 : i32
          %dma_start3A_207 = arith.constant 0 : i32
          %dma_start3A_208 = tpu.memref_slice %arg12[%dma_start3A_206, %dma_start3A_207] : memref<10240x128xf32, #tpu.memory_space<vmem_shared>> -> memref<10240x128xf32, #tpu.memory_space<vmem_shared>>
          tpu.enqueue_indirect_dma source(%arg8 : memref<64x128xf32, #tpu.memory_space<vmem>>) target(%dma_start3A_208 : memref<10240x128xf32, #tpu.memory_space<vmem_shared>>) offsets(%dma_start3A_205 : memref<64xi32, #tpu.memory_space<vmem>>) semaphore(%run_scoped3A_202 : memref<!tpu.dma_semaphore, #tpu.memory_space<semaphore_mem>>) {add = true}
          %dma_wait3A_209 = arith.constant 0 : i32
          %dma_wait3A_210 = tpu.memref_slice %arg7[%add3A_123, %dma_wait3A_209] : memref<32x64xi32, #tpu.memory_space<vmem>> -> memref<1x64xi32, #tpu.memory_space<vmem>>
          %dma_wait3A_211 = tpu.memref_squeeze %dma_wait3A_210 : memref<1x64xi32, #tpu.memory_space<vmem>> -> memref<64xi32, #tpu.memory_space<vmem>>
          %dma_wait3A_212 = arith.constant 0 : i32
          %dma_wait3A_213 = arith.constant 0 : i32
          %dma_wait3A_214 = tpu.memref_slice %arg12[%dma_wait3A_212, %dma_wait3A_213] : memref<10240x128xf32, #tpu.memory_space<vmem_shared>> -> memref<10240x128xf32, #tpu.memory_space<vmem_shared>>
          tpu.wait_indirect_dma semaphore(%run_scoped3A_202 : memref<!tpu.dma_semaphore, #tpu.memory_space<semaphore_mem>>) src(%arg8 : memref<64x128xf32, #tpu.memory_space<vmem>>) dst(%dma_wait3A_214 : memref<10240x128xf32, #tpu.memory_space<vmem_shared>>)
          tpu.yield
        }) : () -> ()
        %add3A_131 = arith.constant 0 : i32
        %add3A_132 = arith.addi %mul3A_121, %add3A_131 : i32
        %add3A_133 = arith.constant 3 : i32
        %add3A_134 = arith.addi %add3A_132, %add3A_133 : i32
        %mul3A_135 = arith.constant 64 : i32
        %mul3A_136 = arith.muli %add3A_134, %mul3A_135 : i32
        %multiple_of3A_137 = tpu.assume_multiple %mul3A_136, 8 : i32
        %dma_start3A_138 = tpu.memref_slice %arg6[%multiple_of3A_137] : memref<2048xi32, #tpu.memory_space<vmem>> -> memref<64xi32, #tpu.memory_space<vmem>>
        %dma_start3A_139 = arith.constant 0 : i32
        %dma_start3A_140 = arith.constant 0 : i32
        %dma_start3A_141 = tpu.memref_slice %arg2[%dma_start3A_139, %dma_start3A_140] : memref<10000x128xf32, #tpu.memory_space<hbm>> -> memref<10000x128xf32, #tpu.memory_space<hbm>>
        tpu.enqueue_indirect_dma source(%dma_start3A_141 : memref<10000x128xf32, #tpu.memory_space<hbm>>) target(%arg11 : memref<64x128xf32, #tpu.memory_space<vmem>>) offsets(%dma_start3A_138 : memref<64xi32, #tpu.memory_space<vmem>>) semaphore(%arg16 : memref<!tpu.dma_semaphore, #tpu.memory_space<semaphore_mem>>)
        %add3A_142 = arith.constant 1 : i32
        %add3A_143 = arith.addi %mul3A_121, %add3A_142 : i32
        %mul3A_144 = arith.constant 64 : i32
        %mul3A_145 = arith.muli %add3A_143, %mul3A_144 : i32
        %multiple_of3A_146 = tpu.assume_multiple %mul3A_145, 8 : i32
        %dma_wait3A_147 = tpu.memref_slice %arg6[%multiple_of3A_146] : memref<2048xi32, #tpu.memory_space<vmem>> -> memref<64xi32, #tpu.memory_space<vmem>>
        %dma_wait3A_148 = arith.constant 0 : i32
        %dma_wait3A_149 = arith.constant 0 : i32
        %dma_wait3A_150 = tpu.memref_slice %arg2[%dma_wait3A_148, %dma_wait3A_149] : memref<10000x128xf32, #tpu.memory_space<hbm>> -> memref<10000x128xf32, #tpu.memory_space<hbm>>
        tpu.wait_indirect_dma semaphore(%arg14 : memref<!tpu.dma_semaphore, #tpu.memory_space<semaphore_mem>>) src(%dma_wait3A_150 : memref<10000x128xf32, #tpu.memory_space<hbm>>) dst(%arg9 : memref<64x128xf32, #tpu.memory_space<vmem>>)
        "tpu.region"() ({
          %run_scoped3A_202 = tpu.sem_alloc : memref<!tpu.dma_semaphore, #tpu.memory_space<semaphore_mem>>
          %dma_start3A_203 = arith.constant 0 : i32
          %dma_start3A_204 = tpu.memref_slice %arg7[%add3A_143, %dma_start3A_203] : memref<32x64xi32, #tpu.memory_space<vmem>> -> memref<1x64xi32, #tpu.memory_space<vmem>>
          %dma_start3A_205 = tpu.memref_squeeze %dma_start3A_204 : memref<1x64xi32, #tpu.memory_space<vmem>> -> memref<64xi32, #tpu.memory_space<vmem>>
          %dma_start3A_206 = arith.constant 0 : i32
          %dma_start3A_207 = arith.constant 0 : i32
          %dma_start3A_208 = tpu.memref_slice %arg12[%dma_start3A_206, %dma_start3A_207] : memref<10240x128xf32, #tpu.memory_space<vmem_shared>> -> memref<10240x128xf32, #tpu.memory_space<vmem_shared>>
          tpu.enqueue_indirect_dma source(%arg9 : memref<64x128xf32, #tpu.memory_space<vmem>>) target(%dma_start3A_208 : memref<10240x128xf32, #tpu.memory_space<vmem_shared>>) offsets(%dma_start3A_205 : memref<64xi32, #tpu.memory_space<vmem>>) semaphore(%run_scoped3A_202 : memref<!tpu.dma_semaphore, #tpu.memory_space<semaphore_mem>>) {add = true}
          %dma_wait3A_209 = arith.constant 0 : i32
          %dma_wait3A_210 = tpu.memref_slice %arg7[%add3A_143, %dma_wait3A_209] : memref<32x64xi32, #tpu.memory_space<vmem>> -> memref<1x64xi32, #tpu.memory_space<vmem>>
          %dma_wait3A_211 = tpu.memref_squeeze %dma_wait3A_210 : memref<1x64xi32, #tpu.memory_space<vmem>> -> memref<64xi32, #tpu.memory_space<vmem>>
          %dma_wait3A_212 = arith.constant 0 : i32
          %dma_wait3A_213 = arith.constant 0 : i32
          %dma_wait3A_214 = tpu.memref_slice %arg12[%dma_wait3A_212, %dma_wait3A_213] : memref<10240x128xf32, #tpu.memory_space<vmem_shared>> -> memref<10240x128xf32, #tpu.memory_space<vmem_shared>>
          tpu.wait_indirect_dma semaphore(%run_scoped3A_202 : memref<!tpu.dma_semaphore, #tpu.memory_space<semaphore_mem>>) src(%arg9 : memref<64x128xf32, #tpu.memory_space<vmem>>) dst(%dma_wait3A_214 : memref<10240x128xf32, #tpu.memory_space<vmem_shared>>)
          tpu.yield
        }) : () -> ()
        %add3A_151 = arith.constant 1 : i32
        %add3A_152 = arith.addi %mul3A_121, %add3A_151 : i32
        %add3A_153 = arith.constant 3 : i32
        %add3A_154 = arith.addi %add3A_152, %add3A_153 : i32
        %mul3A_155 = arith.constant 64 : i32
        %mul3A_156 = arith.muli %add3A_154, %mul3A_155 : i32
        %multiple_of3A_157 = tpu.assume_multiple %mul3A_156, 8 : i32
        %dma_start3A_158 = tpu.memref_slice %arg6[%multiple_of3A_157] : memref<2048xi32, #tpu.memory_space<vmem>> -> memref<64xi32, #tpu.memory_space<vmem>>
        %dma_start3A_159 = arith.constant 0 : i32
        %dma_start3A_160 = arith.constant 0 : i32
        %dma_start3A_161 = tpu.memref_slice %arg2[%dma_start3A_159, %dma_start3A_160] : memref<10000x128xf32, #tpu.memory_space<hbm>> -> memref<10000x128xf32, #tpu.memory_space<hbm>>
        tpu.enqueue_indirect_dma source(%dma_start3A_161 : memref<10000x128xf32, #tpu.memory_space<hbm>>) target(%arg8 : memref<64x128xf32, #tpu.memory_space<vmem>>) offsets(%dma_start3A_158 : memref<64xi32, #tpu.memory_space<vmem>>) semaphore(%arg13 : memref<!tpu.dma_semaphore, #tpu.memory_space<semaphore_mem>>)
        %add3A_162 = arith.constant 2 : i32
        %add3A_163 = arith.addi %mul3A_121, %add3A_162 : i32
        %mul3A_164 = arith.constant 64 : i32
        %mul3A_165 = arith.muli %add3A_163, %mul3A_164 : i32
        %multiple_of3A_166 = tpu.assume_multiple %mul3A_165, 8 : i32
        %dma_wait3A_167 = tpu.memref_slice %arg6[%multiple_of3A_166] : memref<2048xi32, #tpu.memory_space<vmem>> -> memref<64xi32, #tpu.memory_space<vmem>>
        %dma_wait3A_168 = arith.constant 0 : i32
        %dma_wait3A_169 = arith.constant 0 : i32
        %dma_wait3A_170 = tpu.memref_slice %arg2[%dma_wait3A_168, %dma_wait3A_169] : memref<10000x128xf32, #tpu.memory_space<hbm>> -> memref<10000x128xf32, #tpu.memory_space<hbm>>
        tpu.wait_indirect_dma semaphore(%arg15 : memref<!tpu.dma_semaphore, #tpu.memory_space<semaphore_mem>>) src(%dma_wait3A_170 : memref<10000x128xf32, #tpu.memory_space<hbm>>) dst(%arg10 : memref<64x128xf32, #tpu.memory_space<vmem>>)
        "tpu.region"() ({
          %run_scoped3A_202 = tpu.sem_alloc : memref<!tpu.dma_semaphore, #tpu.memory_space<semaphore_mem>>
          %dma_start3A_203 = arith.constant 0 : i32
          %dma_start3A_204 = tpu.memref_slice %arg7[%add3A_163, %dma_start3A_203] : memref<32x64xi32, #tpu.memory_space<vmem>> -> memref<1x64xi32, #tpu.memory_space<vmem>>
          %dma_start3A_205 = tpu.memref_squeeze %dma_start3A_204 : memref<1x64xi32, #tpu.memory_space<vmem>> -> memref<64xi32, #tpu.memory_space<vmem>>
          %dma_start3A_206 = arith.constant 0 : i32
          %dma_start3A_207 = arith.constant 0 : i32
          %dma_start3A_208 = tpu.memref_slice %arg12[%dma_start3A_206, %dma_start3A_207] : memref<10240x128xf32, #tpu.memory_space<vmem_shared>> -> memref<10240x128xf32, #tpu.memory_space<vmem_shared>>
          tpu.enqueue_indirect_dma source(%arg10 : memref<64x128xf32, #tpu.memory_space<vmem>>) target(%dma_start3A_208 : memref<10240x128xf32, #tpu.memory_space<vmem_shared>>) offsets(%dma_start3A_205 : memref<64xi32, #tpu.memory_space<vmem>>) semaphore(%run_scoped3A_202 : memref<!tpu.dma_semaphore, #tpu.memory_space<semaphore_mem>>) {add = true}
          %dma_wait3A_209 = arith.constant 0 : i32
          %dma_wait3A_210 = tpu.memref_slice %arg7[%add3A_163, %dma_wait3A_209] : memref<32x64xi32, #tpu.memory_space<vmem>> -> memref<1x64xi32, #tpu.memory_space<vmem>>
          %dma_wait3A_211 = tpu.memref_squeeze %dma_wait3A_210 : memref<1x64xi32, #tpu.memory_space<vmem>> -> memref<64xi32, #tpu.memory_space<vmem>>
          %dma_wait3A_212 = arith.constant 0 : i32
          %dma_wait3A_213 = arith.constant 0 : i32
          %dma_wait3A_214 = tpu.memref_slice %arg12[%dma_wait3A_212, %dma_wait3A_213] : memref<10240x128xf32, #tpu.memory_space<vmem_shared>> -> memref<10240x128xf32, #tpu.memory_space<vmem_shared>>
          tpu.wait_indirect_dma semaphore(%run_scoped3A_202 : memref<!tpu.dma_semaphore, #tpu.memory_space<semaphore_mem>>) src(%arg10 : memref<64x128xf32, #tpu.memory_space<vmem>>) dst(%dma_wait3A_214 : memref<10240x128xf32, #tpu.memory_space<vmem_shared>>)
          tpu.yield
        }) : () -> ()
        %add3A_171 = arith.constant 2 : i32
        %add3A_172 = arith.addi %mul3A_121, %add3A_171 : i32
        %add3A_173 = arith.constant 3 : i32
        %add3A_174 = arith.addi %add3A_172, %add3A_173 : i32
        %mul3A_175 = arith.constant 64 : i32
        %mul3A_176 = arith.muli %add3A_174, %mul3A_175 : i32
        %multiple_of3A_177 = tpu.assume_multiple %mul3A_176, 8 : i32
        %dma_start3A_178 = tpu.memref_slice %arg6[%multiple_of3A_177] : memref<2048xi32, #tpu.memory_space<vmem>> -> memref<64xi32, #tpu.memory_space<vmem>>
        %dma_start3A_179 = arith.constant 0 : i32
        %dma_start3A_180 = arith.constant 0 : i32
        %dma_start3A_181 = tpu.memref_slice %arg2[%dma_start3A_179, %dma_start3A_180] : memref<10000x128xf32, #tpu.memory_space<hbm>> -> memref<10000x128xf32, #tpu.memory_space<hbm>>
        tpu.enqueue_indirect_dma source(%dma_start3A_181 : memref<10000x128xf32, #tpu.memory_space<hbm>>) target(%arg9 : memref<64x128xf32, #tpu.memory_space<vmem>>) offsets(%dma_start3A_178 : memref<64xi32, #tpu.memory_space<vmem>>) semaphore(%arg14 : memref<!tpu.dma_semaphore, #tpu.memory_space<semaphore_mem>>)
        %add3A_182 = arith.constant 3 : i32
        %add3A_183 = arith.addi %mul3A_121, %add3A_182 : i32
        %mul3A_184 = arith.constant 64 : i32
        %mul3A_185 = arith.muli %add3A_183, %mul3A_184 : i32
        %multiple_of3A_186 = tpu.assume_multiple %mul3A_185, 8 : i32
        %dma_wait3A_187 = tpu.memref_slice %arg6[%multiple_of3A_186] : memref<2048xi32, #tpu.memory_space<vmem>> -> memref<64xi32, #tpu.memory_space<vmem>>
        %dma_wait3A_188 = arith.constant 0 : i32
        %dma_wait3A_189 = arith.constant 0 : i32
        %dma_wait3A_190 = tpu.memref_slice %arg2[%dma_wait3A_188, %dma_wait3A_189] : memref<10000x128xf32, #tpu.memory_space<hbm>> -> memref<10000x128xf32, #tpu.memory_space<hbm>>
        tpu.wait_indirect_dma semaphore(%arg16 : memref<!tpu.dma_semaphore, #tpu.memory_space<semaphore_mem>>) src(%dma_wait3A_190 : memref<10000x128xf32, #tpu.memory_space<hbm>>) dst(%arg11 : memref<64x128xf32, #tpu.memory_space<vmem>>)
        "tpu.region"() ({
          %run_scoped3A_202 = tpu.sem_alloc : memref<!tpu.dma_semaphore, #tpu.memory_space<semaphore_mem>>
          %dma_start3A_203 = arith.constant 0 : i32
          %dma_start3A_204 = tpu.memref_slice %arg7[%add3A_183, %dma_start3A_203] : memref<32x64xi32, #tpu.memory_space<vmem>> -> memref<1x64xi32, #tpu.memory_space<vmem>>
          %dma_start3A_205 = tpu.memref_squeeze %dma_start3A_204 : memref<1x64xi32, #tpu.memory_space<vmem>> -> memref<64xi32, #tpu.memory_space<vmem>>
          %dma_start3A_206 = arith.constant 0 : i32
          %dma_start3A_207 = arith.constant 0 : i32
          %dma_start3A_208 = tpu.memref_slice %arg12[%dma_start3A_206, %dma_start3A_207] : memref<10240x128xf32, #tpu.memory_space<vmem_shared>> -> memref<10240x128xf32, #tpu.memory_space<vmem_shared>>
          tpu.enqueue_indirect_dma source(%arg11 : memref<64x128xf32, #tpu.memory_space<vmem>>) target(%dma_start3A_208 : memref<10240x128xf32, #tpu.memory_space<vmem_shared>>) offsets(%dma_start3A_205 : memref<64xi32, #tpu.memory_space<vmem>>) semaphore(%run_scoped3A_202 : memref<!tpu.dma_semaphore, #tpu.memory_space<semaphore_mem>>) {add = true}
          %dma_wait3A_209 = arith.constant 0 : i32
          %dma_wait3A_210 = tpu.memref_slice %arg7[%add3A_183, %dma_wait3A_209] : memref<32x64xi32, #tpu.memory_space<vmem>> -> memref<1x64xi32, #tpu.memory_space<vmem>>
          %dma_wait3A_211 = tpu.memref_squeeze %dma_wait3A_210 : memref<1x64xi32, #tpu.memory_space<vmem>> -> memref<64xi32, #tpu.memory_space<vmem>>
          %dma_wait3A_212 = arith.constant 0 : i32
          %dma_wait3A_213 = arith.constant 0 : i32
          %dma_wait3A_214 = tpu.memref_slice %arg12[%dma_wait3A_212, %dma_wait3A_213] : memref<10240x128xf32, #tpu.memory_space<vmem_shared>> -> memref<10240x128xf32, #tpu.memory_space<vmem_shared>>
          tpu.wait_indirect_dma semaphore(%run_scoped3A_202 : memref<!tpu.dma_semaphore, #tpu.memory_space<semaphore_mem>>) src(%arg11 : memref<64x128xf32, #tpu.memory_space<vmem>>) dst(%dma_wait3A_214 : memref<10240x128xf32, #tpu.memory_space<vmem_shared>>)
          tpu.yield
        }) : () -> ()
        %add3A_191 = arith.constant 3 : i32
        %add3A_192 = arith.addi %mul3A_121, %add3A_191 : i32
        %add3A_193 = arith.constant 3 : i32
        %add3A_194 = arith.addi %add3A_192, %add3A_193 : i32
        %mul3A_195 = arith.constant 64 : i32
        %mul3A_196 = arith.muli %add3A_194, %mul3A_195 : i32
        %multiple_of3A_197 = tpu.assume_multiple %mul3A_196, 8 : i32
        %dma_start3A_198 = tpu.memref_slice %arg6[%multiple_of3A_197] : memref<2048xi32, #tpu.memory_space<vmem>> -> memref<64xi32, #tpu.memory_space<vmem>>
        %dma_start3A_199 = arith.constant 0 : i32
        %dma_start3A_200 = arith.constant 0 : i32
        %dma_start3A_201 = tpu.memref_slice %arg2[%dma_start3A_199, %dma_start3A_200] : memref<10000x128xf32, #tpu.memory_space<hbm>> -> memref<10000x128xf32, #tpu.memory_space<hbm>>
        tpu.enqueue_indirect_dma source(%dma_start3A_201 : memref<10000x128xf32, #tpu.memory_space<hbm>>) target(%arg10 : memref<64x128xf32, #tpu.memory_space<vmem>>) offsets(%dma_start3A_198 : memref<64xi32, #tpu.memory_space<vmem>>) semaphore(%arg15 : memref<!tpu.dma_semaphore, #tpu.memory_space<semaphore_mem>>)
      }
      %scan3A_86 = arith.constant 7 : i32
      %multiple_of3A_87 = arith.constant 1792 : i32
      %multiple_of3A_88 = tpu.assume_multiple %multiple_of3A_87, 8 : i32
      %dma_wait3A = tpu.memref_slice %arg6[%multiple_of3A_88] : memref<2048xi32, #tpu.memory_space<vmem>> -> memref<64xi32, #tpu.memory_space<vmem>>
      %dma_wait3A_89 = arith.constant 0 : i32
      %dma_wait3A_90 = arith.constant 0 : i32
      %dma_wait3A_91 = tpu.memref_slice %arg2[%dma_wait3A_89, %dma_wait3A_90] : memref<10000x128xf32, #tpu.memory_space<hbm>> -> memref<10000x128xf32, #tpu.memory_space<hbm>>
      tpu.wait_indirect_dma semaphore(%arg13 : memref<!tpu.dma_semaphore, #tpu.memory_space<semaphore_mem>>) src(%dma_wait3A_91 : memref<10000x128xf32, #tpu.memory_space<hbm>>) dst(%arg8 : memref<64x128xf32, #tpu.memory_space<vmem>>)
      %run_scoped3A = arith.constant 28 : i32
      "tpu.region"() ({
        %run_scoped3A_119 = tpu.sem_alloc : memref<!tpu.dma_semaphore, #tpu.memory_space<semaphore_mem>>
        %dma_start3A_120 = arith.constant 0 : i32
        %dma_start3A_121 = tpu.memref_slice %arg7[%run_scoped3A, %dma_start3A_120] : memref<32x64xi32, #tpu.memory_space<vmem>> -> memref<1x64xi32, #tpu.memory_space<vmem>>
        %dma_start3A_122 = tpu.memref_squeeze %dma_start3A_121 : memref<1x64xi32, #tpu.memory_space<vmem>> -> memref<64xi32, #tpu.memory_space<vmem>>
        %dma_start3A_123 = arith.constant 0 : i32
        %dma_start3A_124 = arith.constant 0 : i32
        %dma_start3A_125 = tpu.memref_slice %arg12[%dma_start3A_123, %dma_start3A_124] : memref<10240x128xf32, #tpu.memory_space<vmem_shared>> -> memref<10240x128xf32, #tpu.memory_space<vmem_shared>>
        tpu.enqueue_indirect_dma source(%arg8 : memref<64x128xf32, #tpu.memory_space<vmem>>) target(%dma_start3A_125 : memref<10240x128xf32, #tpu.memory_space<vmem_shared>>) offsets(%dma_start3A_122 : memref<64xi32, #tpu.memory_space<vmem>>) semaphore(%run_scoped3A_119 : memref<!tpu.dma_semaphore, #tpu.memory_space<semaphore_mem>>) {add = true}
        %dma_wait3A_126 = arith.constant 0 : i32
        %dma_wait3A_127 = tpu.memref_slice %arg7[%run_scoped3A, %dma_wait3A_126] : memref<32x64xi32, #tpu.memory_space<vmem>> -> memref<1x64xi32, #tpu.memory_space<vmem>>
        %dma_wait3A_128 = tpu.memref_squeeze %dma_wait3A_127 : memref<1x64xi32, #tpu.memory_space<vmem>> -> memref<64xi32, #tpu.memory_space<vmem>>
        %dma_wait3A_129 = arith.constant 0 : i32
        %dma_wait3A_130 = arith.constant 0 : i32
        %dma_wait3A_131 = tpu.memref_slice %arg12[%dma_wait3A_129, %dma_wait3A_130] : memref<10240x128xf32, #tpu.memory_space<vmem_shared>> -> memref<10240x128xf32, #tpu.memory_space<vmem_shared>>
        tpu.wait_indirect_dma semaphore(%run_scoped3A_119 : memref<!tpu.dma_semaphore, #tpu.memory_space<semaphore_mem>>) src(%arg8 : memref<64x128xf32, #tpu.memory_space<vmem>>) dst(%dma_wait3A_131 : memref<10240x128xf32, #tpu.memory_space<vmem_shared>>)
        tpu.yield
      }) : () -> ()
      %multiple_of3A_92 = arith.constant 1984 : i32
      %multiple_of3A_93 = tpu.assume_multiple %multiple_of3A_92, 8 : i32
      %dma_start3A_94 = tpu.memref_slice %arg6[%multiple_of3A_93] : memref<2048xi32, #tpu.memory_space<vmem>> -> memref<64xi32, #tpu.memory_space<vmem>>
      %dma_start3A_95 = arith.constant 0 : i32
      %dma_start3A_96 = arith.constant 0 : i32
      %dma_start3A_97 = tpu.memref_slice %arg2[%dma_start3A_95, %dma_start3A_96] : memref<10000x128xf32, #tpu.memory_space<hbm>> -> memref<10000x128xf32, #tpu.memory_space<hbm>>
      tpu.enqueue_indirect_dma source(%dma_start3A_97 : memref<10000x128xf32, #tpu.memory_space<hbm>>) target(%arg11 : memref<64x128xf32, #tpu.memory_space<vmem>>) offsets(%dma_start3A_94 : memref<64xi32, #tpu.memory_space<vmem>>) semaphore(%arg16 : memref<!tpu.dma_semaphore, #tpu.memory_space<semaphore_mem>>)
      %multiple_of3A_98 = arith.constant 1856 : i32
      %multiple_of3A_99 = tpu.assume_multiple %multiple_of3A_98, 8 : i32
      %dma_wait3A_100 = tpu.memref_slice %arg6[%multiple_of3A_99] : memref<2048xi32, #tpu.memory_space<vmem>> -> memref<64xi32, #tpu.memory_space<vmem>>
      %dma_wait3A_101 = arith.constant 0 : i32
      %dma_wait3A_102 = arith.constant 0 : i32
      %dma_wait3A_103 = tpu.memref_slice %arg2[%dma_wait3A_101, %dma_wait3A_102] : memref<10000x128xf32, #tpu.memory_space<hbm>> -> memref<10000x128xf32, #tpu.memory_space<hbm>>
      tpu.wait_indirect_dma semaphore(%arg14 : memref<!tpu.dma_semaphore, #tpu.memory_space<semaphore_mem>>) src(%dma_wait3A_103 : memref<10000x128xf32, #tpu.memory_space<hbm>>) dst(%arg9 : memref<64x128xf32, #tpu.memory_space<vmem>>)
      %run_scoped3A_104 = arith.constant 29 : i32
      "tpu.region"() ({
        %run_scoped3A_119 = tpu.sem_alloc : memref<!tpu.dma_semaphore, #tpu.memory_space<semaphore_mem>>
        %dma_start3A_120 = arith.constant 0 : i32
        %dma_start3A_121 = tpu.memref_slice %arg7[%run_scoped3A_104, %dma_start3A_120] : memref<32x64xi32, #tpu.memory_space<vmem>> -> memref<1x64xi32, #tpu.memory_space<vmem>>
        %dma_start3A_122 = tpu.memref_squeeze %dma_start3A_121 : memref<1x64xi32, #tpu.memory_space<vmem>> -> memref<64xi32, #tpu.memory_space<vmem>>
        %dma_start3A_123 = arith.constant 0 : i32
        %dma_start3A_124 = arith.constant 0 : i32
        %dma_start3A_125 = tpu.memref_slice %arg12[%dma_start3A_123, %dma_start3A_124] : memref<10240x128xf32, #tpu.memory_space<vmem_shared>> -> memref<10240x128xf32, #tpu.memory_space<vmem_shared>>
        tpu.enqueue_indirect_dma source(%arg9 : memref<64x128xf32, #tpu.memory_space<vmem>>) target(%dma_start3A_125 : memref<10240x128xf32, #tpu.memory_space<vmem_shared>>) offsets(%dma_start3A_122 : memref<64xi32, #tpu.memory_space<vmem>>) semaphore(%run_scoped3A_119 : memref<!tpu.dma_semaphore, #tpu.memory_space<semaphore_mem>>) {add = true}
        %dma_wait3A_126 = arith.constant 0 : i32
        %dma_wait3A_127 = tpu.memref_slice %arg7[%run_scoped3A_104, %dma_wait3A_126] : memref<32x64xi32, #tpu.memory_space<vmem>> -> memref<1x64xi32, #tpu.memory_space<vmem>>
        %dma_wait3A_128 = tpu.memref_squeeze %dma_wait3A_127 : memref<1x64xi32, #tpu.memory_space<vmem>> -> memref<64xi32, #tpu.memory_space<vmem>>
        %dma_wait3A_129 = arith.constant 0 : i32
        %dma_wait3A_130 = arith.constant 0 : i32
        %dma_wait3A_131 = tpu.memref_slice %arg12[%dma_wait3A_129, %dma_wait3A_130] : memref<10240x128xf32, #tpu.memory_space<vmem_shared>> -> memref<10240x128xf32, #tpu.memory_space<vmem_shared>>
        tpu.wait_indirect_dma semaphore(%run_scoped3A_119 : memref<!tpu.dma_semaphore, #tpu.memory_space<semaphore_mem>>) src(%arg9 : memref<64x128xf32, #tpu.memory_space<vmem>>) dst(%dma_wait3A_131 : memref<10240x128xf32, #tpu.memory_space<vmem_shared>>)
        tpu.yield
      }) : () -> ()
      %multiple_of3A_105 = arith.constant 1920 : i32
      %multiple_of3A_106 = tpu.assume_multiple %multiple_of3A_105, 8 : i32
      %dma_wait3A_107 = tpu.memref_slice %arg6[%multiple_of3A_106] : memref<2048xi32, #tpu.memory_space<vmem>> -> memref<64xi32, #tpu.memory_space<vmem>>
      %dma_wait3A_108 = arith.constant 0 : i32
      %dma_wait3A_109 = arith.constant 0 : i32
      %dma_wait3A_110 = tpu.memref_slice %arg2[%dma_wait3A_108, %dma_wait3A_109] : memref<10000x128xf32, #tpu.memory_space<hbm>> -> memref<10000x128xf32, #tpu.memory_space<hbm>>
      tpu.wait_indirect_dma semaphore(%arg15 : memref<!tpu.dma_semaphore, #tpu.memory_space<semaphore_mem>>) src(%dma_wait3A_110 : memref<10000x128xf32, #tpu.memory_space<hbm>>) dst(%arg10 : memref<64x128xf32, #tpu.memory_space<vmem>>)
      %run_scoped3A_111 = arith.constant 30 : i32
      "tpu.region"() ({
        %run_scoped3A_119 = tpu.sem_alloc : memref<!tpu.dma_semaphore, #tpu.memory_space<semaphore_mem>>
        %dma_start3A_120 = arith.constant 0 : i32
        %dma_start3A_121 = tpu.memref_slice %arg7[%run_scoped3A_111, %dma_start3A_120] : memref<32x64xi32, #tpu.memory_space<vmem>> -> memref<1x64xi32, #tpu.memory_space<vmem>>
        %dma_start3A_122 = tpu.memref_squeeze %dma_start3A_121 : memref<1x64xi32, #tpu.memory_space<vmem>> -> memref<64xi32, #tpu.memory_space<vmem>>
        %dma_start3A_123 = arith.constant 0 : i32
        %dma_start3A_124 = arith.constant 0 : i32
        %dma_start3A_125 = tpu.memref_slice %arg12[%dma_start3A_123, %dma_start3A_124] : memref<10240x128xf32, #tpu.memory_space<vmem_shared>> -> memref<10240x128xf32, #tpu.memory_space<vmem_shared>>
        tpu.enqueue_indirect_dma source(%arg10 : memref<64x128xf32, #tpu.memory_space<vmem>>) target(%dma_start3A_125 : memref<10240x128xf32, #tpu.memory_space<vmem_shared>>) offsets(%dma_start3A_122 : memref<64xi32, #tpu.memory_space<vmem>>) semaphore(%run_scoped3A_119 : memref<!tpu.dma_semaphore, #tpu.memory_space<semaphore_mem>>) {add = true}
        %dma_wait3A_126 = arith.constant 0 : i32
        %dma_wait3A_127 = tpu.memref_slice %arg7[%run_scoped3A_111, %dma_wait3A_126] : memref<32x64xi32, #tpu.memory_space<vmem>> -> memref<1x64xi32, #tpu.memory_space<vmem>>
        %dma_wait3A_128 = tpu.memref_squeeze %dma_wait3A_127 : memref<1x64xi32, #tpu.memory_space<vmem>> -> memref<64xi32, #tpu.memory_space<vmem>>
        %dma_wait3A_129 = arith.constant 0 : i32
        %dma_wait3A_130 = arith.constant 0 : i32
        %dma_wait3A_131 = tpu.memref_slice %arg12[%dma_wait3A_129, %dma_wait3A_130] : memref<10240x128xf32, #tpu.memory_space<vmem_shared>> -> memref<10240x128xf32, #tpu.memory_space<vmem_shared>>
        tpu.wait_indirect_dma semaphore(%run_scoped3A_119 : memref<!tpu.dma_semaphore, #tpu.memory_space<semaphore_mem>>) src(%arg10 : memref<64x128xf32, #tpu.memory_space<vmem>>) dst(%dma_wait3A_131 : memref<10240x128xf32, #tpu.memory_space<vmem_shared>>)
        tpu.yield
      }) : () -> ()
      %multiple_of3A_112 = arith.constant 1984 : i32
      %multiple_of3A_113 = tpu.assume_multiple %multiple_of3A_112, 8 : i32
      %dma_wait3A_114 = tpu.memref_slice %arg6[%multiple_of3A_113] : memref<2048xi32, #tpu.memory_space<vmem>> -> memref<64xi32, #tpu.memory_space<vmem>>
      %dma_wait3A_115 = arith.constant 0 : i32
      %dma_wait3A_116 = arith.constant 0 : i32
      %dma_wait3A_117 = tpu.memref_slice %arg2[%dma_wait3A_115, %dma_wait3A_116] : memref<10000x128xf32, #tpu.memory_space<hbm>> -> memref<10000x128xf32, #tpu.memory_space<hbm>>
      tpu.wait_indirect_dma semaphore(%arg16 : memref<!tpu.dma_semaphore, #tpu.memory_space<semaphore_mem>>) src(%dma_wait3A_117 : memref<10000x128xf32, #tpu.memory_space<hbm>>) dst(%arg11 : memref<64x128xf32, #tpu.memory_space<vmem>>)
      %run_scoped3A_118 = arith.constant 31 : i32
      "tpu.region"() ({
        %run_scoped3A_119 = tpu.sem_alloc : memref<!tpu.dma_semaphore, #tpu.memory_space<semaphore_mem>>
        %dma_start3A_120 = arith.constant 0 : i32
        %dma_start3A_121 = tpu.memref_slice %arg7[%run_scoped3A_118, %dma_start3A_120] : memref<32x64xi32, #tpu.memory_space<vmem>> -> memref<1x64xi32, #tpu.memory_space<vmem>>
        %dma_start3A_122 = tpu.memref_squeeze %dma_start3A_121 : memref<1x64xi32, #tpu.memory_space<vmem>> -> memref<64xi32, #tpu.memory_space<vmem>>
        %dma_start3A_123 = arith.constant 0 : i32
        %dma_start3A_124 = arith.constant 0 : i32
        %dma_start3A_125 = tpu.memref_slice %arg12[%dma_start3A_123, %dma_start3A_124] : memref<10240x128xf32, #tpu.memory_space<vmem_shared>> -> memref<10240x128xf32, #tpu.memory_space<vmem_shared>>
        tpu.enqueue_indirect_dma source(%arg11 : memref<64x128xf32, #tpu.memory_space<vmem>>) target(%dma_start3A_125 : memref<10240x128xf32, #tpu.memory_space<vmem_shared>>) offsets(%dma_start3A_122 : memref<64xi32, #tpu.memory_space<vmem>>) semaphore(%run_scoped3A_119 : memref<!tpu.dma_semaphore, #tpu.memory_space<semaphore_mem>>) {add = true}
        %dma_wait3A_126 = arith.constant 0 : i32
        %dma_wait3A_127 = tpu.memref_slice %arg7[%run_scoped3A_118, %dma_wait3A_126] : memref<32x64xi32, #tpu.memory_space<vmem>> -> memref<1x64xi32, #tpu.memory_space<vmem>>
        %dma_wait3A_128 = tpu.memref_squeeze %dma_wait3A_127 : memref<1x64xi32, #tpu.memory_space<vmem>> -> memref<64xi32, #tpu.memory_space<vmem>>
        %dma_wait3A_129 = arith.constant 0 : i32
        %dma_wait3A_130 = arith.constant 0 : i32
        %dma_wait3A_131 = tpu.memref_slice %arg12[%dma_wait3A_129, %dma_wait3A_130] : memref<10240x128xf32, #tpu.memory_space<vmem_shared>> -> memref<10240x128xf32, #tpu.memory_space<vmem_shared>>
        tpu.wait_indirect_dma semaphore(%run_scoped3A_119 : memref<!tpu.dma_semaphore, #tpu.memory_space<semaphore_mem>>) src(%arg11 : memref<64x128xf32, #tpu.memory_space<vmem>>) dst(%dma_wait3A_131 : memref<10240x128xf32, #tpu.memory_space<vmem_shared>>)
        tpu.yield
      }) : () -> ()
    }
    %while3A_52 = arith.constant 1 : i32
    scf.for %while3A_57 = %while3A_50 to %while3A_46 step %while3A_52  : i32 {
      %mul3A_58 = arith.constant 2048 : i32
      %mul3A_59 = arith.muli %while3A_57, %mul3A_58 : i32
      %add3A_60 = arith.addi %add3A_32, %mul3A_59 : i32
      %multiple_of3A = tpu.assume_multiple %add3A_60, 8 : i32
      "tpu.region"() ({
        %run_scoped3A_119 = tpu.sem_alloc : memref<!tpu.dma_semaphore, #tpu.memory_space<semaphore_mem>>
        %dma_start3A_120 = tpu.memref_slice %arg3[%multiple_of3A] : memref<327680xi32, #tpu.memory_space<hbm>> -> memref<2048xi32, #tpu.memory_space<hbm>>
        %dma_start3A_121 = tpu.memref_slice %arg3[%multiple_of3A] : memref<327680xi32, #tpu.memory_space<hbm>> -> memref<2048xi32, #tpu.memory_space<hbm>>
        tpu.enqueue_dma source(%dma_start3A_121 : memref<2048xi32, #tpu.memory_space<hbm>>) target(%arg6 : memref<2048xi32, #tpu.memory_space<vmem>>) target_semaphore(%run_scoped3A_119 : memref<!tpu.dma_semaphore, #tpu.memory_space<semaphore_mem>>)
        %dma_wait3A_122 = tpu.memref_slice %arg3[%multiple_of3A] : memref<327680xi32, #tpu.memory_space<hbm>> -> memref<2048xi32, #tpu.memory_space<hbm>>
        %dma_wait3A_123 = tpu.memref_slice %arg3[%multiple_of3A] : memref<327680xi32, #tpu.memory_space<hbm>> -> memref<2048xi32, #tpu.memory_space<hbm>>
        tpu.wait_dma2 semaphore(%run_scoped3A_119 : memref<!tpu.dma_semaphore, #tpu.memory_space<semaphore_mem>>) src(%dma_wait3A_123 : memref<2048xi32, #tpu.memory_space<hbm>>) dst(%arg6 : memref<2048xi32, #tpu.memory_space<vmem>>)
        tpu.yield
      }) : () -> ()
      %mul3A_61 = arith.constant 32 : i32
      %mul3A_62 = arith.muli %while3A_57, %mul3A_61 : i32
      %add3A_63 = arith.addi %add3A_40, %mul3A_62 : i32
      "tpu.region"() ({
        %run_scoped3A_119 = tpu.sem_alloc : memref<!tpu.dma_semaphore, #tpu.memory_space<semaphore_mem>>
        %dma_start3A_120 = arith.constant 0 : i32
        %dma_start3A_121 = tpu.memref_slice %arg4[%add3A_63, %dma_start3A_120] : memref<5120x64xi32, #tpu.memory_space<hbm>> -> memref<32x64xi32, #tpu.memory_space<hbm>>
        %dma_start3A_122 = arith.constant 0 : i32
        %dma_start3A_123 = tpu.memref_slice %arg4[%add3A_63, %dma_start3A_122] : memref<5120x64xi32, #tpu.memory_space<hbm>> -> memref<32x64xi32, #tpu.memory_space<hbm>>
        tpu.enqueue_dma source(%dma_start3A_123 : memref<32x64xi32, #tpu.memory_space<hbm>>) target(%arg7 : memref<32x64xi32, #tpu.memory_space<vmem>>) target_semaphore(%run_scoped3A_119 : memref<!tpu.dma_semaphore, #tpu.memory_space<semaphore_mem>>)
        %dma_wait3A_124 = arith.constant 0 : i32
        %dma_wait3A_125 = tpu.memref_slice %arg4[%add3A_63, %dma_wait3A_124] : memref<5120x64xi32, #tpu.memory_space<hbm>> -> memref<32x64xi32, #tpu.memory_space<hbm>>
        %dma_wait3A_126 = arith.constant 0 : i32
        %dma_wait3A_127 = tpu.memref_slice %arg4[%add3A_63, %dma_wait3A_126] : memref<5120x64xi32, #tpu.memory_space<hbm>> -> memref<32x64xi32, #tpu.memory_space<hbm>>
        tpu.wait_dma2 semaphore(%run_scoped3A_119 : memref<!tpu.dma_semaphore, #tpu.memory_space<semaphore_mem>>) src(%dma_wait3A_127 : memref<32x64xi32, #tpu.memory_space<hbm>>) dst(%arg7 : memref<32x64xi32, #tpu.memory_space<vmem>>)
        tpu.yield
      }) : () -> ()
      %multiple_of3A_64 = arith.constant 0 : i32
      %multiple_of3A_65 = tpu.assume_multiple %multiple_of3A_64, 8 : i32
      %dma_start3A = tpu.memref_slice %arg6[%multiple_of3A_65] : memref<2048xi32, #tpu.memory_space<vmem>> -> memref<64xi32, #tpu.memory_space<vmem>>
      %dma_start3A_66 = arith.constant 0 : i32
      %dma_start3A_67 = arith.constant 0 : i32
      %dma_start3A_68 = tpu.memref_slice %arg2[%dma_start3A_66, %dma_start3A_67] : memref<10000x128xf32, #tpu.memory_space<hbm>> -> memref<10000x128xf32, #tpu.memory_space<hbm>>
      tpu.enqueue_indirect_dma source(%dma_start3A_68 : memref<10000x128xf32, #tpu.memory_space<hbm>>) target(%arg8 : memref<64x128xf32, #tpu.memory_space<vmem>>) offsets(%dma_start3A : memref<64xi32, #tpu.memory_space<vmem>>) semaphore(%arg13 : memref<!tpu.dma_semaphore, #tpu.memory_space<semaphore_mem>>)
      %multiple_of3A_69 = arith.constant 64 : i32
      %multiple_of3A_70 = tpu.assume_multiple %multiple_of3A_69, 8 : i32
      %dma_start3A_71 = tpu.memref_slice %arg6[%multiple_of3A_70] : memref<2048xi32, #tpu.memory_space<vmem>> -> memref<64xi32, #tpu.memory_space<vmem>>
      %dma_start3A_72 = arith.constant 0 : i32
      %dma_start3A_73 = arith.constant 0 : i32
      %dma_start3A_74 = tpu.memref_slice %arg2[%dma_start3A_72, %dma_start3A_73] : memref<10000x128xf32, #tpu.memory_space<hbm>> -> memref<10000x128xf32, #tpu.memory_space<hbm>>
      tpu.enqueue_indirect_dma source(%dma_start3A_74 : memref<10000x128xf32, #tpu.memory_space<hbm>>) target(%arg9 : memref<64x128xf32, #tpu.memory_space<vmem>>) offsets(%dma_start3A_71 : memref<64xi32, #tpu.memory_space<vmem>>) semaphore(%arg14 : memref<!tpu.dma_semaphore, #tpu.memory_space<semaphore_mem>>)
      %multiple_of3A_75 = arith.constant 128 : i32
      %multiple_of3A_76 = tpu.assume_multiple %multiple_of3A_75, 8 : i32
      %dma_start3A_77 = tpu.memref_slice %arg6[%multiple_of3A_76] : memref<2048xi32, #tpu.memory_space<vmem>> -> memref<64xi32, #tpu.memory_space<vmem>>
      %dma_start3A_78 = arith.constant 0 : i32
      %dma_start3A_79 = arith.constant 0 : i32
      %dma_start3A_80 = tpu.memref_slice %arg2[%dma_start3A_78, %dma_start3A_79] : memref<10000x128xf32, #tpu.memory_space<hbm>> -> memref<10000x128xf32, #tpu.memory_space<hbm>>
      tpu.enqueue_indirect_dma source(%dma_start3A_80 : memref<10000x128xf32, #tpu.memory_space<hbm>>) target(%arg10 : memref<64x128xf32, #tpu.memory_space<vmem>>) offsets(%dma_start3A_77 : memref<64xi32, #tpu.memory_space<vmem>>) semaphore(%arg15 : memref<!tpu.dma_semaphore, #tpu.memory_space<semaphore_mem>>)
      %scan3A_81 = arith.constant 0 : i32
      %scan3A_82 = arith.constant 0 : i32
      %scan3A_83 = arith.constant 7 : i32
      %scan3A_84 = arith.addi %scan3A_82, %scan3A_83 : i32
      %scan3A_85 = arith.constant 1 : i32
      scf.for %scan3A_119 = %scan3A_82 to %scan3A_84 step %scan3A_85  : i32 {
        %mul3A_120 = arith.constant 4 : i32
        %mul3A_121 = arith.muli %scan3A_119, %mul3A_120 : i32
        %add3A_122 = arith.constant 0 : i32
        %add3A_123 = arith.addi %mul3A_121, %add3A_122 : i32
        %mul3A_124 = arith.constant 64 : i32
        %mul3A_125 = arith.muli %add3A_123, %mul3A_124 : i32
        %multiple_of3A_126 = tpu.assume_multiple %mul3A_125, 8 : i32
        %dma_wait3A_127 = tpu.memref_slice %arg6[%multiple_of3A_126] : memref<2048xi32, #tpu.memory_space<vmem>> -> memref<64xi32, #tpu.memory_space<vmem>>
        %dma_wait3A_128 = arith.constant 0 : i32
        %dma_wait3A_129 = arith.constant 0 : i32
        %dma_wait3A_130 = tpu.memref_slice %arg2[%dma_wait3A_128, %dma_wait3A_129] : memref<10000x128xf32, #tpu.memory_space<hbm>> -> memref<10000x128xf32, #tpu.memory_space<hbm>>
        tpu.wait_indirect_dma semaphore(%arg13 : memref<!tpu.dma_semaphore, #tpu.memory_space<semaphore_mem>>) src(%dma_wait3A_130 : memref<10000x128xf32, #tpu.memory_space<hbm>>) dst(%arg8 : memref<64x128xf32, #tpu.memory_space<vmem>>)
        "tpu.region"() ({
          %run_scoped3A_202 = tpu.sem_alloc : memref<!tpu.dma_semaphore, #tpu.memory_space<semaphore_mem>>
          %dma_start3A_203 = arith.constant 0 : i32
          %dma_start3A_204 = tpu.memref_slice %arg7[%add3A_123, %dma_start3A_203] : memref<32x64xi32, #tpu.memory_space<vmem>> -> memref<1x64xi32, #tpu.memory_space<vmem>>
          %dma_start3A_205 = tpu.memref_squeeze %dma_start3A_204 : memref<1x64xi32, #tpu.memory_space<vmem>> -> memref<64xi32, #tpu.memory_space<vmem>>
          %dma_start3A_206 = arith.constant 0 : i32
          %dma_start3A_207 = arith.constant 0 : i32
          %dma_start3A_208 = tpu.memref_slice %arg12[%dma_start3A_206, %dma_start3A_207] : memref<10240x128xf32, #tpu.memory_space<vmem_shared>> -> memref<10240x128xf32, #tpu.memory_space<vmem_shared>>
          tpu.enqueue_indirect_dma source(%arg8 : memref<64x128xf32, #tpu.memory_space<vmem>>) target(%dma_start3A_208 : memref<10240x128xf32, #tpu.memory_space<vmem_shared>>) offsets(%dma_start3A_205 : memref<64xi32, #tpu.memory_space<vmem>>) semaphore(%run_scoped3A_202 : memref<!tpu.dma_semaphore, #tpu.memory_space<semaphore_mem>>) {add = true}
          %dma_wait3A_209 = arith.constant 0 : i32
          %dma_wait3A_210 = tpu.memref_slice %arg7[%add3A_123, %dma_wait3A_209] : memref<32x64xi32, #tpu.memory_space<vmem>> -> memref<1x64xi32, #tpu.memory_space<vmem>>
          %dma_wait3A_211 = tpu.memref_squeeze %dma_wait3A_210 : memref<1x64xi32, #tpu.memory_space<vmem>> -> memref<64xi32, #tpu.memory_space<vmem>>
          %dma_wait3A_212 = arith.constant 0 : i32
          %dma_wait3A_213 = arith.constant 0 : i32
          %dma_wait3A_214 = tpu.memref_slice %arg12[%dma_wait3A_212, %dma_wait3A_213] : memref<10240x128xf32, #tpu.memory_space<vmem_shared>> -> memref<10240x128xf32, #tpu.memory_space<vmem_shared>>
          tpu.wait_indirect_dma semaphore(%run_scoped3A_202 : memref<!tpu.dma_semaphore, #tpu.memory_space<semaphore_mem>>) src(%arg8 : memref<64x128xf32, #tpu.memory_space<vmem>>) dst(%dma_wait3A_214 : memref<10240x128xf32, #tpu.memory_space<vmem_shared>>)
          tpu.yield
        }) : () -> ()
        %add3A_131 = arith.constant 0 : i32
        %add3A_132 = arith.addi %mul3A_121, %add3A_131 : i32
        %add3A_133 = arith.constant 3 : i32
        %add3A_134 = arith.addi %add3A_132, %add3A_133 : i32
        %mul3A_135 = arith.constant 64 : i32
        %mul3A_136 = arith.muli %add3A_134, %mul3A_135 : i32
        %multiple_of3A_137 = tpu.assume_multiple %mul3A_136, 8 : i32
        %dma_start3A_138 = tpu.memref_slice %arg6[%multiple_of3A_137] : memref<2048xi32, #tpu.memory_space<vmem>> -> memref<64xi32, #tpu.memory_space<vmem>>
        %dma_start3A_139 = arith.constant 0 : i32
        %dma_start3A_140 = arith.constant 0 : i32
        %dma_start3A_141 = tpu.memref_slice %arg2[%dma_start3A_139, %dma_start3A_140] : memref<10000x128xf32, #tpu.memory_space<hbm>> -> memref<10000x128xf32, #tpu.memory_space<hbm>>
        tpu.enqueue_indirect_dma source(%dma_start3A_141 : memref<10000x128xf32, #tpu.memory_space<hbm>>) target(%arg11 : memref<64x128xf32, #tpu.memory_space<vmem>>) offsets(%dma_start3A_138 : memref<64xi32, #tpu.memory_space<vmem>>) semaphore(%arg16 : memref<!tpu.dma_semaphore, #tpu.memory_space<semaphore_mem>>)
        %add3A_142 = arith.constant 1 : i32
        %add3A_143 = arith.addi %mul3A_121, %add3A_142 : i32
        %mul3A_144 = arith.constant 64 : i32
        %mul3A_145 = arith.muli %add3A_143, %mul3A_144 : i32
        %multiple_of3A_146 = tpu.assume_multiple %mul3A_145, 8 : i32
        %dma_wait3A_147 = tpu.memref_slice %arg6[%multiple_of3A_146] : memref<2048xi32, #tpu.memory_space<vmem>> -> memref<64xi32, #tpu.memory_space<vmem>>
        %dma_wait3A_148 = arith.constant 0 : i32
        %dma_wait3A_149 = arith.constant 0 : i32
        %dma_wait3A_150 = tpu.memref_slice %arg2[%dma_wait3A_148, %dma_wait3A_149] : memref<10000x128xf32, #tpu.memory_space<hbm>> -> memref<10000x128xf32, #tpu.memory_space<hbm>>
        tpu.wait_indirect_dma semaphore(%arg14 : memref<!tpu.dma_semaphore, #tpu.memory_space<semaphore_mem>>) src(%dma_wait3A_150 : memref<10000x128xf32, #tpu.memory_space<hbm>>) dst(%arg9 : memref<64x128xf32, #tpu.memory_space<vmem>>)
        "tpu.region"() ({
          %run_scoped3A_202 = tpu.sem_alloc : memref<!tpu.dma_semaphore, #tpu.memory_space<semaphore_mem>>
          %dma_start3A_203 = arith.constant 0 : i32
          %dma_start3A_204 = tpu.memref_slice %arg7[%add3A_143, %dma_start3A_203] : memref<32x64xi32, #tpu.memory_space<vmem>> -> memref<1x64xi32, #tpu.memory_space<vmem>>
          %dma_start3A_205 = tpu.memref_squeeze %dma_start3A_204 : memref<1x64xi32, #tpu.memory_space<vmem>> -> memref<64xi32, #tpu.memory_space<vmem>>
          %dma_start3A_206 = arith.constant 0 : i32
          %dma_start3A_207 = arith.constant 0 : i32
          %dma_start3A_208 = tpu.memref_slice %arg12[%dma_start3A_206, %dma_start3A_207] : memref<10240x128xf32, #tpu.memory_space<vmem_shared>> -> memref<10240x128xf32, #tpu.memory_space<vmem_shared>>
          tpu.enqueue_indirect_dma source(%arg9 : memref<64x128xf32, #tpu.memory_space<vmem>>) target(%dma_start3A_208 : memref<10240x128xf32, #tpu.memory_space<vmem_shared>>) offsets(%dma_start3A_205 : memref<64xi32, #tpu.memory_space<vmem>>) semaphore(%run_scoped3A_202 : memref<!tpu.dma_semaphore, #tpu.memory_space<semaphore_mem>>) {add = true}
          %dma_wait3A_209 = arith.constant 0 : i32
          %dma_wait3A_210 = tpu.memref_slice %arg7[%add3A_143, %dma_wait3A_209] : memref<32x64xi32, #tpu.memory_space<vmem>> -> memref<1x64xi32, #tpu.memory_space<vmem>>
          %dma_wait3A_211 = tpu.memref_squeeze %dma_wait3A_210 : memref<1x64xi32, #tpu.memory_space<vmem>> -> memref<64xi32, #tpu.memory_space<vmem>>
          %dma_wait3A_212 = arith.constant 0 : i32
          %dma_wait3A_213 = arith.constant 0 : i32
          %dma_wait3A_214 = tpu.memref_slice %arg12[%dma_wait3A_212, %dma_wait3A_213] : memref<10240x128xf32, #tpu.memory_space<vmem_shared>> -> memref<10240x128xf32, #tpu.memory_space<vmem_shared>>
          tpu.wait_indirect_dma semaphore(%run_scoped3A_202 : memref<!tpu.dma_semaphore, #tpu.memory_space<semaphore_mem>>) src(%arg9 : memref<64x128xf32, #tpu.memory_space<vmem>>) dst(%dma_wait3A_214 : memref<10240x128xf32, #tpu.memory_space<vmem_shared>>)
          tpu.yield
        }) : () -> ()
        %add3A_151 = arith.constant 1 : i32
        %add3A_152 = arith.addi %mul3A_121, %add3A_151 : i32
        %add3A_153 = arith.constant 3 : i32
        %add3A_154 = arith.addi %add3A_152, %add3A_153 : i32
        %mul3A_155 = arith.constant 64 : i32
        %mul3A_156 = arith.muli %add3A_154, %mul3A_155 : i32
        %multiple_of3A_157 = tpu.assume_multiple %mul3A_156, 8 : i32
        %dma_start3A_158 = tpu.memref_slice %arg6[%multiple_of3A_157] : memref<2048xi32, #tpu.memory_space<vmem>> -> memref<64xi32, #tpu.memory_space<vmem>>
        %dma_start3A_159 = arith.constant 0 : i32
        %dma_start3A_160 = arith.constant 0 : i32
        %dma_start3A_161 = tpu.memref_slice %arg2[%dma_start3A_159, %dma_start3A_160] : memref<10000x128xf32, #tpu.memory_space<hbm>> -> memref<10000x128xf32, #tpu.memory_space<hbm>>
        tpu.enqueue_indirect_dma source(%dma_start3A_161 : memref<10000x128xf32, #tpu.memory_space<hbm>>) target(%arg8 : memref<64x128xf32, #tpu.memory_space<vmem>>) offsets(%dma_start3A_158 : memref<64xi32, #tpu.memory_space<vmem>>) semaphore(%arg13 : memref<!tpu.dma_semaphore, #tpu.memory_space<semaphore_mem>>)
        %add3A_162 = arith.constant 2 : i32
        %add3A_163 = arith.addi %mul3A_121, %add3A_162 : i32
        %mul3A_164 = arith.constant 64 : i32
        %mul3A_165 = arith.muli %add3A_163, %mul3A_164 : i32
        %multiple_of3A_166 = tpu.assume_multiple %mul3A_165, 8 : i32
        %dma_wait3A_167 = tpu.memref_slice %arg6[%multiple_of3A_166] : memref<2048xi32, #tpu.memory_space<vmem>> -> memref<64xi32, #tpu.memory_space<vmem>>
        %dma_wait3A_168 = arith.constant 0 : i32
        %dma_wait3A_169 = arith.constant 0 : i32
        %dma_wait3A_170 = tpu.memref_slice %arg2[%dma_wait3A_168, %dma_wait3A_169] : memref<10000x128xf32, #tpu.memory_space<hbm>> -> memref<10000x128xf32, #tpu.memory_space<hbm>>
        tpu.wait_indirect_dma semaphore(%arg15 : memref<!tpu.dma_semaphore, #tpu.memory_space<semaphore_mem>>) src(%dma_wait3A_170 : memref<10000x128xf32, #tpu.memory_space<hbm>>) dst(%arg10 : memref<64x128xf32, #tpu.memory_space<vmem>>)
        "tpu.region"() ({
          %run_scoped3A_202 = tpu.sem_alloc : memref<!tpu.dma_semaphore, #tpu.memory_space<semaphore_mem>>
          %dma_start3A_203 = arith.constant 0 : i32
          %dma_start3A_204 = tpu.memref_slice %arg7[%add3A_163, %dma_start3A_203] : memref<32x64xi32, #tpu.memory_space<vmem>> -> memref<1x64xi32, #tpu.memory_space<vmem>>
          %dma_start3A_205 = tpu.memref_squeeze %dma_start3A_204 : memref<1x64xi32, #tpu.memory_space<vmem>> -> memref<64xi32, #tpu.memory_space<vmem>>
          %dma_start3A_206 = arith.constant 0 : i32
          %dma_start3A_207 = arith.constant 0 : i32
          %dma_start3A_208 = tpu.memref_slice %arg12[%dma_start3A_206, %dma_start3A_207] : memref<10240x128xf32, #tpu.memory_space<vmem_shared>> -> memref<10240x128xf32, #tpu.memory_space<vmem_shared>>
          tpu.enqueue_indirect_dma source(%arg10 : memref<64x128xf32, #tpu.memory_space<vmem>>) target(%dma_start3A_208 : memref<10240x128xf32, #tpu.memory_space<vmem_shared>>) offsets(%dma_start3A_205 : memref<64xi32, #tpu.memory_space<vmem>>) semaphore(%run_scoped3A_202 : memref<!tpu.dma_semaphore, #tpu.memory_space<semaphore_mem>>) {add = true}
          %dma_wait3A_209 = arith.constant 0 : i32
          %dma_wait3A_210 = tpu.memref_slice %arg7[%add3A_163, %dma_wait3A_209] : memref<32x64xi32, #tpu.memory_space<vmem>> -> memref<1x64xi32, #tpu.memory_space<vmem>>
          %dma_wait3A_211 = tpu.memref_squeeze %dma_wait3A_210 : memref<1x64xi32, #tpu.memory_space<vmem>> -> memref<64xi32, #tpu.memory_space<vmem>>
          %dma_wait3A_212 = arith.constant 0 : i32
          %dma_wait3A_213 = arith.constant 0 : i32
          %dma_wait3A_214 = tpu.memref_slice %arg12[%dma_wait3A_212, %dma_wait3A_213] : memref<10240x128xf32, #tpu.memory_space<vmem_shared>> -> memref<10240x128xf32, #tpu.memory_space<vmem_shared>>
          tpu.wait_indirect_dma semaphore(%run_scoped3A_202 : memref<!tpu.dma_semaphore, #tpu.memory_space<semaphore_mem>>) src(%arg10 : memref<64x128xf32, #tpu.memory_space<vmem>>) dst(%dma_wait3A_214 : memref<10240x128xf32, #tpu.memory_space<vmem_shared>>)
          tpu.yield
        }) : () -> ()
        %add3A_171 = arith.constant 2 : i32
        %add3A_172 = arith.addi %mul3A_121, %add3A_171 : i32
        %add3A_173 = arith.constant 3 : i32
        %add3A_174 = arith.addi %add3A_172, %add3A_173 : i32
        %mul3A_175 = arith.constant 64 : i32
        %mul3A_176 = arith.muli %add3A_174, %mul3A_175 : i32
        %multiple_of3A_177 = tpu.assume_multiple %mul3A_176, 8 : i32
        %dma_start3A_178 = tpu.memref_slice %arg6[%multiple_of3A_177] : memref<2048xi32, #tpu.memory_space<vmem>> -> memref<64xi32, #tpu.memory_space<vmem>>
        %dma_start3A_179 = arith.constant 0 : i32
        %dma_start3A_180 = arith.constant 0 : i32
        %dma_start3A_181 = tpu.memref_slice %arg2[%dma_start3A_179, %dma_start3A_180] : memref<10000x128xf32, #tpu.memory_space<hbm>> -> memref<10000x128xf32, #tpu.memory_space<hbm>>
        tpu.enqueue_indirect_dma source(%dma_start3A_181 : memref<10000x128xf32, #tpu.memory_space<hbm>>) target(%arg9 : memref<64x128xf32, #tpu.memory_space<vmem>>) offsets(%dma_start3A_178 : memref<64xi32, #tpu.memory_space<vmem>>) semaphore(%arg14 : memref<!tpu.dma_semaphore, #tpu.memory_space<semaphore_mem>>)
        %add3A_182 = arith.constant 3 : i32
        %add3A_183 = arith.addi %mul3A_121, %add3A_182 : i32
        %mul3A_184 = arith.constant 64 : i32
        %mul3A_185 = arith.muli %add3A_183, %mul3A_184 : i32
        %multiple_of3A_186 = tpu.assume_multiple %mul3A_185, 8 : i32
        %dma_wait3A_187 = tpu.memref_slice %arg6[%multiple_of3A_186] : memref<2048xi32, #tpu.memory_space<vmem>> -> memref<64xi32, #tpu.memory_space<vmem>>
        %dma_wait3A_188 = arith.constant 0 : i32
        %dma_wait3A_189 = arith.constant 0 : i32
        %dma_wait3A_190 = tpu.memref_slice %arg2[%dma_wait3A_188, %dma_wait3A_189] : memref<10000x128xf32, #tpu.memory_space<hbm>> -> memref<10000x128xf32, #tpu.memory_space<hbm>>
        tpu.wait_indirect_dma semaphore(%arg16 : memref<!tpu.dma_semaphore, #tpu.memory_space<semaphore_mem>>) src(%dma_wait3A_190 : memref<10000x128xf32, #tpu.memory_space<hbm>>) dst(%arg11 : memref<64x128xf32, #tpu.memory_space<vmem>>)
        "tpu.region"() ({
          %run_scoped3A_202 = tpu.sem_alloc : memref<!tpu.dma_semaphore, #tpu.memory_space<semaphore_mem>>
          %dma_start3A_203 = arith.constant 0 : i32
          %dma_start3A_204 = tpu.memref_slice %arg7[%add3A_183, %dma_start3A_203] : memref<32x64xi32, #tpu.memory_space<vmem>> -> memref<1x64xi32, #tpu.memory_space<vmem>>
          %dma_start3A_205 = tpu.memref_squeeze %dma_start3A_204 : memref<1x64xi32, #tpu.memory_space<vmem>> -> memref<64xi32, #tpu.memory_space<vmem>>
          %dma_start3A_206 = arith.constant 0 : i32
          %dma_start3A_207 = arith.constant 0 : i32
          %dma_start3A_208 = tpu.memref_slice %arg12[%dma_start3A_206, %dma_start3A_207] : memref<10240x128xf32, #tpu.memory_space<vmem_shared>> -> memref<10240x128xf32, #tpu.memory_space<vmem_shared>>
          tpu.enqueue_indirect_dma source(%arg11 : memref<64x128xf32, #tpu.memory_space<vmem>>) target(%dma_start3A_208 : memref<10240x128xf32, #tpu.memory_space<vmem_shared>>) offsets(%dma_start3A_205 : memref<64xi32, #tpu.memory_space<vmem>>) semaphore(%run_scoped3A_202 : memref<!tpu.dma_semaphore, #tpu.memory_space<semaphore_mem>>) {add = true}
          %dma_wait3A_209 = arith.constant 0 : i32
          %dma_wait3A_210 = tpu.memref_slice %arg7[%add3A_183, %dma_wait3A_209] : memref<32x64xi32, #tpu.memory_space<vmem>> -> memref<1x64xi32, #tpu.memory_space<vmem>>
          %dma_wait3A_211 = tpu.memref_squeeze %dma_wait3A_210 : memref<1x64xi32, #tpu.memory_space<vmem>> -> memref<64xi32, #tpu.memory_space<vmem>>
          %dma_wait3A_212 = arith.constant 0 : i32
          %dma_wait3A_213 = arith.constant 0 : i32
          %dma_wait3A_214 = tpu.memref_slice %arg12[%dma_wait3A_212, %dma_wait3A_213] : memref<10240x128xf32, #tpu.memory_space<vmem_shared>> -> memref<10240x128xf32, #tpu.memory_space<vmem_shared>>
          tpu.wait_indirect_dma semaphore(%run_scoped3A_202 : memref<!tpu.dma_semaphore, #tpu.memory_space<semaphore_mem>>) src(%arg11 : memref<64x128xf32, #tpu.memory_space<vmem>>) dst(%dma_wait3A_214 : memref<10240x128xf32, #tpu.memory_space<vmem_shared>>)
          tpu.yield
        }) : () -> ()
        %add3A_191 = arith.constant 3 : i32
        %add3A_192 = arith.addi %mul3A_121, %add3A_191 : i32
        %add3A_193 = arith.constant 3 : i32
        %add3A_194 = arith.addi %add3A_192, %add3A_193 : i32
        %mul3A_195 = arith.constant 64 : i32
        %mul3A_196 = arith.muli %add3A_194, %mul3A_195 : i32
        %multiple_of3A_197 = tpu.assume_multiple %mul3A_196, 8 : i32
        %dma_start3A_198 = tpu.memref_slice %arg6[%multiple_of3A_197] : memref<2048xi32, #tpu.memory_space<vmem>> -> memref<64xi32, #tpu.memory_space<vmem>>
        %dma_start3A_199 = arith.constant 0 : i32
        %dma_start3A_200 = arith.constant 0 : i32
        %dma_start3A_201 = tpu.memref_slice %arg2[%dma_start3A_199, %dma_start3A_200] : memref<10000x128xf32, #tpu.memory_space<hbm>> -> memref<10000x128xf32, #tpu.memory_space<hbm>>
        tpu.enqueue_indirect_dma source(%dma_start3A_201 : memref<10000x128xf32, #tpu.memory_space<hbm>>) target(%arg10 : memref<64x128xf32, #tpu.memory_space<vmem>>) offsets(%dma_start3A_198 : memref<64xi32, #tpu.memory_space<vmem>>) semaphore(%arg15 : memref<!tpu.dma_semaphore, #tpu.memory_space<semaphore_mem>>)
      }
      %scan3A_86 = arith.constant 7 : i32
      %multiple_of3A_87 = arith.constant 1792 : i32
      %multiple_of3A_88 = tpu.assume_multiple %multiple_of3A_87, 8 : i32
      %dma_wait3A = tpu.memref_slice %arg6[%multiple_of3A_88] : memref<2048xi32, #tpu.memory_space<vmem>> -> memref<64xi32, #tpu.memory_space<vmem>>
      %dma_wait3A_89 = arith.constant 0 : i32
      %dma_wait3A_90 = arith.constant 0 : i32
      %dma_wait3A_91 = tpu.memref_slice %arg2[%dma_wait3A_89, %dma_wait3A_90] : memref<10000x128xf32, #tpu.memory_space<hbm>> -> memref<10000x128xf32, #tpu.memory_space<hbm>>
      tpu.wait_indirect_dma semaphore(%arg13 : memref<!tpu.dma_semaphore, #tpu.memory_space<semaphore_mem>>) src(%dma_wait3A_91 : memref<10000x128xf32, #tpu.memory_space<hbm>>) dst(%arg8 : memref<64x128xf32, #tpu.memory_space<vmem>>)
      %run_scoped3A = arith.constant 28 : i32
      "tpu.region"() ({
        %run_scoped3A_119 = tpu.sem_alloc : memref<!tpu.dma_semaphore, #tpu.memory_space<semaphore_mem>>
        %dma_start3A_120 = arith.constant 0 : i32
        %dma_start3A_121 = tpu.memref_slice %arg7[%run_scoped3A, %dma_start3A_120] : memref<32x64xi32, #tpu.memory_space<vmem>> -> memref<1x64xi32, #tpu.memory_space<vmem>>
        %dma_start3A_122 = tpu.memref_squeeze %dma_start3A_121 : memref<1x64xi32, #tpu.memory_space<vmem>> -> memref<64xi32, #tpu.memory_space<vmem>>
        %dma_start3A_123 = arith.constant 0 : i32
        %dma_start3A_124 = arith.constant 0 : i32
        %dma_start3A_125 = tpu.memref_slice %arg12[%dma_start3A_123, %dma_start3A_124] : memref<10240x128xf32, #tpu.memory_space<vmem_shared>> -> memref<10240x128xf32, #tpu.memory_space<vmem_shared>>
        tpu.enqueue_indirect_dma source(%arg8 : memref<64x128xf32, #tpu.memory_space<vmem>>) target(%dma_start3A_125 : memref<10240x128xf32, #tpu.memory_space<vmem_shared>>) offsets(%dma_start3A_122 : memref<64xi32, #tpu.memory_space<vmem>>) semaphore(%run_scoped3A_119 : memref<!tpu.dma_semaphore, #tpu.memory_space<semaphore_mem>>) {add = true}
        %dma_wait3A_126 = arith.constant 0 : i32
        %dma_wait3A_127 = tpu.memref_slice %arg7[%run_scoped3A, %dma_wait3A_126] : memref<32x64xi32, #tpu.memory_space<vmem>> -> memref<1x64xi32, #tpu.memory_space<vmem>>
        %dma_wait3A_128 = tpu.memref_squeeze %dma_wait3A_127 : memref<1x64xi32, #tpu.memory_space<vmem>> -> memref<64xi32, #tpu.memory_space<vmem>>
        %dma_wait3A_129 = arith.constant 0 : i32
        %dma_wait3A_130 = arith.constant 0 : i32
        %dma_wait3A_131 = tpu.memref_slice %arg12[%dma_wait3A_129, %dma_wait3A_130] : memref<10240x128xf32, #tpu.memory_space<vmem_shared>> -> memref<10240x128xf32, #tpu.memory_space<vmem_shared>>
        tpu.wait_indirect_dma semaphore(%run_scoped3A_119 : memref<!tpu.dma_semaphore, #tpu.memory_space<semaphore_mem>>) src(%arg8 : memref<64x128xf32, #tpu.memory_space<vmem>>) dst(%dma_wait3A_131 : memref<10240x128xf32, #tpu.memory_space<vmem_shared>>)
        tpu.yield
      }) : () -> ()
      %multiple_of3A_92 = arith.constant 1984 : i32
      %multiple_of3A_93 = tpu.assume_multiple %multiple_of3A_92, 8 : i32
      %dma_start3A_94 = tpu.memref_slice %arg6[%multiple_of3A_93] : memref<2048xi32, #tpu.memory_space<vmem>> -> memref<64xi32, #tpu.memory_space<vmem>>
      %dma_start3A_95 = arith.constant 0 : i32
      %dma_start3A_96 = arith.constant 0 : i32
      %dma_start3A_97 = tpu.memref_slice %arg2[%dma_start3A_95, %dma_start3A_96] : memref<10000x128xf32, #tpu.memory_space<hbm>> -> memref<10000x128xf32, #tpu.memory_space<hbm>>
      tpu.enqueue_indirect_dma source(%dma_start3A_97 : memref<10000x128xf32, #tpu.memory_space<hbm>>) target(%arg11 : memref<64x128xf32, #tpu.memory_space<vmem>>) offsets(%dma_start3A_94 : memref<64xi32, #tpu.memory_space<vmem>>) semaphore(%arg16 : memref<!tpu.dma_semaphore, #tpu.memory_space<semaphore_mem>>)
      %multiple_of3A_98 = arith.constant 1856 : i32
      %multiple_of3A_99 = tpu.assume_multiple %multiple_of3A_98, 8 : i32
      %dma_wait3A_100 = tpu.memref_slice %arg6[%multiple_of3A_99] : memref<2048xi32, #tpu.memory_space<vmem>> -> memref<64xi32, #tpu.memory_space<vmem>>
      %dma_wait3A_101 = arith.constant 0 : i32
      %dma_wait3A_102 = arith.constant 0 : i32
      %dma_wait3A_103 = tpu.memref_slice %arg2[%dma_wait3A_101, %dma_wait3A_102] : memref<10000x128xf32, #tpu.memory_space<hbm>> -> memref<10000x128xf32, #tpu.memory_space<hbm>>
      tpu.wait_indirect_dma semaphore(%arg14 : memref<!tpu.dma_semaphore, #tpu.memory_space<semaphore_mem>>) src(%dma_wait3A_103 : memref<10000x128xf32, #tpu.memory_space<hbm>>) dst(%arg9 : memref<64x128xf32, #tpu.memory_space<vmem>>)
      %run_scoped3A_104 = arith.constant 29 : i32
      "tpu.region"() ({
        %run_scoped3A_119 = tpu.sem_alloc : memref<!tpu.dma_semaphore, #tpu.memory_space<semaphore_mem>>
        %dma_start3A_120 = arith.constant 0 : i32
        %dma_start3A_121 = tpu.memref_slice %arg7[%run_scoped3A_104, %dma_start3A_120] : memref<32x64xi32, #tpu.memory_space<vmem>> -> memref<1x64xi32, #tpu.memory_space<vmem>>
        %dma_start3A_122 = tpu.memref_squeeze %dma_start3A_121 : memref<1x64xi32, #tpu.memory_space<vmem>> -> memref<64xi32, #tpu.memory_space<vmem>>
        %dma_start3A_123 = arith.constant 0 : i32
        %dma_start3A_124 = arith.constant 0 : i32
        %dma_start3A_125 = tpu.memref_slice %arg12[%dma_start3A_123, %dma_start3A_124] : memref<10240x128xf32, #tpu.memory_space<vmem_shared>> -> memref<10240x128xf32, #tpu.memory_space<vmem_shared>>
        tpu.enqueue_indirect_dma source(%arg9 : memref<64x128xf32, #tpu.memory_space<vmem>>) target(%dma_start3A_125 : memref<10240x128xf32, #tpu.memory_space<vmem_shared>>) offsets(%dma_start3A_122 : memref<64xi32, #tpu.memory_space<vmem>>) semaphore(%run_scoped3A_119 : memref<!tpu.dma_semaphore, #tpu.memory_space<semaphore_mem>>) {add = true}
        %dma_wait3A_126 = arith.constant 0 : i32
        %dma_wait3A_127 = tpu.memref_slice %arg7[%run_scoped3A_104, %dma_wait3A_126] : memref<32x64xi32, #tpu.memory_space<vmem>> -> memref<1x64xi32, #tpu.memory_space<vmem>>
        %dma_wait3A_128 = tpu.memref_squeeze %dma_wait3A_127 : memref<1x64xi32, #tpu.memory_space<vmem>> -> memref<64xi32, #tpu.memory_space<vmem>>
        %dma_wait3A_129 = arith.constant 0 : i32
        %dma_wait3A_130 = arith.constant 0 : i32
        %dma_wait3A_131 = tpu.memref_slice %arg12[%dma_wait3A_129, %dma_wait3A_130] : memref<10240x128xf32, #tpu.memory_space<vmem_shared>> -> memref<10240x128xf32, #tpu.memory_space<vmem_shared>>
        tpu.wait_indirect_dma semaphore(%run_scoped3A_119 : memref<!tpu.dma_semaphore, #tpu.memory_space<semaphore_mem>>) src(%arg9 : memref<64x128xf32, #tpu.memory_space<vmem>>) dst(%dma_wait3A_131 : memref<10240x128xf32, #tpu.memory_space<vmem_shared>>)
        tpu.yield
      }) : () -> ()
      %multiple_of3A_105 = arith.constant 1920 : i32
      %multiple_of3A_106 = tpu.assume_multiple %multiple_of3A_105, 8 : i32
      %dma_wait3A_107 = tpu.memref_slice %arg6[%multiple_of3A_106] : memref<2048xi32, #tpu.memory_space<vmem>> -> memref<64xi32, #tpu.memory_space<vmem>>
      %dma_wait3A_108 = arith.constant 0 : i32
      %dma_wait3A_109 = arith.constant 0 : i32
      %dma_wait3A_110 = tpu.memref_slice %arg2[%dma_wait3A_108, %dma_wait3A_109] : memref<10000x128xf32, #tpu.memory_space<hbm>> -> memref<10000x128xf32, #tpu.memory_space<hbm>>
      tpu.wait_indirect_dma semaphore(%arg15 : memref<!tpu.dma_semaphore, #tpu.memory_space<semaphore_mem>>) src(%dma_wait3A_110 : memref<10000x128xf32, #tpu.memory_space<hbm>>) dst(%arg10 : memref<64x128xf32, #tpu.memory_space<vmem>>)
      %run_scoped3A_111 = arith.constant 30 : i32
      "tpu.region"() ({
        %run_scoped3A_119 = tpu.sem_alloc : memref<!tpu.dma_semaphore, #tpu.memory_space<semaphore_mem>>
        %dma_start3A_120 = arith.constant 0 : i32
        %dma_start3A_121 = tpu.memref_slice %arg7[%run_scoped3A_111, %dma_start3A_120] : memref<32x64xi32, #tpu.memory_space<vmem>> -> memref<1x64xi32, #tpu.memory_space<vmem>>
        %dma_start3A_122 = tpu.memref_squeeze %dma_start3A_121 : memref<1x64xi32, #tpu.memory_space<vmem>> -> memref<64xi32, #tpu.memory_space<vmem>>
        %dma_start3A_123 = arith.constant 0 : i32
        %dma_start3A_124 = arith.constant 0 : i32
        %dma_start3A_125 = tpu.memref_slice %arg12[%dma_start3A_123, %dma_start3A_124] : memref<10240x128xf32, #tpu.memory_space<vmem_shared>> -> memref<10240x128xf32, #tpu.memory_space<vmem_shared>>
        tpu.enqueue_indirect_dma source(%arg10 : memref<64x128xf32, #tpu.memory_space<vmem>>) target(%dma_start3A_125 : memref<10240x128xf32, #tpu.memory_space<vmem_shared>>) offsets(%dma_start3A_122 : memref<64xi32, #tpu.memory_space<vmem>>) semaphore(%run_scoped3A_119 : memref<!tpu.dma_semaphore, #tpu.memory_space<semaphore_mem>>) {add = true}
        %dma_wait3A_126 = arith.constant 0 : i32
        %dma_wait3A_127 = tpu.memref_slice %arg7[%run_scoped3A_111, %dma_wait3A_126] : memref<32x64xi32, #tpu.memory_space<vmem>> -> memref<1x64xi32, #tpu.memory_space<vmem>>
        %dma_wait3A_128 = tpu.memref_squeeze %dma_wait3A_127 : memref<1x64xi32, #tpu.memory_space<vmem>> -> memref<64xi32, #tpu.memory_space<vmem>>
        %dma_wait3A_129 = arith.constant 0 : i32
        %dma_wait3A_130 = arith.constant 0 : i32
        %dma_wait3A_131 = tpu.memref_slice %arg12[%dma_wait3A_129, %dma_wait3A_130] : memref<10240x128xf32, #tpu.memory_space<vmem_shared>> -> memref<10240x128xf32, #tpu.memory_space<vmem_shared>>
        tpu.wait_indirect_dma semaphore(%run_scoped3A_119 : memref<!tpu.dma_semaphore, #tpu.memory_space<semaphore_mem>>) src(%arg10 : memref<64x128xf32, #tpu.memory_space<vmem>>) dst(%dma_wait3A_131 : memref<10240x128xf32, #tpu.memory_space<vmem_shared>>)
        tpu.yield
      }) : () -> ()
      %multiple_of3A_112 = arith.constant 1984 : i32
      %multiple_of3A_113 = tpu.assume_multiple %multiple_of3A_112, 8 : i32
      %dma_wait3A_114 = tpu.memref_slice %arg6[%multiple_of3A_113] : memref<2048xi32, #tpu.memory_space<vmem>> -> memref<64xi32, #tpu.memory_space<vmem>>
      %dma_wait3A_115 = arith.constant 0 : i32
      %dma_wait3A_116 = arith.constant 0 : i32
      %dma_wait3A_117 = tpu.memref_slice %arg2[%dma_wait3A_115, %dma_wait3A_116] : memref<10000x128xf32, #tpu.memory_space<hbm>> -> memref<10000x128xf32, #tpu.memory_space<hbm>>
      tpu.wait_indirect_dma semaphore(%arg16 : memref<!tpu.dma_semaphore, #tpu.memory_space<semaphore_mem>>) src(%dma_wait3A_117 : memref<10000x128xf32, #tpu.memory_space<hbm>>) dst(%arg11 : memref<64x128xf32, #tpu.memory_space<vmem>>)
      %run_scoped3A_118 = arith.constant 31 : i32
      "tpu.region"() ({
        %run_scoped3A_119 = tpu.sem_alloc : memref<!tpu.dma_semaphore, #tpu.memory_space<semaphore_mem>>
        %dma_start3A_120 = arith.constant 0 : i32
        %dma_start3A_121 = tpu.memref_slice %arg7[%run_scoped3A_118, %dma_start3A_120] : memref<32x64xi32, #tpu.memory_space<vmem>> -> memref<1x64xi32, #tpu.memory_space<vmem>>
        %dma_start3A_122 = tpu.memref_squeeze %dma_start3A_121 : memref<1x64xi32, #tpu.memory_space<vmem>> -> memref<64xi32, #tpu.memory_space<vmem>>
        %dma_start3A_123 = arith.constant 0 : i32
        %dma_start3A_124 = arith.constant 0 : i32
        %dma_start3A_125 = tpu.memref_slice %arg12[%dma_start3A_123, %dma_start3A_124] : memref<10240x128xf32, #tpu.memory_space<vmem_shared>> -> memref<10240x128xf32, #tpu.memory_space<vmem_shared>>
        tpu.enqueue_indirect_dma source(%arg11 : memref<64x128xf32, #tpu.memory_space<vmem>>) target(%dma_start3A_125 : memref<10240x128xf32, #tpu.memory_space<vmem_shared>>) offsets(%dma_start3A_122 : memref<64xi32, #tpu.memory_space<vmem>>) semaphore(%run_scoped3A_119 : memref<!tpu.dma_semaphore, #tpu.memory_space<semaphore_mem>>) {add = true}
        %dma_wait3A_126 = arith.constant 0 : i32
        %dma_wait3A_127 = tpu.memref_slice %arg7[%run_scoped3A_118, %dma_wait3A_126] : memref<32x64xi32, #tpu.memory_space<vmem>> -> memref<1x64xi32, #tpu.memory_space<vmem>>
        %dma_wait3A_128 = tpu.memref_squeeze %dma_wait3A_127 : memref<1x64xi32, #tpu.memory_space<vmem>> -> memref<64xi32, #tpu.memory_space<vmem>>
        %dma_wait3A_129 = arith.constant 0 : i32
        %dma_wait3A_130 = arith.constant 0 : i32
        %dma_wait3A_131 = tpu.memref_slice %arg12[%dma_wait3A_129, %dma_wait3A_130] : memref<10240x128xf32, #tpu.memory_space<vmem_shared>> -> memref<10240x128xf32, #tpu.memory_space<vmem_shared>>
        tpu.wait_indirect_dma semaphore(%run_scoped3A_119 : memref<!tpu.dma_semaphore, #tpu.memory_space<semaphore_mem>>) src(%arg11 : memref<64x128xf32, #tpu.memory_space<vmem>>) dst(%dma_wait3A_131 : memref<10240x128xf32, #tpu.memory_space<vmem_shared>>)
        tpu.yield
      }) : () -> ()
    }
    %barrier3A_53 = arith.constant 0 : index
    tpu.barrier barrier_id(%barrier3A_53)
    %mul3A_54 = arith.constant 10240 : i32
    %mul3A_55 = arith.muli %arg0, %mul3A_54 : i32
    %add3A_56 = arith.addi %mul3A_55, %mul3A_5 : i32
    "tpu.region"() ({
      %run_scoped3A = tpu.sem_alloc : memref<!tpu.dma_semaphore, #tpu.memory_space<semaphore_mem>>
      %dma_start3A = arith.constant 0 : i32
      %dma_start3A_57 = tpu.memref_slice %arg5[%add3A_56, %dma_start3A] : memref<20480x128xf32, #tpu.memory_space<hbm>> -> memref<640x128xf32, #tpu.memory_space<hbm>>
      %dma_start3A_58 = arith.constant 0 : i32
      %dma_start3A_59 = tpu.memref_slice %arg12[%mul3A_5, %dma_start3A_58] : memref<10240x128xf32, #tpu.memory_space<vmem_shared>> -> memref<640x128xf32, #tpu.memory_space<vmem_shared>>
      tpu.enqueue_dma source(%dma_start3A_59 : memref<640x128xf32, #tpu.memory_space<vmem_shared>>) target(%dma_start3A_57 : memref<640x128xf32, #tpu.memory_space<hbm>>) target_semaphore(%run_scoped3A : memref<!tpu.dma_semaphore, #tpu.memory_space<semaphore_mem>>)
      %dma_wait3A = arith.constant 0 : i32
      %dma_wait3A_60 = tpu.memref_slice %arg5[%add3A_56, %dma_wait3A] : memref<20480x128xf32, #tpu.memory_space<hbm>> -> memref<640x128xf32, #tpu.memory_space<hbm>>
      %dma_wait3A_61 = arith.constant 0 : i32
      %dma_wait3A_62 = tpu.memref_slice %arg12[%mul3A_5, %dma_wait3A_61] : memref<10240x128xf32, #tpu.memory_space<vmem_shared>> -> memref<640x128xf32, #tpu.memory_space<vmem_shared>>
      tpu.wait_dma2 semaphore(%run_scoped3A : memref<!tpu.dma_semaphore, #tpu.memory_space<semaphore_mem>>) src(%dma_wait3A_62 : memref<640x128xf32, #tpu.memory_space<vmem_shared>>) dst(%dma_wait3A_60 : memref<640x128xf32, #tpu.memory_space<hbm>>)
      tpu.yield
    }) : () -> ()
    return
  }
}

module attributes {stable_mosaic.version = 14 : i64} {
  func.func @body(%arg0: i32, %arg1: memref<1000x128xf32, #tpu.memory_space<vmem>>, %arg2: memref<128x128xf32, #tpu.memory_space<vmem>>, %arg3: memref<128x128xf32, #tpu.memory_space<vmem>>, %arg4: memref<1x128xf32, #tpu.memory_space<vmem>>, %arg5: memref<1000x128xf32, #tpu.memory_space<vmem>>, %arg6: memref<1000x128xf32, #tpu.memory_space<vmem>>) attributes {dimension_semantics = [#tpu.dimension_semantics<arbitrary>], iteration_bounds = array<i64: 10>, scalar_prefetch = 0 : i64, scratch_operands = 0 : i64, tpu.core_type = #tpu.core_type<tc>, window_params = [{transform_indices = @transform_0, window_bounds = array<i64: 1000, 128>}, {pipeline_mode = #tpu.pipeline_mode<synchronous>, transform_indices = @transform_1, window_bounds = array<i64: 128, 128>}, {pipeline_mode = #tpu.pipeline_mode<synchronous>, transform_indices = @transform_2, window_bounds = array<i64: 128, 128>}, {pipeline_mode = #tpu.pipeline_mode<synchronous>, transform_indices = @transform_3, window_bounds = array<i64: 1, 128>}, {transform_indices = @transform_4, window_bounds = array<i64: 1000, 128>}, {transform_indices = @transform_5, window_bounds = array<i64: 1000, 128>}]} {
    %get3A = arith.constant 0 : index
    %get3A_0 = arith.constant 0 : index
    %get3A_1 = vector.load %arg1[%get3A, %get3A_0] : memref<1000x128xf32, #tpu.memory_space<vmem>>, vector<1000x128xf32>
    %get3A_2 = arith.constant 0 : index
    %get3A_3 = arith.constant 0 : index
    %get3A_4 = vector.load %arg2[%get3A_2, %get3A_3] : memref<128x128xf32, #tpu.memory_space<vmem>>, vector<128x128xf32>
    %dot_general3A = arith.constant dense<0.000000e+00> : vector<1000x128xf32>
    %dot_general3A_5 = tpu.matmul %get3A_1, %get3A_4, %dot_general3A {dimension_numbers = #tpu.dot_dimension_numbers<[1], [0], [0], [1], [0, 0, 1, 1], [], []>, transpose_lhs_hint = false} : vector<1000x128xf32>, vector<128x128xf32>, vector<1000x128xf32> -> vector<1000x128xf32>
    %swap3A = arith.constant 0 : index
    %swap3A_6 = arith.constant 0 : index
    %swap3A_7 = vector.load %arg5[%swap3A, %swap3A_6] : memref<1000x128xf32, #tpu.memory_space<vmem>>, vector<1000x128xf32>
    tpu.vector_store %arg5[%swap3A, %swap3A_6], %dot_general3A_5 {strides = array<i32>} : memref<1000x128xf32, #tpu.memory_space<vmem>>, vector<1000x128xf32>,
    %get3A_8 = arith.constant 0 : index
    %get3A_9 = arith.constant 0 : index
    %get3A_10 = vector.load %arg3[%get3A_8, %get3A_9] : memref<128x128xf32, #tpu.memory_space<vmem>>, vector<128x128xf32>
    %dot_general3A_11 = arith.constant dense<0.000000e+00> : vector<1000x128xf32>
    %dot_general3A_12 = tpu.matmul %get3A_1, %get3A_10, %dot_general3A_11 {dimension_numbers = #tpu.dot_dimension_numbers<[1], [0], [0], [1], [0, 0, 1, 1], [], []>, transpose_lhs_hint = false} : vector<1000x128xf32>, vector<128x128xf32>, vector<1000x128xf32> -> vector<1000x128xf32>
    %get3A_13 = arith.constant 0 : index
    %get3A_14 = arith.constant 0 : index
    %get3A_15 = vector.load %arg4[%get3A_13, %get3A_14] : memref<1x128xf32, #tpu.memory_space<vmem>>, vector<1x128xf32>
    %add3A = vector.broadcast %get3A_15 : vector<1x128xf32> to vector<1000x128xf32>
    %add3A_16 = arith.addf %dot_general3A_12, %add3A : vector<1000x128xf32>
    %swap3A_17 = arith.constant 0 : index
    %swap3A_18 = arith.constant 0 : index
    %swap3A_19 = vector.load %arg6[%swap3A_17, %swap3A_18] : memref<1000x128xf32, #tpu.memory_space<vmem>>, vector<1000x128xf32>
    tpu.vector_store %arg6[%swap3A_17, %swap3A_18], %add3A_16 {strides = array<i32>} : memref<1000x128xf32, #tpu.memory_space<vmem>>, vector<1000x128xf32>,
    return
  }
  func.func @transform_0(%arg0: i32) -> (i32, i32) {
    %c0_i32 = arith.constant 0 : i32
    %c0_i32_0 = arith.constant 0 : i32
    return %arg0, %c0_i32 : i32, i32
  }
  func.func @transform_1(%arg0: i32) -> (i32, i32) {
    %c0_i32 = arith.constant 0 : i32
    %c0_i32_0 = arith.constant 0 : i32
    %c0_i32_1 = arith.constant 0 : i32
    return %c0_i32, %c0_i32_0 : i32, i32
  }
  func.func @transform_2(%arg0: i32) -> (i32, i32) {
    %c0_i32 = arith.constant 0 : i32
    %c0_i32_0 = arith.constant 0 : i32
    %c0_i32_1 = arith.constant 0 : i32
    return %c0_i32, %c0_i32_0 : i32, i32
  }
  func.func @transform_3(%arg0: i32) -> (i32, i32) {
    %c0_i32 = arith.constant 0 : i32
    %c0_i32_0 = arith.constant 0 : i32
    %c0_i32_1 = arith.constant 0 : i32
    return %c0_i32, %c0_i32_0 : i32, i32
  }
  func.func @transform_4(%arg0: i32) -> (i32, i32) {
    %c0_i32 = arith.constant 0 : i32
    %c0_i32_0 = arith.constant 0 : i32
    return %arg0, %c0_i32 : i32, i32
  }
  func.func @transform_5(%arg0: i32) -> (i32, i32) {
    %c0_i32 = arith.constant 0 : i32
    %c0_i32_0 = arith.constant 0 : i32
    return %arg0, %c0_i32 : i32, i32
  }
}

module attributes {stable_mosaic.version = 14 : i64} {
  func.func @body(%arg0: i32, %arg1: memref<1000x128xf32, #tpu.memory_space<vmem>>, %arg2: memref<1000x128xf32, #tpu.memory_space<vmem>>, %arg3: memref<1000x128xf32, #tpu.memory_space<vmem>>, %arg4: memref<1000x128xf32, #tpu.memory_space<vmem>>, %arg5: memref<1000x128xf32, #tpu.memory_space<vmem>>, %arg6: memref<128x128xf32, #tpu.memory_space<vmem>>, %arg7: memref<128x128xf32, #tpu.memory_space<vmem>>, %arg8: memref<1x128xf32, #tpu.memory_space<vmem>>, %arg9: memref<1000x128xf32, #tpu.memory_space<vmem>>, %arg10: memref<1000x128xf32, #tpu.memory_space<vmem>>) attributes {dimension_semantics = [#tpu.dimension_semantics<arbitrary>], iteration_bounds = array<i64: 10>, scalar_prefetch = 0 : i64, scratch_operands = 0 : i64, tpu.core_type = #tpu.core_type<tc>, window_params = [{transform_indices = @transform_0, window_bounds = array<i64: 1000, 128>}, {transform_indices = @transform_1, window_bounds = array<i64: 1000, 128>}, {transform_indices = @transform_2, window_bounds = array<i64: 1000, 128>}, {transform_indices = @transform_3, window_bounds = array<i64: 1000, 128>}, {transform_indices = @transform_4, window_bounds = array<i64: 1000, 128>}, {pipeline_mode = #tpu.pipeline_mode<synchronous>, transform_indices = @transform_5, window_bounds = array<i64: 128, 128>}, {pipeline_mode = #tpu.pipeline_mode<synchronous>, transform_indices = @transform_6, window_bounds = array<i64: 128, 128>}, {pipeline_mode = #tpu.pipeline_mode<synchronous>, transform_indices = @transform_7, window_bounds = array<i64: 1, 128>}, {transform_indices = @transform_8, window_bounds = array<i64: 1000, 128>}, {transform_indices = @transform_9, window_bounds = array<i64: 1000, 128>}]} {
    %get3A = arith.constant 0 : index
    %get3A_0 = arith.constant 0 : index
    %get3A_1 = vector.load %arg1[%get3A, %get3A_0] : memref<1000x128xf32, #tpu.memory_space<vmem>>, vector<1000x128xf32>
    %get3A_2 = arith.constant 0 : index
    %get3A_3 = arith.constant 0 : index
    %get3A_4 = vector.load %arg2[%get3A_2, %get3A_3] : memref<1000x128xf32, #tpu.memory_space<vmem>>, vector<1000x128xf32>
    %add3A = arith.addf %get3A_1, %get3A_4 : vector<1000x128xf32>
    %get3A_5 = arith.constant 0 : index
    %get3A_6 = arith.constant 0 : index
    %get3A_7 = vector.load %arg3[%get3A_5, %get3A_6] : memref<1000x128xf32, #tpu.memory_space<vmem>>, vector<1000x128xf32>
    %get3A_8 = arith.constant 0 : index
    %get3A_9 = arith.constant 0 : index
    %get3A_10 = vector.load %arg4[%get3A_8, %get3A_9] : memref<1000x128xf32, #tpu.memory_space<vmem>>, vector<1000x128xf32>
    %add3A_11 = arith.addf %get3A_7, %get3A_10 : vector<1000x128xf32>
    %slice3A = vector.extract_strided_slice %add3A_11 {offsets = [0, 0], sizes = [1000, 1], strides = [1, 1]} : vector<1000x128xf32> to vector<1000x1xf32>
    %max3A = arith.constant 1.000000e+00 : f32
    %max3A_12 = vector.broadcast %max3A : f32 to vector<1000x1xf32>
    %max3A_13 = arith.maximumf %slice3A, %max3A_12 : vector<1000x1xf32>
    %div3A = vector.broadcast %max3A_13 : vector<1000x1xf32> to vector<1000x128xf32>
    %div3A_14 = arith.divf %add3A, %div3A : vector<1000x128xf32>
    %get3A_15 = arith.constant 0 : index
    %get3A_16 = arith.constant 0 : index
    %get3A_17 = vector.load %arg5[%get3A_15, %get3A_16] : memref<1000x128xf32, #tpu.memory_space<vmem>>, vector<1000x128xf32>
    %add3A_18 = arith.addf %div3A_14, %get3A_17 : vector<1000x128xf32>
    %max3A_19 = arith.constant 0.000000e+00 : f32
    %max3A_20 = vector.broadcast %max3A_19 : f32 to vector<1000x128xf32>
    %max3A_21 = arith.maximumf %add3A_18, %max3A_20 : vector<1000x128xf32>
    %get3A_22 = arith.constant 0 : index
    %get3A_23 = arith.constant 0 : index
    %get3A_24 = vector.load %arg6[%get3A_22, %get3A_23] : memref<128x128xf32, #tpu.memory_space<vmem>>, vector<128x128xf32>
    %dot_general3A = arith.constant dense<0.000000e+00> : vector<1000x128xf32>
    %dot_general3A_25 = tpu.matmul %max3A_21, %get3A_24, %dot_general3A {dimension_numbers = #tpu.dot_dimension_numbers<[1], [0], [0], [1], [0, 0, 1, 1], [], []>, transpose_lhs_hint = false} : vector<1000x128xf32>, vector<128x128xf32>, vector<1000x128xf32> -> vector<1000x128xf32>
    %swap3A = arith.constant 0 : index
    %swap3A_26 = arith.constant 0 : index
    %swap3A_27 = vector.load %arg9[%swap3A, %swap3A_26] : memref<1000x128xf32, #tpu.memory_space<vmem>>, vector<1000x128xf32>
    tpu.vector_store %arg9[%swap3A, %swap3A_26], %dot_general3A_25 {strides = array<i32>} : memref<1000x128xf32, #tpu.memory_space<vmem>>, vector<1000x128xf32>,
    %get3A_28 = arith.constant 0 : index
    %get3A_29 = arith.constant 0 : index
    %get3A_30 = vector.load %arg7[%get3A_28, %get3A_29] : memref<128x128xf32, #tpu.memory_space<vmem>>, vector<128x128xf32>
    %dot_general3A_31 = arith.constant dense<0.000000e+00> : vector<1000x128xf32>
    %dot_general3A_32 = tpu.matmul %max3A_21, %get3A_30, %dot_general3A_31 {dimension_numbers = #tpu.dot_dimension_numbers<[1], [0], [0], [1], [0, 0, 1, 1], [], []>, transpose_lhs_hint = false} : vector<1000x128xf32>, vector<128x128xf32>, vector<1000x128xf32> -> vector<1000x128xf32>
    %get3A_33 = arith.constant 0 : index
    %get3A_34 = arith.constant 0 : index
    %get3A_35 = vector.load %arg8[%get3A_33, %get3A_34] : memref<1x128xf32, #tpu.memory_space<vmem>>, vector<1x128xf32>
    %add3A_36 = vector.broadcast %get3A_35 : vector<1x128xf32> to vector<1000x128xf32>
    %add3A_37 = arith.addf %dot_general3A_32, %add3A_36 : vector<1000x128xf32>
    %swap3A_38 = arith.constant 0 : index
    %swap3A_39 = arith.constant 0 : index
    %swap3A_40 = vector.load %arg10[%swap3A_38, %swap3A_39] : memref<1000x128xf32, #tpu.memory_space<vmem>>, vector<1000x128xf32>
    tpu.vector_store %arg10[%swap3A_38, %swap3A_39], %add3A_37 {strides = array<i32>} : memref<1000x128xf32, #tpu.memory_space<vmem>>, vector<1000x128xf32>,
    return
  }
  func.func @transform_0(%arg0: i32) -> (i32, i32) {
    %c0_i32 = arith.constant 0 : i32
    %c0_i32_0 = arith.constant 0 : i32
    return %arg0, %c0_i32 : i32, i32
  }
  func.func @transform_1(%arg0: i32) -> (i32, i32) {
    %c0_i32 = arith.constant 0 : i32
    %c0_i32_0 = arith.constant 0 : i32
    return %arg0, %c0_i32 : i32, i32
  }
  func.func @transform_2(%arg0: i32) -> (i32, i32) {
    %c0_i32 = arith.constant 0 : i32
    %c0_i32_0 = arith.constant 0 : i32
    return %arg0, %c0_i32 : i32, i32
  }
  func.func @transform_3(%arg0: i32) -> (i32, i32) {
    %c0_i32 = arith.constant 0 : i32
    %c0_i32_0 = arith.constant 0 : i32
    return %arg0, %c0_i32 : i32, i32
  }
  func.func @transform_4(%arg0: i32) -> (i32, i32) {
    %c0_i32 = arith.constant 0 : i32
    %c0_i32_0 = arith.constant 0 : i32
    return %arg0, %c0_i32 : i32, i32
  }
  func.func @transform_5(%arg0: i32) -> (i32, i32) {
    %c0_i32 = arith.constant 0 : i32
    %c0_i32_0 = arith.constant 0 : i32
    %c0_i32_1 = arith.constant 0 : i32
    return %c0_i32, %c0_i32_0 : i32, i32
  }
  func.func @transform_6(%arg0: i32) -> (i32, i32) {
    %c0_i32 = arith.constant 0 : i32
    %c0_i32_0 = arith.constant 0 : i32
    %c0_i32_1 = arith.constant 0 : i32
    return %c0_i32, %c0_i32_0 : i32, i32
  }
  func.func @transform_7(%arg0: i32) -> (i32, i32) {
    %c0_i32 = arith.constant 0 : i32
    %c0_i32_0 = arith.constant 0 : i32
    %c0_i32_1 = arith.constant 0 : i32
    return %c0_i32, %c0_i32_0 : i32, i32
  }
  func.func @transform_8(%arg0: i32) -> (i32, i32) {
    %c0_i32 = arith.constant 0 : i32
    %c0_i32_0 = arith.constant 0 : i32
    return %arg0, %c0_i32 : i32, i32
  }
  func.func @transform_9(%arg0: i32) -> (i32, i32) {
    %c0_i32 = arith.constant 0 : i32
    %c0_i32_0 = arith.constant 0 : i32
    return %arg0, %c0_i32 : i32, i32
  }
}

module attributes {stable_mosaic.version = 14 : i64} {
  func.func @body(%arg0: i32, %arg1: memref<1000x128xf32, #tpu.memory_space<vmem>>, %arg2: memref<1000x128xf32, #tpu.memory_space<vmem>>, %arg3: memref<1000x128xf32, #tpu.memory_space<vmem>>, %arg4: memref<1000x128xf32, #tpu.memory_space<vmem>>, %arg5: memref<1000x128xf32, #tpu.memory_space<vmem>>, %arg6: memref<1000x128xf32, #tpu.memory_space<vmem>>) attributes {dimension_semantics = [#tpu.dimension_semantics<arbitrary>], iteration_bounds = array<i64: 10>, scalar_prefetch = 0 : i64, scratch_operands = 0 : i64, tpu.core_type = #tpu.core_type<tc>, window_params = [{transform_indices = @transform_0, window_bounds = array<i64: 1000, 128>}, {transform_indices = @transform_1, window_bounds = array<i64: 1000, 128>}, {transform_indices = @transform_2, window_bounds = array<i64: 1000, 128>}, {transform_indices = @transform_3, window_bounds = array<i64: 1000, 128>}, {transform_indices = @transform_4, window_bounds = array<i64: 1000, 128>}, {transform_indices = @transform_5, window_bounds = array<i64: 1000, 128>}]} {
    %get3A = arith.constant 0 : index
    %get3A_0 = arith.constant 0 : index
    %get3A_1 = vector.load %arg1[%get3A, %get3A_0] : memref<1000x128xf32, #tpu.memory_space<vmem>>, vector<1000x128xf32>
    %get3A_2 = arith.constant 0 : index
    %get3A_3 = arith.constant 0 : index
    %get3A_4 = vector.load %arg2[%get3A_2, %get3A_3] : memref<1000x128xf32, #tpu.memory_space<vmem>>, vector<1000x128xf32>
    %add3A = arith.addf %get3A_1, %get3A_4 : vector<1000x128xf32>
    %get3A_5 = arith.constant 0 : index
    %get3A_6 = arith.constant 0 : index
    %get3A_7 = vector.load %arg3[%get3A_5, %get3A_6] : memref<1000x128xf32, #tpu.memory_space<vmem>>, vector<1000x128xf32>
    %get3A_8 = arith.constant 0 : index
    %get3A_9 = arith.constant 0 : index
    %get3A_10 = vector.load %arg4[%get3A_8, %get3A_9] : memref<1000x128xf32, #tpu.memory_space<vmem>>, vector<1000x128xf32>
    %add3A_11 = arith.addf %get3A_7, %get3A_10 : vector<1000x128xf32>
    %slice3A = vector.extract_strided_slice %add3A_11 {offsets = [0, 0], sizes = [1000, 1], strides = [1, 1]} : vector<1000x128xf32> to vector<1000x1xf32>
    %max3A = arith.constant 1.000000e+00 : f32
    %max3A_12 = vector.broadcast %max3A : f32 to vector<1000x1xf32>
    %max3A_13 = arith.maximumf %slice3A, %max3A_12 : vector<1000x1xf32>
    %div3A = vector.broadcast %max3A_13 : vector<1000x1xf32> to vector<1000x128xf32>
    %div3A_14 = arith.divf %add3A, %div3A : vector<1000x128xf32>
    %get3A_15 = arith.constant 0 : index
    %get3A_16 = arith.constant 0 : index
    %get3A_17 = vector.load %arg5[%get3A_15, %get3A_16] : memref<1000x128xf32, #tpu.memory_space<vmem>>, vector<1000x128xf32>
    %add3A_18 = arith.addf %div3A_14, %get3A_17 : vector<1000x128xf32>
    %swap3A = arith.constant 0 : index
    %swap3A_19 = arith.constant 0 : index
    %swap3A_20 = vector.load %arg6[%swap3A, %swap3A_19] : memref<1000x128xf32, #tpu.memory_space<vmem>>, vector<1000x128xf32>
    tpu.vector_store %arg6[%swap3A, %swap3A_19], %add3A_18 {strides = array<i32>} : memref<1000x128xf32, #tpu.memory_space<vmem>>, vector<1000x128xf32>,
    return
  }
  func.func @transform_0(%arg0: i32) -> (i32, i32) {
    %c0_i32 = arith.constant 0 : i32
    %c0_i32_0 = arith.constant 0 : i32
    return %arg0, %c0_i32 : i32, i32
  }
  func.func @transform_1(%arg0: i32) -> (i32, i32) {
    %c0_i32 = arith.constant 0 : i32
    %c0_i32_0 = arith.constant 0 : i32
    return %arg0, %c0_i32 : i32, i32
  }
  func.func @transform_2(%arg0: i32) -> (i32, i32) {
    %c0_i32 = arith.constant 0 : i32
    %c0_i32_0 = arith.constant 0 : i32
    return %arg0, %c0_i32 : i32, i32
  }
  func.func @transform_3(%arg0: i32) -> (i32, i32) {
    %c0_i32 = arith.constant 0 : i32
    %c0_i32_0 = arith.constant 0 : i32
    return %arg0, %c0_i32 : i32, i32
  }
  func.func @transform_4(%arg0: i32) -> (i32, i32) {
    %c0_i32 = arith.constant 0 : i32
    %c0_i32_0 = arith.constant 0 : i32
    return %arg0, %c0_i32 : i32, i32
  }
  func.func @transform_5(%arg0: i32) -> (i32, i32) {
    %c0_i32 = arith.constant 0 : i32
    %c0_i32_0 = arith.constant 0 : i32
    return %arg0, %c0_i32 : i32, i32
  }
}

</mosaic_0001>

<sc_bundles>
// kernel: kernel.11.cloned.1.call-start
scs
__scs_entry_jumppad:
0x0: {  	(pc) =	sbr.rel $0x88, $3  }
0x1: {  	(tag) =	ssettag $0x0;
	lr =	simm.s32 $0x1  }
0x2: {  	[smem:$0x3F99] =	sst lr;
	_ =	strace $0xD0000000  }
0x3: {  	_ = 	snop  }
0x4: {  	_ = 	snop  }
0x5: {  	_ = 	snop  }
0x6: {  	_ = 	snop  }
0x7: {  	_ = 	snop  }
__scs_overlays_trampoline_lowered:
0x8: {  	[smem:$0x3FA8] =	sst s0  }
0x9: {  	[smem:$0x3FA9] =	sst s1  }
0xa: {  	[smem:$0x3FAA] =	sst s2  }
0xb: {  	[smem:$0x3FAB] =	sst s3  }
0xc: {  	[smem:$0x3FAC] =	sst s4  }
0xd: {  	[smem:$0x3FAD] =	sst s5  }
0xe: {  	[smem:$0x3FAE] =	sst s6  }
0xf: {  	[smem:$0x3FAF] =	sst s7  }
0x10: {  	[smem:$0x3FB0] =	sst s8  }
0x11: {  	[smem:$0x3FB1] =	sst s9;
	s0 =	simm.s32 @!p0 $0x0  }
0x12: {  	s1 =	sld [smem:$0x3F97];
	s0 =	simm.s32 @p0 $0x1  }
0x13: {  	[smem:$0x3FB2] =	sst s0;
	s0 =	simm.s32 @!p1 $0x0  }
0x14: {  	s2 =	sld [smem:$0x3F96];
	s0 =	simm.s32 @p1 $0x1  }
0x15: {  	[smem:$0x3FB3] =	sst s0;
	s0 =	simm.s32 @!p2 $0x0  }
0x16: {  	s3 =	sld [smem:$0x3FDB];
	s0 =	simm.s32 @p2 $0x1  }
0x17: {  	s4 =	simm.s32 $0x1BF5;
	[smem:$0x3FB5] =	sst s0  }
0x18: {  	s0 =	sld [smem:$0x3F98];
	_ =	swait.ge [sflag:s4], $0x0  }
0x19: {  	s7 =	sld [smem:$0x3F99]  }
0x1a: {  	s8 =	sadd.s32 $0xFFFFE003, lr  }
0x1b: {  	s9 =	sadd.s32 $0xFFFFFEF7, lr;
	s5 =	simm.s32 $0xFFFFFFFF;
	p2 =	slt.u32 s8, $0xFFFFF086  }
0x1c: {  	p1 =	slt.u32 s9, $0xF7A;
	s5 =	simm.s32 @!p2 $0x0  }
0x1d: {  	s5 =	simm.s32 @p1 $0x1;
	p0 =	seq.s32 s7, s2  }
0x1e: {  	s7 =	smul.u32 @!p0 $0xF7A, s2;
	p2 =	seq.s32 @!p0 s5, $0x0  }
0x1f: {  	s9 =	smul.u32 $0xF7A, s1;
	s8 =	simm.s32 @!p0 $0x1BF5;
	p2 =	por !p2, p0  }
0x20: {  	[sflag:s8] =	ssyncset.s32 @!p0 $0xFFFFF086;
	s6 =	sadd.s32 @!p0 s3, s7;
	s7 =	simm.s32 @!p0 $0x108  }
0x21: {  	s3 =	sadd.s32 s3, s9;
	s6 =	sadd.s32 @!p0 $0x88, s6;
	s7 =	simm.s32 @p2 $0x1082  }
0x22: {  	[simem:s7], [sflag:s8] =	dma.local @!p0 [hbm:s6], $0xF7A  }
0x23: {  	s9 =	sor.u32 $0xD0000000, s2;
	s6 =	simm.s32 $0x108;
	_ =	swait.ge @!p0 [sflag:s8], $0x0  }
0x24: {  	s3 =	sadd.s32 $0x88, s3;
	s6 =	simm.s32 @!p1 $0x1082;
	[sflag:s4] =	ssyncset.s32 $0xFFFFF086  }
0x25: {  	[simem:s6], [sflag:s4] =	dma.local [hbm:s3], $0xF7A  }
0x26: {  	[smem:$0x3F99] =	sst s1;
	(tag) =	ssettag s2;
	_ =	strace s9  }
0x27: {  	s1 =	sld [smem:$0x3FA9]  }
0x28: {  	s2 =	sld [smem:$0x3FAA]  }
0x29: {  	s4 =	sld [smem:$0x3FAC]  }
0x2a: {  	p0 =	seq.s32 s5, $0x0;
	s5 =	sld [smem:$0x3FAD]  }
0x2b: {  	s6 =	sld [smem:$0x3FAE]  }
0x2c: {  	s7 =	sld [smem:$0x3FAF]  }
0x2d: {  	s3 =	simm.s32 $0x108;
	s8 =	sld [smem:$0x3FB0]  }
0x2e: {  	s3 =	simm.s32 @!p0 $0x1082;
	s9 =	sld [smem:$0x3FB1]  }
0x2f: {  	lr =	sadd.s32 s0, s3;
	s0 =	sld [smem:$0x3FA8]  }
0x30: {  	s3 =	sld [smem:$0x3FAB]  }
0x31: {  	[smem:$0x3FB4] =	sst s10  }
0x32: {  	s10 =	sld [smem:$0x3FB2];
	_ =	sdelay $0x3  }
0x33: {  	p0 =	seq.s32 s10, $0x1;
	s10 =	sld [smem:$0x3FB4];
	_ =	sdelay $0x3  }
0x34: {  	[smem:$0x3FB4] =	sst s10  }
0x35: {  	s10 =	sld [smem:$0x3FB3];
	_ =	sdelay $0x3  }
0x36: {  	p1 =	seq.s32 s10, $0x1;
	s10 =	sld [smem:$0x3FB4];
	_ =	sdelay $0x3  }
0x37: {  	[smem:$0x3FB4] =	sst s10  }
0x38: {  	s10 =	sld [smem:$0x3FB5]  }
0x39: {  	_ = 	snop;
	(pc) =	sbr.ind lr, $3  }
0x3a: {  	_ = 	snop  }
0x3b: {  	_ = 	snop  }
0x3c: {  	p2 =	seq.s32 s10, $0x1;
	s10 =	sld [smem:$0x3FB4]  }
0x3d: {  	_ =	shalt  }
0x3e: {  	_ =	shalt  }
0x3f: {  	_ =	shalt  }
0x40: {  	_ =	shalt  }
0x41: {  	_ =	shalt  }
0x42: {  	_ =	shalt  }
0x43: {  	_ =	shalt  }
0x44: {  	_ =	shalt  }
0x45: {  	_ =	shalt  }
0x46: {  	_ =	shalt  }
0x47: {  	_ =	shalt  }
0x48: {  	_ =	shalt  }
0x49: {  	_ =	shalt  }
0x4a: {  	_ =	shalt  }
0x4b: {  	_ =	shalt  }
0x4c: {  	_ =	shalt  }
0x4d: {  	_ =	shalt  }
0x4e: {  	_ =	shalt  }
0x4f: {  	_ =	shalt  }
0x50: {  	_ =	shalt  }
0x51: {  	_ =	shalt  }
0x52: {  	_ =	shalt  }
0x53: {  	_ =	shalt  }
0x54: {  	_ =	shalt  }
0x55: {  	_ =	shalt  }
0x56: {  	_ =	shalt  }
0x57: {  	_ =	shalt  }
0x58: {  	_ =	shalt  }
0x59: {  	_ =	shalt  }
0x5a: {  	_ =	shalt  }
0x5b: {  	_ =	shalt  }
0x5c: {  	_ =	shalt  }
0x5d: {  	_ =	shalt  }
0x5e: {  	_ =	shalt  }
0x5f: {  	_ =	shalt  }
0x60: {  	_ =	shalt  }
0x61: {  	_ =	shalt  }
0x62: {  	_ =	shalt  }
0x63: {  	_ =	shalt  }
0x64: {  	_ =	shalt  }
0x65: {  	_ =	shalt  }
0x66: {  	_ =	shalt  }
0x67: {  	_ =	shalt  }
0x68: {  	_ =	shalt  }
0x69: {  	_ =	shalt  }
0x6a: {  	_ =	shalt  }
0x6b: {  	_ =	shalt  }
0x6c: {  	_ =	shalt  }
0x6d: {  	_ =	shalt  }
0x6e: {  	_ =	shalt  }
0x6f: {  	_ =	shalt  }
0x70: {  	_ =	shalt  }
0x71: {  	_ =	shalt  }
0x72: {  	_ =	shalt  }
0x73: {  	_ =	shalt  }
0x74: {  	_ =	shalt  }
0x75: {  	_ =	shalt  }
0x76: {  	_ =	shalt  }
0x77: {  	_ =	shalt  }
0x78: {  	_ =	shalt  }
0x79: {  	_ =	shalt  }
0x7a: {  	_ =	shalt  }
0x7b: {  	_ =	shalt  }
0x7c: {  	_ =	shalt  }
0x7d: {  	_ =	shalt  }
0x7e: {  	_ =	shalt  }
0x7f: {  	_ =	shalt  }
0x80: {  	_ =	shalt  }
0x81: {  	_ =	shalt  }
0x82: {  	_ =	shalt  }
0x83: {  	_ =	shalt  }
0x84: {  	_ =	shalt  }
0x85: {  	_ =	shalt  }
0x86: {  	_ =	shalt  }
0x87: {  	_ =	shalt  }
.Lfunc_end0:
.L_simem_size_0:
called_computation.1_lowered:
.L_overlay_start_0:
0x88: {  	s2 =	sld [smem:$0x3FD9]  }
0x89: {  	s3 =	sld [smem:$0x3FFE];
	_ =	sdelay $0x1  }
0x8a: {  	s1 =	srdreg.scid  }
0x8b: {  	s0 =	sand.u32 $0x1, s1  }
0x8c: {  	s17 =	sshll.u32 s0, $0xA;
	s2 =	sadd.s32 s3, s2  }
0x8d: {  	s2 =	sadd.s32 s2, s17  }
0x8e: {  	[smem:$0x3FC0] =	sst s2  }
0x8f: {  	_ = 	snop  }
0x90: {  	s2 =	sld [smem:$0x3FD0];
	(tm) =	ssettm $0x1  }
0x91: {  	s18 =	sld [smem:$0x3FFB];
	_ =	sdelay $0x3  }
0x92: {  	_ =	strace s18  }
0x93: {  	s3 =	sld [smem:$0x3FFC];
	_ =	sdelay $0x3  }
0x94: {  	_ =	strace s3  }
0x95: {  	s3 =	sld [smem:$0x3FFD];
	_ =	sdelay $0x3  }
0x96: {  	_ =	strace s3  }
0x97: {  	_ =	strace $0x8FFFFFFF  }
0x98: {  	s19 =	sld [smem:$0x3FDB];
	_ =	sdelay $0x1  }
0x99: {  	s4 =	simm.s32 $_scs_section_size  }
0x9a: {  	s5 =	simm.s32 $_size__tile_overlayer_lowered;
	s6 =	simm.s32 $_tile_overlayer_lowered  }
0x9b: {  	s22 =	simm.s32 $0x1BFF;
	s21 =	sshll.u32 s6, $0x1;
	s3 =	sadd.s32 s4, s19  }
0x9c: {  	s7 =	simm.s32 $0x0;
	s20 =	sshll.u32 s5, $0x1;
	s5 =	sadd.s32 s21, s3  }
0x9d: {  	[timem:s7], [sflag:s22] =	dma.local [hbm:s5], s20  }
0x9e: {  	_ =	swait.ge [sflag:s22], s20  }
0x9f: {  	s4 =	ssub.s32 $0x0, s20;
	[sflag:s22] =	ssyncset.done $0x0  }
0xa0: {  	[sflag:s22] =	ssyncadd.s32 s4;
	_ =	sdelay $0x1  }
0xa1: {  	s23 =	simm.s32 $0x1B8B  }
0xa2: {  	_ =	swait.ge [sflag:s23], $0x1  }
0xa3: {  	[sflag:s23] =	ssyncset.done $0x0  }
0xa4: {  	s25 =	simm.s32 $0x1B8E;
	s24 =	sld [smem:$0x3FFE];
	[sflag:s23] =	ssyncadd.s32 $0xFFFFFFFF  }
0xa5: {  	s26 =	simm.s32 $execute0_lowered;
	[smem:$0x3FD2] =	sst s25  }
0xa6: {  	s5 =	sshll.u32 s26, $0x1;
	_ =	strace $0x80000046;
	[dreg:$0x1] =	wrdreg $0xFFFFFFFF  }
0xa7: {  	s28 =	simm.s32 $_size_execute0_lowered;
	s3 =	sadd.s32 s3, s5;
	[dreg:$0x0] =	wrdreg $0x0  }
0xa8: {  	s5 =	sshll.u32 s28, $0x1;
	[dreg:$0x2] =	wrdreg s3  }
0xa9: {  	[dreg:$0x3] =	wrdreg s5  }
0xaa: {  	[dreg:$0x4] =	wrdreg $0xC0  }
0xab: {  	_ =	task [dreg:s7], $0x5FFFF  }
0xac: {  	[dreg:$0x1] =	wrdreg $0xFFFFFFFF  }
0xad: {  	[dreg:$0x0] =	wrdreg $0x60  }
0xae: {  	[dreg:$0x2] =	wrdreg s2  }
0xaf: {  	[dreg:$0x3] =	wrdreg s24  }
0xb0: {  	[dreg:$0x4] =	wrdreg $0x98000  }
0xb1: {  	[dreg:$0x5] =	wrdreg $0xA  }
0xb2: {  	_ =	task.clear_ibuf [dreg:s7], $0x6FFFF;
	_ =	strace $0x90000046  }
0xb3: {  	s29 =	simm.s32 $0xA;
	_ =	strace $0x80000048  }
0xb4: {  	_ =	swait.ge [sflag:s29], $0x1  }
0xb5: {  	[sflag:s29] =	ssyncadd.s32 $0xFFFFFFFF  }
0xb6: {  	_ =	strace $0x90000048  }
0xb7: {  	_ =	sfence  }
0xb8: {  	s30 =	sld [smem:$0x0];
	_ =	sdelay $0x2  }
0xb9: {  	s31 =	sshll.u32 s1, $0xD;
	s1 =	sshrl.u32 s1, $0x2  }
0xba: {  	s3 =	sand.u32 $0x4000, s31;
	s1 =	sadd.s32 s1, s30  }
0xbb: {  	s0 =	sor.u32 s3, s0;
	s1 =	sshll.u32 s1, $0x11  }
0xbc: {  	s0 =	sor.u32 s1, s0  }
0xbd: {  	s0 =	sadd.s32 $0x8F2B, s0  }
0xbe: {  	[sflag:s0] =	ssyncadd.remote.s32 $0x1  }
0xbf: {  	_ =	sfence.sel $0xFFFF  }
0xc0: {  	[dreg:$0x0] =	wrdreg $0xFFFFFFFF;
	(pc) =	sbr.abs _section_cstart, $3  }
0xc1: {  	[dreg:$0x1] =	wrdreg $0xFFFFFFFF  }
0xc2: {  	_ =	task.clear_ibuf [dreg:s7], $0x2FFFF;
	_ =	strace $0x9FFFFFFF  }
0xc3: {  	(tm) =	ssettm $0x7FFFFFFF  }
tec
execute0_lowered:
.L_overlay_start_1:
0x0: {  	(tag) =	ssettag $0x1  }
0x1: {  	s1 =	rddreg [dreg:$0x0]  }
0x2: {  	s0 =	rddreg [dreg:$0x1];
	s2 =	srdreg.scid  }
0x3: {  	s12 =	stileid.u32;
	s3 =	rddreg [dreg:$0x2]  }
0x4: {  	s4 =	simm.s32 $0x0;
	s28 =	simm.s32 $0x80;
	s29 =	simm.s32 $0x5800  }
0x5: {  	s30 =	simm.s32 $0x1;
	s31 =	simm.s32 $0x7800;
	s7 =	smul.u32 $0x2800, s12  }
0x6: {  	s2 =	sand.u32 $0x1, s2;
	[smem:$0x7FF] =	sst s4;
	s9 =	smul.u32 $0x50000, s12  }
0x7: {  	s5 =	sadd.s32 $0x17800, s0;
	s6 =	sadd.s32 $0x3800, s0;
	s19 =	smul.u32 $0x4800, s12  }
0x8: {  	s18 =	sshll.u32 s12, $0xE;
	s8 =	smul.u32 $0x28000, s2;
	s11 =	ssub.s32 $0x2, s2  }
0x9: {  	_ =	strace $0x80000047;
	s9 =	sshrl.u32 s9, $0x2;
	s10 =	sshrl.u32 s11, $0x1  }
0xa: {  	s7 =	sadd.s32 s7, s8;
	s16 =	sadd.s32 s9, s3;
	s8 =	ssub.s32 s11, s10  }
0xb: {  	s9 =	ssub.s32 $0x48000, s18;
	s13 =	sadd.s32 $0x2000, s16;
	[dreg:$0x4] =	wrdreg s16  }
0xc: {  	s11 =	sshll.u32 s12, $0x8;
	s14 =	sadd.s32 $0x4000, s16;
	[dreg:$0x5] =	wrdreg s13  }
0xd: {  	s12 =	smul.u32 $0x9000, s12;
	s15 =	sadd.s32 $0x6000, s16;
	[dreg:$0x6] =	wrdreg s14  }
0xe: {  	s10 =	simm.s32 $0x7C0;
	s17 =	sadd.s32 $0x8000, s16;
	[dreg:$0x7] =	wrdreg s15  }
0xf: {  	s0 =	sadd.s32 s7, s0;
	s20 =	sadd.s32 $0xA000, s16;
	[dreg:$0x8] =	wrdreg s17  }
0x10: {  	s9 =	smul.u32 s2, s9;
	s21 =	sadd.s32 $0xC000, s16;
	[dreg:$0x9] =	wrdreg s20  }
0x11: {  	s11 =	ssub.s32 $0x1200, s11;
	s22 =	sadd.s32 $0xE000, s16;
	[dreg:$0xa] =	wrdreg s21  }
0x12: {  	s23 =	sadd.s32 $0x10000, s16;
	s24 =	sadd.s32 $0x12000, s16;
	[dreg:$0xb] =	wrdreg s22  }
0x13: {  	s26 =	smax.u32 s8, $0x1;
	s8 =	simm.s32 $0x4;
	[dreg:$0xc] =	wrdreg s23  }
0x14: {  	s11 =	smul.u32 s11, s2;
	[dreg:$0xd] =	wrdreg s24;
	s2 =	sshll.u32 s2, $0x3  }
0x15: {  	s0 =	sadd.s32 $0x48A00, s0;
	[dreg:$0xf] =	wrdreg s26;
	s22 =	simm.s32 $0x1800  }
0x16: {  	s23 =	simm.s32 $0x5;
	s24 =	simm.s32 $0x800;
	s26 =	simm.s32 $0x3800  }
0x17: {  	s13 =	simm.s32 $0x1780;
	s17 =	sadd.s32 s19, s9;
	s19 =	sxor.u32 $0x9, s2  }
0x18: {  	[dreg:$0xe] =	wrdreg s0;
	s2 =	simm.s32 $0x2;
	s0 =	simm.s32 $0x3  }
0x19: {  	s9 =	simm.s32 $0x1600;
	s25 =	sshll.u32 s11, $0x7;
	s11 =	simm.s32 $0x1680  }
0x1a: {  	v0 =	vimm.f32 $0.0e+00;
	s18 =	sadd.s32 s12, s25;
	s25 =	simm.s32 $0x40;
	s12 =	simm.s32 $0x1700  }
.LBB2_1:
0x1b: {  	s14 =	simm.s32 $0x0;
	s15 =	simm.s32 $0x200  }
.LBB2_2:
0x1c: {  	p0 =	sne.s32 s15, $0x7E00;
	[tilespmem:s14+$0x1870] =	vst v0  }
0x1d: {  	[tilespmem:s14+$0x1800] =	vst v0  }
0x1e: {  	[tilespmem:s14+$0x1810] =	vst v0  }
.Ltmp0:
0x1f: {  	[tilespmem:s14+$0x1820] =	vst v0;
	(pc) =	sbr.rel @p0 .LBB2_2-.Ltmp0, $4  }
0x20: {  	[tilespmem:s14+$0x1830] =	vst v0  }
0x21: {  	[tilespmem:s14+$0x1840] =	vst v0  }
0x22: {  	[tilespmem:s14+$0x1850] =	vst v0  }
0x23: {  	[tilespmem:s14+$0x1860] =	vst v0;
	s14 =	sshra.s32 s15, $0x2;
	s15 =	sadd.s32 $0x200, s15  }
0x24: {  	[tilespmem:s14+$0x1870] =	vst v0  }
0x25: {  	[tilespmem:s14+$0x1800] =	vst v0  }
0x26: {  	[tilespmem:s14+$0x1810] =	vst v0  }
0x27: {  	[tilespmem:s14+$0x1820] =	vst v0  }
0x28: {  	[tilespmem:s14+$0x1830] =	vst v0  }
0x29: {  	[tilespmem:s14+$0x1840] =	vst v0  }
0x2a: {  	[tilespmem:s14+$0x1850] =	vst v0  }
0x2b: {  	[tilespmem:s14+$0x1860] =	vst v0  }
0x2c: {  	[spmem:s16] =	stream.linear.scatter [tilespmem:s22], [sflag:$0x5], $0x2000, $0x38;
	[tilespmem:$0x1D800] =	vst v63  }
0x2d: {  	_ =	swait.ge [sflag:s23], $0x2000  }
0x2e: {  	[sflag:s23] =	ssyncset.done $0x0  }
0x2f: {  	s7 =	rddreg [dreg:$0x5];
	[sflag:s23] =	ssyncadd.s32 $0xFFFFE000  }
0x30: {  	[spmem:s7] =	stream.linear.scatter [tilespmem:s22], [sflag:$0x5], $0x2000, $0x38;
	[tilespmem:$0x1D800] =	vst v63  }
0x31: {  	_ =	swait.ge [sflag:s23], $0x2000  }
0x32: {  	[sflag:s23] =	ssyncset.done $0x0  }
0x33: {  	s16 =	rddreg [dreg:$0x6];
	[sflag:s23] =	ssyncadd.s32 $0xFFFFE000  }
0x34: {  	[spmem:s16] =	stream.linear.scatter [tilespmem:s22], [sflag:$0x5], $0x2000, $0x38;
	[tilespmem:$0x1D800] =	vst v63  }
0x35: {  	_ =	swait.ge [sflag:s23], $0x2000  }
0x36: {  	[sflag:s23] =	ssyncset.done $0x0  }
0x37: {  	s20 =	rddreg [dreg:$0x7];
	[sflag:s23] =	ssyncadd.s32 $0xFFFFE000  }
0x38: {  	[spmem:s20] =	stream.linear.scatter [tilespmem:s22], [sflag:$0x5], $0x2000, $0x38;
	[tilespmem:$0x1D800] =	vst v63  }
0x39: {  	_ =	swait.ge [sflag:s23], $0x2000  }
0x3a: {  	[sflag:s23] =	ssyncset.done $0x0  }
0x3b: {  	s21 =	rddreg [dreg:$0x8];
	[sflag:s23] =	ssyncadd.s32 $0xFFFFE000  }
0x3c: {  	[spmem:s21] =	stream.linear.scatter [tilespmem:s22], [sflag:$0x5], $0x2000, $0x38;
	[tilespmem:$0x1D800] =	vst v63  }
0x3d: {  	_ =	swait.ge [sflag:s23], $0x2000  }
0x3e: {  	[sflag:s23] =	ssyncset.done $0x0  }
0x3f: {  	s14 =	rddreg [dreg:$0x9];
	[sflag:s23] =	ssyncadd.s32 $0xFFFFE000  }
0x40: {  	[spmem:s14] =	stream.linear.scatter [tilespmem:s22], [sflag:$0x5], $0x2000, $0x38;
	[tilespmem:$0x1D800] =	vst v63  }
0x41: {  	_ =	swait.ge [sflag:s23], $0x2000  }
0x42: {  	[sflag:s23] =	ssyncset.done $0x0  }
0x43: {  	s15 =	rddreg [dreg:$0xa];
	[sflag:s23] =	ssyncadd.s32 $0xFFFFE000  }
0x44: {  	[spmem:s15] =	stream.linear.scatter [tilespmem:s22], [sflag:$0x5], $0x2000, $0x38;
	[tilespmem:$0x1D800] =	vst v63  }
0x45: {  	_ =	swait.ge [sflag:s23], $0x2000  }
0x46: {  	[sflag:s23] =	ssyncset.done $0x0  }
0x47: {  	s16 =	rddreg [dreg:$0xb];
	[sflag:s23] =	ssyncadd.s32 $0xFFFFE000  }
0x48: {  	[spmem:s16] =	stream.linear.scatter [tilespmem:s22], [sflag:$0x5], $0x2000, $0x38;
	[tilespmem:$0x1D800] =	vst v63  }
0x49: {  	_ =	swait.ge [sflag:s23], $0x2000  }
0x4a: {  	[sflag:s23] =	ssyncset.done $0x0  }
0x4b: {  	s20 =	rddreg [dreg:$0xc];
	[sflag:s23] =	ssyncadd.s32 $0xFFFFE000  }
0x4c: {  	[spmem:s20] =	stream.linear.scatter [tilespmem:s22], [sflag:$0x5], $0x2000, $0x38;
	[tilespmem:$0x1D800] =	vst v63  }
0x4d: {  	_ =	swait.ge [sflag:s23], $0x2000  }
0x4e: {  	[sflag:s23] =	ssyncset.done $0x0  }
0x4f: {  	s21 =	rddreg [dreg:$0xd];
	[sflag:s23] =	ssyncadd.s32 $0xFFFFE000  }
0x50: {  	[spmem:s21] =	stream.linear.scatter [tilespmem:s22], [sflag:$0x5], $0x2000, $0x38;
	[tilespmem:$0x1D800] =	vst v63  }
0x51: {  	_ =	swait.ge [sflag:s23], $0x2000  }
0x52: {  	[sflag:s23] =	ssyncset.done $0x0  }
0x53: {  	[sflag:s23] =	ssyncadd.s32 $0xFFFFE000  }
0x54: {  	s14 =	simm.s32 $0x0;
	s15 =	simm.s32 $0x0;
	[bflag:$0x0] =	sbarrier.arrive $0xFFFF  }
.LBB2_4:
0x55: {  	s16 =	sshll.u32 s15, $0xB  }
0x56: {  	s16 =	sadd.s32 s16, s17  }
0x57: {  	s16 =	sshrl.u32 s16, $0x3  }
0x58: {  	s20 =	sshll.u32 s15, $0xC;
	s16 =	sadd.s32 s5, s16  }
0x59: {  	[tilespmem:s14], [sflag:$0x5] =	stream.linear.gather [hbm4b:s16+s14], $0x800, $0x38;
	[tilespmem:$0x1D800] =	vst v63  }
0x5a: {  	s16 =	sadd.s32 s18, s20;
	_ =	swait.ge [sflag:s23], $0x800  }
0x5b: {  	s16 =	sshrl.u32 s16, $0x3;
	[sflag:s23] =	ssyncset.done $0x0  }
0x5c: {  	s16 =	sadd.s32 s6, s16;
	[sflag:s23] =	ssyncadd.s32 $0xFFFFF800  }
0x5d: {  	[tilespmem:s24], [sflag:$0x5] =	stream.linear.gather [hbm4b:s16+s14], $0x1000, $0x38;
	[tilespmem:$0x1D800] =	vst v63  }
0x5e: {  	_ =	swait.ge [sflag:s23], $0x1000  }
0x5f: {  	[sflag:s23] =	ssyncset.done $0x0  }
0x60: {  	[sflag:s23] =	ssyncadd.s32 $0xFFFFF000  }
0x61: {  	[tilespmem:s22], [sflag:$0x1] =	stream.indirect.gather [hbm4b:s1+s25], $0x80, s14, s25, $0xb8;
	[tilespmem:$0x1D800] =	vst v63  }
0x62: {  	_ = 	snop  }
0x63: {  	[tilespmem:s26], [sflag:$0x2] =	stream.indirect.gather [hbm4b:s1+s25], $0x80, s25, s25, $0xb8;
	[tilespmem:$0x1D800] =	vst v63  }
0x64: {  	_ = 	snop  }
0x65: {  	[tilespmem:s29], [sflag:$0x3] =	stream.indirect.gather [hbm4b:s1+s25], $0x80, s28, s25, $0xb8;
	[tilespmem:$0x1D800] =	vst v63  }
0x66: {  	_ =	swait.ge [sflag:s30], $0x2000  }
0x67: {  	[sflag:s30] =	ssyncset.done $0x0  }
0x68: {  	s21 =	simm.s32 $0x800;
	[sflag:s30] =	ssyncadd.s32 $0xFFFFE000  }
0x69: {  	[spmem:s3] =	stream.indirect.scatter.add.f32 [tilespmem:s22], [sflag:$0x5], $0x80, s21, s25, $0xb8;
	[tilespmem:$0x1D800] =	vst v63  }
0x6a: {  	_ =	swait.ge [sflag:s23], $0x2000  }
0x6b: {  	[sflag:s23] =	ssyncset.done $0x0  }
0x6c: {  	s7 =	simm.s32 $0xC0;
	[sflag:s23] =	ssyncadd.s32 $0xFFFFE000  }
0x6d: {  	[tilespmem:s31], [sflag:$0x4] =	stream.indirect.gather [hbm4b:s1+s25], $0x80, s7, s25, $0xb8;
	[tilespmem:$0x1D800] =	vst v63  }
0x6e: {  	_ =	swait.ge [sflag:s2], $0x2000  }
0x6f: {  	[sflag:s2] =	ssyncset.done $0x0  }
0x70: {  	s20 =	simm.s32 $0x880;
	[sflag:s2] =	ssyncadd.s32 $0xFFFFE000  }
0x71: {  	[spmem:s3] =	stream.indirect.scatter.add.f32 [tilespmem:s26], [sflag:$0x5], $0x80, s20, s25, $0xb8;
	[tilespmem:$0x1D800] =	vst v63  }
0x72: {  	_ =	swait.ge [sflag:s23], $0x2000  }
0x73: {  	[sflag:s23] =	ssyncset.done $0x0  }
0x74: {  	s21 =	simm.s32 $0x100;
	[sflag:s23] =	ssyncadd.s32 $0xFFFFE000  }
0x75: {  	[tilespmem:s22], [sflag:$0x1] =	stream.indirect.gather [hbm4b:s1+s25], $0x80, s21, s25, $0xb8;
	[tilespmem:$0x1D800] =	vst v63  }
0x76: {  	_ =	swait.ge [sflag:s0], $0x2000  }
0x77: {  	[sflag:s0] =	ssyncset.done $0x0  }
0x78: {  	s7 =	simm.s32 $0x900;
	[sflag:s0] =	ssyncadd.s32 $0xFFFFE000  }
0x79: {  	[spmem:s3] =	stream.indirect.scatter.add.f32 [tilespmem:s29], [sflag:$0x5], $0x80, s7, s25, $0xb8;
	[tilespmem:$0x1D800] =	vst v63  }
0x7a: {  	_ =	swait.ge [sflag:s23], $0x2000  }
0x7b: {  	[sflag:s23] =	ssyncset.done $0x0  }
0x7c: {  	s20 =	simm.s32 $0x140;
	[sflag:s23] =	ssyncadd.s32 $0xFFFFE000  }
0x7d: {  	[tilespmem:s26], [sflag:$0x2] =	stream.indirect.gather [hbm4b:s1+s25], $0x80, s20, s25, $0xb8;
	[tilespmem:$0x1D800] =	vst v63  }
0x7e: {  	_ =	swait.ge [sflag:s8], $0x2000  }
0x7f: {  	[sflag:s8] =	ssyncset.done $0x0  }
0x80: {  	s21 =	simm.s32 $0x980;
	[sflag:s8] =	ssyncadd.s32 $0xFFFFE000  }
0x81: {  	[spmem:s3] =	stream.indirect.scatter.add.f32 [tilespmem:s31], [sflag:$0x5], $0x80, s21, s25, $0xb8;
	[tilespmem:$0x1D800] =	vst v63  }
0x82: {  	_ =	swait.ge [sflag:s23], $0x2000  }
0x83: {  	s16 =	simm.s32 $0x400;
	[sflag:s23] =	ssyncset.done $0x0  }
0x84: {  	s20 =	simm.s32 $0xB00;
	s21 =	simm.s32 $0x180;
	[sflag:s23] =	ssyncadd.s32 $0xFFFFE000  }
.LBB2_5:
0x85: {  	[tilespmem:s29], [sflag:$0x3] =	stream.indirect.gather [hbm4b:s1+s25], $0x80, s21, s25, $0xb8;
	[tilespmem:$0x1D800] =	vst v63  }
0x86: {  	s21 =	smov.u32 s16  }
0x87: {  	p0 =	sne.s32 s16, $0x1800;
	s16 =	sadd.s32 $0x400, s16;
	_ =	swait.ge [sflag:s30], $0x2000  }
0x88: {  	[sflag:s30] =	ssyncset.done $0x0  }
0x89: {  	s7 =	sadd.s32 $0xFFFFFF00, s20;
	[sflag:s30] =	ssyncadd.s32 $0xFFFFE000  }
0x8a: {  	[spmem:s3] =	stream.indirect.scatter.add.f32 [tilespmem:s22], [sflag:$0x5], $0x80, s7, s25, $0xb8;
	[tilespmem:$0x1D800] =	vst v63  }
0x8b: {  	_ =	swait.ge [sflag:s23], $0x2000  }
0x8c: {  	s7 =	sshra.s32 s21, $0x2;
	[sflag:s23] =	ssyncset.done $0x0  }
0x8d: {  	s21 =	sadd.s32 $0xC0, s7;
	[sflag:s23] =	ssyncadd.s32 $0xFFFFE000  }
0x8e: {  	[tilespmem:s31], [sflag:$0x4] =	stream.indirect.gather [hbm4b:s1+s25], $0x80, s21, s25, $0xb8;
	[tilespmem:$0x1D800] =	vst v63  }
0x8f: {  	_ =	swait.ge [sflag:s2], $0x2000  }
0x90: {  	[sflag:s2] =	ssyncset.done $0x0  }
0x91: {  	s21 =	sadd.s32 $0xFFFFFF80, s20;
	[sflag:s2] =	ssyncadd.s32 $0xFFFFE000  }
0x92: {  	[spmem:s3] =	stream.indirect.scatter.add.f32 [tilespmem:s26], [sflag:$0x5], $0x80, s21, s25, $0xb8;
	[tilespmem:$0x1D800] =	vst v63  }
0x93: {  	_ =	swait.ge [sflag:s23], $0x2000  }
0x94: {  	[sflag:s23] =	ssyncset.done $0x0  }
0x95: {  	s21 =	sadd.s32 $0x100, s7;
	[sflag:s23] =	ssyncadd.s32 $0xFFFFE000  }
0x96: {  	[tilespmem:s22], [sflag:$0x1] =	stream.indirect.gather [hbm4b:s1+s25], $0x80, s21, s25, $0xb8;
	[tilespmem:$0x1D800] =	vst v63  }
0x97: {  	_ =	swait.ge [sflag:s0], $0x2000  }
0x98: {  	[sflag:s0] =	ssyncset.done $0x0  }
0x99: {  	[sflag:s0] =	ssyncadd.s32 $0xFFFFE000  }
0x9a: {  	[spmem:s3] =	stream.indirect.scatter.add.f32 [tilespmem:s29], [sflag:$0x5], $0x80, s20, s25, $0xb8;
	[tilespmem:$0x1D800] =	vst v63  }
0x9b: {  	_ =	swait.ge [sflag:s23], $0x2000  }
0x9c: {  	[sflag:s23] =	ssyncset.done $0x0  }
0x9d: {  	s21 =	sadd.s32 $0x140, s7;
	[sflag:s23] =	ssyncadd.s32 $0xFFFFE000  }
0x9e: {  	[tilespmem:s26], [sflag:$0x2] =	stream.indirect.gather [hbm4b:s1+s25], $0x80, s21, s25, $0xb8;
	[tilespmem:$0x1D800] =	vst v63  }
0x9f: {  	_ =	swait.ge [sflag:s8], $0x2000  }
0xa0: {  	[sflag:s8] =	ssyncset.done $0x0  }
.Ltmp1:
0xa1: {  	s21 =	sadd.s32 $0x80, s20;
	[sflag:s8] =	ssyncadd.s32 $0xFFFFE000;
	(pc) =	sbr.rel @p0 .LBB2_5-.Ltmp1, $4  }
0xa2: {  	[spmem:s3] =	stream.indirect.scatter.add.f32 [tilespmem:s31], [sflag:$0x5], $0x80, s21, s25, $0xb8;
	[tilespmem:$0x1D800] =	vst v63  }
0xa3: {  	_ =	swait.ge [sflag:s23], $0x2000  }
0xa4: {  	[sflag:s23] =	ssyncset.done $0x0  }
0xa5: {  	s20 =	sadd.s32 $0x200, s20;
	s21 =	sadd.s32 $0x180, s7;
	[sflag:s23] =	ssyncadd.s32 $0xFFFFE000  }
0xa6: {  	[tilespmem:s29], [sflag:$0x3] =	stream.indirect.gather [hbm4b:s1+s25], $0x80, s21, s25, $0xb8;
	[tilespmem:$0x1D800] =	vst v63  }
0xa7: {  	_ =	swait.ge [sflag:s30], $0x2000  }
0xa8: {  	[sflag:s30] =	ssyncset.done $0x0  }
0xa9: {  	[sflag:s30] =	ssyncadd.s32 $0xFFFFE000  }
0xaa: {  	[spmem:s3] =	stream.indirect.scatter.add.f32 [tilespmem:s22], [sflag:$0x5], $0x80, s9, s25, $0xb8;
	[tilespmem:$0x1D800] =	vst v63  }
0xab: {  	_ =	swait.ge [sflag:s23], $0x2000  }
0xac: {  	[sflag:s23] =	ssyncset.done $0x0  }
0xad: {  	[sflag:s23] =	ssyncadd.s32 $0xFFFFE000  }
0xae: {  	[tilespmem:s31], [sflag:$0x4] =	stream.indirect.gather [hbm4b:s1+s25], $0x80, s10, s25, $0xb8;
	[tilespmem:$0x1D800] =	vst v63  }
0xaf: {  	_ =	swait.ge [sflag:s2], $0x2000  }
0xb0: {  	[sflag:s2] =	ssyncset.done $0x0  }
0xb1: {  	[sflag:s2] =	ssyncadd.s32 $0xFFFFE000  }
0xb2: {  	[spmem:s3] =	stream.indirect.scatter.add.f32 [tilespmem:s26], [sflag:$0x5], $0x80, s11, s25, $0xb8;
	[tilespmem:$0x1D800] =	vst v63  }
0xb3: {  	_ =	swait.ge [sflag:s23], $0x2000  }
0xb4: {  	[sflag:s23] =	ssyncset.done $0x0  }
0xb5: {  	[sflag:s23] =	ssyncadd.s32 $0xFFFFE000  }
0xb6: {  	_ =	swait.ge [sflag:s0], $0x2000  }
0xb7: {  	[sflag:s0] =	ssyncset.done $0x0  }
0xb8: {  	[sflag:s0] =	ssyncadd.s32 $0xFFFFE000  }
0xb9: {  	[spmem:s3] =	stream.indirect.scatter.add.f32 [tilespmem:s29], [sflag:$0x5], $0x80, s12, s25, $0xb8;
	[tilespmem:$0x1D800] =	vst v63  }
0xba: {  	_ =	swait.ge [sflag:s23], $0x2000  }
0xbb: {  	[sflag:s23] =	ssyncset.done $0x0  }
0xbc: {  	[sflag:s23] =	ssyncadd.s32 $0xFFFFE000  }
0xbd: {  	s15 =	sadd.s32 $0x1, s15;
	_ =	swait.ge [sflag:s8], $0x2000  }
0xbe: {  	p0 =	sne.s32 s15, s19;
	[sflag:s8] =	ssyncset.done $0x0  }
.Ltmp2:
0xbf: {  	[sflag:s8] =	ssyncadd.s32 $0xFFFFE000;
	(pc) =	sbr.rel @p0 .LBB2_4-.Ltmp2, $4  }
0xc0: {  	[spmem:s3] =	stream.indirect.scatter.add.f32 [tilespmem:s31], [sflag:$0x5], $0x80, s13, s25, $0xb8;
	[tilespmem:$0x1D800] =	vst v63  }
0xc1: {  	_ =	swait.ge [sflag:s23], $0x2000  }
0xc2: {  	[sflag:s23] =	ssyncset.done $0x0  }
0xc3: {  	[sflag:s23] =	ssyncadd.s32 $0xFFFFE000  }
0xc4: {  	s7 =	stileid.u32;
	[bflag:$0x0] =	sbarrier.arrive $0xFFFF  }
0xc5: {  	s7 =	sshll.u32 s7, $0x6;
	s16 =	rddreg [dreg:$0x4]  }
0xc6: {  	s15 =	rddreg [dreg:$0xe];
	s7 =	sor.u32 $0x1C05, s7;
	s14 =	sshrl.u32 s16, $0x3  }
0xc7: {  	[hbm:s15], [sflag:s7] =	dma.local [spmem:s14], $0x2800  }
0xc8: {  	_ =	swait.ge [sflag:s23], $0x2800  }
0xc9: {  	s4 =	sadd.s32 $0x1, s4;
	s21 =	rddreg [dreg:$0xf]  }
0xca: {  	p0 =	sne.s32 s4, s21  }
.Ltmp3:
0xcb: {  	_ = 	snop;
	(pc) =	sbr.rel @p0 .LBB2_1-.Ltmp3, $3  }
0xcc: {  	_ =	sdelay $0x1  }
0xcd: {  	[sflag:s23] =	ssyncset.done $0x0  }
0xce: {  	[sflag:s23] =	ssyncadd.s32 $0xFFFFD800  }
0xcf: {  	_ =	sfence.sel $0x180000  }
0xd0: {  	[bflag:$0x0] =	sbarrier.arrive $0xFFFF  }
0xd1: {  	_ =	strace $0x90000047  }
0xd2: {  	s0 =	stileid.u32;
	[bflag:$0x2] =	sbarrier.arrive $0xFFFF  }
0xd3: {  	p0 =	sne.s32 s0, $0x0;
	s0 =	rddreg [dreg:$0x3]  }
0xd4: {  	s0 =	sadd.s32 @!p0 $0x100000, s0  }
0xd5: {  	[sflag:s0] =	ssyncadd.tile.s32 @!p0 $0x1;
	_ =	shalt  }
.Lfunc_end2:
_tile_overlayer_lowered:
.L_overlay_start_2:
0xd6: {  	(tag) =	ssettag $0x2  }
0xd7: {  	s0 =	rddreg [dreg:$0x0];
	s2 =	stileid.u32  }
0xd8: {  	s1 =	rddreg [dreg:$0x1];
	p0 =	sne.s32 s2, $0x0  }
0xd9: {  	s3 =	rddreg [dreg:$0x2];
	[bflag:$0x3] =	sbarrier.arrive $0xFFFF;
	s2 =	simm.s32 @!p0 $0x1C05  }
0xda: {  	[timem:s3], [sflag:s2] =	dma.local @!p0 [hbm:s0], s1  }
0xdb: {  	s0 =	simm.s32 @!p0 $0x5  }
0xdc: {  	_ =	swait.ge @!p0 [sflag:s0], s1  }
0xdd: {  	s1 =	ssub.s32 @!p0 $0x0, s1;
	[sflag:s0] =	ssyncset.done @!p0 $0x0  }
0xde: {  	[sflag:s0] =	ssyncadd.s32 @!p0 s1  }
0xdf: {  	[bflag:$0x3] =	sbarrier.arrive $0xFFFF  }
0xe0: {  	_ =	shalt  }

// kernel: kernel.14.cloned.1.call-start
scs
__scs_entry_jumppad:
0x0: {  	(pc) =	sbr.rel $0x88, $3  }
0x1: {  	(tag) =	ssettag $0x0;
	lr =	simm.s32 $0x1  }
0x2: {  	[smem:$0x3F99] =	sst lr;
	_ =	strace $0xD0000000  }
0x3: {  	_ = 	snop  }
0x4: {  	_ = 	snop  }
0x5: {  	_ = 	snop  }
0x6: {  	_ = 	snop  }
0x7: {  	_ = 	snop  }
__scs_overlays_trampoline_lowered:
0x8: {  	[smem:$0x3FA8] =	sst s0  }
0x9: {  	[smem:$0x3FA9] =	sst s1  }
0xa: {  	[smem:$0x3FAA] =	sst s2  }
0xb: {  	[smem:$0x3FAB] =	sst s3  }
0xc: {  	[smem:$0x3FAC] =	sst s4  }
0xd: {  	[smem:$0x3FAD] =	sst s5  }
0xe: {  	[smem:$0x3FAE] =	sst s6  }
0xf: {  	[smem:$0x3FAF] =	sst s7  }
0x10: {  	[smem:$0x3FB0] =	sst s8  }
0x11: {  	[smem:$0x3FB1] =	sst s9;
	s0 =	simm.s32 @!p0 $0x0  }
0x12: {  	s1 =	sld [smem:$0x3F97];
	s0 =	simm.s32 @p0 $0x1  }
0x13: {  	[smem:$0x3FB2] =	sst s0;
	s0 =	simm.s32 @!p1 $0x0  }
0x14: {  	s2 =	sld [smem:$0x3F96];
	s0 =	simm.s32 @p1 $0x1  }
0x15: {  	[smem:$0x3FB3] =	sst s0;
	s0 =	simm.s32 @!p2 $0x0  }
0x16: {  	s3 =	sld [smem:$0x3FDB];
	s0 =	simm.s32 @p2 $0x1  }
0x17: {  	s4 =	simm.s32 $0x1BF5;
	[smem:$0x3FB5] =	sst s0  }
0x18: {  	s0 =	sld [smem:$0x3F98];
	_ =	swait.ge [sflag:s4], $0x0  }
0x19: {  	s7 =	sld [smem:$0x3F99]  }
0x1a: {  	s8 =	sadd.s32 $0xFFFFE003, lr  }
0x1b: {  	s9 =	sadd.s32 $0xFFFFFEF7, lr;
	s5 =	simm.s32 $0xFFFFFFFF;
	p2 =	slt.u32 s8, $0xFFFFF086  }
0x1c: {  	p1 =	slt.u32 s9, $0xF7A;
	s5 =	simm.s32 @!p2 $0x0  }
0x1d: {  	s5 =	simm.s32 @p1 $0x1;
	p0 =	seq.s32 s7, s2  }
0x1e: {  	s7 =	smul.u32 @!p0 $0xF7A, s2;
	p2 =	seq.s32 @!p0 s5, $0x0  }
0x1f: {  	s9 =	smul.u32 $0xF7A, s1;
	s8 =	simm.s32 @!p0 $0x1BF5;
	p2 =	por !p2, p0  }
0x20: {  	[sflag:s8] =	ssyncset.s32 @!p0 $0xFFFFF086;
	s6 =	sadd.s32 @!p0 s3, s7;
	s7 =	simm.s32 @!p0 $0x108  }
0x21: {  	s3 =	sadd.s32 s3, s9;
	s6 =	sadd.s32 @!p0 $0x88, s6;
	s7 =	simm.s32 @p2 $0x1082  }
0x22: {  	[simem:s7], [sflag:s8] =	dma.local @!p0 [hbm:s6], $0xF7A  }
0x23: {  	s9 =	sor.u32 $0xD0000000, s2;
	s6 =	simm.s32 $0x108;
	_ =	swait.ge @!p0 [sflag:s8], $0x0  }
0x24: {  	s3 =	sadd.s32 $0x88, s3;
	s6 =	simm.s32 @!p1 $0x1082;
	[sflag:s4] =	ssyncset.s32 $0xFFFFF086  }
0x25: {  	[simem:s6], [sflag:s4] =	dma.local [hbm:s3], $0xF7A  }
0x26: {  	[smem:$0x3F99] =	sst s1;
	(tag) =	ssettag s2;
	_ =	strace s9  }
0x27: {  	s1 =	sld [smem:$0x3FA9]  }
0x28: {  	s2 =	sld [smem:$0x3FAA]  }
0x29: {  	s4 =	sld [smem:$0x3FAC]  }
0x2a: {  	p0 =	seq.s32 s5, $0x0;
	s5 =	sld [smem:$0x3FAD]  }
0x2b: {  	s6 =	sld [smem:$0x3FAE]  }
0x2c: {  	s7 =	sld [smem:$0x3FAF]  }
0x2d: {  	s3 =	simm.s32 $0x108;
	s8 =	sld [smem:$0x3FB0]  }
0x2e: {  	s3 =	simm.s32 @!p0 $0x1082;
	s9 =	sld [smem:$0x3FB1]  }
0x2f: {  	lr =	sadd.s32 s0, s3;
	s0 =	sld [smem:$0x3FA8]  }
0x30: {  	s3 =	sld [smem:$0x3FAB]  }
0x31: {  	[smem:$0x3FB4] =	sst s10  }
0x32: {  	s10 =	sld [smem:$0x3FB2];
	_ =	sdelay $0x3  }
0x33: {  	p0 =	seq.s32 s10, $0x1;
	s10 =	sld [smem:$0x3FB4];
	_ =	sdelay $0x3  }
0x34: {  	[smem:$0x3FB4] =	sst s10  }
0x35: {  	s10 =	sld [smem:$0x3FB3];
	_ =	sdelay $0x3  }
0x36: {  	p1 =	seq.s32 s10, $0x1;
	s10 =	sld [smem:$0x3FB4];
	_ =	sdelay $0x3  }
0x37: {  	[smem:$0x3FB4] =	sst s10  }
0x38: {  	s10 =	sld [smem:$0x3FB5]  }
0x39: {  	_ = 	snop;
	(pc) =	sbr.ind lr, $3  }
0x3a: {  	_ = 	snop  }
0x3b: {  	_ = 	snop  }
0x3c: {  	p2 =	seq.s32 s10, $0x1;
	s10 =	sld [smem:$0x3FB4]  }
0x3d: {  	_ =	shalt  }
0x3e: {  	_ =	shalt  }
0x3f: {  	_ =	shalt  }
0x40: {  	_ =	shalt  }
0x41: {  	_ =	shalt  }
0x42: {  	_ =	shalt  }
0x43: {  	_ =	shalt  }
0x44: {  	_ =	shalt  }
0x45: {  	_ =	shalt  }
0x46: {  	_ =	shalt  }
0x47: {  	_ =	shalt  }
0x48: {  	_ =	shalt  }
0x49: {  	_ =	shalt  }
0x4a: {  	_ =	shalt  }
0x4b: {  	_ =	shalt  }
0x4c: {  	_ =	shalt  }
0x4d: {  	_ =	shalt  }
0x4e: {  	_ =	shalt  }
0x4f: {  	_ =	shalt  }
0x50: {  	_ =	shalt  }
0x51: {  	_ =	shalt  }
0x52: {  	_ =	shalt  }
0x53: {  	_ =	shalt  }
0x54: {  	_ =	shalt  }
0x55: {  	_ =	shalt  }
0x56: {  	_ =	shalt  }
0x57: {  	_ =	shalt  }
0x58: {  	_ =	shalt  }
0x59: {  	_ =	shalt  }
0x5a: {  	_ =	shalt  }
0x5b: {  	_ =	shalt  }
0x5c: {  	_ =	shalt  }
0x5d: {  	_ =	shalt  }
0x5e: {  	_ =	shalt  }
0x5f: {  	_ =	shalt  }
0x60: {  	_ =	shalt  }
0x61: {  	_ =	shalt  }
0x62: {  	_ =	shalt  }
0x63: {  	_ =	shalt  }
0x64: {  	_ =	shalt  }
0x65: {  	_ =	shalt  }
0x66: {  	_ =	shalt  }
0x67: {  	_ =	shalt  }
0x68: {  	_ =	shalt  }
0x69: {  	_ =	shalt  }
0x6a: {  	_ =	shalt  }
0x6b: {  	_ =	shalt  }
0x6c: {  	_ =	shalt  }
0x6d: {  	_ =	shalt  }
0x6e: {  	_ =	shalt  }
0x6f: {  	_ =	shalt  }
0x70: {  	_ =	shalt  }
0x71: {  	_ =	shalt  }
0x72: {  	_ =	shalt  }
0x73: {  	_ =	shalt  }
0x74: {  	_ =	shalt  }
0x75: {  	_ =	shalt  }
0x76: {  	_ =	shalt  }
0x77: {  	_ =	shalt  }
0x78: {  	_ =	shalt  }
0x79: {  	_ =	shalt  }
0x7a: {  	_ =	shalt  }
0x7b: {  	_ =	shalt  }
0x7c: {  	_ =	shalt  }
0x7d: {  	_ =	shalt  }
0x7e: {  	_ =	shalt  }
0x7f: {  	_ =	shalt  }
0x80: {  	_ =	shalt  }
0x81: {  	_ =	shalt  }
0x82: {  	_ =	shalt  }
0x83: {  	_ =	shalt  }
0x84: {  	_ =	shalt  }
0x85: {  	_ =	shalt  }
0x86: {  	_ =	shalt  }
0x87: {  	_ =	shalt  }
.Lfunc_end0:
.L_simem_size_0:
called_computation.2_lowered:
.L_overlay_start_0:
0x88: {  	s2 =	sld [smem:$0x3FD9]  }
0x89: {  	s3 =	sld [smem:$0x3FFE];
	_ =	sdelay $0x1  }
0x8a: {  	s1 =	srdreg.scid  }
0x8b: {  	s0 =	sand.u32 $0x1, s1  }
0x8c: {  	s16 =	sshll.u32 s0, $0xA;
	s2 =	sadd.s32 s3, s2  }
0x8d: {  	s2 =	sadd.s32 s2, s16  }
0x8e: {  	[smem:$0x3FC0] =	sst s2  }
0x8f: {  	_ = 	snop  }
0x90: {  	(tm) =	ssettm $0x1  }
0x91: {  	s17 =	sld [smem:$0x3FFB];
	_ =	sdelay $0x3  }
0x92: {  	_ =	strace s17  }
0x93: {  	s2 =	sld [smem:$0x3FFC];
	_ =	sdelay $0x3  }
0x94: {  	_ =	strace s2  }
0x95: {  	s2 =	sld [smem:$0x3FFD];
	_ =	sdelay $0x3  }
0x96: {  	_ =	strace s2  }
0x97: {  	_ =	strace $0x8FFFFFFF  }
0x98: {  	s18 =	sld [smem:$0x3FDB];
	_ =	sdelay $0x1  }
0x99: {  	s19 =	simm.s32 $_scs_section_size  }
0x9a: {  	s4 =	simm.s32 $_size__tile_overlayer_lowered;
	s5 =	simm.s32 $_tile_overlayer_lowered  }
0x9b: {  	s22 =	simm.s32 $0x1BFF;
	s21 =	sshll.u32 s5, $0x1;
	s2 =	sadd.s32 s19, s18  }
0x9c: {  	s6 =	simm.s32 $0x0;
	s20 =	sshll.u32 s4, $0x1;
	s4 =	sadd.s32 s21, s2  }
0x9d: {  	[timem:s6], [sflag:s22] =	dma.local [hbm:s4], s20  }
0x9e: {  	_ =	swait.ge [sflag:s22], s20  }
0x9f: {  	s3 =	ssub.s32 $0x0, s20;
	[sflag:s22] =	ssyncset.done $0x0  }
0xa0: {  	[sflag:s22] =	ssyncadd.s32 s3;
	_ =	sdelay $0x1  }
0xa1: {  	s23 =	simm.s32 $0x1B8B  }
0xa2: {  	_ =	swait.ge [sflag:s23], $0x1  }
0xa3: {  	[sflag:s23] =	ssyncset.done $0x0  }
0xa4: {  	s25 =	simm.s32 $0x1B8E;
	s24 =	sld [smem:$0x3FFE];
	[sflag:s23] =	ssyncadd.s32 $0xFFFFFFFF  }
0xa5: {  	s26 =	simm.s32 $execute0_lowered;
	[smem:$0x3FD2] =	sst s25  }
0xa6: {  	s4 =	sshll.u32 s26, $0x1;
	_ =	strace $0x8000004C;
	[dreg:$0x1] =	wrdreg $0xFFFFFFFF  }
0xa7: {  	s28 =	simm.s32 $_size_execute0_lowered;
	s2 =	sadd.s32 s2, s4;
	[dreg:$0x0] =	wrdreg $0x0  }
0xa8: {  	s4 =	sshll.u32 s28, $0x1;
	[dreg:$0x2] =	wrdreg s2  }
0xa9: {  	[dreg:$0x3] =	wrdreg s4  }
0xaa: {  	[dreg:$0x4] =	wrdreg $0xC0  }
0xab: {  	_ =	task [dreg:s6], $0x5FFFF  }
0xac: {  	[dreg:$0x1] =	wrdreg $0xFFFFFFFF  }
0xad: {  	[dreg:$0x0] =	wrdreg $0x60  }
0xae: {  	[dreg:$0x2] =	wrdreg s24  }
0xaf: {  	[dreg:$0x3] =	wrdreg $0x98000  }
0xb0: {  	[dreg:$0x4] =	wrdreg $0x9  }
0xb1: {  	_ =	task.clear_ibuf [dreg:s6], $0x5FFFF;
	_ =	strace $0x9000004C  }
0xb2: {  	s29 =	simm.s32 $0x9;
	_ =	strace $0x8000004E  }
0xb3: {  	_ =	swait.ge [sflag:s29], $0x1  }
0xb4: {  	[sflag:s29] =	ssyncadd.s32 $0xFFFFFFFF  }
0xb5: {  	_ =	strace $0x9000004E  }
0xb6: {  	_ =	sfence  }
0xb7: {  	s30 =	sld [smem:$0x0];
	_ =	sdelay $0x2  }
0xb8: {  	s31 =	sshll.u32 s1, $0xD;
	s1 =	sshrl.u32 s1, $0x2  }
0xb9: {  	s3 =	sand.u32 $0x4000, s31;
	s1 =	sadd.s32 s1, s30  }
0xba: {  	s0 =	sor.u32 s3, s0;
	s1 =	sshll.u32 s1, $0x11  }
0xbb: {  	s0 =	sor.u32 s1, s0  }
0xbc: {  	s0 =	sadd.s32 $0x8F2B, s0  }
0xbd: {  	[sflag:s0] =	ssyncadd.remote.s32 $0x1  }
0xbe: {  	_ =	sfence.sel $0xFFFF  }
0xbf: {  	[dreg:$0x0] =	wrdreg $0xFFFFFFFF;
	(pc) =	sbr.abs _section_cstart, $3  }
0xc0: {  	[dreg:$0x1] =	wrdreg $0xFFFFFFFF  }
0xc1: {  	_ =	task.clear_ibuf [dreg:s6], $0x2FFFF;
	_ =	strace $0x9FFFFFFF  }
0xc2: {  	(tm) =	ssettm $0x7FFFFFFF  }
0xc3: {  	_ =	shalt  }
tec
execute0_lowered:
.L_overlay_start_1:
0x0: {  	(tag) =	ssettag $0x1  }
0x1: {  	s0 =	rddreg [dreg:$0x0]  }
0x2: {  	s2 =	rddreg [dreg:$0x1]  }
0x3: {  	s1 =	srdreg.scid;
	s12 =	stileid.u32;
	s3 =	simm.s32 $0x0  }
0x4: {  	s28 =	simm.s32 $0x80;
	s29 =	simm.s32 $0x5800;
	s30 =	simm.s32 $0x1  }
0x5: {  	s31 =	simm.s32 $0x7800;
	s1 =	sand.u32 $0x1, s1;
	s7 =	smul.u32 $0x2800, s12  }
0x6: {  	[smem:$0x7FF] =	sst s3;
	s9 =	smul.u32 $0x50000, s12;
	s4 =	sadd.s32 $0x21800, s0  }
0x7: {  	s5 =	sadd.s32 $0x17800, s0;
	s6 =	sadd.s32 $0x3800, s0;
	s19 =	smul.u32 $0x4800, s12  }
0x8: {  	s18 =	sshll.u32 s12, $0xE;
	s8 =	smul.u32 $0x28000, s1;
	s11 =	ssub.s32 $0x2, s1  }
0x9: {  	_ =	strace $0x8000004D;
	s9 =	sshrl.u32 s9, $0x2;
	s10 =	sshrl.u32 s11, $0x1  }
0xa: {  	s7 =	sadd.s32 s7, s8;
	s16 =	sadd.s32 s9, s2;
	s8 =	ssub.s32 s11, s10  }
0xb: {  	s9 =	ssub.s32 $0x48000, s18;
	s13 =	sadd.s32 $0x2000, s16;
	[dreg:$0x3] =	wrdreg s16  }
0xc: {  	s11 =	sshll.u32 s12, $0x8;
	s14 =	sadd.s32 $0x4000, s16;
	[dreg:$0x4] =	wrdreg s13  }
0xd: {  	s12 =	smul.u32 $0x9000, s12;
	s15 =	sadd.s32 $0x6000, s16;
	[dreg:$0x5] =	wrdreg s14  }
0xe: {  	s10 =	simm.s32 $0x7C0;
	s17 =	sadd.s32 $0x8000, s16;
	[dreg:$0x6] =	wrdreg s15  }
0xf: {  	s0 =	sadd.s32 s7, s0;
	s20 =	sadd.s32 $0xA000, s16;
	[dreg:$0x7] =	wrdreg s17  }
0x10: {  	s9 =	smul.u32 s1, s9;
	s21 =	sadd.s32 $0xC000, s16;
	[dreg:$0x8] =	wrdreg s20  }
0x11: {  	s11 =	ssub.s32 $0x1200, s11;
	s22 =	sadd.s32 $0xE000, s16;
	[dreg:$0x9] =	wrdreg s21  }
0x12: {  	s23 =	sadd.s32 $0x10000, s16;
	s24 =	sadd.s32 $0x12000, s16;
	[dreg:$0xa] =	wrdreg s22  }
0x13: {  	s26 =	smax.u32 s8, $0x1;
	s8 =	simm.s32 $0x4;
	[dreg:$0xb] =	wrdreg s23  }
0x14: {  	s11 =	smul.u32 s11, s1;
	[dreg:$0xc] =	wrdreg s24;
	s1 =	sshll.u32 s1, $0x3  }
0x15: {  	s0 =	sadd.s32 $0x6FC00, s0;
	[dreg:$0xe] =	wrdreg s26;
	s22 =	simm.s32 $0x1800  }
0x16: {  	s23 =	simm.s32 $0x5;
	s24 =	simm.s32 $0x800;
	s26 =	simm.s32 $0x3800  }
0x17: {  	s13 =	simm.s32 $0x1780;
	s17 =	sadd.s32 s19, s9;
	s19 =	sxor.u32 $0x9, s1  }
0x18: {  	[dreg:$0xd] =	wrdreg s0;
	s0 =	simm.s32 $0x2;
	s1 =	simm.s32 $0x3  }
0x19: {  	s9 =	simm.s32 $0x1600;
	s25 =	sshll.u32 s11, $0x7;
	s11 =	simm.s32 $0x1680  }
0x1a: {  	v0 =	vimm.f32 $0.0e+00;
	s18 =	sadd.s32 s12, s25;
	s25 =	simm.s32 $0x40;
	s12 =	simm.s32 $0x1700  }
.LBB2_1:
0x1b: {  	s14 =	simm.s32 $0x0;
	s15 =	simm.s32 $0x200  }
.LBB2_2:
0x1c: {  	p0 =	sne.s32 s15, $0x7E00;
	[tilespmem:s14+$0x1870] =	vst v0  }
0x1d: {  	[tilespmem:s14+$0x1800] =	vst v0  }
0x1e: {  	[tilespmem:s14+$0x1810] =	vst v0  }
.Ltmp0:
0x1f: {  	[tilespmem:s14+$0x1820] =	vst v0;
	(pc) =	sbr.rel @p0 .LBB2_2-.Ltmp0, $4  }
0x20: {  	[tilespmem:s14+$0x1830] =	vst v0  }
0x21: {  	[tilespmem:s14+$0x1840] =	vst v0  }
0x22: {  	[tilespmem:s14+$0x1850] =	vst v0  }
0x23: {  	[tilespmem:s14+$0x1860] =	vst v0;
	s14 =	sshra.s32 s15, $0x2;
	s15 =	sadd.s32 $0x200, s15  }
0x24: {  	[tilespmem:s14+$0x1870] =	vst v0  }
0x25: {  	[tilespmem:s14+$0x1800] =	vst v0  }
0x26: {  	[tilespmem:s14+$0x1810] =	vst v0  }
0x27: {  	[tilespmem:s14+$0x1820] =	vst v0  }
0x28: {  	[tilespmem:s14+$0x1830] =	vst v0  }
0x29: {  	[tilespmem:s14+$0x1840] =	vst v0  }
0x2a: {  	[tilespmem:s14+$0x1850] =	vst v0  }
0x2b: {  	[tilespmem:s14+$0x1860] =	vst v0  }
0x2c: {  	[spmem:s16] =	stream.linear.scatter [tilespmem:s22], [sflag:$0x5], $0x2000, $0x38;
	[tilespmem:$0x1D800] =	vst v63  }
0x2d: {  	_ =	swait.ge [sflag:s23], $0x2000  }
0x2e: {  	[sflag:s23] =	ssyncset.done $0x0  }
0x2f: {  	s7 =	rddreg [dreg:$0x4];
	[sflag:s23] =	ssyncadd.s32 $0xFFFFE000  }
0x30: {  	[spmem:s7] =	stream.linear.scatter [tilespmem:s22], [sflag:$0x5], $0x2000, $0x38;
	[tilespmem:$0x1D800] =	vst v63  }
0x31: {  	_ =	swait.ge [sflag:s23], $0x2000  }
0x32: {  	[sflag:s23] =	ssyncset.done $0x0  }
0x33: {  	s16 =	rddreg [dreg:$0x5];
	[sflag:s23] =	ssyncadd.s32 $0xFFFFE000  }
0x34: {  	[spmem:s16] =	stream.linear.scatter [tilespmem:s22], [sflag:$0x5], $0x2000, $0x38;
	[tilespmem:$0x1D800] =	vst v63  }
0x35: {  	_ =	swait.ge [sflag:s23], $0x2000  }
0x36: {  	[sflag:s23] =	ssyncset.done $0x0  }
0x37: {  	s20 =	rddreg [dreg:$0x6];
	[sflag:s23] =	ssyncadd.s32 $0xFFFFE000  }
0x38: {  	[spmem:s20] =	stream.linear.scatter [tilespmem:s22], [sflag:$0x5], $0x2000, $0x38;
	[tilespmem:$0x1D800] =	vst v63  }
0x39: {  	_ =	swait.ge [sflag:s23], $0x2000  }
0x3a: {  	[sflag:s23] =	ssyncset.done $0x0  }
0x3b: {  	s21 =	rddreg [dreg:$0x7];
	[sflag:s23] =	ssyncadd.s32 $0xFFFFE000  }
0x3c: {  	[spmem:s21] =	stream.linear.scatter [tilespmem:s22], [sflag:$0x5], $0x2000, $0x38;
	[tilespmem:$0x1D800] =	vst v63  }
0x3d: {  	_ =	swait.ge [sflag:s23], $0x2000  }
0x3e: {  	[sflag:s23] =	ssyncset.done $0x0  }
0x3f: {  	s14 =	rddreg [dreg:$0x8];
	[sflag:s23] =	ssyncadd.s32 $0xFFFFE000  }
0x40: {  	[spmem:s14] =	stream.linear.scatter [tilespmem:s22], [sflag:$0x5], $0x2000, $0x38;
	[tilespmem:$0x1D800] =	vst v63  }
0x41: {  	_ =	swait.ge [sflag:s23], $0x2000  }
0x42: {  	[sflag:s23] =	ssyncset.done $0x0  }
0x43: {  	s15 =	rddreg [dreg:$0x9];
	[sflag:s23] =	ssyncadd.s32 $0xFFFFE000  }
0x44: {  	[spmem:s15] =	stream.linear.scatter [tilespmem:s22], [sflag:$0x5], $0x2000, $0x38;
	[tilespmem:$0x1D800] =	vst v63  }
0x45: {  	_ =	swait.ge [sflag:s23], $0x2000  }
0x46: {  	[sflag:s23] =	ssyncset.done $0x0  }
0x47: {  	s16 =	rddreg [dreg:$0xa];
	[sflag:s23] =	ssyncadd.s32 $0xFFFFE000  }
0x48: {  	[spmem:s16] =	stream.linear.scatter [tilespmem:s22], [sflag:$0x5], $0x2000, $0x38;
	[tilespmem:$0x1D800] =	vst v63  }
0x49: {  	_ =	swait.ge [sflag:s23], $0x2000  }
0x4a: {  	[sflag:s23] =	ssyncset.done $0x0  }
0x4b: {  	s20 =	rddreg [dreg:$0xb];
	[sflag:s23] =	ssyncadd.s32 $0xFFFFE000  }
0x4c: {  	[spmem:s20] =	stream.linear.scatter [tilespmem:s22], [sflag:$0x5], $0x2000, $0x38;
	[tilespmem:$0x1D800] =	vst v63  }
0x4d: {  	_ =	swait.ge [sflag:s23], $0x2000  }
0x4e: {  	[sflag:s23] =	ssyncset.done $0x0  }
0x4f: {  	s21 =	rddreg [dreg:$0xc];
	[sflag:s23] =	ssyncadd.s32 $0xFFFFE000  }
0x50: {  	[spmem:s21] =	stream.linear.scatter [tilespmem:s22], [sflag:$0x5], $0x2000, $0x38;
	[tilespmem:$0x1D800] =	vst v63  }
0x51: {  	_ =	swait.ge [sflag:s23], $0x2000  }
0x52: {  	[sflag:s23] =	ssyncset.done $0x0  }
0x53: {  	[sflag:s23] =	ssyncadd.s32 $0xFFFFE000  }
0x54: {  	s14 =	simm.s32 $0x0;
	s15 =	simm.s32 $0x0;
	[bflag:$0x0] =	sbarrier.arrive $0xFFFF  }
.LBB2_4:
0x55: {  	s16 =	sshll.u32 s15, $0xB  }
0x56: {  	s16 =	sadd.s32 s16, s17  }
0x57: {  	s16 =	sshrl.u32 s16, $0x3  }
0x58: {  	s20 =	sshll.u32 s15, $0xC;
	s16 =	sadd.s32 s5, s16  }
0x59: {  	[tilespmem:s14], [sflag:$0x5] =	stream.linear.gather [hbm4b:s16+s14], $0x800, $0x38;
	[tilespmem:$0x1D800] =	vst v63  }
0x5a: {  	s16 =	sadd.s32 s18, s20;
	_ =	swait.ge [sflag:s23], $0x800  }
0x5b: {  	s16 =	sshrl.u32 s16, $0x3;
	[sflag:s23] =	ssyncset.done $0x0  }
0x5c: {  	s16 =	sadd.s32 s6, s16;
	[sflag:s23] =	ssyncadd.s32 $0xFFFFF800  }
0x5d: {  	[tilespmem:s24], [sflag:$0x5] =	stream.linear.gather [hbm4b:s16+s14], $0x1000, $0x38;
	[tilespmem:$0x1D800] =	vst v63  }
0x5e: {  	_ =	swait.ge [sflag:s23], $0x1000  }
0x5f: {  	[sflag:s23] =	ssyncset.done $0x0  }
0x60: {  	[sflag:s23] =	ssyncadd.s32 $0xFFFFF000  }
0x61: {  	[tilespmem:s22], [sflag:$0x1] =	stream.indirect.gather [hbm4b:s4+s25], $0x80, s14, s25, $0xb8;
	[tilespmem:$0x1D800] =	vst v63  }
0x62: {  	_ = 	snop  }
0x63: {  	[tilespmem:s26], [sflag:$0x2] =	stream.indirect.gather [hbm4b:s4+s25], $0x80, s25, s25, $0xb8;
	[tilespmem:$0x1D800] =	vst v63  }
0x64: {  	_ = 	snop  }
0x65: {  	[tilespmem:s29], [sflag:$0x3] =	stream.indirect.gather [hbm4b:s4+s25], $0x80, s28, s25, $0xb8;
	[tilespmem:$0x1D800] =	vst v63  }
0x66: {  	_ =	swait.ge [sflag:s30], $0x2000  }
0x67: {  	[sflag:s30] =	ssyncset.done $0x0  }
0x68: {  	s21 =	simm.s32 $0x800;
	[sflag:s30] =	ssyncadd.s32 $0xFFFFE000  }
0x69: {  	[spmem:s2] =	stream.indirect.scatter.add.f32 [tilespmem:s22], [sflag:$0x5], $0x80, s21, s25, $0xb8;
	[tilespmem:$0x1D800] =	vst v63  }
0x6a: {  	_ =	swait.ge [sflag:s23], $0x2000  }
0x6b: {  	[sflag:s23] =	ssyncset.done $0x0  }
0x6c: {  	s7 =	simm.s32 $0xC0;
	[sflag:s23] =	ssyncadd.s32 $0xFFFFE000  }
0x6d: {  	[tilespmem:s31], [sflag:$0x4] =	stream.indirect.gather [hbm4b:s4+s25], $0x80, s7, s25, $0xb8;
	[tilespmem:$0x1D800] =	vst v63  }
0x6e: {  	_ =	swait.ge [sflag:s0], $0x2000  }
0x6f: {  	[sflag:s0] =	ssyncset.done $0x0  }
0x70: {  	s20 =	simm.s32 $0x880;
	[sflag:s0] =	ssyncadd.s32 $0xFFFFE000  }
0x71: {  	[spmem:s2] =	stream.indirect.scatter.add.f32 [tilespmem:s26], [sflag:$0x5], $0x80, s20, s25, $0xb8;
	[tilespmem:$0x1D800] =	vst v63  }
0x72: {  	_ =	swait.ge [sflag:s23], $0x2000  }
0x73: {  	[sflag:s23] =	ssyncset.done $0x0  }
0x74: {  	s21 =	simm.s32 $0x100;
	[sflag:s23] =	ssyncadd.s32 $0xFFFFE000  }
0x75: {  	[tilespmem:s22], [sflag:$0x1] =	stream.indirect.gather [hbm4b:s4+s25], $0x80, s21, s25, $0xb8;
	[tilespmem:$0x1D800] =	vst v63  }
0x76: {  	_ =	swait.ge [sflag:s1], $0x2000  }
0x77: {  	[sflag:s1] =	ssyncset.done $0x0  }
0x78: {  	s7 =	simm.s32 $0x900;
	[sflag:s1] =	ssyncadd.s32 $0xFFFFE000  }
0x79: {  	[spmem:s2] =	stream.indirect.scatter.add.f32 [tilespmem:s29], [sflag:$0x5], $0x80, s7, s25, $0xb8;
	[tilespmem:$0x1D800] =	vst v63  }
0x7a: {  	_ =	swait.ge [sflag:s23], $0x2000  }
0x7b: {  	[sflag:s23] =	ssyncset.done $0x0  }
0x7c: {  	s20 =	simm.s32 $0x140;
	[sflag:s23] =	ssyncadd.s32 $0xFFFFE000  }
0x7d: {  	[tilespmem:s26], [sflag:$0x2] =	stream.indirect.gather [hbm4b:s4+s25], $0x80, s20, s25, $0xb8;
	[tilespmem:$0x1D800] =	vst v63  }
0x7e: {  	_ =	swait.ge [sflag:s8], $0x2000  }
0x7f: {  	[sflag:s8] =	ssyncset.done $0x0  }
0x80: {  	s21 =	simm.s32 $0x980;
	[sflag:s8] =	ssyncadd.s32 $0xFFFFE000  }
0x81: {  	[spmem:s2] =	stream.indirect.scatter.add.f32 [tilespmem:s31], [sflag:$0x5], $0x80, s21, s25, $0xb8;
	[tilespmem:$0x1D800] =	vst v63  }
0x82: {  	_ =	swait.ge [sflag:s23], $0x2000  }
0x83: {  	s16 =	simm.s32 $0x400;
	[sflag:s23] =	ssyncset.done $0x0  }
0x84: {  	s20 =	simm.s32 $0xB00;
	s21 =	simm.s32 $0x180;
	[sflag:s23] =	ssyncadd.s32 $0xFFFFE000  }
.LBB2_5:
0x85: {  	[tilespmem:s29], [sflag:$0x3] =	stream.indirect.gather [hbm4b:s4+s25], $0x80, s21, s25, $0xb8;
	[tilespmem:$0x1D800] =	vst v63  }
0x86: {  	s21 =	smov.u32 s16  }
0x87: {  	p0 =	sne.s32 s16, $0x1800;
	s16 =	sadd.s32 $0x400, s16;
	_ =	swait.ge [sflag:s30], $0x2000  }
0x88: {  	[sflag:s30] =	ssyncset.done $0x0  }
0x89: {  	s7 =	sadd.s32 $0xFFFFFF00, s20;
	[sflag:s30] =	ssyncadd.s32 $0xFFFFE000  }
0x8a: {  	[spmem:s2] =	stream.indirect.scatter.add.f32 [tilespmem:s22], [sflag:$0x5], $0x80, s7, s25, $0xb8;
	[tilespmem:$0x1D800] =	vst v63  }
0x8b: {  	_ =	swait.ge [sflag:s23], $0x2000  }
0x8c: {  	s7 =	sshra.s32 s21, $0x2;
	[sflag:s23] =	ssyncset.done $0x0  }
0x8d: {  	s21 =	sadd.s32 $0xC0, s7;
	[sflag:s23] =	ssyncadd.s32 $0xFFFFE000  }
0x8e: {  	[tilespmem:s31], [sflag:$0x4] =	stream.indirect.gather [hbm4b:s4+s25], $0x80, s21, s25, $0xb8;
	[tilespmem:$0x1D800] =	vst v63  }
0x8f: {  	_ =	swait.ge [sflag:s0], $0x2000  }
0x90: {  	[sflag:s0] =	ssyncset.done $0x0  }
0x91: {  	s21 =	sadd.s32 $0xFFFFFF80, s20;
	[sflag:s0] =	ssyncadd.s32 $0xFFFFE000  }
0x92: {  	[spmem:s2] =	stream.indirect.scatter.add.f32 [tilespmem:s26], [sflag:$0x5], $0x80, s21, s25, $0xb8;
	[tilespmem:$0x1D800] =	vst v63  }
0x93: {  	_ =	swait.ge [sflag:s23], $0x2000  }
0x94: {  	[sflag:s23] =	ssyncset.done $0x0  }
0x95: {  	s21 =	sadd.s32 $0x100, s7;
	[sflag:s23] =	ssyncadd.s32 $0xFFFFE000  }
0x96: {  	[tilespmem:s22], [sflag:$0x1] =	stream.indirect.gather [hbm4b:s4+s25], $0x80, s21, s25, $0xb8;
	[tilespmem:$0x1D800] =	vst v63  }
0x97: {  	_ =	swait.ge [sflag:s1], $0x2000  }
0x98: {  	[sflag:s1] =	ssyncset.done $0x0  }
0x99: {  	[sflag:s1] =	ssyncadd.s32 $0xFFFFE000  }
0x9a: {  	[spmem:s2] =	stream.indirect.scatter.add.f32 [tilespmem:s29], [sflag:$0x5], $0x80, s20, s25, $0xb8;
	[tilespmem:$0x1D800] =	vst v63  }
0x9b: {  	_ =	swait.ge [sflag:s23], $0x2000  }
0x9c: {  	[sflag:s23] =	ssyncset.done $0x0  }
0x9d: {  	s21 =	sadd.s32 $0x140, s7;
	[sflag:s23] =	ssyncadd.s32 $0xFFFFE000  }
0x9e: {  	[tilespmem:s26], [sflag:$0x2] =	stream.indirect.gather [hbm4b:s4+s25], $0x80, s21, s25, $0xb8;
	[tilespmem:$0x1D800] =	vst v63  }
0x9f: {  	_ =	swait.ge [sflag:s8], $0x2000  }
0xa0: {  	[sflag:s8] =	ssyncset.done $0x0  }
.Ltmp1:
0xa1: {  	s21 =	sadd.s32 $0x80, s20;
	[sflag:s8] =	ssyncadd.s32 $0xFFFFE000;
	(pc) =	sbr.rel @p0 .LBB2_5-.Ltmp1, $4  }
0xa2: {  	[spmem:s2] =	stream.indirect.scatter.add.f32 [tilespmem:s31], [sflag:$0x5], $0x80, s21, s25, $0xb8;
	[tilespmem:$0x1D800] =	vst v63  }
0xa3: {  	_ =	swait.ge [sflag:s23], $0x2000  }
0xa4: {  	[sflag:s23] =	ssyncset.done $0x0  }
0xa5: {  	s20 =	sadd.s32 $0x200, s20;
	s21 =	sadd.s32 $0x180, s7;
	[sflag:s23] =	ssyncadd.s32 $0xFFFFE000  }
0xa6: {  	[tilespmem:s29], [sflag:$0x3] =	stream.indirect.gather [hbm4b:s4+s25], $0x80, s21, s25, $0xb8;
	[tilespmem:$0x1D800] =	vst v63  }
0xa7: {  	_ =	swait.ge [sflag:s30], $0x2000  }
0xa8: {  	[sflag:s30] =	ssyncset.done $0x0  }
0xa9: {  	[sflag:s30] =	ssyncadd.s32 $0xFFFFE000  }
0xaa: {  	[spmem:s2] =	stream.indirect.scatter.add.f32 [tilespmem:s22], [sflag:$0x5], $0x80, s9, s25, $0xb8;
	[tilespmem:$0x1D800] =	vst v63  }
0xab: {  	_ =	swait.ge [sflag:s23], $0x2000  }
0xac: {  	[sflag:s23] =	ssyncset.done $0x0  }
0xad: {  	[sflag:s23] =	ssyncadd.s32 $0xFFFFE000  }
0xae: {  	[tilespmem:s31], [sflag:$0x4] =	stream.indirect.gather [hbm4b:s4+s25], $0x80, s10, s25, $0xb8;
	[tilespmem:$0x1D800] =	vst v63  }
0xaf: {  	_ =	swait.ge [sflag:s0], $0x2000  }
0xb0: {  	[sflag:s0] =	ssyncset.done $0x0  }
0xb1: {  	[sflag:s0] =	ssyncadd.s32 $0xFFFFE000  }
0xb2: {  	[spmem:s2] =	stream.indirect.scatter.add.f32 [tilespmem:s26], [sflag:$0x5], $0x80, s11, s25, $0xb8;
	[tilespmem:$0x1D800] =	vst v63  }
0xb3: {  	_ =	swait.ge [sflag:s23], $0x2000  }
0xb4: {  	[sflag:s23] =	ssyncset.done $0x0  }
0xb5: {  	[sflag:s23] =	ssyncadd.s32 $0xFFFFE000  }
0xb6: {  	_ =	swait.ge [sflag:s1], $0x2000  }
0xb7: {  	[sflag:s1] =	ssyncset.done $0x0  }
0xb8: {  	[sflag:s1] =	ssyncadd.s32 $0xFFFFE000  }
0xb9: {  	[spmem:s2] =	stream.indirect.scatter.add.f32 [tilespmem:s29], [sflag:$0x5], $0x80, s12, s25, $0xb8;
	[tilespmem:$0x1D800] =	vst v63  }
0xba: {  	_ =	swait.ge [sflag:s23], $0x2000  }
0xbb: {  	[sflag:s23] =	ssyncset.done $0x0  }
0xbc: {  	[sflag:s23] =	ssyncadd.s32 $0xFFFFE000  }
0xbd: {  	s15 =	sadd.s32 $0x1, s15;
	_ =	swait.ge [sflag:s8], $0x2000  }
0xbe: {  	p0 =	sne.s32 s15, s19;
	[sflag:s8] =	ssyncset.done $0x0  }
.Ltmp2:
0xbf: {  	[sflag:s8] =	ssyncadd.s32 $0xFFFFE000;
	(pc) =	sbr.rel @p0 .LBB2_4-.Ltmp2, $4  }
0xc0: {  	[spmem:s2] =	stream.indirect.scatter.add.f32 [tilespmem:s31], [sflag:$0x5], $0x80, s13, s25, $0xb8;
	[tilespmem:$0x1D800] =	vst v63  }
0xc1: {  	_ =	swait.ge [sflag:s23], $0x2000  }
0xc2: {  	[sflag:s23] =	ssyncset.done $0x0  }
0xc3: {  	[sflag:s23] =	ssyncadd.s32 $0xFFFFE000  }
0xc4: {  	s7 =	stileid.u32;
	[bflag:$0x0] =	sbarrier.arrive $0xFFFF  }
0xc5: {  	s7 =	sshll.u32 s7, $0x6;
	s16 =	rddreg [dreg:$0x3]  }
0xc6: {  	s15 =	rddreg [dreg:$0xd];
	s7 =	sor.u32 $0x1C05, s7;
	s14 =	sshrl.u32 s16, $0x3  }
0xc7: {  	[hbm:s15], [sflag:s7] =	dma.local [spmem:s14], $0x2800  }
0xc8: {  	_ =	swait.ge [sflag:s23], $0x2800  }
0xc9: {  	s3 =	sadd.s32 $0x1, s3;
	s21 =	rddreg [dreg:$0xe]  }
0xca: {  	p0 =	sne.s32 s3, s21  }
.Ltmp3:
0xcb: {  	_ = 	snop;
	(pc) =	sbr.rel @p0 .LBB2_1-.Ltmp3, $3  }
0xcc: {  	_ =	sdelay $0x1  }
0xcd: {  	[sflag:s23] =	ssyncset.done $0x0  }
0xce: {  	[sflag:s23] =	ssyncadd.s32 $0xFFFFD800  }
0xcf: {  	_ =	sfence.sel $0x180000  }
0xd0: {  	[bflag:$0x0] =	sbarrier.arrive $0xFFFF  }
0xd1: {  	_ =	strace $0x9000004D  }
0xd2: {  	s0 =	stileid.u32;
	[bflag:$0x2] =	sbarrier.arrive $0xFFFF  }
0xd3: {  	p0 =	sne.s32 s0, $0x0;
	s0 =	rddreg [dreg:$0x2]  }
0xd4: {  	s0 =	sadd.s32 @!p0 $0x100000, s0  }
0xd5: {  	[sflag:s0] =	ssyncadd.tile.s32 @!p0 $0x1;
	_ =	shalt  }
.Lfunc_end2:
_tile_overlayer_lowered:
.L_overlay_start_2:
0xd6: {  	(tag) =	ssettag $0x2  }
0xd7: {  	s0 =	rddreg [dreg:$0x0];
	s2 =	stileid.u32  }
0xd8: {  	s1 =	rddreg [dreg:$0x1];
	p0 =	sne.s32 s2, $0x0  }
0xd9: {  	s3 =	rddreg [dreg:$0x2];
	[bflag:$0x3] =	sbarrier.arrive $0xFFFF;
	s2 =	simm.s32 @!p0 $0x1C05  }
0xda: {  	[timem:s3], [sflag:s2] =	dma.local @!p0 [hbm:s0], s1  }
0xdb: {  	s0 =	simm.s32 @!p0 $0x5  }
0xdc: {  	_ =	swait.ge @!p0 [sflag:s0], s1  }
0xdd: {  	s1 =	ssub.s32 @!p0 $0x0, s1;
	[sflag:s0] =	ssyncset.done @!p0 $0x0  }
0xde: {  	[sflag:s0] =	ssyncadd.s32 @!p0 s1  }
0xdf: {  	[bflag:$0x3] =	sbarrier.arrive $0xFFFF  }
0xe0: {  	_ =	shalt  }

// kernel: kernel.8.cloned.1.call-start
scs
__scs_entry_jumppad:
0x0: {  	(pc) =	sbr.rel $0x88, $3  }
0x1: {  	(tag) =	ssettag $0x0;
	lr =	simm.s32 $0x1  }
0x2: {  	[smem:$0x3F99] =	sst lr;
	_ =	strace $0xD0000000  }
0x3: {  	_ = 	snop  }
0x4: {  	_ = 	snop  }
0x5: {  	_ = 	snop  }
0x6: {  	_ = 	snop  }
0x7: {  	_ = 	snop  }
__scs_overlays_trampoline_lowered:
0x8: {  	[smem:$0x3FA8] =	sst s0  }
0x9: {  	[smem:$0x3FA9] =	sst s1  }
0xa: {  	[smem:$0x3FAA] =	sst s2  }
0xb: {  	[smem:$0x3FAB] =	sst s3  }
0xc: {  	[smem:$0x3FAC] =	sst s4  }
0xd: {  	[smem:$0x3FAD] =	sst s5  }
0xe: {  	[smem:$0x3FAE] =	sst s6  }
0xf: {  	[smem:$0x3FAF] =	sst s7  }
0x10: {  	[smem:$0x3FB0] =	sst s8  }
0x11: {  	[smem:$0x3FB1] =	sst s9;
	s0 =	simm.s32 @!p0 $0x0  }
0x12: {  	s1 =	sld [smem:$0x3F97];
	s0 =	simm.s32 @p0 $0x1  }
0x13: {  	[smem:$0x3FB2] =	sst s0;
	s0 =	simm.s32 @!p1 $0x0  }
0x14: {  	s2 =	sld [smem:$0x3F96];
	s0 =	simm.s32 @p1 $0x1  }
0x15: {  	[smem:$0x3FB3] =	sst s0;
	s0 =	simm.s32 @!p2 $0x0  }
0x16: {  	s3 =	sld [smem:$0x3FDB];
	s0 =	simm.s32 @p2 $0x1  }
0x17: {  	s4 =	simm.s32 $0x1BF5;
	[smem:$0x3FB5] =	sst s0  }
0x18: {  	s0 =	sld [smem:$0x3F98];
	_ =	swait.ge [sflag:s4], $0x0  }
0x19: {  	s7 =	sld [smem:$0x3F99]  }
0x1a: {  	s8 =	sadd.s32 $0xFFFFE003, lr  }
0x1b: {  	s9 =	sadd.s32 $0xFFFFFEF7, lr;
	s5 =	simm.s32 $0xFFFFFFFF;
	p2 =	slt.u32 s8, $0xFFFFF086  }
0x1c: {  	p1 =	slt.u32 s9, $0xF7A;
	s5 =	simm.s32 @!p2 $0x0  }
0x1d: {  	s5 =	simm.s32 @p1 $0x1;
	p0 =	seq.s32 s7, s2  }
0x1e: {  	s7 =	smul.u32 @!p0 $0xF7A, s2;
	p2 =	seq.s32 @!p0 s5, $0x0  }
0x1f: {  	s9 =	smul.u32 $0xF7A, s1;
	s8 =	simm.s32 @!p0 $0x1BF5;
	p2 =	por !p2, p0  }
0x20: {  	[sflag:s8] =	ssyncset.s32 @!p0 $0xFFFFF086;
	s6 =	sadd.s32 @!p0 s3, s7;
	s7 =	simm.s32 @!p0 $0x108  }
0x21: {  	s3 =	sadd.s32 s3, s9;
	s6 =	sadd.s32 @!p0 $0x88, s6;
	s7 =	simm.s32 @p2 $0x1082  }
0x22: {  	[simem:s7], [sflag:s8] =	dma.local @!p0 [hbm:s6], $0xF7A  }
0x23: {  	s9 =	sor.u32 $0xD0000000, s2;
	s6 =	simm.s32 $0x108;
	_ =	swait.ge @!p0 [sflag:s8], $0x0  }
0x24: {  	s3 =	sadd.s32 $0x88, s3;
	s6 =	simm.s32 @!p1 $0x1082;
	[sflag:s4] =	ssyncset.s32 $0xFFFFF086  }
0x25: {  	[simem:s6], [sflag:s4] =	dma.local [hbm:s3], $0xF7A  }
0x26: {  	[smem:$0x3F99] =	sst s1;
	(tag) =	ssettag s2;
	_ =	strace s9  }
0x27: {  	s1 =	sld [smem:$0x3FA9]  }
0x28: {  	s2 =	sld [smem:$0x3FAA]  }
0x29: {  	s4 =	sld [smem:$0x3FAC]  }
0x2a: {  	p0 =	seq.s32 s5, $0x0;
	s5 =	sld [smem:$0x3FAD]  }
0x2b: {  	s6 =	sld [smem:$0x3FAE]  }
0x2c: {  	s7 =	sld [smem:$0x3FAF]  }
0x2d: {  	s3 =	simm.s32 $0x108;
	s8 =	sld [smem:$0x3FB0]  }
0x2e: {  	s3 =	simm.s32 @!p0 $0x1082;
	s9 =	sld [smem:$0x3FB1]  }
0x2f: {  	lr =	sadd.s32 s0, s3;
	s0 =	sld [smem:$0x3FA8]  }
0x30: {  	s3 =	sld [smem:$0x3FAB]  }
0x31: {  	[smem:$0x3FB4] =	sst s10  }
0x32: {  	s10 =	sld [smem:$0x3FB2];
	_ =	sdelay $0x3  }
0x33: {  	p0 =	seq.s32 s10, $0x1;
	s10 =	sld [smem:$0x3FB4];
	_ =	sdelay $0x3  }
0x34: {  	[smem:$0x3FB4] =	sst s10  }
0x35: {  	s10 =	sld [smem:$0x3FB3];
	_ =	sdelay $0x3  }
0x36: {  	p1 =	seq.s32 s10, $0x1;
	s10 =	sld [smem:$0x3FB4];
	_ =	sdelay $0x3  }
0x37: {  	[smem:$0x3FB4] =	sst s10  }
0x38: {  	s10 =	sld [smem:$0x3FB5]  }
0x39: {  	_ = 	snop;
	(pc) =	sbr.ind lr, $3  }
0x3a: {  	_ = 	snop  }
0x3b: {  	_ = 	snop  }
0x3c: {  	p2 =	seq.s32 s10, $0x1;
	s10 =	sld [smem:$0x3FB4]  }
0x3d: {  	_ =	shalt  }
0x3e: {  	_ =	shalt  }
0x3f: {  	_ =	shalt  }
0x40: {  	_ =	shalt  }
0x41: {  	_ =	shalt  }
0x42: {  	_ =	shalt  }
0x43: {  	_ =	shalt  }
0x44: {  	_ =	shalt  }
0x45: {  	_ =	shalt  }
0x46: {  	_ =	shalt  }
0x47: {  	_ =	shalt  }
0x48: {  	_ =	shalt  }
0x49: {  	_ =	shalt  }
0x4a: {  	_ =	shalt  }
0x4b: {  	_ =	shalt  }
0x4c: {  	_ =	shalt  }
0x4d: {  	_ =	shalt  }
0x4e: {  	_ =	shalt  }
0x4f: {  	_ =	shalt  }
0x50: {  	_ =	shalt  }
0x51: {  	_ =	shalt  }
0x52: {  	_ =	shalt  }
0x53: {  	_ =	shalt  }
0x54: {  	_ =	shalt  }
0x55: {  	_ =	shalt  }
0x56: {  	_ =	shalt  }
0x57: {  	_ =	shalt  }
0x58: {  	_ =	shalt  }
0x59: {  	_ =	shalt  }
0x5a: {  	_ =	shalt  }
0x5b: {  	_ =	shalt  }
0x5c: {  	_ =	shalt  }
0x5d: {  	_ =	shalt  }
0x5e: {  	_ =	shalt  }
0x5f: {  	_ =	shalt  }
0x60: {  	_ =	shalt  }
0x61: {  	_ =	shalt  }
0x62: {  	_ =	shalt  }
0x63: {  	_ =	shalt  }
0x64: {  	_ =	shalt  }
0x65: {  	_ =	shalt  }
0x66: {  	_ =	shalt  }
0x67: {  	_ =	shalt  }
0x68: {  	_ =	shalt  }
0x69: {  	_ =	shalt  }
0x6a: {  	_ =	shalt  }
0x6b: {  	_ =	shalt  }
0x6c: {  	_ =	shalt  }
0x6d: {  	_ =	shalt  }
0x6e: {  	_ =	shalt  }
0x6f: {  	_ =	shalt  }
0x70: {  	_ =	shalt  }
0x71: {  	_ =	shalt  }
0x72: {  	_ =	shalt  }
0x73: {  	_ =	shalt  }
0x74: {  	_ =	shalt  }
0x75: {  	_ =	shalt  }
0x76: {  	_ =	shalt  }
0x77: {  	_ =	shalt  }
0x78: {  	_ =	shalt  }
0x79: {  	_ =	shalt  }
0x7a: {  	_ =	shalt  }
0x7b: {  	_ =	shalt  }
0x7c: {  	_ =	shalt  }
0x7d: {  	_ =	shalt  }
0x7e: {  	_ =	shalt  }
0x7f: {  	_ =	shalt  }
0x80: {  	_ =	shalt  }
0x81: {  	_ =	shalt  }
0x82: {  	_ =	shalt  }
0x83: {  	_ =	shalt  }
0x84: {  	_ =	shalt  }
0x85: {  	_ =	shalt  }
0x86: {  	_ =	shalt  }
0x87: {  	_ =	shalt  }
.Lfunc_end0:
.L_simem_size_0:
called_computation_lowered:
.L_overlay_start_0:
0x88: {  	s2 =	sld [smem:$0x3FD9]  }
0x89: {  	s3 =	sld [smem:$0x3FFE];
	_ =	sdelay $0x1  }
0x8a: {  	s1 =	srdreg.scid  }
0x8b: {  	s0 =	sand.u32 $0x1, s1  }
0x8c: {  	s17 =	sshll.u32 s0, $0xA;
	s2 =	sadd.s32 s3, s2  }
0x8d: {  	s2 =	sadd.s32 s2, s17  }
0x8e: {  	[smem:$0x3FC0] =	sst s2  }
0x8f: {  	_ = 	snop  }
0x90: {  	(tm) =	ssettm $0x1  }
0x91: {  	s18 =	sld [smem:$0x3FFB];
	_ =	sdelay $0x3  }
0x92: {  	_ =	strace s18  }
0x93: {  	s2 =	sld [smem:$0x3FFC];
	_ =	sdelay $0x3  }
0x94: {  	_ =	strace s2  }
0x95: {  	s2 =	sld [smem:$0x3FFD];
	_ =	sdelay $0x3  }
0x96: {  	_ =	strace s2  }
0x97: {  	_ =	strace $0x8FFFFFFF  }
0x98: {  	s19 =	sld [smem:$0x3FDB];
	_ =	sdelay $0x1  }
0x99: {  	s20 =	simm.s32 $_scs_section_size  }
0x9a: {  	s4 =	simm.s32 $_size__tile_overlayer_lowered;
	s5 =	simm.s32 $_tile_overlayer_lowered  }
0x9b: {  	s6 =	simm.s32 $0x1BFF;
	s21 =	sshll.u32 s5, $0x1;
	s3 =	sadd.s32 s20, s19  }
0x9c: {  	s22 =	simm.s32 $0x0;
	s4 =	sshll.u32 s4, $0x1;
	s5 =	sadd.s32 s21, s3  }
0x9d: {  	[timem:s22], [sflag:s6] =	dma.local [hbm:s5], s4  }
0x9e: {  	_ =	swait.ge [sflag:s6], s4  }
0x9f: {  	s4 =	ssub.s32 $0x0, s4;
	[sflag:s6] =	ssyncset.done $0x0  }
0xa0: {  	[sflag:s6] =	ssyncadd.s32 s4;
	_ =	sdelay $0x1  }
0xa1: {  	s23 =	simm.s32 $0x1B8B  }
0xa2: {  	_ =	swait.ge [sflag:s23], $0x1  }
0xa3: {  	[sflag:s23] =	ssyncset.done $0x0  }
0xa4: {  	[sflag:s23] =	ssyncadd.s32 $0xFFFFFFFF  }
0xa5: {  	s4 =	sld [smem:$0x0]  }
0xa6: {  	s5 =	sand.u32 $0xFFFFFFFE, s1  }
0xa7: {  	p0 =	sne.s32 s1, s5  }
0xa8: {  	s5 =	sshll.u32 @p0 s5, $0xE  }
0xa9: {  	s5 =	sadd.s32 @p0 $0x11B8D, s5;
	s6 =	sshll.u32 @p0 s4, $0x11  }
0xaa: {  	s5 =	sor.u32 @p0 s6, s5  }
0xab: {  	[sflag:s5] =	ssyncadd.remote.s32 @p0 $0x1;
	_ =	sdelay $0x1  }
0xac: {  	s5 =	simm.s32 @p0 $0x1B8D  }
0xad: {  	_ =	swait.eq @p0 [sflag:s5], $0x1  }
0xae: {  	[sflag:s5] =	ssyncadd.s32 @p0 $0xFFFFFFFF  }
0xaf: {  	s6 =	sshll.u32 @!p0 s1, $0xE  }
0xb0: {  	s6 =	sor.u32 @!p0 $0x4000, s6;
	s5 =	simm.s32 @!p0 $0x1B8D  }
0xb1: {  	s4 =	sshll.u32 @!p0 s4, $0x11;
	s6 =	sadd.s32 @!p0 $0x11B8D, s6;
	_ =	swait.eq @!p0 [sflag:s5], $0x1  }
0xb2: {  	s4 =	sor.u32 @!p0 s4, s6;
	[sflag:s5] =	ssyncadd.s32 @!p0 $0xFFFFFFFF  }
0xb3: {  	s25 =	simm.s32 $0x1B8E;
	s24 =	sld [smem:$0x3FFE];
	[sflag:s4] =	ssyncadd.remote.s32 @!p0 $0x1  }
0xb4: {  	s26 =	simm.s32 $execute0_lowered;
	[smem:$0x3FD2] =	sst s25  }
0xb5: {  	s5 =	sshll.u32 s26, $0x1;
	_ =	strace $0x80000049;
	[dreg:$0x1] =	wrdreg $0xFFFFFFFF  }
0xb6: {  	s28 =	simm.s32 $_size_execute0_lowered;
	s3 =	sadd.s32 s3, s5;
	[dreg:$0x0] =	wrdreg $0x0  }
0xb7: {  	s5 =	sshll.u32 s28, $0x1;
	[dreg:$0x2] =	wrdreg s3  }
0xb8: {  	[dreg:$0x3] =	wrdreg s5  }
0xb9: {  	[dreg:$0x4] =	wrdreg $0xC0  }
0xba: {  	_ =	task [dreg:s22], $0x5FFFF  }
0xbb: {  	[dreg:$0x1] =	wrdreg $0xFFFFFFFF  }
0xbc: {  	[dreg:$0x0] =	wrdreg $0x60  }
0xbd: {  	[dreg:$0x2] =	wrdreg s24  }
0xbe: {  	[dreg:$0x3] =	wrdreg $0x70000  }
0xbf: {  	[dreg:$0x4] =	wrdreg $0x9  }
0xc0: {  	_ =	task.clear_ibuf [dreg:s22], $0x5FFFF;
	_ =	strace $0x90000049  }
0xc1: {  	s29 =	simm.s32 $0x9;
	_ =	strace $0x8000004B  }
0xc2: {  	_ =	swait.ge [sflag:s29], $0x1  }
0xc3: {  	[sflag:s29] =	ssyncadd.s32 $0xFFFFFFFF  }
0xc4: {  	_ =	strace $0x9000004B  }
0xc5: {  	_ =	sfence  }
0xc6: {  	s30 =	sld [smem:$0x0];
	_ =	sdelay $0x2  }
0xc7: {  	s31 =	sshll.u32 s1, $0xD;
	s1 =	sshrl.u32 s1, $0x2  }
0xc8: {  	s4 =	sand.u32 $0x4000, s31;
	s1 =	sadd.s32 s1, s30  }
0xc9: {  	s0 =	sor.u32 s4, s0;
	s1 =	sshll.u32 s1, $0x11  }
0xca: {  	s0 =	sor.u32 s1, s0  }
0xcb: {  	s0 =	sadd.s32 $0x8F2B, s0  }
0xcc: {  	[sflag:s0] =	ssyncadd.remote.s32 $0x1  }
0xcd: {  	_ =	sfence.sel $0xFFFF  }
0xce: {  	[dreg:$0x0] =	wrdreg $0xFFFFFFFF;
	(pc) =	sbr.abs _section_cstart, $3  }
0xcf: {  	[dreg:$0x1] =	wrdreg $0xFFFFFFFF  }
0xd0: {  	_ =	task.clear_ibuf [dreg:s22], $0x2FFFF;
	_ =	strace $0x9FFFFFFF  }
0xd1: {  	(tm) =	ssettm $0x7FFFFFFF  }
tec
execute0_lowered:
.L_overlay_start_1:
0x0: {  	(tag) =	ssettag $0x1  }
0x1: {  	s0 =	srdreg.scid;
	s5 =	rddreg [dreg:$0x0]  }
0x2: {  	s2 =	rddreg [dreg:$0x1];
	s4 =	sand.u32 $0x1, s0;
	s0 =	stileid.u32  }
0x3: {  	s3 =	simm.s32 $0x0;
	s17 =	simm.s32 $0x5000;
	s7 =	smul.u32 $0x2800, s0  }
0x4: {  	s18 =	simm.s32 $0x1;
	s19 =	simm.s32 $0x40;
	s8 =	smul.u32 $0x28000, s4  }
0x5: {  	[smem:$0x7FF] =	sst s3;
	s1 =	sshll.u32 s4, $0x4;
	s9 =	smul.u32 $0x50000, s0  }
0x6: {  	s4 =	ssub.s32 $0x2, s4;
	s20 =	sshll.u32 s0, $0x6;
	s1 =	sor.u32 s0, s1  }
0x7: {  	s30 =	sshrl.u32 s4, $0x1;
	s20 =	sor.u32 $0x1C01, s20;
	s6 =	smul.u32 $0xA00, s1  }
0x8: {  	s1 =	rddreg [dreg:$0x2];
	_ =	strace $0x8000004A;
	s29 =	sadd.s32 s7, s8  }
0x9: {  	s31 =	sshrl.u32 s9, $0x2;
	s16 =	ssub.s32 s4, s30;
	s15 =	sadd.s32 s29, s5  }
0xa: {  	s4 =	sadd.s32 s31, s2;
	s16 =	smax.u32 s16, $0x1;
	s14 =	sadd.s32 s6, s5  }
0xb: {  	s5 =	sadd.s32 $0x2000, s4;
	s6 =	sadd.s32 $0x4000, s4;
	s7 =	sadd.s32 $0x6000, s4  }
0xc: {  	s8 =	sadd.s32 $0x8000, s4;
	s9 =	sadd.s32 $0xA000, s4;
	s10 =	sadd.s32 $0xC000, s4  }
0xd: {  	s11 =	sadd.s32 $0xE000, s4;
	s12 =	sadd.s32 $0x10000, s4;
	s13 =	sadd.s32 $0x12000, s4  }
0xe: {  	v0 =	vimm.f32 $0.0e+00;
	v1 =	vimm.f32 $1.000000000e+00;
	s15 =	sadd.s32 $0xACA00, s15;
	s21 =	sshrl.u32 s4, $0x3;
	s14 =	sadd.s32 $0x98A00, s14  }
.LBB2_1:
0xf: {  	s22 =	simm.s32 $0x0;
	s23 =	simm.s32 $0x200  }
.LBB2_2:
0x10: {  	p0 =	sne.s32 s23, $0x7E00;
	[tilespmem:s22+$0x5070] =	vst v0  }
0x11: {  	[tilespmem:s22+$0x5000] =	vst v0  }
0x12: {  	[tilespmem:s22+$0x5010] =	vst v0  }
.Ltmp0:
0x13: {  	[tilespmem:s22+$0x5020] =	vst v0;
	(pc) =	sbr.rel @p0 .LBB2_2-.Ltmp0, $4  }
0x14: {  	[tilespmem:s22+$0x5030] =	vst v0  }
0x15: {  	[tilespmem:s22+$0x5040] =	vst v0  }
0x16: {  	[tilespmem:s22+$0x5050] =	vst v0  }
0x17: {  	[tilespmem:s22+$0x5060] =	vst v0;
	s22 =	sshra.s32 s23, $0x2;
	s23 =	sadd.s32 $0x200, s23  }
0x18: {  	[tilespmem:s22+$0x5070] =	vst v0  }
0x19: {  	[tilespmem:s22+$0x5000] =	vst v0  }
0x1a: {  	[tilespmem:s22+$0x5010] =	vst v0  }
0x1b: {  	[tilespmem:s22+$0x5020] =	vst v0  }
0x1c: {  	[tilespmem:s22+$0x5030] =	vst v0  }
0x1d: {  	[tilespmem:s22+$0x5040] =	vst v0  }
0x1e: {  	[tilespmem:s22+$0x5050] =	vst v0  }
0x1f: {  	[tilespmem:s22+$0x5060] =	vst v0  }
0x20: {  	[spmem:s4] =	stream.linear.scatter [tilespmem:s17], [sflag:$0x1], $0x2000, $0x38;
	[tilespmem:$0x1B000] =	vst v63  }
0x21: {  	_ =	swait.ge [sflag:s18], $0x2000  }
0x22: {  	[sflag:s18] =	ssyncset.done $0x0  }
0x23: {  	[sflag:s18] =	ssyncadd.s32 $0xFFFFE000  }
0x24: {  	[spmem:s5] =	stream.linear.scatter [tilespmem:s17], [sflag:$0x1], $0x2000, $0x38;
	[tilespmem:$0x1B000] =	vst v63  }
0x25: {  	_ =	swait.ge [sflag:s18], $0x2000  }
0x26: {  	[sflag:s18] =	ssyncset.done $0x0  }
0x27: {  	[sflag:s18] =	ssyncadd.s32 $0xFFFFE000  }
0x28: {  	[spmem:s6] =	stream.linear.scatter [tilespmem:s17], [sflag:$0x1], $0x2000, $0x38;
	[tilespmem:$0x1B000] =	vst v63  }
0x29: {  	_ =	swait.ge [sflag:s18], $0x2000  }
0x2a: {  	[sflag:s18] =	ssyncset.done $0x0  }
0x2b: {  	[sflag:s18] =	ssyncadd.s32 $0xFFFFE000  }
0x2c: {  	[spmem:s7] =	stream.linear.scatter [tilespmem:s17], [sflag:$0x1], $0x2000, $0x38;
	[tilespmem:$0x1B000] =	vst v63  }
0x2d: {  	_ =	swait.ge [sflag:s18], $0x2000  }
0x2e: {  	[sflag:s18] =	ssyncset.done $0x0  }
0x2f: {  	[sflag:s18] =	ssyncadd.s32 $0xFFFFE000  }
0x30: {  	[spmem:s8] =	stream.linear.scatter [tilespmem:s17], [sflag:$0x1], $0x2000, $0x38;
	[tilespmem:$0x1B000] =	vst v63  }
0x31: {  	_ =	swait.ge [sflag:s18], $0x2000  }
0x32: {  	[sflag:s18] =	ssyncset.done $0x0  }
0x33: {  	[sflag:s18] =	ssyncadd.s32 $0xFFFFE000  }
0x34: {  	[spmem:s9] =	stream.linear.scatter [tilespmem:s17], [sflag:$0x1], $0x2000, $0x38;
	[tilespmem:$0x1B000] =	vst v63  }
0x35: {  	_ =	swait.ge [sflag:s18], $0x2000  }
0x36: {  	[sflag:s18] =	ssyncset.done $0x0  }
0x37: {  	[sflag:s18] =	ssyncadd.s32 $0xFFFFE000  }
0x38: {  	[spmem:s10] =	stream.linear.scatter [tilespmem:s17], [sflag:$0x1], $0x2000, $0x38;
	[tilespmem:$0x1B000] =	vst v63  }
0x39: {  	_ =	swait.ge [sflag:s18], $0x2000  }
0x3a: {  	[sflag:s18] =	ssyncset.done $0x0  }
0x3b: {  	[sflag:s18] =	ssyncadd.s32 $0xFFFFE000  }
0x3c: {  	[spmem:s11] =	stream.linear.scatter [tilespmem:s17], [sflag:$0x1], $0x2000, $0x38;
	[tilespmem:$0x1B000] =	vst v63  }
0x3d: {  	_ =	swait.ge [sflag:s18], $0x2000  }
0x3e: {  	[sflag:s18] =	ssyncset.done $0x0  }
0x3f: {  	[sflag:s18] =	ssyncadd.s32 $0xFFFFE000  }
0x40: {  	[spmem:s12] =	stream.linear.scatter [tilespmem:s17], [sflag:$0x1], $0x2000, $0x38;
	[tilespmem:$0x1B000] =	vst v63  }
0x41: {  	_ =	swait.ge [sflag:s18], $0x2000  }
0x42: {  	[sflag:s18] =	ssyncset.done $0x0  }
0x43: {  	[sflag:s18] =	ssyncadd.s32 $0xFFFFE000  }
0x44: {  	[spmem:s13] =	stream.linear.scatter [tilespmem:s17], [sflag:$0x1], $0x2000, $0x38;
	[tilespmem:$0x1B000] =	vst v63  }
0x45: {  	_ =	swait.ge [sflag:s18], $0x2000  }
0x46: {  	[sflag:s18] =	ssyncset.done $0x0  }
0x47: {  	s22 =	simm.s32 $0x0;
	s23 =	simm.s32 $0x200;
	[sflag:s18] =	ssyncadd.s32 $0xFFFFE000  }
.LBB2_4:
0x48: {  	p0 =	sne.s32 s23, $0x7E00;
	[tilespmem:s22+$0x5070] =	vst v1  }
0x49: {  	[tilespmem:s22+$0x5000] =	vst v1  }
0x4a: {  	[tilespmem:s22+$0x5010] =	vst v1  }
.Ltmp1:
0x4b: {  	[tilespmem:s22+$0x5020] =	vst v1;
	(pc) =	sbr.rel @p0 .LBB2_4-.Ltmp1, $4  }
0x4c: {  	[tilespmem:s22+$0x5030] =	vst v1  }
0x4d: {  	[tilespmem:s22+$0x5040] =	vst v1  }
0x4e: {  	[tilespmem:s22+$0x5050] =	vst v1  }
0x4f: {  	[tilespmem:s22+$0x5060] =	vst v1;
	s22 =	sshra.s32 s23, $0x2;
	s23 =	sadd.s32 $0x200, s23  }
0x50: {  	[tilespmem:s22+$0x5070] =	vst v1  }
0x51: {  	[tilespmem:s22+$0x5000] =	vst v1  }
0x52: {  	[tilespmem:s22+$0x5010] =	vst v1  }
0x53: {  	[tilespmem:s22+$0x5020] =	vst v1  }
0x54: {  	[tilespmem:s22+$0x5030] =	vst v1  }
0x55: {  	[tilespmem:s22+$0x5040] =	vst v1  }
0x56: {  	[tilespmem:s22+$0x5050] =	vst v1  }
0x57: {  	[tilespmem:s22+$0x5060] =	vst v1  }
0x58: {  	s30 =	simm.s32 $0x0;
	[bflag:$0x0] =	sbarrier.arrive $0xFFFF  }
0x59: {  	[tilespmem:s30], [sflag:$0x1] =	stream.linear.gather [hbm4b:s14+s30], $0x5000, $0x38;
	[tilespmem:$0x1B000] =	vst v63  }
0x5a: {  	_ =	swait.ge [sflag:s18], $0x5000  }
0x5b: {  	[sflag:s18] =	ssyncset.done $0x0  }
0x5c: {  	s31 =	simm.s32 $0x0;
	[sflag:s18] =	ssyncadd.s32 $0xFFFFB000  }
0x5d: {  	[spmem:s2] =	stream.indirect.scatter.add.f32 [tilespmem:s17], [sflag:$0x1], $0x80, s31, s19, $0xb8;
	[tilespmem:$0x1B000] =	vst v63  }
0x5e: {  	_ =	swait.ge [sflag:s18], $0x2000  }
0x5f: {  	s22 =	simm.s32 $0x200;
	[sflag:s18] =	ssyncset.done $0x0  }
.LBB2_6:
0x60: {  	s23 =	sshra.s32 s22, $0x2;
	[sflag:s18] =	ssyncadd.s32 $0xFFFFE000;
	p0 =	sne.s32 s22, $0x13E00  }
0x61: {  	[spmem:s2] =	stream.indirect.scatter.add.f32 [tilespmem:s17], [sflag:$0x1], $0x80, s23, s19, $0xb8;
	[tilespmem:$0x1B000] =	vst v63  }
.Ltmp2:
0x62: {  	_ = 	snop;
	(pc) =	sbr.rel @p0 .LBB2_6-.Ltmp2, $4  }
0x63: {  	_ = 	snop  }
0x64: {  	s22 =	sadd.s32 $0x200, s22  }
0x65: {  	_ =	swait.ge [sflag:s18], $0x2000  }
0x66: {  	[sflag:s18] =	ssyncset.done $0x0  }
0x67: {  	s3 =	sadd.s32 $0x1, s3  }
0x68: {  	[sflag:s18] =	ssyncadd.s32 $0xFFFFE000;
	p0 =	sne.s32 s3, s16  }
.Ltmp3:
0x69: {  	[bflag:$0x0] =	sbarrier.arrive $0xFFFF;
	(pc) =	sbr.rel @p0 .LBB2_1-.Ltmp3, $4  }
0x6a: {  	[hbm:s15], [sflag:s20] =	dma.local [spmem:s21], $0x2800  }
0x6b: {  	_ =	swait.ge [sflag:s18], $0x2800  }
0x6c: {  	[sflag:s18] =	ssyncset.done $0x0  }
0x6d: {  	[sflag:s18] =	ssyncadd.s32 $0xFFFFD800  }
0x6e: {  	_ =	sfence.sel $0x180000  }
0x6f: {  	[bflag:$0x0] =	sbarrier.arrive $0xFFFF  }
0x70: {  	p0 =	sne.s32 s0, $0x0;
	_ =	strace $0x9000004A  }
0x71: {  	s0 =	sadd.s32 @!p0 $0x100000, s1;
	[bflag:$0x2] =	sbarrier.arrive $0xFFFF  }
0x72: {  	[sflag:s0] =	ssyncadd.tile.s32 @!p0 $0x1;
	_ =	shalt  }
.Lfunc_end2:
_tile_overlayer_lowered:
.L_overlay_start_2:
0x73: {  	(tag) =	ssettag $0x2  }
0x74: {  	s0 =	rddreg [dreg:$0x0];
	s2 =	stileid.u32  }
0x75: {  	s1 =	rddreg [dreg:$0x1];
	p0 =	sne.s32 s2, $0x0  }
0x76: {  	s3 =	rddreg [dreg:$0x2];
	[bflag:$0x3] =	sbarrier.arrive $0xFFFF;
	s2 =	simm.s32 @!p0 $0x1C01  }
0x77: {  	[timem:s3], [sflag:s2] =	dma.local @!p0 [hbm:s0], s1  }
0x78: {  	s0 =	simm.s32 @!p0 $0x1  }
0x79: {  	_ =	swait.ge @!p0 [sflag:s0], s1  }
0x7a: {  	s1 =	ssub.s32 @!p0 $0x0, s1;
	[sflag:s0] =	ssyncset.done @!p0 $0x0  }
0x7b: {  	[sflag:s0] =	ssyncadd.s32 @!p0 s1  }
0x7c: {  	[bflag:$0x3] =	sbarrier.arrive $0xFFFF  }
0x7d: {  	_ =	shalt  }

</sc_bundles>
